<compile_context>
chip_gen: v7x
topology: tpu7x:2x2x1
jax: 0.10.2.dev20260603
libtpu: 0.0.44.dev20260713+nightly
codegen_flags: <defaults>
</compile_context>

<pallas_src>
import functools

import jax
import jax.numpy as jnp
from jax import lax
from jax.experimental import pallas as pl
from jax.experimental.pallas import tpu as pltpu
from jax.experimental.pallas import tpu_sc as plsc

B, S, DIM = 4, 8192, 1024
S_TC = 7168
S_SC = S - S_TC
BS = 1024
NC, NS = 2, 16
NW = NC * NS
S_PER_W = S_SC // NW
CH = 16
NCHUNK = S_PER_W // CH
NLANE = 16

_mesh = plsc.VectorSubcoreMesh(
    core_axis_name="c", subcore_axis_name="s", num_cores=NC, num_subcores=NS
)


@functools.partial(
    pl.kernel,
    out_type=jax.ShapeDtypeStruct((B, S_SC, DIM), jnp.float32),
    mesh=_mesh,
    scratch_types=[
        pltpu.VMEM((2, CH, DIM), jnp.float32),
        pltpu.VMEM((CH, DIM), jnp.float32),
        pltpu.VMEM((CH, DIM), jnp.float32),
        pltpu.SemaphoreType.DMA((2,)),
    ],
)
def _sc_add(x_hbm, emb_hbm, out_hbm, xin, obuf, ebuf, sin):
    wid = lax.axis_index("s") * NC + lax.axis_index("c")
    base = wid * S_PER_W

    def x_src(c, b):
        return x_hbm.at[b, pl.ds(S_TC + base + c * CH, CH)]

    def chunk_body(c, _):
        s0 = base + c * CH
        pltpu.async_copy(x_src(c, 0), xin.at[0], sin.at[0])
        pltpu.sync_copy(emb_hbm.at[pl.ds(S_TC + s0, CH)], ebuf)
        for b in range(B):
            p = b % 2
            pltpu.make_async_copy(x_src(c, b), xin.at[p], sin.at[p]).wait()
            if b < B - 1:
                pltpu.async_copy(x_src(c, b + 1), xin.at[1 - p], sin.at[1 - p])

            def row_body(r, _):
                for j in range(DIM // NLANE):
                    sl = pl.ds(j * NLANE, NLANE)
                    obuf[r, sl] = xin[p, r, sl] + ebuf[r, sl]
                return 0

            lax.fori_loop(0, CH, row_body, 0)
            pltpu.sync_copy(obuf, out_hbm.at[b, pl.ds(s0, CH)])
        return 0

    lax.fori_loop(0, NCHUNK, chunk_body, 0)


def _add_kernel(x_ref, emb_ref, out_ref):
    out_ref[...] = x_ref[...] + emb_ref[...]


def kernel(x, embedding):
    emb = embedding[:S]
    sc_out = _sc_add(x, emb)
    tc_out = pl.pallas_call(
        _add_kernel,
        grid=(S_TC // BS, B),
        in_specs=[
            pl.BlockSpec((1, BS, DIM), lambda s, b: (b, s, 0)),
            pl.BlockSpec((BS, DIM), lambda s, b: (s, 0)),
        ],
        out_specs=pl.BlockSpec((1, BS, DIM), lambda s, b: (b, s, 0)),
        out_shape=jax.ShapeDtypeStruct((B, S, DIM), x.dtype),
    )(x, emb)
    return tc_out, sc_out

# --- scband reference (transcript-rebuilt; emitter-appended) ---
"""Pipeline reference for scband-learned-positional-encoding-52269751992841 (READ-ONLY COPY).

The authoritative reference and input builder live on the scoring server;
editing this copy changes nothing except your own understanding.
"""

import jax, jax.numpy as jnp
import numpy as np

DIM = 1024
MAX_LEN = 16384
B, S = 4, 8192

def setup_inputs(seed: int = 0) -> dict:
    key = jax.random.key(seed)
    k_x, k_emb = jax.random.split(key)
    x = jax.random.normal(k_x, (B, S, DIM), dtype=jnp.float32)
    # nn.Embedding default init: N(0, 1)
    embedding = jax.random.normal(k_emb, (MAX_LEN, DIM), dtype=jnp.float32)
    return {"x": x, "embedding": embedding}

def reference(x, embedding):
    seq_len = x.shape[1]
    positions = jnp.arange(seq_len)[None, :]  # [1, S]
    pos_emb = jnp.take(embedding, positions, axis=0)  # [1, S, DIM]
    # dropout p=0.0 -> identity
    return x + pos_emb

if __name__ == "__main__":
    import jax
    _d = setup_inputs()
    print(jax.jit(kernel)(*tuple(_d.values())))

</pallas_src>

<mosaic_0001>
#map = affine_map<(d0, d1) -> (0, 0, 0)>
#map1 = affine_map<(d0, d1) -> (0, 0)>
module attributes {stable_mosaic.version = 14 : i64} {
  func.func @_sc_add(%arg0: i32, %arg1: i32, %arg2: memref<4x8192x1024xf32, #tpu.memory_space<hbm>>, %arg3: memref<8192x1024xf32, #tpu.memory_space<hbm>>, %arg4: memref<4x1024x1024xf32, #tpu.memory_space<hbm>>, %arg5: memref<2x16x1024xf32, #tpu.memory_space<vmem>>, %arg6: memref<16x1024xf32, #tpu.memory_space<vmem>>, %arg7: memref<16x1024xf32, #tpu.memory_space<vmem>>, %arg8: memref<2x!tpu.dma_semaphore, #tpu.memory_space<semaphore_mem>>) attributes {dimension_semantics = [#tpu.dimension_semantics<core_parallel>, #tpu.dimension_semantics<subcore_parallel>], iteration_bounds = array<i64: 2, 16>, scalar_prefetch = 0 : i64, scratch_operands = 4 : i64, tpu.core_type = #tpu.core_type<sc_vector_subcore>, window_params = [{transform_indices = #map}, {transform_indices = #map1}, {transform_indices = #map}]} {
    %mul3A = arith.constant 2 : i32
    %mul3A_0 = arith.muli %arg1, %mul3A : i32
    %add3A = arith.addi %mul3A_0, %arg0 : i32
    %mul3A_1 = arith.constant 32 : i32
    %mul3A_2 = arith.muli %add3A, %mul3A_1 : i32
    %scan3A = arith.constant 0 : i32
    %scan3A_3 = arith.constant 0 : i32
    %scan3A_4 = arith.constant 2 : i32
    %scan3A_5 = arith.addi %scan3A_3, %scan3A_4 : i32
    %scan3A_6 = arith.constant 1 : i32
    %scan3A_7 = scf.for %scan3A_9 = %scan3A_3 to %scan3A_5 step %scan3A_6 iter_args(%scan3A_10 = %scan3A) -> (i32)  : i32 {
      %mul3A_11 = arith.constant 16 : i32
      %mul3A_12 = arith.muli %scan3A_9, %mul3A_11 : i32
      %add3A_13 = arith.addi %mul3A_2, %mul3A_12 : i32
      %add3A_14 = arith.constant 7168 : i32
      %add3A_15 = arith.addi %add3A_14, %mul3A_2 : i32
      %mul3A_16 = arith.constant 16 : i32
      %mul3A_17 = arith.muli %scan3A_9, %mul3A_16 : i32
      %add3A_18 = arith.addi %add3A_15, %mul3A_17 : i32
      %dma_start3A = arith.constant 0 : i32
      %dma_start3A_19 = arith.constant 0 : i32
      %dma_start3A_20 = arith.constant 0 : i32
      %dma_start3A_21 = arith.constant 0 : i32
      %dma_start3A_22 = arith.constant 0 : i32
      %dma_start3A_23 = tpu.memref_slice %arg5[%dma_start3A_19, %dma_start3A_21, %dma_start3A_22] : memref<2x16x1024xf32, #tpu.memory_space<vmem>> -> memref<1x16x1024xf32, #tpu.memory_space<vmem>>
      %dma_start3A_24 = tpu.memref_squeeze %dma_start3A_23 : memref<1x16x1024xf32, #tpu.memory_space<vmem>> -> memref<16x1024xf32, #tpu.memory_space<vmem>>
      %dma_start3A_25 = arith.constant 0 : i32
      %dma_start3A_26 = tpu.memref_slice %arg2[%dma_start3A, %add3A_18, %dma_start3A_25] : memref<4x8192x1024xf32, #tpu.memory_space<hbm>> -> memref<1x16x1024xf32, #tpu.memory_space<hbm>>
      %dma_start3A_27 = tpu.memref_squeeze %dma_start3A_26 : memref<1x16x1024xf32, #tpu.memory_space<hbm>> -> memref<16x1024xf32, #tpu.memory_space<hbm>>
      %dma_start3A_28 = tpu.memref_slice %arg8[%dma_start3A_20] : memref<2x!tpu.dma_semaphore, #tpu.memory_space<semaphore_mem>> -> memref<1x!tpu.dma_semaphore, #tpu.memory_space<semaphore_mem>>
      %dma_start3A_29 = tpu.memref_squeeze %dma_start3A_28 : memref<1x!tpu.dma_semaphore, #tpu.memory_space<semaphore_mem>> -> memref<!tpu.dma_semaphore, #tpu.memory_space<semaphore_mem>>
      %dma_start3A_30 = arith.constant 0 : i32
      %dma_start3A_31 = arith.constant 0 : i32
      %dma_start3A_32 = tpu.memref_slice %arg5[%dma_start3A_19, %dma_start3A_30, %dma_start3A_31] : memref<2x16x1024xf32, #tpu.memory_space<vmem>> -> memref<1x16x1024xf32, #tpu.memory_space<vmem>>
      %dma_start3A_33 = tpu.memref_squeeze %dma_start3A_32 : memref<1x16x1024xf32, #tpu.memory_space<vmem>> -> memref<16x1024xf32, #tpu.memory_space<vmem>>
      %dma_start3A_34 = arith.constant 0 : i32
      %dma_start3A_35 = tpu.memref_slice %arg2[%dma_start3A, %add3A_18, %dma_start3A_34] : memref<4x8192x1024xf32, #tpu.memory_space<hbm>> -> memref<1x16x1024xf32, #tpu.memory_space<hbm>>
      %dma_start3A_36 = tpu.memref_squeeze %dma_start3A_35 : memref<1x16x1024xf32, #tpu.memory_space<hbm>> -> memref<16x1024xf32, #tpu.memory_space<hbm>>
      tpu.enqueue_dma source(%dma_start3A_36 : memref<16x1024xf32, #tpu.memory_space<hbm>>) target(%dma_start3A_33 : memref<16x1024xf32, #tpu.memory_space<vmem>>) target_semaphore(%dma_start3A_29 : memref<!tpu.dma_semaphore, #tpu.memory_space<semaphore_mem>>)
      %add3A_37 = arith.constant 7168 : i32
      %add3A_38 = arith.addi %add3A_37, %add3A_13 : i32
      "tpu.region"() ({
        %run_scoped3A_238 = tpu.sem_alloc : memref<!tpu.dma_semaphore, #tpu.memory_space<semaphore_mem>>
        %dma_start3A_239 = arith.constant 0 : i32
        %dma_start3A_240 = tpu.memref_slice %arg3[%add3A_38, %dma_start3A_239] : memref<8192x1024xf32, #tpu.memory_space<hbm>> -> memref<16x1024xf32, #tpu.memory_space<hbm>>
        %dma_start3A_241 = arith.constant 0 : i32
        %dma_start3A_242 = tpu.memref_slice %arg3[%add3A_38, %dma_start3A_241] : memref<8192x1024xf32, #tpu.memory_space<hbm>> -> memref<16x1024xf32, #tpu.memory_space<hbm>>
        tpu.enqueue_dma source(%dma_start3A_242 : memref<16x1024xf32, #tpu.memory_space<hbm>>) target(%arg7 : memref<16x1024xf32, #tpu.memory_space<vmem>>) target_semaphore(%run_scoped3A_238 : memref<!tpu.dma_semaphore, #tpu.memory_space<semaphore_mem>>)
        %dma_wait3A_243 = arith.constant 0 : i32
        %dma_wait3A_244 = tpu.memref_slice %arg3[%add3A_38, %dma_wait3A_243] : memref<8192x1024xf32, #tpu.memory_space<hbm>> -> memref<16x1024xf32, #tpu.memory_space<hbm>>
        %dma_wait3A_245 = arith.constant 0 : i32
        %dma_wait3A_246 = tpu.memref_slice %arg3[%add3A_38, %dma_wait3A_245] : memref<8192x1024xf32, #tpu.memory_space<hbm>> -> memref<16x1024xf32, #tpu.memory_space<hbm>>
        tpu.wait_dma2 semaphore(%run_scoped3A_238 : memref<!tpu.dma_semaphore, #tpu.memory_space<semaphore_mem>>) src(%dma_wait3A_246 : memref<16x1024xf32, #tpu.memory_space<hbm>>) dst(%arg7 : memref<16x1024xf32, #tpu.memory_space<vmem>>)
        tpu.yield
      }) : () -> ()
      %add3A_39 = arith.constant 7168 : i32
      %add3A_40 = arith.addi %add3A_39, %mul3A_2 : i32
      %mul3A_41 = arith.constant 16 : i32
      %mul3A_42 = arith.muli %scan3A_9, %mul3A_41 : i32
      %add3A_43 = arith.addi %add3A_40, %mul3A_42 : i32
      %dma_wait3A = arith.constant 0 : i32
      %dma_wait3A_44 = arith.constant 0 : i32
      %dma_wait3A_45 = arith.constant 0 : i32
      %dma_wait3A_46 = arith.constant 0 : i32
      %dma_wait3A_47 = arith.constant 0 : i32
      %dma_wait3A_48 = tpu.memref_slice %arg5[%dma_wait3A_44, %dma_wait3A_46, %dma_wait3A_47] : memref<2x16x1024xf32, #tpu.memory_space<vmem>> -> memref<1x16x1024xf32, #tpu.memory_space<vmem>>
      %dma_wait3A_49 = tpu.memref_squeeze %dma_wait3A_48 : memref<1x16x1024xf32, #tpu.memory_space<vmem>> -> memref<16x1024xf32, #tpu.memory_space<vmem>>
      %dma_wait3A_50 = arith.constant 0 : i32
      %dma_wait3A_51 = tpu.memref_slice %arg2[%dma_wait3A, %add3A_43, %dma_wait3A_50] : memref<4x8192x1024xf32, #tpu.memory_space<hbm>> -> memref<1x16x1024xf32, #tpu.memory_space<hbm>>
      %dma_wait3A_52 = tpu.memref_squeeze %dma_wait3A_51 : memref<1x16x1024xf32, #tpu.memory_space<hbm>> -> memref<16x1024xf32, #tpu.memory_space<hbm>>
      %dma_wait3A_53 = tpu.memref_slice %arg8[%dma_wait3A_45] : memref<2x!tpu.dma_semaphore, #tpu.memory_space<semaphore_mem>> -> memref<1x!tpu.dma_semaphore, #tpu.memory_space<semaphore_mem>>
      %dma_wait3A_54 = tpu.memref_squeeze %dma_wait3A_53 : memref<1x!tpu.dma_semaphore, #tpu.memory_space<semaphore_mem>> -> memref<!tpu.dma_semaphore, #tpu.memory_space<semaphore_mem>>
      %dma_wait3A_55 = arith.constant 0 : i32
      %dma_wait3A_56 = arith.constant 0 : i32
      %dma_wait3A_57 = tpu.memref_slice %arg5[%dma_wait3A_44, %dma_wait3A_55, %dma_wait3A_56] : memref<2x16x1024xf32, #tpu.memory_space<vmem>> -> memref<1x16x1024xf32, #tpu.memory_space<vmem>>
      %dma_wait3A_58 = tpu.memref_squeeze %dma_wait3A_57 : memref<1x16x1024xf32, #tpu.memory_space<vmem>> -> memref<16x1024xf32, #tpu.memory_space<vmem>>
      %dma_wait3A_59 = arith.constant 0 : i32
      %dma_wait3A_60 = tpu.memref_slice %arg2[%dma_wait3A, %add3A_43, %dma_wait3A_59] : memref<4x8192x1024xf32, #tpu.memory_space<hbm>> -> memref<1x16x1024xf32, #tpu.memory_space<hbm>>
      %dma_wait3A_61 = tpu.memref_squeeze %dma_wait3A_60 : memref<1x16x1024xf32, #tpu.memory_space<hbm>> -> memref<16x1024xf32, #tpu.memory_space<hbm>>
      tpu.wait_dma2 semaphore(%dma_wait3A_54 : memref<!tpu.dma_semaphore, #tpu.memory_space<semaphore_mem>>) src(%dma_wait3A_61 : memref<16x1024xf32, #tpu.memory_space<hbm>>) dst(%dma_wait3A_58 : memref<16x1024xf32, #tpu.memory_space<vmem>>)
      %add3A_62 = arith.constant 7168 : i32
      %add3A_63 = arith.addi %add3A_62, %mul3A_2 : i32
      %mul3A_64 = arith.constant 16 : i32
      %mul3A_65 = arith.muli %scan3A_9, %mul3A_64 : i32
      %add3A_66 = arith.addi %add3A_63, %mul3A_65 : i32
      %dma_start3A_67 = arith.constant 1 : i32
      %dma_start3A_68 = arith.constant 1 : i32
      %dma_start3A_69 = arith.constant 1 : i32
      %dma_start3A_70 = arith.constant 0 : i32
      %dma_start3A_71 = arith.constant 0 : i32
      %dma_start3A_72 = tpu.memref_slice %arg5[%dma_start3A_68, %dma_start3A_70, %dma_start3A_71] : memref<2x16x1024xf32, #tpu.memory_space<vmem>> -> memref<1x16x1024xf32, #tpu.memory_space<vmem>>
      %dma_start3A_73 = tpu.memref_squeeze %dma_start3A_72 : memref<1x16x1024xf32, #tpu.memory_space<vmem>> -> memref<16x1024xf32, #tpu.memory_space<vmem>>
      %dma_start3A_74 = arith.constant 0 : i32
      %dma_start3A_75 = tpu.memref_slice %arg2[%dma_start3A_67, %add3A_66, %dma_start3A_74] : memref<4x8192x1024xf32, #tpu.memory_space<hbm>> -> memref<1x16x1024xf32, #tpu.memory_space<hbm>>
      %dma_start3A_76 = tpu.memref_squeeze %dma_start3A_75 : memref<1x16x1024xf32, #tpu.memory_space<hbm>> -> memref<16x1024xf32, #tpu.memory_space<hbm>>
      %dma_start3A_77 = tpu.memref_slice %arg8[%dma_start3A_69] : memref<2x!tpu.dma_semaphore, #tpu.memory_space<semaphore_mem>> -> memref<1x!tpu.dma_semaphore, #tpu.memory_space<semaphore_mem>>
      %dma_start3A_78 = tpu.memref_squeeze %dma_start3A_77 : memref<1x!tpu.dma_semaphore, #tpu.memory_space<semaphore_mem>> -> memref<!tpu.dma_semaphore, #tpu.memory_space<semaphore_mem>>
      %dma_start3A_79 = arith.constant 0 : i32
      %dma_start3A_80 = arith.constant 0 : i32
      %dma_start3A_81 = tpu.memref_slice %arg5[%dma_start3A_68, %dma_start3A_79, %dma_start3A_80] : memref<2x16x1024xf32, #tpu.memory_space<vmem>> -> memref<1x16x1024xf32, #tpu.memory_space<vmem>>
      %dma_start3A_82 = tpu.memref_squeeze %dma_start3A_81 : memref<1x16x1024xf32, #tpu.memory_space<vmem>> -> memref<16x1024xf32, #tpu.memory_space<vmem>>
      %dma_start3A_83 = arith.constant 0 : i32
      %dma_start3A_84 = tpu.memref_slice %arg2[%dma_start3A_67, %add3A_66, %dma_start3A_83] : memref<4x8192x1024xf32, #tpu.memory_space<hbm>> -> memref<1x16x1024xf32, #tpu.memory_space<hbm>>
      %dma_start3A_85 = tpu.memref_squeeze %dma_start3A_84 : memref<1x16x1024xf32, #tpu.memory_space<hbm>> -> memref<16x1024xf32, #tpu.memory_space<hbm>>
      tpu.enqueue_dma source(%dma_start3A_85 : memref<16x1024xf32, #tpu.memory_space<hbm>>) target(%dma_start3A_82 : memref<16x1024xf32, #tpu.memory_space<vmem>>) target_semaphore(%dma_start3A_78 : memref<!tpu.dma_semaphore, #tpu.memory_space<semaphore_mem>>)
      %scan3A_86 = arith.constant 0 : i32
      %scan3A_87 = arith.constant 0 : i32
      %scan3A_88 = arith.constant 16 : i32
      %scan3A_89 = arith.addi %scan3A_87, %scan3A_88 : i32
      %scan3A_90 = arith.constant 1 : i32
      %scan3A_91 = scf.for %scan3A_238 = %scan3A_87 to %scan3A_89 step %scan3A_90 iter_args(%scan3A_239 = %scan3A_86) -> (i32)  : i32 {
        %get3A = arith.constant 0 : i32
        %get3A_240 = arith.index_cast %get3A : i32 to index
        %get3A_241 = arith.index_cast %scan3A_238 : i32 to index
        %get3A_242 = arith.constant 0 : index
        %get3A_243 = tpu.vector_load %arg5[%get3A_240, %get3A_241, %get3A_242] {strides = array<i32>} : memref<2x16x1024xf32, #tpu.memory_space<vmem>>, vector<1x1x16xf32>,
        %get3A_244 = vector.shape_cast %get3A_243 : vector<1x1x16xf32> to vector<16xf32>
        %get3A_245 = arith.index_cast %scan3A_238 : i32 to index
        %get3A_246 = arith.constant 0 : index
        %get3A_247 = tpu.vector_load %arg7[%get3A_245, %get3A_246] {strides = array<i32>} : memref<16x1024xf32, #tpu.memory_space<vmem>>, vector<1x16xf32>,
        %get3A_248 = vector.shape_cast %get3A_247 : vector<1x16xf32> to vector<16xf32>
        %add3A_249 = arith.addf %get3A_244, %get3A_248 : vector<16xf32>
        %swap3A = arith.index_cast %scan3A_238 : i32 to index
        %swap3A_250 = arith.constant 0 : index
        %swap3A_251 = tpu.vector_load %arg6[%swap3A, %swap3A_250] {strides = array<i32>} : memref<16x1024xf32, #tpu.memory_space<vmem>>, vector<1x16xf32>,
        %swap3A_252 = vector.shape_cast %swap3A_251 : vector<1x16xf32> to vector<16xf32>
        %swap3A_253 = vector.shape_cast %add3A_249 : vector<16xf32> to vector<1x16xf32>
        tpu.vector_store %arg6[%swap3A, %swap3A_250], %swap3A_253 {strides = array<i32>} : memref<16x1024xf32, #tpu.memory_space<vmem>>, vector<1x16xf32>,
        %get3A_254 = arith.constant 0 : i32
        %get3A_255 = arith.index_cast %get3A_254 : i32 to index
        %get3A_256 = arith.index_cast %scan3A_238 : i32 to index
        %get3A_257 = arith.constant 16 : index
        %get3A_258 = tpu.vector_load %arg5[%get3A_255, %get3A_256, %get3A_257] {strides = array<i32>} : memref<2x16x1024xf32, #tpu.memory_space<vmem>>, vector<1x1x16xf32>,
        %get3A_259 = vector.shape_cast %get3A_258 : vector<1x1x16xf32> to vector<16xf32>
        %get3A_260 = arith.index_cast %scan3A_238 : i32 to index
        %get3A_261 = arith.constant 16 : index
        %get3A_262 = tpu.vector_load %arg7[%get3A_260, %get3A_261] {strides = array<i32>} : memref<16x1024xf32, #tpu.memory_space<vmem>>, vector<1x16xf32>,
        %get3A_263 = vector.shape_cast %get3A_262 : vector<1x16xf32> to vector<16xf32>
        %add3A_264 = arith.addf %get3A_259, %get3A_263 : vector<16xf32>
        %swap3A_265 = arith.index_cast %scan3A_238 : i32 to index
        %swap3A_266 = arith.constant 16 : index
        %swap3A_267 = tpu.vector_load %arg6[%swap3A_265, %swap3A_266] {strides = array<i32>} : memref<16x1024xf32, #tpu.memory_space<vmem>>, vector<1x16xf32>,
        %swap3A_268 = vector.shape_cast %swap3A_267 : vector<1x16xf32> to vector<16xf32>
        %swap3A_269 = vector.shape_cast %add3A_264 : vector<16xf32> to vector<1x16xf32>
        tpu.vector_store %arg6[%swap3A_265, %swap3A_266], %swap3A_269 {strides = array<i32>} : memref<16x1024xf32, #tpu.memory_space<vmem>>, vector<1x16xf32>,
        %get3A_270 = arith.constant 0 : i32
        %get3A_271 = arith.index_cast %get3A_270 : i32 to index
        %get3A_272 = arith.index_cast %scan3A_238 : i32 to index
        %get3A_273 = arith.constant 32 : index
        %get3A_274 = tpu.vector_load %arg5[%get3A_271, %get3A_272, %get3A_273] {strides = array<i32>} : memref<2x16x1024xf32, #tpu.memory_space<vmem>>, vector<1x1x16xf32>,
        %get3A_275 = vector.shape_cast %get3A_274 : vector<1x1x16xf32> to vector<16xf32>
        %get3A_276 = arith.index_cast %scan3A_238 : i32 to index
        %get3A_277 = arith.constant 32 : index
        %get3A_278 = tpu.vector_load %arg7[%get3A_276, %get3A_277] {strides = array<i32>} : memref<16x1024xf32, #tpu.memory_space<vmem>>, vector<1x16xf32>,
        %get3A_279 = vector.shape_cast %get3A_278 : vector<1x16xf32> to vector<16xf32>
        %add3A_280 = arith.addf %get3A_275, %get3A_279 : vector<16xf32>
        %swap3A_281 = arith.index_cast %scan3A_238 : i32 to index
        %swap3A_282 = arith.constant 32 : index
        %swap3A_283 = tpu.vector_load %arg6[%swap3A_281, %swap3A_282] {strides = array<i32>} : memref<16x1024xf32, #tpu.memory_space<vmem>>, vector<1x16xf32>,
        %swap3A_284 = vector.shape_cast %swap3A_283 : vector<1x16xf32> to vector<16xf32>
        %swap3A_285 = vector.shape_cast %add3A_280 : vector<16xf32> to vector<1x16xf32>
        tpu.vector_store %arg6[%swap3A_281, %swap3A_282], %swap3A_285 {strides = array<i32>} : memref<16x1024xf32, #tpu.memory_space<vmem>>, vector<1x16xf32>,
        %get3A_286 = arith.constant 0 : i32
        %get3A_287 = arith.index_cast %get3A_286 : i32 to index
        %get3A_288 = arith.index_cast %scan3A_238 : i32 to index
        %get3A_289 = arith.constant 48 : index
        %get3A_290 = tpu.vector_load %arg5[%get3A_287, %get3A_288, %get3A_289] {strides = array<i32>} : memref<2x16x1024xf32, #tpu.memory_space<vmem>>, vector<1x1x16xf32>,
        %get3A_291 = vector.shape_cast %get3A_290 : vector<1x1x16xf32> to vector<16xf32>
        %get3A_292 = arith.index_cast %scan3A_238 : i32 to index
        %get3A_293 = arith.constant 48 : index
        %get3A_294 = tpu.vector_load %arg7[%get3A_292, %get3A_293] {strides = array<i32>} : memref<16x1024xf32, #tpu.memory_space<vmem>>, vector<1x16xf32>,
        %get3A_295 = vector.shape_cast %get3A_294 : vector<1x16xf32> to vector<16xf32>
        %add3A_296 = arith.addf %get3A_291, %get3A_295 : vector<16xf32>
        %swap3A_297 = arith.index_cast %scan3A_238 : i32 to index
        %swap3A_298 = arith.constant 48 : index
        %swap3A_299 = tpu.vector_load %arg6[%swap3A_297, %swap3A_298] {strides = array<i32>} : memref<16x1024xf32, #tpu.memory_space<vmem>>, vector<1x16xf32>,
        %swap3A_300 = vector.shape_cast %swap3A_299 : vector<1x16xf32> to vector<16xf32>
        %swap3A_301 = vector.shape_cast %add3A_296 : vector<16xf32> to vector<1x16xf32>
        tpu.vector_store %arg6[%swap3A_297, %swap3A_298], %swap3A_301 {strides = array<i32>} : memref<16x1024xf32, #tpu.memory_space<vmem>>, vector<1x16xf32>,
        %get3A_302 = arith.constant 0 : i32
        %get3A_303 = arith.index_cast %get3A_302 : i32 to index
        %get3A_304 = arith.index_cast %scan3A_238 : i32 to index
        %get3A_305 = arith.constant 64 : index
        %get3A_306 = tpu.vector_load %arg5[%get3A_303, %get3A_304, %get3A_305] {strides = array<i32>} : memref<2x16x1024xf32, #tpu.memory_space<vmem>>, vector<1x1x16xf32>,
        %get3A_307 = vector.shape_cast %get3A_306 : vector<1x1x16xf32> to vector<16xf32>
        %get3A_308 = arith.index_cast %scan3A_238 : i32 to index
        %get3A_309 = arith.constant 64 : index
        %get3A_310 = tpu.vector_load %arg7[%get3A_308, %get3A_309] {strides = array<i32>} : memref<16x1024xf32, #tpu.memory_space<vmem>>, vector<1x16xf32>,
        %get3A_311 = vector.shape_cast %get3A_310 : vector<1x16xf32> to vector<16xf32>
        %add3A_312 = arith.addf %get3A_307, %get3A_311 : vector<16xf32>
        %swap3A_313 = arith.index_cast %scan3A_238 : i32 to index
        %swap3A_314 = arith.constant 64 : index
        %swap3A_315 = tpu.vector_load %arg6[%swap3A_313, %swap3A_314] {strides = array<i32>} : memref<16x1024xf32, #tpu.memory_space<vmem>>, vector<1x16xf32>,
        %swap3A_316 = vector.shape_cast %swap3A_315 : vector<1x16xf32> to vector<16xf32>
        %swap3A_317 = vector.shape_cast %add3A_312 : vector<16xf32> to vector<1x16xf32>
        tpu.vector_store %arg6[%swap3A_313, %swap3A_314], %swap3A_317 {strides = array<i32>} : memref<16x1024xf32, #tpu.memory_space<vmem>>, vector<1x16xf32>,
        %get3A_318 = arith.constant 0 : i32
        %get3A_319 = arith.index_cast %get3A_318 : i32 to index
        %get3A_320 = arith.index_cast %scan3A_238 : i32 to index
        %get3A_321 = arith.constant 80 : index
        %get3A_322 = tpu.vector_load %arg5[%get3A_319, %get3A_320, %get3A_321] {strides = array<i32>} : memref<2x16x1024xf32, #tpu.memory_space<vmem>>, vector<1x1x16xf32>,
        %get3A_323 = vector.shape_cast %get3A_322 : vector<1x1x16xf32> to vector<16xf32>
        %get3A_324 = arith.index_cast %scan3A_238 : i32 to index
        %get3A_325 = arith.constant 80 : index
        %get3A_326 = tpu.vector_load %arg7[%get3A_324, %get3A_325] {strides = array<i32>} : memref<16x1024xf32, #tpu.memory_space<vmem>>, vector<1x16xf32>,
        %get3A_327 = vector.shape_cast %get3A_326 : vector<1x16xf32> to vector<16xf32>
        %add3A_328 = arith.addf %get3A_323, %get3A_327 : vector<16xf32>
        %swap3A_329 = arith.index_cast %scan3A_238 : i32 to index
        %swap3A_330 = arith.constant 80 : index
        %swap3A_331 = tpu.vector_load %arg6[%swap3A_329, %swap3A_330] {strides = array<i32>} : memref<16x1024xf32, #tpu.memory_space<vmem>>, vector<1x16xf32>,
        %swap3A_332 = vector.shape_cast %swap3A_331 : vector<1x16xf32> to vector<16xf32>
        %swap3A_333 = vector.shape_cast %add3A_328 : vector<16xf32> to vector<1x16xf32>
        tpu.vector_store %arg6[%swap3A_329, %swap3A_330], %swap3A_333 {strides = array<i32>} : memref<16x1024xf32, #tpu.memory_space<vmem>>, vector<1x16xf32>,
        %get3A_334 = arith.constant 0 : i32
        %get3A_335 = arith.index_cast %get3A_334 : i32 to index
        %get3A_336 = arith.index_cast %scan3A_238 : i32 to index
        %get3A_337 = arith.constant 96 : index
        %get3A_338 = tpu.vector_load %arg5[%get3A_335, %get3A_336, %get3A_337] {strides = array<i32>} : memref<2x16x1024xf32, #tpu.memory_space<vmem>>, vector<1x1x16xf32>,
        %get3A_339 = vector.shape_cast %get3A_338 : vector<1x1x16xf32> to vector<16xf32>
        %get3A_340 = arith.index_cast %scan3A_238 : i32 to index
        %get3A_341 = arith.constant 96 : index
        %get3A_342 = tpu.vector_load %arg7[%get3A_340, %get3A_341] {strides = array<i32>} : memref<16x1024xf32, #tpu.memory_space<vmem>>, vector<1x16xf32>,
        %get3A_343 = vector.shape_cast %get3A_342 : vector<1x16xf32> to vector<16xf32>
        %add3A_344 = arith.addf %get3A_339, %get3A_343 : vector<16xf32>
        %swap3A_345 = arith.index_cast %scan3A_238 : i32 to index
        %swap3A_346 = arith.constant 96 : index
        %swap3A_347 = tpu.vector_load %arg6[%swap3A_345, %swap3A_346] {strides = array<i32>} : memref<16x1024xf32, #tpu.memory_space<vmem>>, vector<1x16xf32>,
        %swap3A_348 = vector.shape_cast %swap3A_347 : vector<1x16xf32> to vector<16xf32>
        %swap3A_349 = vector.shape_cast %add3A_344 : vector<16xf32> to vector<1x16xf32>
        tpu.vector_store %arg6[%swap3A_345, %swap3A_346], %swap3A_349 {strides = array<i32>} : memref<16x1024xf32, #tpu.memory_space<vmem>>, vector<1x16xf32>,
        %get3A_350 = arith.constant 0 : i32
        %get3A_351 = arith.index_cast %get3A_350 : i32 to index
        %get3A_352 = arith.index_cast %scan3A_238 : i32 to index
        %get3A_353 = arith.constant 112 : index
        %get3A_354 = tpu.vector_load %arg5[%get3A_351, %get3A_352, %get3A_353] {strides = array<i32>} : memref<2x16x1024xf32, #tpu.memory_space<vmem>>, vector<1x1x16xf32>,
        %get3A_355 = vector.shape_cast %get3A_354 : vector<1x1x16xf32> to vector<16xf32>
        %get3A_356 = arith.index_cast %scan3A_238 : i32 to index
        %get3A_357 = arith.constant 112 : index
        %get3A_358 = tpu.vector_load %arg7[%get3A_356, %get3A_357] {strides = array<i32>} : memref<16x1024xf32, #tpu.memory_space<vmem>>, vector<1x16xf32>,
        %get3A_359 = vector.shape_cast %get3A_358 : vector<1x16xf32> to vector<16xf32>
        %add3A_360 = arith.addf %get3A_355, %get3A_359 : vector<16xf32>
        %swap3A_361 = arith.index_cast %scan3A_238 : i32 to index
        %swap3A_362 = arith.constant 112 : index
        %swap3A_363 = tpu.vector_load %arg6[%swap3A_361, %swap3A_362] {strides = array<i32>} : memref<16x1024xf32, #tpu.memory_space<vmem>>, vector<1x16xf32>,
        %swap3A_364 = vector.shape_cast %swap3A_363 : vector<1x16xf32> to vector<16xf32>
        %swap3A_365 = vector.shape_cast %add3A_360 : vector<16xf32> to vector<1x16xf32>
        tpu.vector_store %arg6[%swap3A_361, %swap3A_362], %swap3A_365 {strides = array<i32>} : memref<16x1024xf32, #tpu.memory_space<vmem>>, vector<1x16xf32>,
        %get3A_366 = arith.constant 0 : i32
        %get3A_367 = arith.index_cast %get3A_366 : i32 to index
        %get3A_368 = arith.index_cast %scan3A_238 : i32 to index
        %get3A_369 = arith.constant 128 : index
        %get3A_370 = tpu.vector_load %arg5[%get3A_367, %get3A_368, %get3A_369] {strides = array<i32>} : memref<2x16x1024xf32, #tpu.memory_space<vmem>>, vector<1x1x16xf32>,
        %get3A_371 = vector.shape_cast %get3A_370 : vector<1x1x16xf32> to vector<16xf32>
        %get3A_372 = arith.index_cast %scan3A_238 : i32 to index
        %get3A_373 = arith.constant 128 : index
        %get3A_374 = tpu.vector_load %arg7[%get3A_372, %get3A_373] {strides = array<i32>} : memref<16x1024xf32, #tpu.memory_space<vmem>>, vector<1x16xf32>,
        %get3A_375 = vector.shape_cast %get3A_374 : vector<1x16xf32> to vector<16xf32>
        %add3A_376 = arith.addf %get3A_371, %get3A_375 : vector<16xf32>
        %swap3A_377 = arith.index_cast %scan3A_238 : i32 to index
        %swap3A_378 = arith.constant 128 : index
        %swap3A_379 = tpu.vector_load %arg6[%swap3A_377, %swap3A_378] {strides = array<i32>} : memref<16x1024xf32, #tpu.memory_space<vmem>>, vector<1x16xf32>,
        %swap3A_380 = vector.shape_cast %swap3A_379 : vector<1x16xf32> to vector<16xf32>
        %swap3A_381 = vector.shape_cast %add3A_376 : vector<16xf32> to vector<1x16xf32>
        tpu.vector_store %arg6[%swap3A_377, %swap3A_378], %swap3A_381 {strides = array<i32>} : memref<16x1024xf32, #tpu.memory_space<vmem>>, vector<1x16xf32>,
        %get3A_382 = arith.constant 0 : i32
        %get3A_383 = arith.index_cast %get3A_382 : i32 to index
        %get3A_384 = arith.index_cast %scan3A_238 : i32 to index
        %get3A_385 = arith.constant 144 : index
        %get3A_386 = tpu.vector_load %arg5[%get3A_383, %get3A_384, %get3A_385] {strides = array<i32>} : memref<2x16x1024xf32, #tpu.memory_space<vmem>>, vector<1x1x16xf32>,
        %get3A_387 = vector.shape_cast %get3A_386 : vector<1x1x16xf32> to vector<16xf32>
        %get3A_388 = arith.index_cast %scan3A_238 : i32 to index
        %get3A_389 = arith.constant 144 : index
        %get3A_390 = tpu.vector_load %arg7[%get3A_388, %get3A_389] {strides = array<i32>} : memref<16x1024xf32, #tpu.memory_space<vmem>>, vector<1x16xf32>,
        %get3A_391 = vector.shape_cast %get3A_390 : vector<1x16xf32> to vector<16xf32>
        %add3A_392 = arith.addf %get3A_387, %get3A_391 : vector<16xf32>
        %swap3A_393 = arith.index_cast %scan3A_238 : i32 to index
        %swap3A_394 = arith.constant 144 : index
        %swap3A_395 = tpu.vector_load %arg6[%swap3A_393, %swap3A_394] {strides = array<i32>} : memref<16x1024xf32, #tpu.memory_space<vmem>>, vector<1x16xf32>,
        %swap3A_396 = vector.shape_cast %swap3A_395 : vector<1x16xf32> to vector<16xf32>
        %swap3A_397 = vector.shape_cast %add3A_392 : vector<16xf32> to vector<1x16xf32>
        tpu.vector_store %arg6[%swap3A_393, %swap3A_394], %swap3A_397 {strides = array<i32>} : memref<16x1024xf32, #tpu.memory_space<vmem>>, vector<1x16xf32>,
        %get3A_398 = arith.constant 0 : i32
        %get3A_399 = arith.index_cast %get3A_398 : i32 to index
        %get3A_400 = arith.index_cast %scan3A_238 : i32 to index
        %get3A_401 = arith.constant 160 : index
        %get3A_402 = tpu.vector_load %arg5[%get3A_399, %get3A_400, %get3A_401] {strides = array<i32>} : memref<2x16x1024xf32, #tpu.memory_space<vmem>>, vector<1x1x16xf32>,
        %get3A_403 = vector.shape_cast %get3A_402 : vector<1x1x16xf32> to vector<16xf32>
        %get3A_404 = arith.index_cast %scan3A_238 : i32 to index
        %get3A_405 = arith.constant 160 : index
        %get3A_406 = tpu.vector_load %arg7[%get3A_404, %get3A_405] {strides = array<i32>} : memref<16x1024xf32, #tpu.memory_space<vmem>>, vector<1x16xf32>,
        %get3A_407 = vector.shape_cast %get3A_406 : vector<1x16xf32> to vector<16xf32>
        %add3A_408 = arith.addf %get3A_403, %get3A_407 : vector<16xf32>
        %swap3A_409 = arith.index_cast %scan3A_238 : i32 to index
        %swap3A_410 = arith.constant 160 : index
        %swap3A_411 = tpu.vector_load %arg6[%swap3A_409, %swap3A_410] {strides = array<i32>} : memref<16x1024xf32, #tpu.memory_space<vmem>>, vector<1x16xf32>,
        %swap3A_412 = vector.shape_cast %swap3A_411 : vector<1x16xf32> to vector<16xf32>
        %swap3A_413 = vector.shape_cast %add3A_408 : vector<16xf32> to vector<1x16xf32>
        tpu.vector_store %arg6[%swap3A_409, %swap3A_410], %swap3A_413 {strides = array<i32>} : memref<16x1024xf32, #tpu.memory_space<vmem>>, vector<1x16xf32>,
        %get3A_414 = arith.constant 0 : i32
        %get3A_415 = arith.index_cast %get3A_414 : i32 to index
        %get3A_416 = arith.index_cast %scan3A_238 : i32 to index
        %get3A_417 = arith.constant 176 : index
        %get3A_418 = tpu.vector_load %arg5[%get3A_415, %get3A_416, %get3A_417] {strides = array<i32>} : memref<2x16x1024xf32, #tpu.memory_space<vmem>>, vector<1x1x16xf32>,
        %get3A_419 = vector.shape_cast %get3A_418 : vector<1x1x16xf32> to vector<16xf32>
        %get3A_420 = arith.index_cast %scan3A_238 : i32 to index
        %get3A_421 = arith.constant 176 : index
        %get3A_422 = tpu.vector_load %arg7[%get3A_420, %get3A_421] {strides = array<i32>} : memref<16x1024xf32, #tpu.memory_space<vmem>>, vector<1x16xf32>,
        %get3A_423 = vector.shape_cast %get3A_422 : vector<1x16xf32> to vector<16xf32>
        %add3A_424 = arith.addf %get3A_419, %get3A_423 : vector<16xf32>
        %swap3A_425 = arith.index_cast %scan3A_238 : i32 to index
        %swap3A_426 = arith.constant 176 : index
        %swap3A_427 = tpu.vector_load %arg6[%swap3A_425, %swap3A_426] {strides = array<i32>} : memref<16x1024xf32, #tpu.memory_space<vmem>>, vector<1x16xf32>,
        %swap3A_428 = vector.shape_cast %swap3A_427 : vector<1x16xf32> to vector<16xf32>
        %swap3A_429 = vector.shape_cast %add3A_424 : vector<16xf32> to vector<1x16xf32>
        tpu.vector_store %arg6[%swap3A_425, %swap3A_426], %swap3A_429 {strides = array<i32>} : memref<16x1024xf32, #tpu.memory_space<vmem>>, vector<1x16xf32>,
        %get3A_430 = arith.constant 0 : i32
        %get3A_431 = arith.index_cast %get3A_430 : i32 to index
        %get3A_432 = arith.index_cast %scan3A_238 : i32 to index
        %get3A_433 = arith.constant 192 : index
        %get3A_434 = tpu.vector_load %arg5[%get3A_431, %get3A_432, %get3A_433] {strides = array<i32>} : memref<2x16x1024xf32, #tpu.memory_space<vmem>>, vector<1x1x16xf32>,
        %get3A_435 = vector.shape_cast %get3A_434 : vector<1x1x16xf32> to vector<16xf32>
        %get3A_436 = arith.index_cast %scan3A_238 : i32 to index
        %get3A_437 = arith.constant 192 : index
        %get3A_438 = tpu.vector_load %arg7[%get3A_436, %get3A_437] {strides = array<i32>} : memref<16x1024xf32, #tpu.memory_space<vmem>>, vector<1x16xf32>,
        %get3A_439 = vector.shape_cast %get3A_438 : vector<1x16xf32> to vector<16xf32>
        %add3A_440 = arith.addf %get3A_435, %get3A_439 : vector<16xf32>
        %swap3A_441 = arith.index_cast %scan3A_238 : i32 to index
        %swap3A_442 = arith.constant 192 : index
        %swap3A_443 = tpu.vector_load %arg6[%swap3A_441, %swap3A_442] {strides = array<i32>} : memref<16x1024xf32, #tpu.memory_space<vmem>>, vector<1x16xf32>,
        %swap3A_444 = vector.shape_cast %swap3A_443 : vector<1x16xf32> to vector<16xf32>
        %swap3A_445 = vector.shape_cast %add3A_440 : vector<16xf32> to vector<1x16xf32>
        tpu.vector_store %arg6[%swap3A_441, %swap3A_442], %swap3A_445 {strides = array<i32>} : memref<16x1024xf32, #tpu.memory_space<vmem>>, vector<1x16xf32>,
        %get3A_446 = arith.constant 0 : i32
        %get3A_447 = arith.index_cast %get3A_446 : i32 to index
        %get3A_448 = arith.index_cast %scan3A_238 : i32 to index
        %get3A_449 = arith.constant 208 : index
        %get3A_450 = tpu.vector_load %arg5[%get3A_447, %get3A_448, %get3A_449] {strides = array<i32>} : memref<2x16x1024xf32, #tpu.memory_space<vmem>>, vector<1x1x16xf32>,
        %get3A_451 = vector.shape_cast %get3A_450 : vector<1x1x16xf32> to vector<16xf32>
        %get3A_452 = arith.index_cast %scan3A_238 : i32 to index
        %get3A_453 = arith.constant 208 : index
        %get3A_454 = tpu.vector_load %arg7[%get3A_452, %get3A_453] {strides = array<i32>} : memref<16x1024xf32, #tpu.memory_space<vmem>>, vector<1x16xf32>,
        %get3A_455 = vector.shape_cast %get3A_454 : vector<1x16xf32> to vector<16xf32>
        %add3A_456 = arith.addf %get3A_451, %get3A_455 : vector<16xf32>
        %swap3A_457 = arith.index_cast %scan3A_238 : i32 to index
        %swap3A_458 = arith.constant 208 : index
        %swap3A_459 = tpu.vector_load %arg6[%swap3A_457, %swap3A_458] {strides = array<i32>} : memref<16x1024xf32, #tpu.memory_space<vmem>>, vector<1x16xf32>,
        %swap3A_460 = vector.shape_cast %swap3A_459 : vector<1x16xf32> to vector<16xf32>
        %swap3A_461 = vector.shape_cast %add3A_456 : vector<16xf32> to vector<1x16xf32>
        tpu.vector_store %arg6[%swap3A_457, %swap3A_458], %swap3A_461 {strides = array<i32>} : memref<16x1024xf32, #tpu.memory_space<vmem>>, vector<1x16xf32>,
        %get3A_462 = arith.constant 0 : i32
        %get3A_463 = arith.index_cast %get3A_462 : i32 to index
        %get3A_464 = arith.index_cast %scan3A_238 : i32 to index
        %get3A_465 = arith.constant 224 : index
        %get3A_466 = tpu.vector_load %arg5[%get3A_463, %get3A_464, %get3A_465] {strides = array<i32>} : memref<2x16x1024xf32, #tpu.memory_space<vmem>>, vector<1x1x16xf32>,
        %get3A_467 = vector.shape_cast %get3A_466 : vector<1x1x16xf32> to vector<16xf32>
        %get3A_468 = arith.index_cast %scan3A_238 : i32 to index
        %get3A_469 = arith.constant 224 : index
        %get3A_470 = tpu.vector_load %arg7[%get3A_468, %get3A_469] {strides = array<i32>} : memref<16x1024xf32, #tpu.memory_space<vmem>>, vector<1x16xf32>,
        %get3A_471 = vector.shape_cast %get3A_470 : vector<1x16xf32> to vector<16xf32>
        %add3A_472 = arith.addf %get3A_467, %get3A_471 : vector<16xf32>
        %swap3A_473 = arith.index_cast %scan3A_238 : i32 to index
        %swap3A_474 = arith.constant 224 : index
        %swap3A_475 = tpu.vector_load %arg6[%swap3A_473, %swap3A_474] {strides = array<i32>} : memref<16x1024xf32, #tpu.memory_space<vmem>>, vector<1x16xf32>,
        %swap3A_476 = vector.shape_cast %swap3A_475 : vector<1x16xf32> to vector<16xf32>
        %swap3A_477 = vector.shape_cast %add3A_472 : vector<16xf32> to vector<1x16xf32>
        tpu.vector_store %arg6[%swap3A_473, %swap3A_474], %swap3A_477 {strides = array<i32>} : memref<16x1024xf32, #tpu.memory_space<vmem>>, vector<1x16xf32>,
        %get3A_478 = arith.constant 0 : i32
        %get3A_479 = arith.index_cast %get3A_478 : i32 to index
        %get3A_480 = arith.index_cast %scan3A_238 : i32 to index
        %get3A_481 = arith.constant 240 : index
        %get3A_482 = tpu.vector_load %arg5[%get3A_479, %get3A_480, %get3A_481] {strides = array<i32>} : memref<2x16x1024xf32, #tpu.memory_space<vmem>>, vector<1x1x16xf32>,
        %get3A_483 = vector.shape_cast %get3A_482 : vector<1x1x16xf32> to vector<16xf32>
        %get3A_484 = arith.index_cast %scan3A_238 : i32 to index
        %get3A_485 = arith.constant 240 : index
        %get3A_486 = tpu.vector_load %arg7[%get3A_484, %get3A_485] {strides = array<i32>} : memref<16x1024xf32, #tpu.memory_space<vmem>>, vector<1x16xf32>,
        %get3A_487 = vector.shape_cast %get3A_486 : vector<1x16xf32> to vector<16xf32>
        %add3A_488 = arith.addf %get3A_483, %get3A_487 : vector<16xf32>
        %swap3A_489 = arith.index_cast %scan3A_238 : i32 to index
        %swap3A_490 = arith.constant 240 : index
        %swap3A_491 = tpu.vector_load %arg6[%swap3A_489, %swap3A_490] {strides = array<i32>} : memref<16x1024xf32, #tpu.memory_space<vmem>>, vector<1x16xf32>,
        %swap3A_492 = vector.shape_cast %swap3A_491 : vector<1x16xf32> to vector<16xf32>
        %swap3A_493 = vector.shape_cast %add3A_488 : vector<16xf32> to vector<1x16xf32>
        tpu.vector_store %arg6[%swap3A_489, %swap3A_490], %swap3A_493 {strides = array<i32>} : memref<16x1024xf32, #tpu.memory_space<vmem>>, vector<1x16xf32>,
        %get3A_494 = arith.constant 0 : i32
        %get3A_495 = arith.index_cast %get3A_494 : i32 to index
        %get3A_496 = arith.index_cast %scan3A_238 : i32 to index
        %get3A_497 = arith.constant 256 : index
        %get3A_498 = tpu.vector_load %arg5[%get3A_495, %get3A_496, %get3A_497] {strides = array<i32>} : memref<2x16x1024xf32, #tpu.memory_space<vmem>>, vector<1x1x16xf32>,
        %get3A_499 = vector.shape_cast %get3A_498 : vector<1x1x16xf32> to vector<16xf32>
        %get3A_500 = arith.index_cast %scan3A_238 : i32 to index
        %get3A_501 = arith.constant 256 : index
        %get3A_502 = tpu.vector_load %arg7[%get3A_500, %get3A_501] {strides = array<i32>} : memref<16x1024xf32, #tpu.memory_space<vmem>>, vector<1x16xf32>,
        %get3A_503 = vector.shape_cast %get3A_502 : vector<1x16xf32> to vector<16xf32>
        %add3A_504 = arith.addf %get3A_499, %get3A_503 : vector<16xf32>
        %swap3A_505 = arith.index_cast %scan3A_238 : i32 to index
        %swap3A_506 = arith.constant 256 : index
        %swap3A_507 = tpu.vector_load %arg6[%swap3A_505, %swap3A_506] {strides = array<i32>} : memref<16x1024xf32, #tpu.memory_space<vmem>>, vector<1x16xf32>,
        %swap3A_508 = vector.shape_cast %swap3A_507 : vector<1x16xf32> to vector<16xf32>
        %swap3A_509 = vector.shape_cast %add3A_504 : vector<16xf32> to vector<1x16xf32>
        tpu.vector_store %arg6[%swap3A_505, %swap3A_506], %swap3A_509 {strides = array<i32>} : memref<16x1024xf32, #tpu.memory_space<vmem>>, vector<1x16xf32>,
        %get3A_510 = arith.constant 0 : i32
        %get3A_511 = arith.index_cast %get3A_510 : i32 to index
        %get3A_512 = arith.index_cast %scan3A_238 : i32 to index
        %get3A_513 = arith.constant 272 : index
        %get3A_514 = tpu.vector_load %arg5[%get3A_511, %get3A_512, %get3A_513] {strides = array<i32>} : memref<2x16x1024xf32, #tpu.memory_space<vmem>>, vector<1x1x16xf32>,
        %get3A_515 = vector.shape_cast %get3A_514 : vector<1x1x16xf32> to vector<16xf32>
        %get3A_516 = arith.index_cast %scan3A_238 : i32 to index
        %get3A_517 = arith.constant 272 : index
        %get3A_518 = tpu.vector_load %arg7[%get3A_516, %get3A_517] {strides = array<i32>} : memref<16x1024xf32, #tpu.memory_space<vmem>>, vector<1x16xf32>,
        %get3A_519 = vector.shape_cast %get3A_518 : vector<1x16xf32> to vector<16xf32>
        %add3A_520 = arith.addf %get3A_515, %get3A_519 : vector<16xf32>
        %swap3A_521 = arith.index_cast %scan3A_238 : i32 to index
        %swap3A_522 = arith.constant 272 : index
        %swap3A_523 = tpu.vector_load %arg6[%swap3A_521, %swap3A_522] {strides = array<i32>} : memref<16x1024xf32, #tpu.memory_space<vmem>>, vector<1x16xf32>,
        %swap3A_524 = vector.shape_cast %swap3A_523 : vector<1x16xf32> to vector<16xf32>
        %swap3A_525 = vector.shape_cast %add3A_520 : vector<16xf32> to vector<1x16xf32>
        tpu.vector_store %arg6[%swap3A_521, %swap3A_522], %swap3A_525 {strides = array<i32>} : memref<16x1024xf32, #tpu.memory_space<vmem>>, vector<1x16xf32>,
        %get3A_526 = arith.constant 0 : i32
        %get3A_527 = arith.index_cast %get3A_526 : i32 to index
        %get3A_528 = arith.index_cast %scan3A_238 : i32 to index
        %get3A_529 = arith.constant 288 : index
        %get3A_530 = tpu.vector_load %arg5[%get3A_527, %get3A_528, %get3A_529] {strides = array<i32>} : memref<2x16x1024xf32, #tpu.memory_space<vmem>>, vector<1x1x16xf32>,
        %get3A_531 = vector.shape_cast %get3A_530 : vector<1x1x16xf32> to vector<16xf32>
        %get3A_532 = arith.index_cast %scan3A_238 : i32 to index
        %get3A_533 = arith.constant 288 : index
        %get3A_534 = tpu.vector_load %arg7[%get3A_532, %get3A_533] {strides = array<i32>} : memref<16x1024xf32, #tpu.memory_space<vmem>>, vector<1x16xf32>,
        %get3A_535 = vector.shape_cast %get3A_534 : vector<1x16xf32> to vector<16xf32>
        %add3A_536 = arith.addf %get3A_531, %get3A_535 : vector<16xf32>
        %swap3A_537 = arith.index_cast %scan3A_238 : i32 to index
        %swap3A_538 = arith.constant 288 : index
        %swap3A_539 = tpu.vector_load %arg6[%swap3A_537, %swap3A_538] {strides = array<i32>} : memref<16x1024xf32, #tpu.memory_space<vmem>>, vector<1x16xf32>,
        %swap3A_540 = vector.shape_cast %swap3A_539 : vector<1x16xf32> to vector<16xf32>
        %swap3A_541 = vector.shape_cast %add3A_536 : vector<16xf32> to vector<1x16xf32>
        tpu.vector_store %arg6[%swap3A_537, %swap3A_538], %swap3A_541 {strides = array<i32>} : memref<16x1024xf32, #tpu.memory_space<vmem>>, vector<1x16xf32>,
        %get3A_542 = arith.constant 0 : i32
        %get3A_543 = arith.index_cast %get3A_542 : i32 to index
        %get3A_544 = arith.index_cast %scan3A_238 : i32 to index
        %get3A_545 = arith.constant 304 : index
        %get3A_546 = tpu.vector_load %arg5[%get3A_543, %get3A_544, %get3A_545] {strides = array<i32>} : memref<2x16x1024xf32, #tpu.memory_space<vmem>>, vector<1x1x16xf32>,
        %get3A_547 = vector.shape_cast %get3A_546 : vector<1x1x16xf32> to vector<16xf32>
        %get3A_548 = arith.index_cast %scan3A_238 : i32 to index
        %get3A_549 = arith.constant 304 : index
        %get3A_550 = tpu.vector_load %arg7[%get3A_548, %get3A_549] {strides = array<i32>} : memref<16x1024xf32, #tpu.memory_space<vmem>>, vector<1x16xf32>,
        %get3A_551 = vector.shape_cast %get3A_550 : vector<1x16xf32> to vector<16xf32>
        %add3A_552 = arith.addf %get3A_547, %get3A_551 : vector<16xf32>
        %swap3A_553 = arith.index_cast %scan3A_238 : i32 to index
        %swap3A_554 = arith.constant 304 : index
        %swap3A_555 = tpu.vector_load %arg6[%swap3A_553, %swap3A_554] {strides = array<i32>} : memref<16x1024xf32, #tpu.memory_space<vmem>>, vector<1x16xf32>,
        %swap3A_556 = vector.shape_cast %swap3A_555 : vector<1x16xf32> to vector<16xf32>
        %swap3A_557 = vector.shape_cast %add3A_552 : vector<16xf32> to vector<1x16xf32>
        tpu.vector_store %arg6[%swap3A_553, %swap3A_554], %swap3A_557 {strides = array<i32>} : memref<16x1024xf32, #tpu.memory_space<vmem>>, vector<1x16xf32>,
        %get3A_558 = arith.constant 0 : i32
        %get3A_559 = arith.index_cast %get3A_558 : i32 to index
        %get3A_560 = arith.index_cast %scan3A_238 : i32 to index
        %get3A_561 = arith.constant 320 : index
        %get3A_562 = tpu.vector_load %arg5[%get3A_559, %get3A_560, %get3A_561] {strides = array<i32>} : memref<2x16x1024xf32, #tpu.memory_space<vmem>>, vector<1x1x16xf32>,
        %get3A_563 = vector.shape_cast %get3A_562 : vector<1x1x16xf32> to vector<16xf32>
        %get3A_564 = arith.index_cast %scan3A_238 : i32 to index
        %get3A_565 = arith.constant 320 : index
        %get3A_566 = tpu.vector_load %arg7[%get3A_564, %get3A_565] {strides = array<i32>} : memref<16x1024xf32, #tpu.memory_space<vmem>>, vector<1x16xf32>,
        %get3A_567 = vector.shape_cast %get3A_566 : vector<1x16xf32> to vector<16xf32>
        %add3A_568 = arith.addf %get3A_563, %get3A_567 : vector<16xf32>
        %swap3A_569 = arith.index_cast %scan3A_238 : i32 to index
        %swap3A_570 = arith.constant 320 : index
        %swap3A_571 = tpu.vector_load %arg6[%swap3A_569, %swap3A_570] {strides = array<i32>} : memref<16x1024xf32, #tpu.memory_space<vmem>>, vector<1x16xf32>,
        %swap3A_572 = vector.shape_cast %swap3A_571 : vector<1x16xf32> to vector<16xf32>
        %swap3A_573 = vector.shape_cast %add3A_568 : vector<16xf32> to vector<1x16xf32>
        tpu.vector_store %arg6[%swap3A_569, %swap3A_570], %swap3A_573 {strides = array<i32>} : memref<16x1024xf32, #tpu.memory_space<vmem>>, vector<1x16xf32>,
        %get3A_574 = arith.constant 0 : i32
        %get3A_575 = arith.index_cast %get3A_574 : i32 to index
        %get3A_576 = arith.index_cast %scan3A_238 : i32 to index
        %get3A_577 = arith.constant 336 : index
        %get3A_578 = tpu.vector_load %arg5[%get3A_575, %get3A_576, %get3A_577] {strides = array<i32>} : memref<2x16x1024xf32, #tpu.memory_space<vmem>>, vector<1x1x16xf32>,
        %get3A_579 = vector.shape_cast %get3A_578 : vector<1x1x16xf32> to vector<16xf32>
        %get3A_580 = arith.index_cast %scan3A_238 : i32 to index
        %get3A_581 = arith.constant 336 : index
        %get3A_582 = tpu.vector_load %arg7[%get3A_580, %get3A_581] {strides = array<i32>} : memref<16x1024xf32, #tpu.memory_space<vmem>>, vector<1x16xf32>,
        %get3A_583 = vector.shape_cast %get3A_582 : vector<1x16xf32> to vector<16xf32>
        %add3A_584 = arith.addf %get3A_579, %get3A_583 : vector<16xf32>
        %swap3A_585 = arith.index_cast %scan3A_238 : i32 to index
        %swap3A_586 = arith.constant 336 : index
        %swap3A_587 = tpu.vector_load %arg6[%swap3A_585, %swap3A_586] {strides = array<i32>} : memref<16x1024xf32, #tpu.memory_space<vmem>>, vector<1x16xf32>,
        %swap3A_588 = vector.shape_cast %swap3A_587 : vector<1x16xf32> to vector<16xf32>
        %swap3A_589 = vector.shape_cast %add3A_584 : vector<16xf32> to vector<1x16xf32>
        tpu.vector_store %arg6[%swap3A_585, %swap3A_586], %swap3A_589 {strides = array<i32>} : memref<16x1024xf32, #tpu.memory_space<vmem>>, vector<1x16xf32>,
        %get3A_590 = arith.constant 0 : i32
        %get3A_591 = arith.index_cast %get3A_590 : i32 to index
        %get3A_592 = arith.index_cast %scan3A_238 : i32 to index
        %get3A_593 = arith.constant 352 : index
        %get3A_594 = tpu.vector_load %arg5[%get3A_591, %get3A_592, %get3A_593] {strides = array<i32>} : memref<2x16x1024xf32, #tpu.memory_space<vmem>>, vector<1x1x16xf32>,
        %get3A_595 = vector.shape_cast %get3A_594 : vector<1x1x16xf32> to vector<16xf32>
        %get3A_596 = arith.index_cast %scan3A_238 : i32 to index
        %get3A_597 = arith.constant 352 : index
        %get3A_598 = tpu.vector_load %arg7[%get3A_596, %get3A_597] {strides = array<i32>} : memref<16x1024xf32, #tpu.memory_space<vmem>>, vector<1x16xf32>,
        %get3A_599 = vector.shape_cast %get3A_598 : vector<1x16xf32> to vector<16xf32>
        %add3A_600 = arith.addf %get3A_595, %get3A_599 : vector<16xf32>
        %swap3A_601 = arith.index_cast %scan3A_238 : i32 to index
        %swap3A_602 = arith.constant 352 : index
        %swap3A_603 = tpu.vector_load %arg6[%swap3A_601, %swap3A_602] {strides = array<i32>} : memref<16x1024xf32, #tpu.memory_space<vmem>>, vector<1x16xf32>,
        %swap3A_604 = vector.shape_cast %swap3A_603 : vector<1x16xf32> to vector<16xf32>
        %swap3A_605 = vector.shape_cast %add3A_600 : vector<16xf32> to vector<1x16xf32>
        tpu.vector_store %arg6[%swap3A_601, %swap3A_602], %swap3A_605 {strides = array<i32>} : memref<16x1024xf32, #tpu.memory_space<vmem>>, vector<1x16xf32>,
        %get3A_606 = arith.constant 0 : i32
        %get3A_607 = arith.index_cast %get3A_606 : i32 to index
        %get3A_608 = arith.index_cast %scan3A_238 : i32 to index
        %get3A_609 = arith.constant 368 : index
        %get3A_610 = tpu.vector_load %arg5[%get3A_607, %get3A_608, %get3A_609] {strides = array<i32>} : memref<2x16x1024xf32, #tpu.memory_space<vmem>>, vector<1x1x16xf32>,
        %get3A_611 = vector.shape_cast %get3A_610 : vector<1x1x16xf32> to vector<16xf32>
        %get3A_612 = arith.index_cast %scan3A_238 : i32 to index
        %get3A_613 = arith.constant 368 : index
        %get3A_614 = tpu.vector_load %arg7[%get3A_612, %get3A_613] {strides = array<i32>} : memref<16x1024xf32, #tpu.memory_space<vmem>>, vector<1x16xf32>,
        %get3A_615 = vector.shape_cast %get3A_614 : vector<1x16xf32> to vector<16xf32>
        %add3A_616 = arith.addf %get3A_611, %get3A_615 : vector<16xf32>
        %swap3A_617 = arith.index_cast %scan3A_238 : i32 to index
        %swap3A_618 = arith.constant 368 : index
        %swap3A_619 = tpu.vector_load %arg6[%swap3A_617, %swap3A_618] {strides = array<i32>} : memref<16x1024xf32, #tpu.memory_space<vmem>>, vector<1x16xf32>,
        %swap3A_620 = vector.shape_cast %swap3A_619 : vector<1x16xf32> to vector<16xf32>
        %swap3A_621 = vector.shape_cast %add3A_616 : vector<16xf32> to vector<1x16xf32>
        tpu.vector_store %arg6[%swap3A_617, %swap3A_618], %swap3A_621 {strides = array<i32>} : memref<16x1024xf32, #tpu.memory_space<vmem>>, vector<1x16xf32>,
        %get3A_622 = arith.constant 0 : i32
        %get3A_623 = arith.index_cast %get3A_622 : i32 to index
        %get3A_624 = arith.index_cast %scan3A_238 : i32 to index
        %get3A_625 = arith.constant 384 : index
        %get3A_626 = tpu.vector_load %arg5[%get3A_623, %get3A_624, %get3A_625] {strides = array<i32>} : memref<2x16x1024xf32, #tpu.memory_space<vmem>>, vector<1x1x16xf32>,
        %get3A_627 = vector.shape_cast %get3A_626 : vector<1x1x16xf32> to vector<16xf32>
        %get3A_628 = arith.index_cast %scan3A_238 : i32 to index
        %get3A_629 = arith.constant 384 : index
        %get3A_630 = tpu.vector_load %arg7[%get3A_628, %get3A_629] {strides = array<i32>} : memref<16x1024xf32, #tpu.memory_space<vmem>>, vector<1x16xf32>,
        %get3A_631 = vector.shape_cast %get3A_630 : vector<1x16xf32> to vector<16xf32>
        %add3A_632 = arith.addf %get3A_627, %get3A_631 : vector<16xf32>
        %swap3A_633 = arith.index_cast %scan3A_238 : i32 to index
        %swap3A_634 = arith.constant 384 : index
        %swap3A_635 = tpu.vector_load %arg6[%swap3A_633, %swap3A_634] {strides = array<i32>} : memref<16x1024xf32, #tpu.memory_space<vmem>>, vector<1x16xf32>,
        %swap3A_636 = vector.shape_cast %swap3A_635 : vector<1x16xf32> to vector<16xf32>
        %swap3A_637 = vector.shape_cast %add3A_632 : vector<16xf32> to vector<1x16xf32>
        tpu.vector_store %arg6[%swap3A_633, %swap3A_634], %swap3A_637 {strides = array<i32>} : memref<16x1024xf32, #tpu.memory_space<vmem>>, vector<1x16xf32>,
        %get3A_638 = arith.constant 0 : i32
        %get3A_639 = arith.index_cast %get3A_638 : i32 to index
        %get3A_640 = arith.index_cast %scan3A_238 : i32 to index
        %get3A_641 = arith.constant 400 : index
        %get3A_642 = tpu.vector_load %arg5[%get3A_639, %get3A_640, %get3A_641] {strides = array<i32>} : memref<2x16x1024xf32, #tpu.memory_space<vmem>>, vector<1x1x16xf32>,
        %get3A_643 = vector.shape_cast %get3A_642 : vector<1x1x16xf32> to vector<16xf32>
        %get3A_644 = arith.index_cast %scan3A_238 : i32 to index
        %get3A_645 = arith.constant 400 : index
        %get3A_646 = tpu.vector_load %arg7[%get3A_644, %get3A_645] {strides = array<i32>} : memref<16x1024xf32, #tpu.memory_space<vmem>>, vector<1x16xf32>,
        %get3A_647 = vector.shape_cast %get3A_646 : vector<1x16xf32> to vector<16xf32>
        %add3A_648 = arith.addf %get3A_643, %get3A_647 : vector<16xf32>
        %swap3A_649 = arith.index_cast %scan3A_238 : i32 to index
        %swap3A_650 = arith.constant 400 : index
        %swap3A_651 = tpu.vector_load %arg6[%swap3A_649, %swap3A_650] {strides = array<i32>} : memref<16x1024xf32, #tpu.memory_space<vmem>>, vector<1x16xf32>,
        %swap3A_652 = vector.shape_cast %swap3A_651 : vector<1x16xf32> to vector<16xf32>
        %swap3A_653 = vector.shape_cast %add3A_648 : vector<16xf32> to vector<1x16xf32>
        tpu.vector_store %arg6[%swap3A_649, %swap3A_650], %swap3A_653 {strides = array<i32>} : memref<16x1024xf32, #tpu.memory_space<vmem>>, vector<1x16xf32>,
        %get3A_654 = arith.constant 0 : i32
        %get3A_655 = arith.index_cast %get3A_654 : i32 to index
        %get3A_656 = arith.index_cast %scan3A_238 : i32 to index
        %get3A_657 = arith.constant 416 : index
        %get3A_658 = tpu.vector_load %arg5[%get3A_655, %get3A_656, %get3A_657] {strides = array<i32>} : memref<2x16x1024xf32, #tpu.memory_space<vmem>>, vector<1x1x16xf32>,
        %get3A_659 = vector.shape_cast %get3A_658 : vector<1x1x16xf32> to vector<16xf32>
        %get3A_660 = arith.index_cast %scan3A_238 : i32 to index
        %get3A_661 = arith.constant 416 : index
        %get3A_662 = tpu.vector_load %arg7[%get3A_660, %get3A_661] {strides = array<i32>} : memref<16x1024xf32, #tpu.memory_space<vmem>>, vector<1x16xf32>,
        %get3A_663 = vector.shape_cast %get3A_662 : vector<1x16xf32> to vector<16xf32>
        %add3A_664 = arith.addf %get3A_659, %get3A_663 : vector<16xf32>
        %swap3A_665 = arith.index_cast %scan3A_238 : i32 to index
        %swap3A_666 = arith.constant 416 : index
        %swap3A_667 = tpu.vector_load %arg6[%swap3A_665, %swap3A_666] {strides = array<i32>} : memref<16x1024xf32, #tpu.memory_space<vmem>>, vector<1x16xf32>,
        %swap3A_668 = vector.shape_cast %swap3A_667 : vector<1x16xf32> to vector<16xf32>
        %swap3A_669 = vector.shape_cast %add3A_664 : vector<16xf32> to vector<1x16xf32>
        tpu.vector_store %arg6[%swap3A_665, %swap3A_666], %swap3A_669 {strides = array<i32>} : memref<16x1024xf32, #tpu.memory_space<vmem>>, vector<1x16xf32>,
        %get3A_670 = arith.constant 0 : i32
        %get3A_671 = arith.index_cast %get3A_670 : i32 to index
        %get3A_672 = arith.index_cast %scan3A_238 : i32 to index
        %get3A_673 = arith.constant 432 : index
        %get3A_674 = tpu.vector_load %arg5[%get3A_671, %get3A_672, %get3A_673] {strides = array<i32>} : memref<2x16x1024xf32, #tpu.memory_space<vmem>>, vector<1x1x16xf32>,
        %get3A_675 = vector.shape_cast %get3A_674 : vector<1x1x16xf32> to vector<16xf32>
        %get3A_676 = arith.index_cast %scan3A_238 : i32 to index
        %get3A_677 = arith.constant 432 : index
        %get3A_678 = tpu.vector_load %arg7[%get3A_676, %get3A_677] {strides = array<i32>} : memref<16x1024xf32, #tpu.memory_space<vmem>>, vector<1x16xf32>,
        %get3A_679 = vector.shape_cast %get3A_678 : vector<1x16xf32> to vector<16xf32>
        %add3A_680 = arith.addf %get3A_675, %get3A_679 : vector<16xf32>
        %swap3A_681 = arith.index_cast %scan3A_238 : i32 to index
        %swap3A_682 = arith.constant 432 : index
        %swap3A_683 = tpu.vector_load %arg6[%swap3A_681, %swap3A_682] {strides = array<i32>} : memref<16x1024xf32, #tpu.memory_space<vmem>>, vector<1x16xf32>,
        %swap3A_684 = vector.shape_cast %swap3A_683 : vector<1x16xf32> to vector<16xf32>
        %swap3A_685 = vector.shape_cast %add3A_680 : vector<16xf32> to vector<1x16xf32>
        tpu.vector_store %arg6[%swap3A_681, %swap3A_682], %swap3A_685 {strides = array<i32>} : memref<16x1024xf32, #tpu.memory_space<vmem>>, vector<1x16xf32>,
        %get3A_686 = arith.constant 0 : i32
        %get3A_687 = arith.index_cast %get3A_686 : i32 to index
        %get3A_688 = arith.index_cast %scan3A_238 : i32 to index
        %get3A_689 = arith.constant 448 : index
        %get3A_690 = tpu.vector_load %arg5[%get3A_687, %get3A_688, %get3A_689] {strides = array<i32>} : memref<2x16x1024xf32, #tpu.memory_space<vmem>>, vector<1x1x16xf32>,
        %get3A_691 = vector.shape_cast %get3A_690 : vector<1x1x16xf32> to vector<16xf32>
        %get3A_692 = arith.index_cast %scan3A_238 : i32 to index
        %get3A_693 = arith.constant 448 : index
        %get3A_694 = tpu.vector_load %arg7[%get3A_692, %get3A_693] {strides = array<i32>} : memref<16x1024xf32, #tpu.memory_space<vmem>>, vector<1x16xf32>,
        %get3A_695 = vector.shape_cast %get3A_694 : vector<1x16xf32> to vector<16xf32>
        %add3A_696 = arith.addf %get3A_691, %get3A_695 : vector<16xf32>
        %swap3A_697 = arith.index_cast %scan3A_238 : i32 to index
        %swap3A_698 = arith.constant 448 : index
        %swap3A_699 = tpu.vector_load %arg6[%swap3A_697, %swap3A_698] {strides = array<i32>} : memref<16x1024xf32, #tpu.memory_space<vmem>>, vector<1x16xf32>,
        %swap3A_700 = vector.shape_cast %swap3A_699 : vector<1x16xf32> to vector<16xf32>
        %swap3A_701 = vector.shape_cast %add3A_696 : vector<16xf32> to vector<1x16xf32>
        tpu.vector_store %arg6[%swap3A_697, %swap3A_698], %swap3A_701 {strides = array<i32>} : memref<16x1024xf32, #tpu.memory_space<vmem>>, vector<1x16xf32>,
        %get3A_702 = arith.constant 0 : i32
        %get3A_703 = arith.index_cast %get3A_702 : i32 to index
        %get3A_704 = arith.index_cast %scan3A_238 : i32 to index
        %get3A_705 = arith.constant 464 : index
        %get3A_706 = tpu.vector_load %arg5[%get3A_703, %get3A_704, %get3A_705] {strides = array<i32>} : memref<2x16x1024xf32, #tpu.memory_space<vmem>>, vector<1x1x16xf32>,
        %get3A_707 = vector.shape_cast %get3A_706 : vector<1x1x16xf32> to vector<16xf32>
        %get3A_708 = arith.index_cast %scan3A_238 : i32 to index
        %get3A_709 = arith.constant 464 : index
        %get3A_710 = tpu.vector_load %arg7[%get3A_708, %get3A_709] {strides = array<i32>} : memref<16x1024xf32, #tpu.memory_space<vmem>>, vector<1x16xf32>,
        %get3A_711 = vector.shape_cast %get3A_710 : vector<1x16xf32> to vector<16xf32>
        %add3A_712 = arith.addf %get3A_707, %get3A_711 : vector<16xf32>
        %swap3A_713 = arith.index_cast %scan3A_238 : i32 to index
        %swap3A_714 = arith.constant 464 : index
        %swap3A_715 = tpu.vector_load %arg6[%swap3A_713, %swap3A_714] {strides = array<i32>} : memref<16x1024xf32, #tpu.memory_space<vmem>>, vector<1x16xf32>,
        %swap3A_716 = vector.shape_cast %swap3A_715 : vector<1x16xf32> to vector<16xf32>
        %swap3A_717 = vector.shape_cast %add3A_712 : vector<16xf32> to vector<1x16xf32>
        tpu.vector_store %arg6[%swap3A_713, %swap3A_714], %swap3A_717 {strides = array<i32>} : memref<16x1024xf32, #tpu.memory_space<vmem>>, vector<1x16xf32>,
        %get3A_718 = arith.constant 0 : i32
        %get3A_719 = arith.index_cast %get3A_718 : i32 to index
        %get3A_720 = arith.index_cast %scan3A_238 : i32 to index
        %get3A_721 = arith.constant 480 : index
        %get3A_722 = tpu.vector_load %arg5[%get3A_719, %get3A_720, %get3A_721] {strides = array<i32>} : memref<2x16x1024xf32, #tpu.memory_space<vmem>>, vector<1x1x16xf32>,
        %get3A_723 = vector.shape_cast %get3A_722 : vector<1x1x16xf32> to vector<16xf32>
        %get3A_724 = arith.index_cast %scan3A_238 : i32 to index
        %get3A_725 = arith.constant 480 : index
        %get3A_726 = tpu.vector_load %arg7[%get3A_724, %get3A_725] {strides = array<i32>} : memref<16x1024xf32, #tpu.memory_space<vmem>>, vector<1x16xf32>,
        %get3A_727 = vector.shape_cast %get3A_726 : vector<1x16xf32> to vector<16xf32>
        %add3A_728 = arith.addf %get3A_723, %get3A_727 : vector<16xf32>
        %swap3A_729 = arith.index_cast %scan3A_238 : i32 to index
        %swap3A_730 = arith.constant 480 : index
        %swap3A_731 = tpu.vector_load %arg6[%swap3A_729, %swap3A_730] {strides = array<i32>} : memref<16x1024xf32, #tpu.memory_space<vmem>>, vector<1x16xf32>,
        %swap3A_732 = vector.shape_cast %swap3A_731 : vector<1x16xf32> to vector<16xf32>
        %swap3A_733 = vector.shape_cast %add3A_728 : vector<16xf32> to vector<1x16xf32>
        tpu.vector_store %arg6[%swap3A_729, %swap3A_730], %swap3A_733 {strides = array<i32>} : memref<16x1024xf32, #tpu.memory_space<vmem>>, vector<1x16xf32>,
        %get3A_734 = arith.constant 0 : i32
        %get3A_735 = arith.index_cast %get3A_734 : i32 to index
        %get3A_736 = arith.index_cast %scan3A_238 : i32 to index
        %get3A_737 = arith.constant 496 : index
        %get3A_738 = tpu.vector_load %arg5[%get3A_735, %get3A_736, %get3A_737] {strides = array<i32>} : memref<2x16x1024xf32, #tpu.memory_space<vmem>>, vector<1x1x16xf32>,
        %get3A_739 = vector.shape_cast %get3A_738 : vector<1x1x16xf32> to vector<16xf32>
        %get3A_740 = arith.index_cast %scan3A_238 : i32 to index
        %get3A_741 = arith.constant 496 : index
        %get3A_742 = tpu.vector_load %arg7[%get3A_740, %get3A_741] {strides = array<i32>} : memref<16x1024xf32, #tpu.memory_space<vmem>>, vector<1x16xf32>,
        %get3A_743 = vector.shape_cast %get3A_742 : vector<1x16xf32> to vector<16xf32>
        %add3A_744 = arith.addf %get3A_739, %get3A_743 : vector<16xf32>
        %swap3A_745 = arith.index_cast %scan3A_238 : i32 to index
        %swap3A_746 = arith.constant 496 : index
        %swap3A_747 = tpu.vector_load %arg6[%swap3A_745, %swap3A_746] {strides = array<i32>} : memref<16x1024xf32, #tpu.memory_space<vmem>>, vector<1x16xf32>,
        %swap3A_748 = vector.shape_cast %swap3A_747 : vector<1x16xf32> to vector<16xf32>
        %swap3A_749 = vector.shape_cast %add3A_744 : vector<16xf32> to vector<1x16xf32>
        tpu.vector_store %arg6[%swap3A_745, %swap3A_746], %swap3A_749 {strides = array<i32>} : memref<16x1024xf32, #tpu.memory_space<vmem>>, vector<1x16xf32>,
        %get3A_750 = arith.constant 0 : i32
        %get3A_751 = arith.index_cast %get3A_750 : i32 to index
        %get3A_752 = arith.index_cast %scan3A_238 : i32 to index
        %get3A_753 = arith.constant 512 : index
        %get3A_754 = tpu.vector_load %arg5[%get3A_751, %get3A_752, %get3A_753] {strides = array<i32>} : memref<2x16x1024xf32, #tpu.memory_space<vmem>>, vector<1x1x16xf32>,
        %get3A_755 = vector.shape_cast %get3A_754 : vector<1x1x16xf32> to vector<16xf32>
        %get3A_756 = arith.index_cast %scan3A_238 : i32 to index
        %get3A_757 = arith.constant 512 : index
        %get3A_758 = tpu.vector_load %arg7[%get3A_756, %get3A_757] {strides = array<i32>} : memref<16x1024xf32, #tpu.memory_space<vmem>>, vector<1x16xf32>,
        %get3A_759 = vector.shape_cast %get3A_758 : vector<1x16xf32> to vector<16xf32>
        %add3A_760 = arith.addf %get3A_755, %get3A_759 : vector<16xf32>
        %swap3A_761 = arith.index_cast %scan3A_238 : i32 to index
        %swap3A_762 = arith.constant 512 : index
        %swap3A_763 = tpu.vector_load %arg6[%swap3A_761, %swap3A_762] {strides = array<i32>} : memref<16x1024xf32, #tpu.memory_space<vmem>>, vector<1x16xf32>,
        %swap3A_764 = vector.shape_cast %swap3A_763 : vector<1x16xf32> to vector<16xf32>
        %swap3A_765 = vector.shape_cast %add3A_760 : vector<16xf32> to vector<1x16xf32>
        tpu.vector_store %arg6[%swap3A_761, %swap3A_762], %swap3A_765 {strides = array<i32>} : memref<16x1024xf32, #tpu.memory_space<vmem>>, vector<1x16xf32>,
        %get3A_766 = arith.constant 0 : i32
        %get3A_767 = arith.index_cast %get3A_766 : i32 to index
        %get3A_768 = arith.index_cast %scan3A_238 : i32 to index
        %get3A_769 = arith.constant 528 : index
        %get3A_770 = tpu.vector_load %arg5[%get3A_767, %get3A_768, %get3A_769] {strides = array<i32>} : memref<2x16x1024xf32, #tpu.memory_space<vmem>>, vector<1x1x16xf32>,
        %get3A_771 = vector.shape_cast %get3A_770 : vector<1x1x16xf32> to vector<16xf32>
        %get3A_772 = arith.index_cast %scan3A_238 : i32 to index
        %get3A_773 = arith.constant 528 : index
        %get3A_774 = tpu.vector_load %arg7[%get3A_772, %get3A_773] {strides = array<i32>} : memref<16x1024xf32, #tpu.memory_space<vmem>>, vector<1x16xf32>,
        %get3A_775 = vector.shape_cast %get3A_774 : vector<1x16xf32> to vector<16xf32>
        %add3A_776 = arith.addf %get3A_771, %get3A_775 : vector<16xf32>
        %swap3A_777 = arith.index_cast %scan3A_238 : i32 to index
        %swap3A_778 = arith.constant 528 : index
        %swap3A_779 = tpu.vector_load %arg6[%swap3A_777, %swap3A_778] {strides = array<i32>} : memref<16x1024xf32, #tpu.memory_space<vmem>>, vector<1x16xf32>,
        %swap3A_780 = vector.shape_cast %swap3A_779 : vector<1x16xf32> to vector<16xf32>
        %swap3A_781 = vector.shape_cast %add3A_776 : vector<16xf32> to vector<1x16xf32>
        tpu.vector_store %arg6[%swap3A_777, %swap3A_778], %swap3A_781 {strides = array<i32>} : memref<16x1024xf32, #tpu.memory_space<vmem>>, vector<1x16xf32>,
        %get3A_782 = arith.constant 0 : i32
        %get3A_783 = arith.index_cast %get3A_782 : i32 to index
        %get3A_784 = arith.index_cast %scan3A_238 : i32 to index
        %get3A_785 = arith.constant 544 : index
        %get3A_786 = tpu.vector_load %arg5[%get3A_783, %get3A_784, %get3A_785] {strides = array<i32>} : memref<2x16x1024xf32, #tpu.memory_space<vmem>>, vector<1x1x16xf32>,
        %get3A_787 = vector.shape_cast %get3A_786 : vector<1x1x16xf32> to vector<16xf32>
        %get3A_788 = arith.index_cast %scan3A_238 : i32 to index
        %get3A_789 = arith.constant 544 : index
        %get3A_790 = tpu.vector_load %arg7[%get3A_788, %get3A_789] {strides = array<i32>} : memref<16x1024xf32, #tpu.memory_space<vmem>>, vector<1x16xf32>,
        %get3A_791 = vector.shape_cast %get3A_790 : vector<1x16xf32> to vector<16xf32>
        %add3A_792 = arith.addf %get3A_787, %get3A_791 : vector<16xf32>
        %swap3A_793 = arith.index_cast %scan3A_238 : i32 to index
        %swap3A_794 = arith.constant 544 : index
        %swap3A_795 = tpu.vector_load %arg6[%swap3A_793, %swap3A_794] {strides = array<i32>} : memref<16x1024xf32, #tpu.memory_space<vmem>>, vector<1x16xf32>,
        %swap3A_796 = vector.shape_cast %swap3A_795 : vector<1x16xf32> to vector<16xf32>
        %swap3A_797 = vector.shape_cast %add3A_792 : vector<16xf32> to vector<1x16xf32>
        tpu.vector_store %arg6[%swap3A_793, %swap3A_794], %swap3A_797 {strides = array<i32>} : memref<16x1024xf32, #tpu.memory_space<vmem>>, vector<1x16xf32>,
        %get3A_798 = arith.constant 0 : i32
        %get3A_799 = arith.index_cast %get3A_798 : i32 to index
        %get3A_800 = arith.index_cast %scan3A_238 : i32 to index
        %get3A_801 = arith.constant 560 : index
        %get3A_802 = tpu.vector_load %arg5[%get3A_799, %get3A_800, %get3A_801] {strides = array<i32>} : memref<2x16x1024xf32, #tpu.memory_space<vmem>>, vector<1x1x16xf32>,
        %get3A_803 = vector.shape_cast %get3A_802 : vector<1x1x16xf32> to vector<16xf32>
        %get3A_804 = arith.index_cast %scan3A_238 : i32 to index
        %get3A_805 = arith.constant 560 : index
        %get3A_806 = tpu.vector_load %arg7[%get3A_804, %get3A_805] {strides = array<i32>} : memref<16x1024xf32, #tpu.memory_space<vmem>>, vector<1x16xf32>,
        %get3A_807 = vector.shape_cast %get3A_806 : vector<1x16xf32> to vector<16xf32>
        %add3A_808 = arith.addf %get3A_803, %get3A_807 : vector<16xf32>
        %swap3A_809 = arith.index_cast %scan3A_238 : i32 to index
        %swap3A_810 = arith.constant 560 : index
        %swap3A_811 = tpu.vector_load %arg6[%swap3A_809, %swap3A_810] {strides = array<i32>} : memref<16x1024xf32, #tpu.memory_space<vmem>>, vector<1x16xf32>,
        %swap3A_812 = vector.shape_cast %swap3A_811 : vector<1x16xf32> to vector<16xf32>
        %swap3A_813 = vector.shape_cast %add3A_808 : vector<16xf32> to vector<1x16xf32>
        tpu.vector_store %arg6[%swap3A_809, %swap3A_810], %swap3A_813 {strides = array<i32>} : memref<16x1024xf32, #tpu.memory_space<vmem>>, vector<1x16xf32>,
        %get3A_814 = arith.constant 0 : i32
        %get3A_815 = arith.index_cast %get3A_814 : i32 to index
        %get3A_816 = arith.index_cast %scan3A_238 : i32 to index
        %get3A_817 = arith.constant 576 : index
        %get3A_818 = tpu.vector_load %arg5[%get3A_815, %get3A_816, %get3A_817] {strides = array<i32>} : memref<2x16x1024xf32, #tpu.memory_space<vmem>>, vector<1x1x16xf32>,
        %get3A_819 = vector.shape_cast %get3A_818 : vector<1x1x16xf32> to vector<16xf32>
        %get3A_820 = arith.index_cast %scan3A_238 : i32 to index
        %get3A_821 = arith.constant 576 : index
        %get3A_822 = tpu.vector_load %arg7[%get3A_820, %get3A_821] {strides = array<i32>} : memref<16x1024xf32, #tpu.memory_space<vmem>>, vector<1x16xf32>,
        %get3A_823 = vector.shape_cast %get3A_822 : vector<1x16xf32> to vector<16xf32>
        %add3A_824 = arith.addf %get3A_819, %get3A_823 : vector<16xf32>
        %swap3A_825 = arith.index_cast %scan3A_238 : i32 to index
        %swap3A_826 = arith.constant 576 : index
        %swap3A_827 = tpu.vector_load %arg6[%swap3A_825, %swap3A_826] {strides = array<i32>} : memref<16x1024xf32, #tpu.memory_space<vmem>>, vector<1x16xf32>,
        %swap3A_828 = vector.shape_cast %swap3A_827 : vector<1x16xf32> to vector<16xf32>
        %swap3A_829 = vector.shape_cast %add3A_824 : vector<16xf32> to vector<1x16xf32>
        tpu.vector_store %arg6[%swap3A_825, %swap3A_826], %swap3A_829 {strides = array<i32>} : memref<16x1024xf32, #tpu.memory_space<vmem>>, vector<1x16xf32>,
        %get3A_830 = arith.constant 0 : i32
        %get3A_831 = arith.index_cast %get3A_830 : i32 to index
        %get3A_832 = arith.index_cast %scan3A_238 : i32 to index
        %get3A_833 = arith.constant 592 : index
        %get3A_834 = tpu.vector_load %arg5[%get3A_831, %get3A_832, %get3A_833] {strides = array<i32>} : memref<2x16x1024xf32, #tpu.memory_space<vmem>>, vector<1x1x16xf32>,
        %get3A_835 = vector.shape_cast %get3A_834 : vector<1x1x16xf32> to vector<16xf32>
        %get3A_836 = arith.index_cast %scan3A_238 : i32 to index
        %get3A_837 = arith.constant 592 : index
        %get3A_838 = tpu.vector_load %arg7[%get3A_836, %get3A_837] {strides = array<i32>} : memref<16x1024xf32, #tpu.memory_space<vmem>>, vector<1x16xf32>,
        %get3A_839 = vector.shape_cast %get3A_838 : vector<1x16xf32> to vector<16xf32>
        %add3A_840 = arith.addf %get3A_835, %get3A_839 : vector<16xf32>
        %swap3A_841 = arith.index_cast %scan3A_238 : i32 to index
        %swap3A_842 = arith.constant 592 : index
        %swap3A_843 = tpu.vector_load %arg6[%swap3A_841, %swap3A_842] {strides = array<i32>} : memref<16x1024xf32, #tpu.memory_space<vmem>>, vector<1x16xf32>,
        %swap3A_844 = vector.shape_cast %swap3A_843 : vector<1x16xf32> to vector<16xf32>
        %swap3A_845 = vector.shape_cast %add3A_840 : vector<16xf32> to vector<1x16xf32>
        tpu.vector_store %arg6[%swap3A_841, %swap3A_842], %swap3A_845 {strides = array<i32>} : memref<16x1024xf32, #tpu.memory_space<vmem>>, vector<1x16xf32>,
        %get3A_846 = arith.constant 0 : i32
        %get3A_847 = arith.index_cast %get3A_846 : i32 to index
        %get3A_848 = arith.index_cast %scan3A_238 : i32 to index
        %get3A_849 = arith.constant 608 : index
        %get3A_850 = tpu.vector_load %arg5[%get3A_847, %get3A_848, %get3A_849] {strides = array<i32>} : memref<2x16x1024xf32, #tpu.memory_space<vmem>>, vector<1x1x16xf32>,
        %get3A_851 = vector.shape_cast %get3A_850 : vector<1x1x16xf32> to vector<16xf32>
        %get3A_852 = arith.index_cast %scan3A_238 : i32 to index
        %get3A_853 = arith.constant 608 : index
        %get3A_854 = tpu.vector_load %arg7[%get3A_852, %get3A_853] {strides = array<i32>} : memref<16x1024xf32, #tpu.memory_space<vmem>>, vector<1x16xf32>,
        %get3A_855 = vector.shape_cast %get3A_854 : vector<1x16xf32> to vector<16xf32>
        %add3A_856 = arith.addf %get3A_851, %get3A_855 : vector<16xf32>
        %swap3A_857 = arith.index_cast %scan3A_238 : i32 to index
        %swap3A_858 = arith.constant 608 : index
        %swap3A_859 = tpu.vector_load %arg6[%swap3A_857, %swap3A_858] {strides = array<i32>} : memref<16x1024xf32, #tpu.memory_space<vmem>>, vector<1x16xf32>,
        %swap3A_860 = vector.shape_cast %swap3A_859 : vector<1x16xf32> to vector<16xf32>
        %swap3A_861 = vector.shape_cast %add3A_856 : vector<16xf32> to vector<1x16xf32>
        tpu.vector_store %arg6[%swap3A_857, %swap3A_858], %swap3A_861 {strides = array<i32>} : memref<16x1024xf32, #tpu.memory_space<vmem>>, vector<1x16xf32>,
        %get3A_862 = arith.constant 0 : i32
        %get3A_863 = arith.index_cast %get3A_862 : i32 to index
        %get3A_864 = arith.index_cast %scan3A_238 : i32 to index
        %get3A_865 = arith.constant 624 : index
        %get3A_866 = tpu.vector_load %arg5[%get3A_863, %get3A_864, %get3A_865] {strides = array<i32>} : memref<2x16x1024xf32, #tpu.memory_space<vmem>>, vector<1x1x16xf32>,
        %get3A_867 = vector.shape_cast %get3A_866 : vector<1x1x16xf32> to vector<16xf32>
        %get3A_868 = arith.index_cast %scan3A_238 : i32 to index
        %get3A_869 = arith.constant 624 : index
        %get3A_870 = tpu.vector_load %arg7[%get3A_868, %get3A_869] {strides = array<i32>} : memref<16x1024xf32, #tpu.memory_space<vmem>>, vector<1x16xf32>,
        %get3A_871 = vector.shape_cast %get3A_870 : vector<1x16xf32> to vector<16xf32>
        %add3A_872 = arith.addf %get3A_867, %get3A_871 : vector<16xf32>
        %swap3A_873 = arith.index_cast %scan3A_238 : i32 to index
        %swap3A_874 = arith.constant 624 : index
        %swap3A_875 = tpu.vector_load %arg6[%swap3A_873, %swap3A_874] {strides = array<i32>} : memref<16x1024xf32, #tpu.memory_space<vmem>>, vector<1x16xf32>,
        %swap3A_876 = vector.shape_cast %swap3A_875 : vector<1x16xf32> to vector<16xf32>
        %swap3A_877 = vector.shape_cast %add3A_872 : vector<16xf32> to vector<1x16xf32>
        tpu.vector_store %arg6[%swap3A_873, %swap3A_874], %swap3A_877 {strides = array<i32>} : memref<16x1024xf32, #tpu.memory_space<vmem>>, vector<1x16xf32>,
        %get3A_878 = arith.constant 0 : i32
        %get3A_879 = arith.index_cast %get3A_878 : i32 to index
        %get3A_880 = arith.index_cast %scan3A_238 : i32 to index
        %get3A_881 = arith.constant 640 : index
        %get3A_882 = tpu.vector_load %arg5[%get3A_879, %get3A_880, %get3A_881] {strides = array<i32>} : memref<2x16x1024xf32, #tpu.memory_space<vmem>>, vector<1x1x16xf32>,
        %get3A_883 = vector.shape_cast %get3A_882 : vector<1x1x16xf32> to vector<16xf32>
        %get3A_884 = arith.index_cast %scan3A_238 : i32 to index
        %get3A_885 = arith.constant 640 : index
        %get3A_886 = tpu.vector_load %arg7[%get3A_884, %get3A_885] {strides = array<i32>} : memref<16x1024xf32, #tpu.memory_space<vmem>>, vector<1x16xf32>,
        %get3A_887 = vector.shape_cast %get3A_886 : vector<1x16xf32> to vector<16xf32>
        %add3A_888 = arith.addf %get3A_883, %get3A_887 : vector<16xf32>
        %swap3A_889 = arith.index_cast %scan3A_238 : i32 to index
        %swap3A_890 = arith.constant 640 : index
        %swap3A_891 = tpu.vector_load %arg6[%swap3A_889, %swap3A_890] {strides = array<i32>} : memref<16x1024xf32, #tpu.memory_space<vmem>>, vector<1x16xf32>,
        %swap3A_892 = vector.shape_cast %swap3A_891 : vector<1x16xf32> to vector<16xf32>
        %swap3A_893 = vector.shape_cast %add3A_888 : vector<16xf32> to vector<1x16xf32>
        tpu.vector_store %arg6[%swap3A_889, %swap3A_890], %swap3A_893 {strides = array<i32>} : memref<16x1024xf32, #tpu.memory_space<vmem>>, vector<1x16xf32>,
        %get3A_894 = arith.constant 0 : i32
        %get3A_895 = arith.index_cast %get3A_894 : i32 to index
        %get3A_896 = arith.index_cast %scan3A_238 : i32 to index
        %get3A_897 = arith.constant 656 : index
        %get3A_898 = tpu.vector_load %arg5[%get3A_895, %get3A_896, %get3A_897] {strides = array<i32>} : memref<2x16x1024xf32, #tpu.memory_space<vmem>>, vector<1x1x16xf32>,
        %get3A_899 = vector.shape_cast %get3A_898 : vector<1x1x16xf32> to vector<16xf32>
        %get3A_900 = arith.index_cast %scan3A_238 : i32 to index
        %get3A_901 = arith.constant 656 : index
        %get3A_902 = tpu.vector_load %arg7[%get3A_900, %get3A_901] {strides = array<i32>} : memref<16x1024xf32, #tpu.memory_space<vmem>>, vector<1x16xf32>,
        %get3A_903 = vector.shape_cast %get3A_902 : vector<1x16xf32> to vector<16xf32>
        %add3A_904 = arith.addf %get3A_899, %get3A_903 : vector<16xf32>
        %swap3A_905 = arith.index_cast %scan3A_238 : i32 to index
        %swap3A_906 = arith.constant 656 : index
        %swap3A_907 = tpu.vector_load %arg6[%swap3A_905, %swap3A_906] {strides = array<i32>} : memref<16x1024xf32, #tpu.memory_space<vmem>>, vector<1x16xf32>,
        %swap3A_908 = vector.shape_cast %swap3A_907 : vector<1x16xf32> to vector<16xf32>
        %swap3A_909 = vector.shape_cast %add3A_904 : vector<16xf32> to vector<1x16xf32>
        tpu.vector_store %arg6[%swap3A_905, %swap3A_906], %swap3A_909 {strides = array<i32>} : memref<16x1024xf32, #tpu.memory_space<vmem>>, vector<1x16xf32>,
        %get3A_910 = arith.constant 0 : i32
        %get3A_911 = arith.index_cast %get3A_910 : i32 to index
        %get3A_912 = arith.index_cast %scan3A_238 : i32 to index
        %get3A_913 = arith.constant 672 : index
        %get3A_914 = tpu.vector_load %arg5[%get3A_911, %get3A_912, %get3A_913] {strides = array<i32>} : memref<2x16x1024xf32, #tpu.memory_space<vmem>>, vector<1x1x16xf32>,
        %get3A_915 = vector.shape_cast %get3A_914 : vector<1x1x16xf32> to vector<16xf32>
        %get3A_916 = arith.index_cast %scan3A_238 : i32 to index
        %get3A_917 = arith.constant 672 : index
        %get3A_918 = tpu.vector_load %arg7[%get3A_916, %get3A_917] {strides = array<i32>} : memref<16x1024xf32, #tpu.memory_space<vmem>>, vector<1x16xf32>,
        %get3A_919 = vector.shape_cast %get3A_918 : vector<1x16xf32> to vector<16xf32>
        %add3A_920 = arith.addf %get3A_915, %get3A_919 : vector<16xf32>
        %swap3A_921 = arith.index_cast %scan3A_238 : i32 to index
        %swap3A_922 = arith.constant 672 : index
        %swap3A_923 = tpu.vector_load %arg6[%swap3A_921, %swap3A_922] {strides = array<i32>} : memref<16x1024xf32, #tpu.memory_space<vmem>>, vector<1x16xf32>,
        %swap3A_924 = vector.shape_cast %swap3A_923 : vector<1x16xf32> to vector<16xf32>
        %swap3A_925 = vector.shape_cast %add3A_920 : vector<16xf32> to vector<1x16xf32>
        tpu.vector_store %arg6[%swap3A_921, %swap3A_922], %swap3A_925 {strides = array<i32>} : memref<16x1024xf32, #tpu.memory_space<vmem>>, vector<1x16xf32>,
        %get3A_926 = arith.constant 0 : i32
        %get3A_927 = arith.index_cast %get3A_926 : i32 to index
        %get3A_928 = arith.index_cast %scan3A_238 : i32 to index
        %get3A_929 = arith.constant 688 : index
        %get3A_930 = tpu.vector_load %arg5[%get3A_927, %get3A_928, %get3A_929] {strides = array<i32>} : memref<2x16x1024xf32, #tpu.memory_space<vmem>>, vector<1x1x16xf32>,
        %get3A_931 = vector.shape_cast %get3A_930 : vector<1x1x16xf32> to vector<16xf32>
        %get3A_932 = arith.index_cast %scan3A_238 : i32 to index
        %get3A_933 = arith.constant 688 : index
        %get3A_934 = tpu.vector_load %arg7[%get3A_932, %get3A_933] {strides = array<i32>} : memref<16x1024xf32, #tpu.memory_space<vmem>>, vector<1x16xf32>,
        %get3A_935 = vector.shape_cast %get3A_934 : vector<1x16xf32> to vector<16xf32>
        %add3A_936 = arith.addf %get3A_931, %get3A_935 : vector<16xf32>
        %swap3A_937 = arith.index_cast %scan3A_238 : i32 to index
        %swap3A_938 = arith.constant 688 : index
        %swap3A_939 = tpu.vector_load %arg6[%swap3A_937, %swap3A_938] {strides = array<i32>} : memref<16x1024xf32, #tpu.memory_space<vmem>>, vector<1x16xf32>,
        %swap3A_940 = vector.shape_cast %swap3A_939 : vector<1x16xf32> to vector<16xf32>
        %swap3A_941 = vector.shape_cast %add3A_936 : vector<16xf32> to vector<1x16xf32>
        tpu.vector_store %arg6[%swap3A_937, %swap3A_938], %swap3A_941 {strides = array<i32>} : memref<16x1024xf32, #tpu.memory_space<vmem>>, vector<1x16xf32>,
        %get3A_942 = arith.constant 0 : i32
        %get3A_943 = arith.index_cast %get3A_942 : i32 to index
        %get3A_944 = arith.index_cast %scan3A_238 : i32 to index
        %get3A_945 = arith.constant 704 : index
        %get3A_946 = tpu.vector_load %arg5[%get3A_943, %get3A_944, %get3A_945] {strides = array<i32>} : memref<2x16x1024xf32, #tpu.memory_space<vmem>>, vector<1x1x16xf32>,
        %get3A_947 = vector.shape_cast %get3A_946 : vector<1x1x16xf32> to vector<16xf32>
        %get3A_948 = arith.index_cast %scan3A_238 : i32 to index
        %get3A_949 = arith.constant 704 : index
        %get3A_950 = tpu.vector_load %arg7[%get3A_948, %get3A_949] {strides = array<i32>} : memref<16x1024xf32, #tpu.memory_space<vmem>>, vector<1x16xf32>,
        %get3A_951 = vector.shape_cast %get3A_950 : vector<1x16xf32> to vector<16xf32>
        %add3A_952 = arith.addf %get3A_947, %get3A_951 : vector<16xf32>
        %swap3A_953 = arith.index_cast %scan3A_238 : i32 to index
        %swap3A_954 = arith.constant 704 : index
        %swap3A_955 = tpu.vector_load %arg6[%swap3A_953, %swap3A_954] {strides = array<i32>} : memref<16x1024xf32, #tpu.memory_space<vmem>>, vector<1x16xf32>,
        %swap3A_956 = vector.shape_cast %swap3A_955 : vector<1x16xf32> to vector<16xf32>
        %swap3A_957 = vector.shape_cast %add3A_952 : vector<16xf32> to vector<1x16xf32>
        tpu.vector_store %arg6[%swap3A_953, %swap3A_954], %swap3A_957 {strides = array<i32>} : memref<16x1024xf32, #tpu.memory_space<vmem>>, vector<1x16xf32>,
        %get3A_958 = arith.constant 0 : i32
        %get3A_959 = arith.index_cast %get3A_958 : i32 to index
        %get3A_960 = arith.index_cast %scan3A_238 : i32 to index
        %get3A_961 = arith.constant 720 : index
        %get3A_962 = tpu.vector_load %arg5[%get3A_959, %get3A_960, %get3A_961] {strides = array<i32>} : memref<2x16x1024xf32, #tpu.memory_space<vmem>>, vector<1x1x16xf32>,
        %get3A_963 = vector.shape_cast %get3A_962 : vector<1x1x16xf32> to vector<16xf32>
        %get3A_964 = arith.index_cast %scan3A_238 : i32 to index
        %get3A_965 = arith.constant 720 : index
        %get3A_966 = tpu.vector_load %arg7[%get3A_964, %get3A_965] {strides = array<i32>} : memref<16x1024xf32, #tpu.memory_space<vmem>>, vector<1x16xf32>,
        %get3A_967 = vector.shape_cast %get3A_966 : vector<1x16xf32> to vector<16xf32>
        %add3A_968 = arith.addf %get3A_963, %get3A_967 : vector<16xf32>
        %swap3A_969 = arith.index_cast %scan3A_238 : i32 to index
        %swap3A_970 = arith.constant 720 : index
        %swap3A_971 = tpu.vector_load %arg6[%swap3A_969, %swap3A_970] {strides = array<i32>} : memref<16x1024xf32, #tpu.memory_space<vmem>>, vector<1x16xf32>,
        %swap3A_972 = vector.shape_cast %swap3A_971 : vector<1x16xf32> to vector<16xf32>
        %swap3A_973 = vector.shape_cast %add3A_968 : vector<16xf32> to vector<1x16xf32>
        tpu.vector_store %arg6[%swap3A_969, %swap3A_970], %swap3A_973 {strides = array<i32>} : memref<16x1024xf32, #tpu.memory_space<vmem>>, vector<1x16xf32>,
        %get3A_974 = arith.constant 0 : i32
        %get3A_975 = arith.index_cast %get3A_974 : i32 to index
        %get3A_976 = arith.index_cast %scan3A_238 : i32 to index
        %get3A_977 = arith.constant 736 : index
        %get3A_978 = tpu.vector_load %arg5[%get3A_975, %get3A_976, %get3A_977] {strides = array<i32>} : memref<2x16x1024xf32, #tpu.memory_space<vmem>>, vector<1x1x16xf32>,
        %get3A_979 = vector.shape_cast %get3A_978 : vector<1x1x16xf32> to vector<16xf32>
        %get3A_980 = arith.index_cast %scan3A_238 : i32 to index
        %get3A_981 = arith.constant 736 : index
        %get3A_982 = tpu.vector_load %arg7[%get3A_980, %get3A_981] {strides = array<i32>} : memref<16x1024xf32, #tpu.memory_space<vmem>>, vector<1x16xf32>,
        %get3A_983 = vector.shape_cast %get3A_982 : vector<1x16xf32> to vector<16xf32>
        %add3A_984 = arith.addf %get3A_979, %get3A_983 : vector<16xf32>
        %swap3A_985 = arith.index_cast %scan3A_238 : i32 to index
        %swap3A_986 = arith.constant 736 : index
        %swap3A_987 = tpu.vector_load %arg6[%swap3A_985, %swap3A_986] {strides = array<i32>} : memref<16x1024xf32, #tpu.memory_space<vmem>>, vector<1x16xf32>,
        %swap3A_988 = vector.shape_cast %swap3A_987 : vector<1x16xf32> to vector<16xf32>
        %swap3A_989 = vector.shape_cast %add3A_984 : vector<16xf32> to vector<1x16xf32>
        tpu.vector_store %arg6[%swap3A_985, %swap3A_986], %swap3A_989 {strides = array<i32>} : memref<16x1024xf32, #tpu.memory_space<vmem>>, vector<1x16xf32>,
        %get3A_990 = arith.constant 0 : i32
        %get3A_991 = arith.index_cast %get3A_990 : i32 to index
        %get3A_992 = arith.index_cast %scan3A_238 : i32 to index
        %get3A_993 = arith.constant 752 : index
        %get3A_994 = tpu.vector_load %arg5[%get3A_991, %get3A_992, %get3A_993] {strides = array<i32>} : memref<2x16x1024xf32, #tpu.memory_space<vmem>>, vector<1x1x16xf32>,
        %get3A_995 = vector.shape_cast %get3A_994 : vector<1x1x16xf32> to vector<16xf32>
        %get3A_996 = arith.index_cast %scan3A_238 : i32 to index
        %get3A_997 = arith.constant 752 : index
        %get3A_998 = tpu.vector_load %arg7[%get3A_996, %get3A_997] {strides = array<i32>} : memref<16x1024xf32, #tpu.memory_space<vmem>>, vector<1x16xf32>,
        %get3A_999 = vector.shape_cast %get3A_998 : vector<1x16xf32> to vector<16xf32>
        %add3A_1000 = arith.addf %get3A_995, %get3A_999 : vector<16xf32>
        %swap3A_1001 = arith.index_cast %scan3A_238 : i32 to index
        %swap3A_1002 = arith.constant 752 : index
        %swap3A_1003 = tpu.vector_load %arg6[%swap3A_1001, %swap3A_1002] {strides = array<i32>} : memref<16x1024xf32, #tpu.memory_space<vmem>>, vector<1x16xf32>,
        %swap3A_1004 = vector.shape_cast %swap3A_1003 : vector<1x16xf32> to vector<16xf32>
        %swap3A_1005 = vector.shape_cast %add3A_1000 : vector<16xf32> to vector<1x16xf32>
        tpu.vector_store %arg6[%swap3A_1001, %swap3A_1002], %swap3A_1005 {strides = array<i32>} : memref<16x1024xf32, #tpu.memory_space<vmem>>, vector<1x16xf32>,
        %get3A_1006 = arith.constant 0 : i32
        %get3A_1007 = arith.index_cast %get3A_1006 : i32 to index
        %get3A_1008 = arith.index_cast %scan3A_238 : i32 to index
        %get3A_1009 = arith.constant 768 : index
        %get3A_1010 = tpu.vector_load %arg5[%get3A_1007, %get3A_1008, %get3A_1009] {strides = array<i32>} : memref<2x16x1024xf32, #tpu.memory_space<vmem>>, vector<1x1x16xf32>,
        %get3A_1011 = vector.shape_cast %get3A_1010 : vector<1x1x16xf32> to vector<16xf32>
        %get3A_1012 = arith.index_cast %scan3A_238 : i32 to index
        %get3A_1013 = arith.constant 768 : index
        %get3A_1014 = tpu.vector_load %arg7[%get3A_1012, %get3A_1013] {strides = array<i32>} : memref<16x1024xf32, #tpu.memory_space<vmem>>, vector<1x16xf32>,
        %get3A_1015 = vector.shape_cast %get3A_1014 : vector<1x16xf32> to vector<16xf32>
        %add3A_1016 = arith.addf %get3A_1011, %get3A_1015 : vector<16xf32>
        %swap3A_1017 = arith.index_cast %scan3A_238 : i32 to index
        %swap3A_1018 = arith.constant 768 : index
        %swap3A_1019 = tpu.vector_load %arg6[%swap3A_1017, %swap3A_1018] {strides = array<i32>} : memref<16x1024xf32, #tpu.memory_space<vmem>>, vector<1x16xf32>,
        %swap3A_1020 = vector.shape_cast %swap3A_1019 : vector<1x16xf32> to vector<16xf32>
        %swap3A_1021 = vector.shape_cast %add3A_1016 : vector<16xf32> to vector<1x16xf32>
        tpu.vector_store %arg6[%swap3A_1017, %swap3A_1018], %swap3A_1021 {strides = array<i32>} : memref<16x1024xf32, #tpu.memory_space<vmem>>, vector<1x16xf32>,
        %get3A_1022 = arith.constant 0 : i32
        %get3A_1023 = arith.index_cast %get3A_1022 : i32 to index
        %get3A_1024 = arith.index_cast %scan3A_238 : i32 to index
        %get3A_1025 = arith.constant 784 : index
        %get3A_1026 = tpu.vector_load %arg5[%get3A_1023, %get3A_1024, %get3A_1025] {strides = array<i32>} : memref<2x16x1024xf32, #tpu.memory_space<vmem>>, vector<1x1x16xf32>,
        %get3A_1027 = vector.shape_cast %get3A_1026 : vector<1x1x16xf32> to vector<16xf32>
        %get3A_1028 = arith.index_cast %scan3A_238 : i32 to index
        %get3A_1029 = arith.constant 784 : index
        %get3A_1030 = tpu.vector_load %arg7[%get3A_1028, %get3A_1029] {strides = array<i32>} : memref<16x1024xf32, #tpu.memory_space<vmem>>, vector<1x16xf32>,
        %get3A_1031 = vector.shape_cast %get3A_1030 : vector<1x16xf32> to vector<16xf32>
        %add3A_1032 = arith.addf %get3A_1027, %get3A_1031 : vector<16xf32>
        %swap3A_1033 = arith.index_cast %scan3A_238 : i32 to index
        %swap3A_1034 = arith.constant 784 : index
        %swap3A_1035 = tpu.vector_load %arg6[%swap3A_1033, %swap3A_1034] {strides = array<i32>} : memref<16x1024xf32, #tpu.memory_space<vmem>>, vector<1x16xf32>,
        %swap3A_1036 = vector.shape_cast %swap3A_1035 : vector<1x16xf32> to vector<16xf32>
        %swap3A_1037 = vector.shape_cast %add3A_1032 : vector<16xf32> to vector<1x16xf32>
        tpu.vector_store %arg6[%swap3A_1033, %swap3A_1034], %swap3A_1037 {strides = array<i32>} : memref<16x1024xf32, #tpu.memory_space<vmem>>, vector<1x16xf32>,
        %get3A_1038 = arith.constant 0 : i32
        %get3A_1039 = arith.index_cast %get3A_1038 : i32 to index
        %get3A_1040 = arith.index_cast %scan3A_238 : i32 to index
        %get3A_1041 = arith.constant 800 : index
        %get3A_1042 = tpu.vector_load %arg5[%get3A_1039, %get3A_1040, %get3A_1041] {strides = array<i32>} : memref<2x16x1024xf32, #tpu.memory_space<vmem>>, vector<1x1x16xf32>,
        %get3A_1043 = vector.shape_cast %get3A_1042 : vector<1x1x16xf32> to vector<16xf32>
        %get3A_1044 = arith.index_cast %scan3A_238 : i32 to index
        %get3A_1045 = arith.constant 800 : index
        %get3A_1046 = tpu.vector_load %arg7[%get3A_1044, %get3A_1045] {strides = array<i32>} : memref<16x1024xf32, #tpu.memory_space<vmem>>, vector<1x16xf32>,
        %get3A_1047 = vector.shape_cast %get3A_1046 : vector<1x16xf32> to vector<16xf32>
        %add3A_1048 = arith.addf %get3A_1043, %get3A_1047 : vector<16xf32>
        %swap3A_1049 = arith.index_cast %scan3A_238 : i32 to index
        %swap3A_1050 = arith.constant 800 : index
        %swap3A_1051 = tpu.vector_load %arg6[%swap3A_1049, %swap3A_1050] {strides = array<i32>} : memref<16x1024xf32, #tpu.memory_space<vmem>>, vector<1x16xf32>,
        %swap3A_1052 = vector.shape_cast %swap3A_1051 : vector<1x16xf32> to vector<16xf32>
        %swap3A_1053 = vector.shape_cast %add3A_1048 : vector<16xf32> to vector<1x16xf32>
        tpu.vector_store %arg6[%swap3A_1049, %swap3A_1050], %swap3A_1053 {strides = array<i32>} : memref<16x1024xf32, #tpu.memory_space<vmem>>, vector<1x16xf32>,
        %get3A_1054 = arith.constant 0 : i32
        %get3A_1055 = arith.index_cast %get3A_1054 : i32 to index
        %get3A_1056 = arith.index_cast %scan3A_238 : i32 to index
        %get3A_1057 = arith.constant 816 : index
        %get3A_1058 = tpu.vector_load %arg5[%get3A_1055, %get3A_1056, %get3A_1057] {strides = array<i32>} : memref<2x16x1024xf32, #tpu.memory_space<vmem>>, vector<1x1x16xf32>,
        %get3A_1059 = vector.shape_cast %get3A_1058 : vector<1x1x16xf32> to vector<16xf32>
        %get3A_1060 = arith.index_cast %scan3A_238 : i32 to index
        %get3A_1061 = arith.constant 816 : index
        %get3A_1062 = tpu.vector_load %arg7[%get3A_1060, %get3A_1061] {strides = array<i32>} : memref<16x1024xf32, #tpu.memory_space<vmem>>, vector<1x16xf32>,
        %get3A_1063 = vector.shape_cast %get3A_1062 : vector<1x16xf32> to vector<16xf32>
        %add3A_1064 = arith.addf %get3A_1059, %get3A_1063 : vector<16xf32>
        %swap3A_1065 = arith.index_cast %scan3A_238 : i32 to index
        %swap3A_1066 = arith.constant 816 : index
        %swap3A_1067 = tpu.vector_load %arg6[%swap3A_1065, %swap3A_1066] {strides = array<i32>} : memref<16x1024xf32, #tpu.memory_space<vmem>>, vector<1x16xf32>,
        %swap3A_1068 = vector.shape_cast %swap3A_1067 : vector<1x16xf32> to vector<16xf32>
        %swap3A_1069 = vector.shape_cast %add3A_1064 : vector<16xf32> to vector<1x16xf32>
        tpu.vector_store %arg6[%swap3A_1065, %swap3A_1066], %swap3A_1069 {strides = array<i32>} : memref<16x1024xf32, #tpu.memory_space<vmem>>, vector<1x16xf32>,
        %get3A_1070 = arith.constant 0 : i32
        %get3A_1071 = arith.index_cast %get3A_1070 : i32 to index
        %get3A_1072 = arith.index_cast %scan3A_238 : i32 to index
        %get3A_1073 = arith.constant 832 : index
        %get3A_1074 = tpu.vector_load %arg5[%get3A_1071, %get3A_1072, %get3A_1073] {strides = array<i32>} : memref<2x16x1024xf32, #tpu.memory_space<vmem>>, vector<1x1x16xf32>,
        %get3A_1075 = vector.shape_cast %get3A_1074 : vector<1x1x16xf32> to vector<16xf32>
        %get3A_1076 = arith.index_cast %scan3A_238 : i32 to index
        %get3A_1077 = arith.constant 832 : index
        %get3A_1078 = tpu.vector_load %arg7[%get3A_1076, %get3A_1077] {strides = array<i32>} : memref<16x1024xf32, #tpu.memory_space<vmem>>, vector<1x16xf32>,
        %get3A_1079 = vector.shape_cast %get3A_1078 : vector<1x16xf32> to vector<16xf32>
        %add3A_1080 = arith.addf %get3A_1075, %get3A_1079 : vector<16xf32>
        %swap3A_1081 = arith.index_cast %scan3A_238 : i32 to index
        %swap3A_1082 = arith.constant 832 : index
        %swap3A_1083 = tpu.vector_load %arg6[%swap3A_1081, %swap3A_1082] {strides = array<i32>} : memref<16x1024xf32, #tpu.memory_space<vmem>>, vector<1x16xf32>,
        %swap3A_1084 = vector.shape_cast %swap3A_1083 : vector<1x16xf32> to vector<16xf32>
        %swap3A_1085 = vector.shape_cast %add3A_1080 : vector<16xf32> to vector<1x16xf32>
        tpu.vector_store %arg6[%swap3A_1081, %swap3A_1082], %swap3A_1085 {strides = array<i32>} : memref<16x1024xf32, #tpu.memory_space<vmem>>, vector<1x16xf32>,
        %get3A_1086 = arith.constant 0 : i32
        %get3A_1087 = arith.index_cast %get3A_1086 : i32 to index
        %get3A_1088 = arith.index_cast %scan3A_238 : i32 to index
        %get3A_1089 = arith.constant 848 : index
        %get3A_1090 = tpu.vector_load %arg5[%get3A_1087, %get3A_1088, %get3A_1089] {strides = array<i32>} : memref<2x16x1024xf32, #tpu.memory_space<vmem>>, vector<1x1x16xf32>,
        %get3A_1091 = vector.shape_cast %get3A_1090 : vector<1x1x16xf32> to vector<16xf32>
        %get3A_1092 = arith.index_cast %scan3A_238 : i32 to index
        %get3A_1093 = arith.constant 848 : index
        %get3A_1094 = tpu.vector_load %arg7[%get3A_1092, %get3A_1093] {strides = array<i32>} : memref<16x1024xf32, #tpu.memory_space<vmem>>, vector<1x16xf32>,
        %get3A_1095 = vector.shape_cast %get3A_1094 : vector<1x16xf32> to vector<16xf32>
        %add3A_1096 = arith.addf %get3A_1091, %get3A_1095 : vector<16xf32>
        %swap3A_1097 = arith.index_cast %scan3A_238 : i32 to index
        %swap3A_1098 = arith.constant 848 : index
        %swap3A_1099 = tpu.vector_load %arg6[%swap3A_1097, %swap3A_1098] {strides = array<i32>} : memref<16x1024xf32, #tpu.memory_space<vmem>>, vector<1x16xf32>,
        %swap3A_1100 = vector.shape_cast %swap3A_1099 : vector<1x16xf32> to vector<16xf32>
        %swap3A_1101 = vector.shape_cast %add3A_1096 : vector<16xf32> to vector<1x16xf32>
        tpu.vector_store %arg6[%swap3A_1097, %swap3A_1098], %swap3A_1101 {strides = array<i32>} : memref<16x1024xf32, #tpu.memory_space<vmem>>, vector<1x16xf32>,
        %get3A_1102 = arith.constant 0 : i32
        %get3A_1103 = arith.index_cast %get3A_1102 : i32 to index
        %get3A_1104 = arith.index_cast %scan3A_238 : i32 to index
        %get3A_1105 = arith.constant 864 : index
        %get3A_1106 = tpu.vector_load %arg5[%get3A_1103, %get3A_1104, %get3A_1105] {strides = array<i32>} : memref<2x16x1024xf32, #tpu.memory_space<vmem>>, vector<1x1x16xf32>,
        %get3A_1107 = vector.shape_cast %get3A_1106 : vector<1x1x16xf32> to vector<16xf32>
        %get3A_1108 = arith.index_cast %scan3A_238 : i32 to index
        %get3A_1109 = arith.constant 864 : index
        %get3A_1110 = tpu.vector_load %arg7[%get3A_1108, %get3A_1109] {strides = array<i32>} : memref<16x1024xf32, #tpu.memory_space<vmem>>, vector<1x16xf32>,
        %get3A_1111 = vector.shape_cast %get3A_1110 : vector<1x16xf32> to vector<16xf32>
        %add3A_1112 = arith.addf %get3A_1107, %get3A_1111 : vector<16xf32>
        %swap3A_1113 = arith.index_cast %scan3A_238 : i32 to index
        %swap3A_1114 = arith.constant 864 : index
        %swap3A_1115 = tpu.vector_load %arg6[%swap3A_1113, %swap3A_1114] {strides = array<i32>} : memref<16x1024xf32, #tpu.memory_space<vmem>>, vector<1x16xf32>,
        %swap3A_1116 = vector.shape_cast %swap3A_1115 : vector<1x16xf32> to vector<16xf32>
        %swap3A_1117 = vector.shape_cast %add3A_1112 : vector<16xf32> to vector<1x16xf32>
        tpu.vector_store %arg6[%swap3A_1113, %swap3A_1114], %swap3A_1117 {strides = array<i32>} : memref<16x1024xf32, #tpu.memory_space<vmem>>, vector<1x16xf32>,
        %get3A_1118 = arith.constant 0 : i32
        %get3A_1119 = arith.index_cast %get3A_1118 : i32 to index
        %get3A_1120 = arith.index_cast %scan3A_238 : i32 to index
        %get3A_1121 = arith.constant 880 : index
        %get3A_1122 = tpu.vector_load %arg5[%get3A_1119, %get3A_1120, %get3A_1121] {strides = array<i32>} : memref<2x16x1024xf32, #tpu.memory_space<vmem>>, vector<1x1x16xf32>,
        %get3A_1123 = vector.shape_cast %get3A_1122 : vector<1x1x16xf32> to vector<16xf32>
        %get3A_1124 = arith.index_cast %scan3A_238 : i32 to index
        %get3A_1125 = arith.constant 880 : index
        %get3A_1126 = tpu.vector_load %arg7[%get3A_1124, %get3A_1125] {strides = array<i32>} : memref<16x1024xf32, #tpu.memory_space<vmem>>, vector<1x16xf32>,
        %get3A_1127 = vector.shape_cast %get3A_1126 : vector<1x16xf32> to vector<16xf32>
        %add3A_1128 = arith.addf %get3A_1123, %get3A_1127 : vector<16xf32>
        %swap3A_1129 = arith.index_cast %scan3A_238 : i32 to index
        %swap3A_1130 = arith.constant 880 : index
        %swap3A_1131 = tpu.vector_load %arg6[%swap3A_1129, %swap3A_1130] {strides = array<i32>} : memref<16x1024xf32, #tpu.memory_space<vmem>>, vector<1x16xf32>,
        %swap3A_1132 = vector.shape_cast %swap3A_1131 : vector<1x16xf32> to vector<16xf32>
        %swap3A_1133 = vector.shape_cast %add3A_1128 : vector<16xf32> to vector<1x16xf32>
        tpu.vector_store %arg6[%swap3A_1129, %swap3A_1130], %swap3A_1133 {strides = array<i32>} : memref<16x1024xf32, #tpu.memory_space<vmem>>, vector<1x16xf32>,
        %get3A_1134 = arith.constant 0 : i32
        %get3A_1135 = arith.index_cast %get3A_1134 : i32 to index
        %get3A_1136 = arith.index_cast %scan3A_238 : i32 to index
        %get3A_1137 = arith.constant 896 : index
        %get3A_1138 = tpu.vector_load %arg5[%get3A_1135, %get3A_1136, %get3A_1137] {strides = array<i32>} : memref<2x16x1024xf32, #tpu.memory_space<vmem>>, vector<1x1x16xf32>,
        %get3A_1139 = vector.shape_cast %get3A_1138 : vector<1x1x16xf32> to vector<16xf32>
        %get3A_1140 = arith.index_cast %scan3A_238 : i32 to index
        %get3A_1141 = arith.constant 896 : index
        %get3A_1142 = tpu.vector_load %arg7[%get3A_1140, %get3A_1141] {strides = array<i32>} : memref<16x1024xf32, #tpu.memory_space<vmem>>, vector<1x16xf32>,
        %get3A_1143 = vector.shape_cast %get3A_1142 : vector<1x16xf32> to vector<16xf32>
        %add3A_1144 = arith.addf %get3A_1139, %get3A_1143 : vector<16xf32>
        %swap3A_1145 = arith.index_cast %scan3A_238 : i32 to index
        %swap3A_1146 = arith.constant 896 : index
        %swap3A_1147 = tpu.vector_load %arg6[%swap3A_1145, %swap3A_1146] {strides = array<i32>} : memref<16x1024xf32, #tpu.memory_space<vmem>>, vector<1x16xf32>,
        %swap3A_1148 = vector.shape_cast %swap3A_1147 : vector<1x16xf32> to vector<16xf32>
        %swap3A_1149 = vector.shape_cast %add3A_1144 : vector<16xf32> to vector<1x16xf32>
        tpu.vector_store %arg6[%swap3A_1145, %swap3A_1146], %swap3A_1149 {strides = array<i32>} : memref<16x1024xf32, #tpu.memory_space<vmem>>, vector<1x16xf32>,
        %get3A_1150 = arith.constant 0 : i32
        %get3A_1151 = arith.index_cast %get3A_1150 : i32 to index
        %get3A_1152 = arith.index_cast %scan3A_238 : i32 to index
        %get3A_1153 = arith.constant 912 : index
        %get3A_1154 = tpu.vector_load %arg5[%get3A_1151, %get3A_1152, %get3A_1153] {strides = array<i32>} : memref<2x16x1024xf32, #tpu.memory_space<vmem>>, vector<1x1x16xf32>,
        %get3A_1155 = vector.shape_cast %get3A_1154 : vector<1x1x16xf32> to vector<16xf32>
        %get3A_1156 = arith.index_cast %scan3A_238 : i32 to index
        %get3A_1157 = arith.constant 912 : index
        %get3A_1158 = tpu.vector_load %arg7[%get3A_1156, %get3A_1157] {strides = array<i32>} : memref<16x1024xf32, #tpu.memory_space<vmem>>, vector<1x16xf32>,
        %get3A_1159 = vector.shape_cast %get3A_1158 : vector<1x16xf32> to vector<16xf32>
        %add3A_1160 = arith.addf %get3A_1155, %get3A_1159 : vector<16xf32>
        %swap3A_1161 = arith.index_cast %scan3A_238 : i32 to index
        %swap3A_1162 = arith.constant 912 : index
        %swap3A_1163 = tpu.vector_load %arg6[%swap3A_1161, %swap3A_1162] {strides = array<i32>} : memref<16x1024xf32, #tpu.memory_space<vmem>>, vector<1x16xf32>,
        %swap3A_1164 = vector.shape_cast %swap3A_1163 : vector<1x16xf32> to vector<16xf32>
        %swap3A_1165 = vector.shape_cast %add3A_1160 : vector<16xf32> to vector<1x16xf32>
        tpu.vector_store %arg6[%swap3A_1161, %swap3A_1162], %swap3A_1165 {strides = array<i32>} : memref<16x1024xf32, #tpu.memory_space<vmem>>, vector<1x16xf32>,
        %get3A_1166 = arith.constant 0 : i32
        %get3A_1167 = arith.index_cast %get3A_1166 : i32 to index
        %get3A_1168 = arith.index_cast %scan3A_238 : i32 to index
        %get3A_1169 = arith.constant 928 : index
        %get3A_1170 = tpu.vector_load %arg5[%get3A_1167, %get3A_1168, %get3A_1169] {strides = array<i32>} : memref<2x16x1024xf32, #tpu.memory_space<vmem>>, vector<1x1x16xf32>,
        %get3A_1171 = vector.shape_cast %get3A_1170 : vector<1x1x16xf32> to vector<16xf32>
        %get3A_1172 = arith.index_cast %scan3A_238 : i32 to index
        %get3A_1173 = arith.constant 928 : index
        %get3A_1174 = tpu.vector_load %arg7[%get3A_1172, %get3A_1173] {strides = array<i32>} : memref<16x1024xf32, #tpu.memory_space<vmem>>, vector<1x16xf32>,
        %get3A_1175 = vector.shape_cast %get3A_1174 : vector<1x16xf32> to vector<16xf32>
        %add3A_1176 = arith.addf %get3A_1171, %get3A_1175 : vector<16xf32>
        %swap3A_1177 = arith.index_cast %scan3A_238 : i32 to index
        %swap3A_1178 = arith.constant 928 : index
        %swap3A_1179 = tpu.vector_load %arg6[%swap3A_1177, %swap3A_1178] {strides = array<i32>} : memref<16x1024xf32, #tpu.memory_space<vmem>>, vector<1x16xf32>,
        %swap3A_1180 = vector.shape_cast %swap3A_1179 : vector<1x16xf32> to vector<16xf32>
        %swap3A_1181 = vector.shape_cast %add3A_1176 : vector<16xf32> to vector<1x16xf32>
        tpu.vector_store %arg6[%swap3A_1177, %swap3A_1178], %swap3A_1181 {strides = array<i32>} : memref<16x1024xf32, #tpu.memory_space<vmem>>, vector<1x16xf32>,
        %get3A_1182 = arith.constant 0 : i32
        %get3A_1183 = arith.index_cast %get3A_1182 : i32 to index
        %get3A_1184 = arith.index_cast %scan3A_238 : i32 to index
        %get3A_1185 = arith.constant 944 : index
        %get3A_1186 = tpu.vector_load %arg5[%get3A_1183, %get3A_1184, %get3A_1185] {strides = array<i32>} : memref<2x16x1024xf32, #tpu.memory_space<vmem>>, vector<1x1x16xf32>,
        %get3A_1187 = vector.shape_cast %get3A_1186 : vector<1x1x16xf32> to vector<16xf32>
        %get3A_1188 = arith.index_cast %scan3A_238 : i32 to index
        %get3A_1189 = arith.constant 944 : index
        %get3A_1190 = tpu.vector_load %arg7[%get3A_1188, %get3A_1189] {strides = array<i32>} : memref<16x1024xf32, #tpu.memory_space<vmem>>, vector<1x16xf32>,
        %get3A_1191 = vector.shape_cast %get3A_1190 : vector<1x16xf32> to vector<16xf32>
        %add3A_1192 = arith.addf %get3A_1187, %get3A_1191 : vector<16xf32>
        %swap3A_1193 = arith.index_cast %scan3A_238 : i32 to index
        %swap3A_1194 = arith.constant 944 : index
        %swap3A_1195 = tpu.vector_load %arg6[%swap3A_1193, %swap3A_1194] {strides = array<i32>} : memref<16x1024xf32, #tpu.memory_space<vmem>>, vector<1x16xf32>,
        %swap3A_1196 = vector.shape_cast %swap3A_1195 : vector<1x16xf32> to vector<16xf32>
        %swap3A_1197 = vector.shape_cast %add3A_1192 : vector<16xf32> to vector<1x16xf32>
        tpu.vector_store %arg6[%swap3A_1193, %swap3A_1194], %swap3A_1197 {strides = array<i32>} : memref<16x1024xf32, #tpu.memory_space<vmem>>, vector<1x16xf32>,
        %get3A_1198 = arith.constant 0 : i32
        %get3A_1199 = arith.index_cast %get3A_1198 : i32 to index
        %get3A_1200 = arith.index_cast %scan3A_238 : i32 to index
        %get3A_1201 = arith.constant 960 : index
        %get3A_1202 = tpu.vector_load %arg5[%get3A_1199, %get3A_1200, %get3A_1201] {strides = array<i32>} : memref<2x16x1024xf32, #tpu.memory_space<vmem>>, vector<1x1x16xf32>,
        %get3A_1203 = vector.shape_cast %get3A_1202 : vector<1x1x16xf32> to vector<16xf32>
        %get3A_1204 = arith.index_cast %scan3A_238 : i32 to index
        %get3A_1205 = arith.constant 960 : index
        %get3A_1206 = tpu.vector_load %arg7[%get3A_1204, %get3A_1205] {strides = array<i32>} : memref<16x1024xf32, #tpu.memory_space<vmem>>, vector<1x16xf32>,
        %get3A_1207 = vector.shape_cast %get3A_1206 : vector<1x16xf32> to vector<16xf32>
        %add3A_1208 = arith.addf %get3A_1203, %get3A_1207 : vector<16xf32>
        %swap3A_1209 = arith.index_cast %scan3A_238 : i32 to index
        %swap3A_1210 = arith.constant 960 : index
        %swap3A_1211 = tpu.vector_load %arg6[%swap3A_1209, %swap3A_1210] {strides = array<i32>} : memref<16x1024xf32, #tpu.memory_space<vmem>>, vector<1x16xf32>,
        %swap3A_1212 = vector.shape_cast %swap3A_1211 : vector<1x16xf32> to vector<16xf32>
        %swap3A_1213 = vector.shape_cast %add3A_1208 : vector<16xf32> to vector<1x16xf32>
        tpu.vector_store %arg6[%swap3A_1209, %swap3A_1210], %swap3A_1213 {strides = array<i32>} : memref<16x1024xf32, #tpu.memory_space<vmem>>, vector<1x16xf32>,
        %get3A_1214 = arith.constant 0 : i32
        %get3A_1215 = arith.index_cast %get3A_1214 : i32 to index
        %get3A_1216 = arith.index_cast %scan3A_238 : i32 to index
        %get3A_1217 = arith.constant 976 : index
        %get3A_1218 = tpu.vector_load %arg5[%get3A_1215, %get3A_1216, %get3A_1217] {strides = array<i32>} : memref<2x16x1024xf32, #tpu.memory_space<vmem>>, vector<1x1x16xf32>,
        %get3A_1219 = vector.shape_cast %get3A_1218 : vector<1x1x16xf32> to vector<16xf32>
        %get3A_1220 = arith.index_cast %scan3A_238 : i32 to index
        %get3A_1221 = arith.constant 976 : index
        %get3A_1222 = tpu.vector_load %arg7[%get3A_1220, %get3A_1221] {strides = array<i32>} : memref<16x1024xf32, #tpu.memory_space<vmem>>, vector<1x16xf32>,
        %get3A_1223 = vector.shape_cast %get3A_1222 : vector<1x16xf32> to vector<16xf32>
        %add3A_1224 = arith.addf %get3A_1219, %get3A_1223 : vector<16xf32>
        %swap3A_1225 = arith.index_cast %scan3A_238 : i32 to index
        %swap3A_1226 = arith.constant 976 : index
        %swap3A_1227 = tpu.vector_load %arg6[%swap3A_1225, %swap3A_1226] {strides = array<i32>} : memref<16x1024xf32, #tpu.memory_space<vmem>>, vector<1x16xf32>,
        %swap3A_1228 = vector.shape_cast %swap3A_1227 : vector<1x16xf32> to vector<16xf32>
        %swap3A_1229 = vector.shape_cast %add3A_1224 : vector<16xf32> to vector<1x16xf32>
        tpu.vector_store %arg6[%swap3A_1225, %swap3A_1226], %swap3A_1229 {strides = array<i32>} : memref<16x1024xf32, #tpu.memory_space<vmem>>, vector<1x16xf32>,
        %get3A_1230 = arith.constant 0 : i32
        %get3A_1231 = arith.index_cast %get3A_1230 : i32 to index
        %get3A_1232 = arith.index_cast %scan3A_238 : i32 to index
        %get3A_1233 = arith.constant 992 : index
        %get3A_1234 = tpu.vector_load %arg5[%get3A_1231, %get3A_1232, %get3A_1233] {strides = array<i32>} : memref<2x16x1024xf32, #tpu.memory_space<vmem>>, vector<1x1x16xf32>,
        %get3A_1235 = vector.shape_cast %get3A_1234 : vector<1x1x16xf32> to vector<16xf32>
        %get3A_1236 = arith.index_cast %scan3A_238 : i32 to index
        %get3A_1237 = arith.constant 992 : index
        %get3A_1238 = tpu.vector_load %arg7[%get3A_1236, %get3A_1237] {strides = array<i32>} : memref<16x1024xf32, #tpu.memory_space<vmem>>, vector<1x16xf32>,
        %get3A_1239 = vector.shape_cast %get3A_1238 : vector<1x16xf32> to vector<16xf32>
        %add3A_1240 = arith.addf %get3A_1235, %get3A_1239 : vector<16xf32>
        %swap3A_1241 = arith.index_cast %scan3A_238 : i32 to index
        %swap3A_1242 = arith.constant 992 : index
        %swap3A_1243 = tpu.vector_load %arg6[%swap3A_1241, %swap3A_1242] {strides = array<i32>} : memref<16x1024xf32, #tpu.memory_space<vmem>>, vector<1x16xf32>,
        %swap3A_1244 = vector.shape_cast %swap3A_1243 : vector<1x16xf32> to vector<16xf32>
        %swap3A_1245 = vector.shape_cast %add3A_1240 : vector<16xf32> to vector<1x16xf32>
        tpu.vector_store %arg6[%swap3A_1241, %swap3A_1242], %swap3A_1245 {strides = array<i32>} : memref<16x1024xf32, #tpu.memory_space<vmem>>, vector<1x16xf32>,
        %get3A_1246 = arith.constant 0 : i32
        %get3A_1247 = arith.index_cast %get3A_1246 : i32 to index
        %get3A_1248 = arith.index_cast %scan3A_238 : i32 to index
        %get3A_1249 = arith.constant 1008 : index
        %get3A_1250 = tpu.vector_load %arg5[%get3A_1247, %get3A_1248, %get3A_1249] {strides = array<i32>} : memref<2x16x1024xf32, #tpu.memory_space<vmem>>, vector<1x1x16xf32>,
        %get3A_1251 = vector.shape_cast %get3A_1250 : vector<1x1x16xf32> to vector<16xf32>
        %get3A_1252 = arith.index_cast %scan3A_238 : i32 to index
        %get3A_1253 = arith.constant 1008 : index
        %get3A_1254 = tpu.vector_load %arg7[%get3A_1252, %get3A_1253] {strides = array<i32>} : memref<16x1024xf32, #tpu.memory_space<vmem>>, vector<1x16xf32>,
        %get3A_1255 = vector.shape_cast %get3A_1254 : vector<1x16xf32> to vector<16xf32>
        %add3A_1256 = arith.addf %get3A_1251, %get3A_1255 : vector<16xf32>
        %swap3A_1257 = arith.index_cast %scan3A_238 : i32 to index
        %swap3A_1258 = arith.constant 1008 : index
        %swap3A_1259 = tpu.vector_load %arg6[%swap3A_1257, %swap3A_1258] {strides = array<i32>} : memref<16x1024xf32, #tpu.memory_space<vmem>>, vector<1x16xf32>,
        %swap3A_1260 = vector.shape_cast %swap3A_1259 : vector<1x16xf32> to vector<16xf32>
        %swap3A_1261 = vector.shape_cast %add3A_1256 : vector<16xf32> to vector<1x16xf32>
        tpu.vector_store %arg6[%swap3A_1257, %swap3A_1258], %swap3A_1261 {strides = array<i32>} : memref<16x1024xf32, #tpu.memory_space<vmem>>, vector<1x16xf32>,
        %scan3A_1262 = arith.constant 0 : i32
        scf.yield %scan3A_1262 : i32
      }
      %scan3A_92 = arith.constant 16 : i32
      %run_scoped3A = arith.constant 0 : i32
      "tpu.region"() ({
        %run_scoped3A_238 = tpu.sem_alloc : memref<!tpu.dma_semaphore, #tpu.memory_space<semaphore_mem>>
        %dma_start3A_239 = arith.constant 0 : i32
        %dma_start3A_240 = tpu.memref_slice %arg4[%run_scoped3A, %add3A_13, %dma_start3A_239] : memref<4x1024x1024xf32, #tpu.memory_space<hbm>> -> memref<1x16x1024xf32, #tpu.memory_space<hbm>>
        %dma_start3A_241 = tpu.memref_squeeze %dma_start3A_240 : memref<1x16x1024xf32, #tpu.memory_space<hbm>> -> memref<16x1024xf32, #tpu.memory_space<hbm>>
        %dma_start3A_242 = arith.constant 0 : i32
        %dma_start3A_243 = tpu.memref_slice %arg4[%run_scoped3A, %add3A_13, %dma_start3A_242] : memref<4x1024x1024xf32, #tpu.memory_space<hbm>> -> memref<1x16x1024xf32, #tpu.memory_space<hbm>>
        %dma_start3A_244 = tpu.memref_squeeze %dma_start3A_243 : memref<1x16x1024xf32, #tpu.memory_space<hbm>> -> memref<16x1024xf32, #tpu.memory_space<hbm>>
        tpu.enqueue_dma source(%arg6 : memref<16x1024xf32, #tpu.memory_space<vmem>>) target(%dma_start3A_244 : memref<16x1024xf32, #tpu.memory_space<hbm>>) target_semaphore(%run_scoped3A_238 : memref<!tpu.dma_semaphore, #tpu.memory_space<semaphore_mem>>)
        %dma_wait3A_245 = arith.constant 0 : i32
        %dma_wait3A_246 = tpu.memref_slice %arg4[%run_scoped3A, %add3A_13, %dma_wait3A_245] : memref<4x1024x1024xf32, #tpu.memory_space<hbm>> -> memref<1x16x1024xf32, #tpu.memory_space<hbm>>
        %dma_wait3A_247 = tpu.memref_squeeze %dma_wait3A_246 : memref<1x16x1024xf32, #tpu.memory_space<hbm>> -> memref<16x1024xf32, #tpu.memory_space<hbm>>
        %dma_wait3A_248 = arith.constant 0 : i32
        %dma_wait3A_249 = tpu.memref_slice %arg4[%run_scoped3A, %add3A_13, %dma_wait3A_248] : memref<4x1024x1024xf32, #tpu.memory_space<hbm>> -> memref<1x16x1024xf32, #tpu.memory_space<hbm>>
        %dma_wait3A_250 = tpu.memref_squeeze %dma_wait3A_249 : memref<1x16x1024xf32, #tpu.memory_space<hbm>> -> memref<16x1024xf32, #tpu.memory_space<hbm>>
        tpu.wait_dma2 semaphore(%run_scoped3A_238 : memref<!tpu.dma_semaphore, #tpu.memory_space<semaphore_mem>>) src(%arg6 : memref<16x1024xf32, #tpu.memory_space<vmem>>) dst(%dma_wait3A_250 : memref<16x1024xf32, #tpu.memory_space<hbm>>)
        tpu.yield
      }) : () -> ()
      %add3A_93 = arith.constant 7168 : i32
      %add3A_94 = arith.addi %add3A_93, %mul3A_2 : i32
      %mul3A_95 = arith.constant 16 : i32
      %mul3A_96 = arith.muli %scan3A_9, %mul3A_95 : i32
      %add3A_97 = arith.addi %add3A_94, %mul3A_96 : i32
      %dma_wait3A_98 = arith.constant 1 : i32
      %dma_wait3A_99 = arith.constant 1 : i32
      %dma_wait3A_100 = arith.constant 1 : i32
      %dma_wait3A_101 = arith.constant 0 : i32
      %dma_wait3A_102 = arith.constant 0 : i32
      %dma_wait3A_103 = tpu.memref_slice %arg5[%dma_wait3A_99, %dma_wait3A_101, %dma_wait3A_102] : memref<2x16x1024xf32, #tpu.memory_space<vmem>> -> memref<1x16x1024xf32, #tpu.memory_space<vmem>>
      %dma_wait3A_104 = tpu.memref_squeeze %dma_wait3A_103 : memref<1x16x1024xf32, #tpu.memory_space<vmem>> -> memref<16x1024xf32, #tpu.memory_space<vmem>>
      %dma_wait3A_105 = arith.constant 0 : i32
      %dma_wait3A_106 = tpu.memref_slice %arg2[%dma_wait3A_98, %add3A_97, %dma_wait3A_105] : memref<4x8192x1024xf32, #tpu.memory_space<hbm>> -> memref<1x16x1024xf32, #tpu.memory_space<hbm>>
      %dma_wait3A_107 = tpu.memref_squeeze %dma_wait3A_106 : memref<1x16x1024xf32, #tpu.memory_space<hbm>> -> memref<16x1024xf32, #tpu.memory_space<hbm>>
      %dma_wait3A_108 = tpu.memref_slice %arg8[%dma_wait3A_100] : memref<2x!tpu.dma_semaphore, #tpu.memory_space<semaphore_mem>> -> memref<1x!tpu.dma_semaphore, #tpu.memory_space<semaphore_mem>>
      %dma_wait3A_109 = tpu.memref_squeeze %dma_wait3A_108 : memref<1x!tpu.dma_semaphore, #tpu.memory_space<semaphore_mem>> -> memref<!tpu.dma_semaphore, #tpu.memory_space<semaphore_mem>>
      %dma_wait3A_110 = arith.constant 0 : i32
      %dma_wait3A_111 = arith.constant 0 : i32
      %dma_wait3A_112 = tpu.memref_slice %arg5[%dma_wait3A_99, %dma_wait3A_110, %dma_wait3A_111] : memref<2x16x1024xf32, #tpu.memory_space<vmem>> -> memref<1x16x1024xf32, #tpu.memory_space<vmem>>
      %dma_wait3A_113 = tpu.memref_squeeze %dma_wait3A_112 : memref<1x16x1024xf32, #tpu.memory_space<vmem>> -> memref<16x1024xf32, #tpu.memory_space<vmem>>
      %dma_wait3A_114 = arith.constant 0 : i32
      %dma_wait3A_115 = tpu.memref_slice %arg2[%dma_wait3A_98, %add3A_97, %dma_wait3A_114] : memref<4x8192x1024xf32, #tpu.memory_space<hbm>> -> memref<1x16x1024xf32, #tpu.memory_space<hbm>>
      %dma_wait3A_116 = tpu.memref_squeeze %dma_wait3A_115 : memref<1x16x1024xf32, #tpu.memory_space<hbm>> -> memref<16x1024xf32, #tpu.memory_space<hbm>>
      tpu.wait_dma2 semaphore(%dma_wait3A_109 : memref<!tpu.dma_semaphore, #tpu.memory_space<semaphore_mem>>) src(%dma_wait3A_116 : memref<16x1024xf32, #tpu.memory_space<hbm>>) dst(%dma_wait3A_113 : memref<16x1024xf32, #tpu.memory_space<vmem>>)
      %add3A_117 = arith.constant 7168 : i32
      %add3A_118 = arith.addi %add3A_117, %mul3A_2 : i32
      %mul3A_119 = arith.constant 16 : i32
      %mul3A_120 = arith.muli %scan3A_9, %mul3A_119 : i32
      %add3A_121 = arith.addi %add3A_118, %mul3A_120 : i32
      %dma_start3A_122 = arith.constant 2 : i32
      %dma_start3A_123 = arith.constant 0 : i32
      %dma_start3A_124 = arith.constant 0 : i32
      %dma_start3A_125 = arith.constant 0 : i32
      %dma_start3A_126 = arith.constant 0 : i32
      %dma_start3A_127 = tpu.memref_slice %arg5[%dma_start3A_123, %dma_start3A_125, %dma_start3A_126] : memref<2x16x1024xf32, #tpu.memory_space<vmem>> -> memref<1x16x1024xf32, #tpu.memory_space<vmem>>
      %dma_start3A_128 = tpu.memref_squeeze %dma_start3A_127 : memref<1x16x1024xf32, #tpu.memory_space<vmem>> -> memref<16x1024xf32, #tpu.memory_space<vmem>>
      %dma_start3A_129 = arith.constant 0 : i32
      %dma_start3A_130 = tpu.memref_slice %arg2[%dma_start3A_122, %add3A_121, %dma_start3A_129] : memref<4x8192x1024xf32, #tpu.memory_space<hbm>> -> memref<1x16x1024xf32, #tpu.memory_space<hbm>>
      %dma_start3A_131 = tpu.memref_squeeze %dma_start3A_130 : memref<1x16x1024xf32, #tpu.memory_space<hbm>> -> memref<16x1024xf32, #tpu.memory_space<hbm>>
      %dma_start3A_132 = tpu.memref_slice %arg8[%dma_start3A_124] : memref<2x!tpu.dma_semaphore, #tpu.memory_space<semaphore_mem>> -> memref<1x!tpu.dma_semaphore, #tpu.memory_space<semaphore_mem>>
      %dma_start3A_133 = tpu.memref_squeeze %dma_start3A_132 : memref<1x!tpu.dma_semaphore, #tpu.memory_space<semaphore_mem>> -> memref<!tpu.dma_semaphore, #tpu.memory_space<semaphore_mem>>
      %dma_start3A_134 = arith.constant 0 : i32
      %dma_start3A_135 = arith.constant 0 : i32
      %dma_start3A_136 = tpu.memref_slice %arg5[%dma_start3A_123, %dma_start3A_134, %dma_start3A_135] : memref<2x16x1024xf32, #tpu.memory_space<vmem>> -> memref<1x16x1024xf32, #tpu.memory_space<vmem>>
      %dma_start3A_137 = tpu.memref_squeeze %dma_start3A_136 : memref<1x16x1024xf32, #tpu.memory_space<vmem>> -> memref<16x1024xf32, #tpu.memory_space<vmem>>
      %dma_start3A_138 = arith.constant 0 : i32
      %dma_start3A_139 = tpu.memref_slice %arg2[%dma_start3A_122, %add3A_121, %dma_start3A_138] : memref<4x8192x1024xf32, #tpu.memory_space<hbm>> -> memref<1x16x1024xf32, #tpu.memory_space<hbm>>
      %dma_start3A_140 = tpu.memref_squeeze %dma_start3A_139 : memref<1x16x1024xf32, #tpu.memory_space<hbm>> -> memref<16x1024xf32, #tpu.memory_space<hbm>>
      tpu.enqueue_dma source(%dma_start3A_140 : memref<16x1024xf32, #tpu.memory_space<hbm>>) target(%dma_start3A_137 : memref<16x1024xf32, #tpu.memory_space<vmem>>) target_semaphore(%dma_start3A_133 : memref<!tpu.dma_semaphore, #tpu.memory_space<semaphore_mem>>)
      %scan3A_141 = arith.constant 0 : i32
      %scan3A_142 = arith.constant 0 : i32
      %scan3A_143 = arith.constant 16 : i32
      %scan3A_144 = arith.addi %scan3A_142, %scan3A_143 : i32
      %scan3A_145 = arith.constant 1 : i32
      %scan3A_146 = scf.for %scan3A_238 = %scan3A_142 to %scan3A_144 step %scan3A_145 iter_args(%scan3A_239 = %scan3A_141) -> (i32)  : i32 {
        %get3A = arith.constant 1 : i32
        %get3A_240 = arith.index_cast %get3A : i32 to index
        %get3A_241 = arith.index_cast %scan3A_238 : i32 to index
        %get3A_242 = arith.constant 0 : index
        %get3A_243 = tpu.vector_load %arg5[%get3A_240, %get3A_241, %get3A_242] {strides = array<i32>} : memref<2x16x1024xf32, #tpu.memory_space<vmem>>, vector<1x1x16xf32>,
        %get3A_244 = vector.shape_cast %get3A_243 : vector<1x1x16xf32> to vector<16xf32>
        %get3A_245 = arith.index_cast %scan3A_238 : i32 to index
        %get3A_246 = arith.constant 0 : index
        %get3A_247 = tpu.vector_load %arg7[%get3A_245, %get3A_246] {strides = array<i32>} : memref<16x1024xf32, #tpu.memory_space<vmem>>, vector<1x16xf32>,
        %get3A_248 = vector.shape_cast %get3A_247 : vector<1x16xf32> to vector<16xf32>
        %add3A_249 = arith.addf %get3A_244, %get3A_248 : vector<16xf32>
        %swap3A = arith.index_cast %scan3A_238 : i32 to index
        %swap3A_250 = arith.constant 0 : index
        %swap3A_251 = tpu.vector_load %arg6[%swap3A, %swap3A_250] {strides = array<i32>} : memref<16x1024xf32, #tpu.memory_space<vmem>>, vector<1x16xf32>,
        %swap3A_252 = vector.shape_cast %swap3A_251 : vector<1x16xf32> to vector<16xf32>
        %swap3A_253 = vector.shape_cast %add3A_249 : vector<16xf32> to vector<1x16xf32>
        tpu.vector_store %arg6[%swap3A, %swap3A_250], %swap3A_253 {strides = array<i32>} : memref<16x1024xf32, #tpu.memory_space<vmem>>, vector<1x16xf32>,
        %get3A_254 = arith.constant 1 : i32
        %get3A_255 = arith.index_cast %get3A_254 : i32 to index
        %get3A_256 = arith.index_cast %scan3A_238 : i32 to index
        %get3A_257 = arith.constant 16 : index
        %get3A_258 = tpu.vector_load %arg5[%get3A_255, %get3A_256, %get3A_257] {strides = array<i32>} : memref<2x16x1024xf32, #tpu.memory_space<vmem>>, vector<1x1x16xf32>,
        %get3A_259 = vector.shape_cast %get3A_258 : vector<1x1x16xf32> to vector<16xf32>
        %get3A_260 = arith.index_cast %scan3A_238 : i32 to index
        %get3A_261 = arith.constant 16 : index
        %get3A_262 = tpu.vector_load %arg7[%get3A_260, %get3A_261] {strides = array<i32>} : memref<16x1024xf32, #tpu.memory_space<vmem>>, vector<1x16xf32>,
        %get3A_263 = vector.shape_cast %get3A_262 : vector<1x16xf32> to vector<16xf32>
        %add3A_264 = arith.addf %get3A_259, %get3A_263 : vector<16xf32>
        %swap3A_265 = arith.index_cast %scan3A_238 : i32 to index
        %swap3A_266 = arith.constant 16 : index
        %swap3A_267 = tpu.vector_load %arg6[%swap3A_265, %swap3A_266] {strides = array<i32>} : memref<16x1024xf32, #tpu.memory_space<vmem>>, vector<1x16xf32>,
        %swap3A_268 = vector.shape_cast %swap3A_267 : vector<1x16xf32> to vector<16xf32>
        %swap3A_269 = vector.shape_cast %add3A_264 : vector<16xf32> to vector<1x16xf32>
        tpu.vector_store %arg6[%swap3A_265, %swap3A_266], %swap3A_269 {strides = array<i32>} : memref<16x1024xf32, #tpu.memory_space<vmem>>, vector<1x16xf32>,
        %get3A_270 = arith.constant 1 : i32
        %get3A_271 = arith.index_cast %get3A_270 : i32 to index
        %get3A_272 = arith.index_cast %scan3A_238 : i32 to index
        %get3A_273 = arith.constant 32 : index
        %get3A_274 = tpu.vector_load %arg5[%get3A_271, %get3A_272, %get3A_273] {strides = array<i32>} : memref<2x16x1024xf32, #tpu.memory_space<vmem>>, vector<1x1x16xf32>,
        %get3A_275 = vector.shape_cast %get3A_274 : vector<1x1x16xf32> to vector<16xf32>
        %get3A_276 = arith.index_cast %scan3A_238 : i32 to index
        %get3A_277 = arith.constant 32 : index
        %get3A_278 = tpu.vector_load %arg7[%get3A_276, %get3A_277] {strides = array<i32>} : memref<16x1024xf32, #tpu.memory_space<vmem>>, vector<1x16xf32>,
        %get3A_279 = vector.shape_cast %get3A_278 : vector<1x16xf32> to vector<16xf32>
        %add3A_280 = arith.addf %get3A_275, %get3A_279 : vector<16xf32>
        %swap3A_281 = arith.index_cast %scan3A_238 : i32 to index
        %swap3A_282 = arith.constant 32 : index
        %swap3A_283 = tpu.vector_load %arg6[%swap3A_281, %swap3A_282] {strides = array<i32>} : memref<16x1024xf32, #tpu.memory_space<vmem>>, vector<1x16xf32>,
        %swap3A_284 = vector.shape_cast %swap3A_283 : vector<1x16xf32> to vector<16xf32>
        %swap3A_285 = vector.shape_cast %add3A_280 : vector<16xf32> to vector<1x16xf32>
        tpu.vector_store %arg6[%swap3A_281, %swap3A_282], %swap3A_285 {strides = array<i32>} : memref<16x1024xf32, #tpu.memory_space<vmem>>, vector<1x16xf32>,
        %get3A_286 = arith.constant 1 : i32
        %get3A_287 = arith.index_cast %get3A_286 : i32 to index
        %get3A_288 = arith.index_cast %scan3A_238 : i32 to index
        %get3A_289 = arith.constant 48 : index
        %get3A_290 = tpu.vector_load %arg5[%get3A_287, %get3A_288, %get3A_289] {strides = array<i32>} : memref<2x16x1024xf32, #tpu.memory_space<vmem>>, vector<1x1x16xf32>,
        %get3A_291 = vector.shape_cast %get3A_290 : vector<1x1x16xf32> to vector<16xf32>
        %get3A_292 = arith.index_cast %scan3A_238 : i32 to index
        %get3A_293 = arith.constant 48 : index
        %get3A_294 = tpu.vector_load %arg7[%get3A_292, %get3A_293] {strides = array<i32>} : memref<16x1024xf32, #tpu.memory_space<vmem>>, vector<1x16xf32>,
        %get3A_295 = vector.shape_cast %get3A_294 : vector<1x16xf32> to vector<16xf32>
        %add3A_296 = arith.addf %get3A_291, %get3A_295 : vector<16xf32>
        %swap3A_297 = arith.index_cast %scan3A_238 : i32 to index
        %swap3A_298 = arith.constant 48 : index
        %swap3A_299 = tpu.vector_load %arg6[%swap3A_297, %swap3A_298] {strides = array<i32>} : memref<16x1024xf32, #tpu.memory_space<vmem>>, vector<1x16xf32>,
        %swap3A_300 = vector.shape_cast %swap3A_299 : vector<1x16xf32> to vector<16xf32>
        %swap3A_301 = vector.shape_cast %add3A_296 : vector<16xf32> to vector<1x16xf32>
        tpu.vector_store %arg6[%swap3A_297, %swap3A_298], %swap3A_301 {strides = array<i32>} : memref<16x1024xf32, #tpu.memory_space<vmem>>, vector<1x16xf32>,
        %get3A_302 = arith.constant 1 : i32
        %get3A_303 = arith.index_cast %get3A_302 : i32 to index
        %get3A_304 = arith.index_cast %scan3A_238 : i32 to index
        %get3A_305 = arith.constant 64 : index
        %get3A_306 = tpu.vector_load %arg5[%get3A_303, %get3A_304, %get3A_305] {strides = array<i32>} : memref<2x16x1024xf32, #tpu.memory_space<vmem>>, vector<1x1x16xf32>,
        %get3A_307 = vector.shape_cast %get3A_306 : vector<1x1x16xf32> to vector<16xf32>
        %get3A_308 = arith.index_cast %scan3A_238 : i32 to index
        %get3A_309 = arith.constant 64 : index
        %get3A_310 = tpu.vector_load %arg7[%get3A_308, %get3A_309] {strides = array<i32>} : memref<16x1024xf32, #tpu.memory_space<vmem>>, vector<1x16xf32>,
        %get3A_311 = vector.shape_cast %get3A_310 : vector<1x16xf32> to vector<16xf32>
        %add3A_312 = arith.addf %get3A_307, %get3A_311 : vector<16xf32>
        %swap3A_313 = arith.index_cast %scan3A_238 : i32 to index
        %swap3A_314 = arith.constant 64 : index
        %swap3A_315 = tpu.vector_load %arg6[%swap3A_313, %swap3A_314] {strides = array<i32>} : memref<16x1024xf32, #tpu.memory_space<vmem>>, vector<1x16xf32>,
        %swap3A_316 = vector.shape_cast %swap3A_315 : vector<1x16xf32> to vector<16xf32>
        %swap3A_317 = vector.shape_cast %add3A_312 : vector<16xf32> to vector<1x16xf32>
        tpu.vector_store %arg6[%swap3A_313, %swap3A_314], %swap3A_317 {strides = array<i32>} : memref<16x1024xf32, #tpu.memory_space<vmem>>, vector<1x16xf32>,
        %get3A_318 = arith.constant 1 : i32
        %get3A_319 = arith.index_cast %get3A_318 : i32 to index
        %get3A_320 = arith.index_cast %scan3A_238 : i32 to index
        %get3A_321 = arith.constant 80 : index
        %get3A_322 = tpu.vector_load %arg5[%get3A_319, %get3A_320, %get3A_321] {strides = array<i32>} : memref<2x16x1024xf32, #tpu.memory_space<vmem>>, vector<1x1x16xf32>,
        %get3A_323 = vector.shape_cast %get3A_322 : vector<1x1x16xf32> to vector<16xf32>
        %get3A_324 = arith.index_cast %scan3A_238 : i32 to index
        %get3A_325 = arith.constant 80 : index
        %get3A_326 = tpu.vector_load %arg7[%get3A_324, %get3A_325] {strides = array<i32>} : memref<16x1024xf32, #tpu.memory_space<vmem>>, vector<1x16xf32>,
        %get3A_327 = vector.shape_cast %get3A_326 : vector<1x16xf32> to vector<16xf32>
        %add3A_328 = arith.addf %get3A_323, %get3A_327 : vector<16xf32>
        %swap3A_329 = arith.index_cast %scan3A_238 : i32 to index
        %swap3A_330 = arith.constant 80 : index
        %swap3A_331 = tpu.vector_load %arg6[%swap3A_329, %swap3A_330] {strides = array<i32>} : memref<16x1024xf32, #tpu.memory_space<vmem>>, vector<1x16xf32>,
        %swap3A_332 = vector.shape_cast %swap3A_331 : vector<1x16xf32> to vector<16xf32>
        %swap3A_333 = vector.shape_cast %add3A_328 : vector<16xf32> to vector<1x16xf32>
        tpu.vector_store %arg6[%swap3A_329, %swap3A_330], %swap3A_333 {strides = array<i32>} : memref<16x1024xf32, #tpu.memory_space<vmem>>, vector<1x16xf32>,
        %get3A_334 = arith.constant 1 : i32
        %get3A_335 = arith.index_cast %get3A_334 : i32 to index
        %get3A_336 = arith.index_cast %scan3A_238 : i32 to index
        %get3A_337 = arith.constant 96 : index
        %get3A_338 = tpu.vector_load %arg5[%get3A_335, %get3A_336, %get3A_337] {strides = array<i32>} : memref<2x16x1024xf32, #tpu.memory_space<vmem>>, vector<1x1x16xf32>,
        %get3A_339 = vector.shape_cast %get3A_338 : vector<1x1x16xf32> to vector<16xf32>
        %get3A_340 = arith.index_cast %scan3A_238 : i32 to index
        %get3A_341 = arith.constant 96 : index
        %get3A_342 = tpu.vector_load %arg7[%get3A_340, %get3A_341] {strides = array<i32>} : memref<16x1024xf32, #tpu.memory_space<vmem>>, vector<1x16xf32>,
        %get3A_343 = vector.shape_cast %get3A_342 : vector<1x16xf32> to vector<16xf32>
        %add3A_344 = arith.addf %get3A_339, %get3A_343 : vector<16xf32>
        %swap3A_345 = arith.index_cast %scan3A_238 : i32 to index
        %swap3A_346 = arith.constant 96 : index
        %swap3A_347 = tpu.vector_load %arg6[%swap3A_345, %swap3A_346] {strides = array<i32>} : memref<16x1024xf32, #tpu.memory_space<vmem>>, vector<1x16xf32>,
        %swap3A_348 = vector.shape_cast %swap3A_347 : vector<1x16xf32> to vector<16xf32>
        %swap3A_349 = vector.shape_cast %add3A_344 : vector<16xf32> to vector<1x16xf32>
        tpu.vector_store %arg6[%swap3A_345, %swap3A_346], %swap3A_349 {strides = array<i32>} : memref<16x1024xf32, #tpu.memory_space<vmem>>, vector<1x16xf32>,
        %get3A_350 = arith.constant 1 : i32
        %get3A_351 = arith.index_cast %get3A_350 : i32 to index
        %get3A_352 = arith.index_cast %scan3A_238 : i32 to index
        %get3A_353 = arith.constant 112 : index
        %get3A_354 = tpu.vector_load %arg5[%get3A_351, %get3A_352, %get3A_353] {strides = array<i32>} : memref<2x16x1024xf32, #tpu.memory_space<vmem>>, vector<1x1x16xf32>,
        %get3A_355 = vector.shape_cast %get3A_354 : vector<1x1x16xf32> to vector<16xf32>
        %get3A_356 = arith.index_cast %scan3A_238 : i32 to index
        %get3A_357 = arith.constant 112 : index
        %get3A_358 = tpu.vector_load %arg7[%get3A_356, %get3A_357] {strides = array<i32>} : memref<16x1024xf32, #tpu.memory_space<vmem>>, vector<1x16xf32>,
        %get3A_359 = vector.shape_cast %get3A_358 : vector<1x16xf32> to vector<16xf32>
        %add3A_360 = arith.addf %get3A_355, %get3A_359 : vector<16xf32>
        %swap3A_361 = arith.index_cast %scan3A_238 : i32 to index
        %swap3A_362 = arith.constant 112 : index
        %swap3A_363 = tpu.vector_load %arg6[%swap3A_361, %swap3A_362] {strides = array<i32>} : memref<16x1024xf32, #tpu.memory_space<vmem>>, vector<1x16xf32>,
        %swap3A_364 = vector.shape_cast %swap3A_363 : vector<1x16xf32> to vector<16xf32>
        %swap3A_365 = vector.shape_cast %add3A_360 : vector<16xf32> to vector<1x16xf32>
        tpu.vector_store %arg6[%swap3A_361, %swap3A_362], %swap3A_365 {strides = array<i32>} : memref<16x1024xf32, #tpu.memory_space<vmem>>, vector<1x16xf32>,
        %get3A_366 = arith.constant 1 : i32
        %get3A_367 = arith.index_cast %get3A_366 : i32 to index
        %get3A_368 = arith.index_cast %scan3A_238 : i32 to index
        %get3A_369 = arith.constant 128 : index
        %get3A_370 = tpu.vector_load %arg5[%get3A_367, %get3A_368, %get3A_369] {strides = array<i32>} : memref<2x16x1024xf32, #tpu.memory_space<vmem>>, vector<1x1x16xf32>,
        %get3A_371 = vector.shape_cast %get3A_370 : vector<1x1x16xf32> to vector<16xf32>
        %get3A_372 = arith.index_cast %scan3A_238 : i32 to index
        %get3A_373 = arith.constant 128 : index
        %get3A_374 = tpu.vector_load %arg7[%get3A_372, %get3A_373] {strides = array<i32>} : memref<16x1024xf32, #tpu.memory_space<vmem>>, vector<1x16xf32>,
        %get3A_375 = vector.shape_cast %get3A_374 : vector<1x16xf32> to vector<16xf32>
        %add3A_376 = arith.addf %get3A_371, %get3A_375 : vector<16xf32>
        %swap3A_377 = arith.index_cast %scan3A_238 : i32 to index
        %swap3A_378 = arith.constant 128 : index
        %swap3A_379 = tpu.vector_load %arg6[%swap3A_377, %swap3A_378] {strides = array<i32>} : memref<16x1024xf32, #tpu.memory_space<vmem>>, vector<1x16xf32>,
        %swap3A_380 = vector.shape_cast %swap3A_379 : vector<1x16xf32> to vector<16xf32>
        %swap3A_381 = vector.shape_cast %add3A_376 : vector<16xf32> to vector<1x16xf32>
        tpu.vector_store %arg6[%swap3A_377, %swap3A_378], %swap3A_381 {strides = array<i32>} : memref<16x1024xf32, #tpu.memory_space<vmem>>, vector<1x16xf32>,
        %get3A_382 = arith.constant 1 : i32
        %get3A_383 = arith.index_cast %get3A_382 : i32 to index
        %get3A_384 = arith.index_cast %scan3A_238 : i32 to index
        %get3A_385 = arith.constant 144 : index
        %get3A_386 = tpu.vector_load %arg5[%get3A_383, %get3A_384, %get3A_385] {strides = array<i32>} : memref<2x16x1024xf32, #tpu.memory_space<vmem>>, vector<1x1x16xf32>,
        %get3A_387 = vector.shape_cast %get3A_386 : vector<1x1x16xf32> to vector<16xf32>
        %get3A_388 = arith.index_cast %scan3A_238 : i32 to index
        %get3A_389 = arith.constant 144 : index
        %get3A_390 = tpu.vector_load %arg7[%get3A_388, %get3A_389] {strides = array<i32>} : memref<16x1024xf32, #tpu.memory_space<vmem>>, vector<1x16xf32>,
        %get3A_391 = vector.shape_cast %get3A_390 : vector<1x16xf32> to vector<16xf32>
        %add3A_392 = arith.addf %get3A_387, %get3A_391 : vector<16xf32>
        %swap3A_393 = arith.index_cast %scan3A_238 : i32 to index
        %swap3A_394 = arith.constant 144 : index
        %swap3A_395 = tpu.vector_load %arg6[%swap3A_393, %swap3A_394] {strides = array<i32>} : memref<16x1024xf32, #tpu.memory_space<vmem>>, vector<1x16xf32>,
        %swap3A_396 = vector.shape_cast %swap3A_395 : vector<1x16xf32> to vector<16xf32>
        %swap3A_397 = vector.shape_cast %add3A_392 : vector<16xf32> to vector<1x16xf32>
        tpu.vector_store %arg6[%swap3A_393, %swap3A_394], %swap3A_397 {strides = array<i32>} : memref<16x1024xf32, #tpu.memory_space<vmem>>, vector<1x16xf32>,
        %get3A_398 = arith.constant 1 : i32
        %get3A_399 = arith.index_cast %get3A_398 : i32 to index
        %get3A_400 = arith.index_cast %scan3A_238 : i32 to index
        %get3A_401 = arith.constant 160 : index
        %get3A_402 = tpu.vector_load %arg5[%get3A_399, %get3A_400, %get3A_401] {strides = array<i32>} : memref<2x16x1024xf32, #tpu.memory_space<vmem>>, vector<1x1x16xf32>,
        %get3A_403 = vector.shape_cast %get3A_402 : vector<1x1x16xf32> to vector<16xf32>
        %get3A_404 = arith.index_cast %scan3A_238 : i32 to index
        %get3A_405 = arith.constant 160 : index
        %get3A_406 = tpu.vector_load %arg7[%get3A_404, %get3A_405] {strides = array<i32>} : memref<16x1024xf32, #tpu.memory_space<vmem>>, vector<1x16xf32>,
        %get3A_407 = vector.shape_cast %get3A_406 : vector<1x16xf32> to vector<16xf32>
        %add3A_408 = arith.addf %get3A_403, %get3A_407 : vector<16xf32>
        %swap3A_409 = arith.index_cast %scan3A_238 : i32 to index
        %swap3A_410 = arith.constant 160 : index
        %swap3A_411 = tpu.vector_load %arg6[%swap3A_409, %swap3A_410] {strides = array<i32>} : memref<16x1024xf32, #tpu.memory_space<vmem>>, vector<1x16xf32>,
        %swap3A_412 = vector.shape_cast %swap3A_411 : vector<1x16xf32> to vector<16xf32>
        %swap3A_413 = vector.shape_cast %add3A_408 : vector<16xf32> to vector<1x16xf32>
        tpu.vector_store %arg6[%swap3A_409, %swap3A_410], %swap3A_413 {strides = array<i32>} : memref<16x1024xf32, #tpu.memory_space<vmem>>, vector<1x16xf32>,
        %get3A_414 = arith.constant 1 : i32
        %get3A_415 = arith.index_cast %get3A_414 : i32 to index
        %get3A_416 = arith.index_cast %scan3A_238 : i32 to index
        %get3A_417 = arith.constant 176 : index
        %get3A_418 = tpu.vector_load %arg5[%get3A_415, %get3A_416, %get3A_417] {strides = array<i32>} : memref<2x16x1024xf32, #tpu.memory_space<vmem>>, vector<1x1x16xf32>,
        %get3A_419 = vector.shape_cast %get3A_418 : vector<1x1x16xf32> to vector<16xf32>
        %get3A_420 = arith.index_cast %scan3A_238 : i32 to index
        %get3A_421 = arith.constant 176 : index
        %get3A_422 = tpu.vector_load %arg7[%get3A_420, %get3A_421] {strides = array<i32>} : memref<16x1024xf32, #tpu.memory_space<vmem>>, vector<1x16xf32>,
        %get3A_423 = vector.shape_cast %get3A_422 : vector<1x16xf32> to vector<16xf32>
        %add3A_424 = arith.addf %get3A_419, %get3A_423 : vector<16xf32>
        %swap3A_425 = arith.index_cast %scan3A_238 : i32 to index
        %swap3A_426 = arith.constant 176 : index
        %swap3A_427 = tpu.vector_load %arg6[%swap3A_425, %swap3A_426] {strides = array<i32>} : memref<16x1024xf32, #tpu.memory_space<vmem>>, vector<1x16xf32>,
        %swap3A_428 = vector.shape_cast %swap3A_427 : vector<1x16xf32> to vector<16xf32>
        %swap3A_429 = vector.shape_cast %add3A_424 : vector<16xf32> to vector<1x16xf32>
        tpu.vector_store %arg6[%swap3A_425, %swap3A_426], %swap3A_429 {strides = array<i32>} : memref<16x1024xf32, #tpu.memory_space<vmem>>, vector<1x16xf32>,
        %get3A_430 = arith.constant 1 : i32
        %get3A_431 = arith.index_cast %get3A_430 : i32 to index
        %get3A_432 = arith.index_cast %scan3A_238 : i32 to index
        %get3A_433 = arith.constant 192 : index
        %get3A_434 = tpu.vector_load %arg5[%get3A_431, %get3A_432, %get3A_433] {strides = array<i32>} : memref<2x16x1024xf32, #tpu.memory_space<vmem>>, vector<1x1x16xf32>,
        %get3A_435 = vector.shape_cast %get3A_434 : vector<1x1x16xf32> to vector<16xf32>
        %get3A_436 = arith.index_cast %scan3A_238 : i32 to index
        %get3A_437 = arith.constant 192 : index
        %get3A_438 = tpu.vector_load %arg7[%get3A_436, %get3A_437] {strides = array<i32>} : memref<16x1024xf32, #tpu.memory_space<vmem>>, vector<1x16xf32>,
        %get3A_439 = vector.shape_cast %get3A_438 : vector<1x16xf32> to vector<16xf32>
        %add3A_440 = arith.addf %get3A_435, %get3A_439 : vector<16xf32>
        %swap3A_441 = arith.index_cast %scan3A_238 : i32 to index
        %swap3A_442 = arith.constant 192 : index
        %swap3A_443 = tpu.vector_load %arg6[%swap3A_441, %swap3A_442] {strides = array<i32>} : memref<16x1024xf32, #tpu.memory_space<vmem>>, vector<1x16xf32>,
        %swap3A_444 = vector.shape_cast %swap3A_443 : vector<1x16xf32> to vector<16xf32>
        %swap3A_445 = vector.shape_cast %add3A_440 : vector<16xf32> to vector<1x16xf32>
        tpu.vector_store %arg6[%swap3A_441, %swap3A_442], %swap3A_445 {strides = array<i32>} : memref<16x1024xf32, #tpu.memory_space<vmem>>, vector<1x16xf32>,
        %get3A_446 = arith.constant 1 : i32
        %get3A_447 = arith.index_cast %get3A_446 : i32 to index
        %get3A_448 = arith.index_cast %scan3A_238 : i32 to index
        %get3A_449 = arith.constant 208 : index
        %get3A_450 = tpu.vector_load %arg5[%get3A_447, %get3A_448, %get3A_449] {strides = array<i32>} : memref<2x16x1024xf32, #tpu.memory_space<vmem>>, vector<1x1x16xf32>,
        %get3A_451 = vector.shape_cast %get3A_450 : vector<1x1x16xf32> to vector<16xf32>
        %get3A_452 = arith.index_cast %scan3A_238 : i32 to index
        %get3A_453 = arith.constant 208 : index
        %get3A_454 = tpu.vector_load %arg7[%get3A_452, %get3A_453] {strides = array<i32>} : memref<16x1024xf32, #tpu.memory_space<vmem>>, vector<1x16xf32>,
        %get3A_455 = vector.shape_cast %get3A_454 : vector<1x16xf32> to vector<16xf32>
        %add3A_456 = arith.addf %get3A_451, %get3A_455 : vector<16xf32>
        %swap3A_457 = arith.index_cast %scan3A_238 : i32 to index
        %swap3A_458 = arith.constant 208 : index
        %swap3A_459 = tpu.vector_load %arg6[%swap3A_457, %swap3A_458] {strides = array<i32>} : memref<16x1024xf32, #tpu.memory_space<vmem>>, vector<1x16xf32>,
        %swap3A_460 = vector.shape_cast %swap3A_459 : vector<1x16xf32> to vector<16xf32>
        %swap3A_461 = vector.shape_cast %add3A_456 : vector<16xf32> to vector<1x16xf32>
        tpu.vector_store %arg6[%swap3A_457, %swap3A_458], %swap3A_461 {strides = array<i32>} : memref<16x1024xf32, #tpu.memory_space<vmem>>, vector<1x16xf32>,
        %get3A_462 = arith.constant 1 : i32
        %get3A_463 = arith.index_cast %get3A_462 : i32 to index
        %get3A_464 = arith.index_cast %scan3A_238 : i32 to index
        %get3A_465 = arith.constant 224 : index
        %get3A_466 = tpu.vector_load %arg5[%get3A_463, %get3A_464, %get3A_465] {strides = array<i32>} : memref<2x16x1024xf32, #tpu.memory_space<vmem>>, vector<1x1x16xf32>,
        %get3A_467 = vector.shape_cast %get3A_466 : vector<1x1x16xf32> to vector<16xf32>
        %get3A_468 = arith.index_cast %scan3A_238 : i32 to index
        %get3A_469 = arith.constant 224 : index
        %get3A_470 = tpu.vector_load %arg7[%get3A_468, %get3A_469] {strides = array<i32>} : memref<16x1024xf32, #tpu.memory_space<vmem>>, vector<1x16xf32>,
        %get3A_471 = vector.shape_cast %get3A_470 : vector<1x16xf32> to vector<16xf32>
        %add3A_472 = arith.addf %get3A_467, %get3A_471 : vector<16xf32>
        %swap3A_473 = arith.index_cast %scan3A_238 : i32 to index
        %swap3A_474 = arith.constant 224 : index
        %swap3A_475 = tpu.vector_load %arg6[%swap3A_473, %swap3A_474] {strides = array<i32>} : memref<16x1024xf32, #tpu.memory_space<vmem>>, vector<1x16xf32>,
        %swap3A_476 = vector.shape_cast %swap3A_475 : vector<1x16xf32> to vector<16xf32>
        %swap3A_477 = vector.shape_cast %add3A_472 : vector<16xf32> to vector<1x16xf32>
        tpu.vector_store %arg6[%swap3A_473, %swap3A_474], %swap3A_477 {strides = array<i32>} : memref<16x1024xf32, #tpu.memory_space<vmem>>, vector<1x16xf32>,
        %get3A_478 = arith.constant 1 : i32
        %get3A_479 = arith.index_cast %get3A_478 : i32 to index
        %get3A_480 = arith.index_cast %scan3A_238 : i32 to index
        %get3A_481 = arith.constant 240 : index
        %get3A_482 = tpu.vector_load %arg5[%get3A_479, %get3A_480, %get3A_481] {strides = array<i32>} : memref<2x16x1024xf32, #tpu.memory_space<vmem>>, vector<1x1x16xf32>,
        %get3A_483 = vector.shape_cast %get3A_482 : vector<1x1x16xf32> to vector<16xf32>
        %get3A_484 = arith.index_cast %scan3A_238 : i32 to index
        %get3A_485 = arith.constant 240 : index
        %get3A_486 = tpu.vector_load %arg7[%get3A_484, %get3A_485] {strides = array<i32>} : memref<16x1024xf32, #tpu.memory_space<vmem>>, vector<1x16xf32>,
        %get3A_487 = vector.shape_cast %get3A_486 : vector<1x16xf32> to vector<16xf32>
        %add3A_488 = arith.addf %get3A_483, %get3A_487 : vector<16xf32>
        %swap3A_489 = arith.index_cast %scan3A_238 : i32 to index
        %swap3A_490 = arith.constant 240 : index
        %swap3A_491 = tpu.vector_load %arg6[%swap3A_489, %swap3A_490] {strides = array<i32>} : memref<16x1024xf32, #tpu.memory_space<vmem>>, vector<1x16xf32>,
        %swap3A_492 = vector.shape_cast %swap3A_491 : vector<1x16xf32> to vector<16xf32>
        %swap3A_493 = vector.shape_cast %add3A_488 : vector<16xf32> to vector<1x16xf32>
        tpu.vector_store %arg6[%swap3A_489, %swap3A_490], %swap3A_493 {strides = array<i32>} : memref<16x1024xf32, #tpu.memory_space<vmem>>, vector<1x16xf32>,
        %get3A_494 = arith.constant 1 : i32
        %get3A_495 = arith.index_cast %get3A_494 : i32 to index
        %get3A_496 = arith.index_cast %scan3A_238 : i32 to index
        %get3A_497 = arith.constant 256 : index
        %get3A_498 = tpu.vector_load %arg5[%get3A_495, %get3A_496, %get3A_497] {strides = array<i32>} : memref<2x16x1024xf32, #tpu.memory_space<vmem>>, vector<1x1x16xf32>,
        %get3A_499 = vector.shape_cast %get3A_498 : vector<1x1x16xf32> to vector<16xf32>
        %get3A_500 = arith.index_cast %scan3A_238 : i32 to index
        %get3A_501 = arith.constant 256 : index
        %get3A_502 = tpu.vector_load %arg7[%get3A_500, %get3A_501] {strides = array<i32>} : memref<16x1024xf32, #tpu.memory_space<vmem>>, vector<1x16xf32>,
        %get3A_503 = vector.shape_cast %get3A_502 : vector<1x16xf32> to vector<16xf32>
        %add3A_504 = arith.addf %get3A_499, %get3A_503 : vector<16xf32>
        %swap3A_505 = arith.index_cast %scan3A_238 : i32 to index
        %swap3A_506 = arith.constant 256 : index
        %swap3A_507 = tpu.vector_load %arg6[%swap3A_505, %swap3A_506] {strides = array<i32>} : memref<16x1024xf32, #tpu.memory_space<vmem>>, vector<1x16xf32>,
        %swap3A_508 = vector.shape_cast %swap3A_507 : vector<1x16xf32> to vector<16xf32>
        %swap3A_509 = vector.shape_cast %add3A_504 : vector<16xf32> to vector<1x16xf32>
        tpu.vector_store %arg6[%swap3A_505, %swap3A_506], %swap3A_509 {strides = array<i32>} : memref<16x1024xf32, #tpu.memory_space<vmem>>, vector<1x16xf32>,
        %get3A_510 = arith.constant 1 : i32
        %get3A_511 = arith.index_cast %get3A_510 : i32 to index
        %get3A_512 = arith.index_cast %scan3A_238 : i32 to index
        %get3A_513 = arith.constant 272 : index
        %get3A_514 = tpu.vector_load %arg5[%get3A_511, %get3A_512, %get3A_513] {strides = array<i32>} : memref<2x16x1024xf32, #tpu.memory_space<vmem>>, vector<1x1x16xf32>,
        %get3A_515 = vector.shape_cast %get3A_514 : vector<1x1x16xf32> to vector<16xf32>
        %get3A_516 = arith.index_cast %scan3A_238 : i32 to index
        %get3A_517 = arith.constant 272 : index
        %get3A_518 = tpu.vector_load %arg7[%get3A_516, %get3A_517] {strides = array<i32>} : memref<16x1024xf32, #tpu.memory_space<vmem>>, vector<1x16xf32>,
        %get3A_519 = vector.shape_cast %get3A_518 : vector<1x16xf32> to vector<16xf32>
        %add3A_520 = arith.addf %get3A_515, %get3A_519 : vector<16xf32>
        %swap3A_521 = arith.index_cast %scan3A_238 : i32 to index
        %swap3A_522 = arith.constant 272 : index
        %swap3A_523 = tpu.vector_load %arg6[%swap3A_521, %swap3A_522] {strides = array<i32>} : memref<16x1024xf32, #tpu.memory_space<vmem>>, vector<1x16xf32>,
        %swap3A_524 = vector.shape_cast %swap3A_523 : vector<1x16xf32> to vector<16xf32>
        %swap3A_525 = vector.shape_cast %add3A_520 : vector<16xf32> to vector<1x16xf32>
        tpu.vector_store %arg6[%swap3A_521, %swap3A_522], %swap3A_525 {strides = array<i32>} : memref<16x1024xf32, #tpu.memory_space<vmem>>, vector<1x16xf32>,
        %get3A_526 = arith.constant 1 : i32
        %get3A_527 = arith.index_cast %get3A_526 : i32 to index
        %get3A_528 = arith.index_cast %scan3A_238 : i32 to index
        %get3A_529 = arith.constant 288 : index
        %get3A_530 = tpu.vector_load %arg5[%get3A_527, %get3A_528, %get3A_529] {strides = array<i32>} : memref<2x16x1024xf32, #tpu.memory_space<vmem>>, vector<1x1x16xf32>,
        %get3A_531 = vector.shape_cast %get3A_530 : vector<1x1x16xf32> to vector<16xf32>
        %get3A_532 = arith.index_cast %scan3A_238 : i32 to index
        %get3A_533 = arith.constant 288 : index
        %get3A_534 = tpu.vector_load %arg7[%get3A_532, %get3A_533] {strides = array<i32>} : memref<16x1024xf32, #tpu.memory_space<vmem>>, vector<1x16xf32>,
        %get3A_535 = vector.shape_cast %get3A_534 : vector<1x16xf32> to vector<16xf32>
        %add3A_536 = arith.addf %get3A_531, %get3A_535 : vector<16xf32>
        %swap3A_537 = arith.index_cast %scan3A_238 : i32 to index
        %swap3A_538 = arith.constant 288 : index
        %swap3A_539 = tpu.vector_load %arg6[%swap3A_537, %swap3A_538] {strides = array<i32>} : memref<16x1024xf32, #tpu.memory_space<vmem>>, vector<1x16xf32>,
        %swap3A_540 = vector.shape_cast %swap3A_539 : vector<1x16xf32> to vector<16xf32>
        %swap3A_541 = vector.shape_cast %add3A_536 : vector<16xf32> to vector<1x16xf32>
        tpu.vector_store %arg6[%swap3A_537, %swap3A_538], %swap3A_541 {strides = array<i32>} : memref<16x1024xf32, #tpu.memory_space<vmem>>, vector<1x16xf32>,
        %get3A_542 = arith.constant 1 : i32
        %get3A_543 = arith.index_cast %get3A_542 : i32 to index
        %get3A_544 = arith.index_cast %scan3A_238 : i32 to index
        %get3A_545 = arith.constant 304 : index
        %get3A_546 = tpu.vector_load %arg5[%get3A_543, %get3A_544, %get3A_545] {strides = array<i32>} : memref<2x16x1024xf32, #tpu.memory_space<vmem>>, vector<1x1x16xf32>,
        %get3A_547 = vector.shape_cast %get3A_546 : vector<1x1x16xf32> to vector<16xf32>
        %get3A_548 = arith.index_cast %scan3A_238 : i32 to index
        %get3A_549 = arith.constant 304 : index
        %get3A_550 = tpu.vector_load %arg7[%get3A_548, %get3A_549] {strides = array<i32>} : memref<16x1024xf32, #tpu.memory_space<vmem>>, vector<1x16xf32>,
        %get3A_551 = vector.shape_cast %get3A_550 : vector<1x16xf32> to vector<16xf32>
        %add3A_552 = arith.addf %get3A_547, %get3A_551 : vector<16xf32>
        %swap3A_553 = arith.index_cast %scan3A_238 : i32 to index
        %swap3A_554 = arith.constant 304 : index
        %swap3A_555 = tpu.vector_load %arg6[%swap3A_553, %swap3A_554] {strides = array<i32>} : memref<16x1024xf32, #tpu.memory_space<vmem>>, vector<1x16xf32>,
        %swap3A_556 = vector.shape_cast %swap3A_555 : vector<1x16xf32> to vector<16xf32>
        %swap3A_557 = vector.shape_cast %add3A_552 : vector<16xf32> to vector<1x16xf32>
        tpu.vector_store %arg6[%swap3A_553, %swap3A_554], %swap3A_557 {strides = array<i32>} : memref<16x1024xf32, #tpu.memory_space<vmem>>, vector<1x16xf32>,
        %get3A_558 = arith.constant 1 : i32
        %get3A_559 = arith.index_cast %get3A_558 : i32 to index
        %get3A_560 = arith.index_cast %scan3A_238 : i32 to index
        %get3A_561 = arith.constant 320 : index
        %get3A_562 = tpu.vector_load %arg5[%get3A_559, %get3A_560, %get3A_561] {strides = array<i32>} : memref<2x16x1024xf32, #tpu.memory_space<vmem>>, vector<1x1x16xf32>,
        %get3A_563 = vector.shape_cast %get3A_562 : vector<1x1x16xf32> to vector<16xf32>
        %get3A_564 = arith.index_cast %scan3A_238 : i32 to index
        %get3A_565 = arith.constant 320 : index
        %get3A_566 = tpu.vector_load %arg7[%get3A_564, %get3A_565] {strides = array<i32>} : memref<16x1024xf32, #tpu.memory_space<vmem>>, vector<1x16xf32>,
        %get3A_567 = vector.shape_cast %get3A_566 : vector<1x16xf32> to vector<16xf32>
        %add3A_568 = arith.addf %get3A_563, %get3A_567 : vector<16xf32>
        %swap3A_569 = arith.index_cast %scan3A_238 : i32 to index
        %swap3A_570 = arith.constant 320 : index
        %swap3A_571 = tpu.vector_load %arg6[%swap3A_569, %swap3A_570] {strides = array<i32>} : memref<16x1024xf32, #tpu.memory_space<vmem>>, vector<1x16xf32>,
        %swap3A_572 = vector.shape_cast %swap3A_571 : vector<1x16xf32> to vector<16xf32>
        %swap3A_573 = vector.shape_cast %add3A_568 : vector<16xf32> to vector<1x16xf32>
        tpu.vector_store %arg6[%swap3A_569, %swap3A_570], %swap3A_573 {strides = array<i32>} : memref<16x1024xf32, #tpu.memory_space<vmem>>, vector<1x16xf32>,
        %get3A_574 = arith.constant 1 : i32
        %get3A_575 = arith.index_cast %get3A_574 : i32 to index
        %get3A_576 = arith.index_cast %scan3A_238 : i32 to index
        %get3A_577 = arith.constant 336 : index
        %get3A_578 = tpu.vector_load %arg5[%get3A_575, %get3A_576, %get3A_577] {strides = array<i32>} : memref<2x16x1024xf32, #tpu.memory_space<vmem>>, vector<1x1x16xf32>,
        %get3A_579 = vector.shape_cast %get3A_578 : vector<1x1x16xf32> to vector<16xf32>
        %get3A_580 = arith.index_cast %scan3A_238 : i32 to index
        %get3A_581 = arith.constant 336 : index
        %get3A_582 = tpu.vector_load %arg7[%get3A_580, %get3A_581] {strides = array<i32>} : memref<16x1024xf32, #tpu.memory_space<vmem>>, vector<1x16xf32>,
        %get3A_583 = vector.shape_cast %get3A_582 : vector<1x16xf32> to vector<16xf32>
        %add3A_584 = arith.addf %get3A_579, %get3A_583 : vector<16xf32>
        %swap3A_585 = arith.index_cast %scan3A_238 : i32 to index
        %swap3A_586 = arith.constant 336 : index
        %swap3A_587 = tpu.vector_load %arg6[%swap3A_585, %swap3A_586] {strides = array<i32>} : memref<16x1024xf32, #tpu.memory_space<vmem>>, vector<1x16xf32>,
        %swap3A_588 = vector.shape_cast %swap3A_587 : vector<1x16xf32> to vector<16xf32>
        %swap3A_589 = vector.shape_cast %add3A_584 : vector<16xf32> to vector<1x16xf32>
        tpu.vector_store %arg6[%swap3A_585, %swap3A_586], %swap3A_589 {strides = array<i32>} : memref<16x1024xf32, #tpu.memory_space<vmem>>, vector<1x16xf32>,
        %get3A_590 = arith.constant 1 : i32
        %get3A_591 = arith.index_cast %get3A_590 : i32 to index
        %get3A_592 = arith.index_cast %scan3A_238 : i32 to index
        %get3A_593 = arith.constant 352 : index
        %get3A_594 = tpu.vector_load %arg5[%get3A_591, %get3A_592, %get3A_593] {strides = array<i32>} : memref<2x16x1024xf32, #tpu.memory_space<vmem>>, vector<1x1x16xf32>,
        %get3A_595 = vector.shape_cast %get3A_594 : vector<1x1x16xf32> to vector<16xf32>
        %get3A_596 = arith.index_cast %scan3A_238 : i32 to index
        %get3A_597 = arith.constant 352 : index
        %get3A_598 = tpu.vector_load %arg7[%get3A_596, %get3A_597] {strides = array<i32>} : memref<16x1024xf32, #tpu.memory_space<vmem>>, vector<1x16xf32>,
        %get3A_599 = vector.shape_cast %get3A_598 : vector<1x16xf32> to vector<16xf32>
        %add3A_600 = arith.addf %get3A_595, %get3A_599 : vector<16xf32>
        %swap3A_601 = arith.index_cast %scan3A_238 : i32 to index
        %swap3A_602 = arith.constant 352 : index
        %swap3A_603 = tpu.vector_load %arg6[%swap3A_601, %swap3A_602] {strides = array<i32>} : memref<16x1024xf32, #tpu.memory_space<vmem>>, vector<1x16xf32>,
        %swap3A_604 = vector.shape_cast %swap3A_603 : vector<1x16xf32> to vector<16xf32>
        %swap3A_605 = vector.shape_cast %add3A_600 : vector<16xf32> to vector<1x16xf32>
        tpu.vector_store %arg6[%swap3A_601, %swap3A_602], %swap3A_605 {strides = array<i32>} : memref<16x1024xf32, #tpu.memory_space<vmem>>, vector<1x16xf32>,
        %get3A_606 = arith.constant 1 : i32
        %get3A_607 = arith.index_cast %get3A_606 : i32 to index
        %get3A_608 = arith.index_cast %scan3A_238 : i32 to index
        %get3A_609 = arith.constant 368 : index
        %get3A_610 = tpu.vector_load %arg5[%get3A_607, %get3A_608, %get3A_609] {strides = array<i32>} : memref<2x16x1024xf32, #tpu.memory_space<vmem>>, vector<1x1x16xf32>,
        %get3A_611 = vector.shape_cast %get3A_610 : vector<1x1x16xf32> to vector<16xf32>
        %get3A_612 = arith.index_cast %scan3A_238 : i32 to index
        %get3A_613 = arith.constant 368 : index
        %get3A_614 = tpu.vector_load %arg7[%get3A_612, %get3A_613] {strides = array<i32>} : memref<16x1024xf32, #tpu.memory_space<vmem>>, vector<1x16xf32>,
        %get3A_615 = vector.shape_cast %get3A_614 : vector<1x16xf32> to vector<16xf32>
        %add3A_616 = arith.addf %get3A_611, %get3A_615 : vector<16xf32>
        %swap3A_617 = arith.index_cast %scan3A_238 : i32 to index
        %swap3A_618 = arith.constant 368 : index
        %swap3A_619 = tpu.vector_load %arg6[%swap3A_617, %swap3A_618] {strides = array<i32>} : memref<16x1024xf32, #tpu.memory_space<vmem>>, vector<1x16xf32>,
        %swap3A_620 = vector.shape_cast %swap3A_619 : vector<1x16xf32> to vector<16xf32>
        %swap3A_621 = vector.shape_cast %add3A_616 : vector<16xf32> to vector<1x16xf32>
        tpu.vector_store %arg6[%swap3A_617, %swap3A_618], %swap3A_621 {strides = array<i32>} : memref<16x1024xf32, #tpu.memory_space<vmem>>, vector<1x16xf32>,
        %get3A_622 = arith.constant 1 : i32
        %get3A_623 = arith.index_cast %get3A_622 : i32 to index
        %get3A_624 = arith.index_cast %scan3A_238 : i32 to index
        %get3A_625 = arith.constant 384 : index
        %get3A_626 = tpu.vector_load %arg5[%get3A_623, %get3A_624, %get3A_625] {strides = array<i32>} : memref<2x16x1024xf32, #tpu.memory_space<vmem>>, vector<1x1x16xf32>,
        %get3A_627 = vector.shape_cast %get3A_626 : vector<1x1x16xf32> to vector<16xf32>
        %get3A_628 = arith.index_cast %scan3A_238 : i32 to index
        %get3A_629 = arith.constant 384 : index
        %get3A_630 = tpu.vector_load %arg7[%get3A_628, %get3A_629] {strides = array<i32>} : memref<16x1024xf32, #tpu.memory_space<vmem>>, vector<1x16xf32>,
        %get3A_631 = vector.shape_cast %get3A_630 : vector<1x16xf32> to vector<16xf32>
        %add3A_632 = arith.addf %get3A_627, %get3A_631 : vector<16xf32>
        %swap3A_633 = arith.index_cast %scan3A_238 : i32 to index
        %swap3A_634 = arith.constant 384 : index
        %swap3A_635 = tpu.vector_load %arg6[%swap3A_633, %swap3A_634] {strides = array<i32>} : memref<16x1024xf32, #tpu.memory_space<vmem>>, vector<1x16xf32>,
        %swap3A_636 = vector.shape_cast %swap3A_635 : vector<1x16xf32> to vector<16xf32>
        %swap3A_637 = vector.shape_cast %add3A_632 : vector<16xf32> to vector<1x16xf32>
        tpu.vector_store %arg6[%swap3A_633, %swap3A_634], %swap3A_637 {strides = array<i32>} : memref<16x1024xf32, #tpu.memory_space<vmem>>, vector<1x16xf32>,
        %get3A_638 = arith.constant 1 : i32
        %get3A_639 = arith.index_cast %get3A_638 : i32 to index
        %get3A_640 = arith.index_cast %scan3A_238 : i32 to index
        %get3A_641 = arith.constant 400 : index
        %get3A_642 = tpu.vector_load %arg5[%get3A_639, %get3A_640, %get3A_641] {strides = array<i32>} : memref<2x16x1024xf32, #tpu.memory_space<vmem>>, vector<1x1x16xf32>,
        %get3A_643 = vector.shape_cast %get3A_642 : vector<1x1x16xf32> to vector<16xf32>
        %get3A_644 = arith.index_cast %scan3A_238 : i32 to index
        %get3A_645 = arith.constant 400 : index
        %get3A_646 = tpu.vector_load %arg7[%get3A_644, %get3A_645] {strides = array<i32>} : memref<16x1024xf32, #tpu.memory_space<vmem>>, vector<1x16xf32>,
        %get3A_647 = vector.shape_cast %get3A_646 : vector<1x16xf32> to vector<16xf32>
        %add3A_648 = arith.addf %get3A_643, %get3A_647 : vector<16xf32>
        %swap3A_649 = arith.index_cast %scan3A_238 : i32 to index
        %swap3A_650 = arith.constant 400 : index
        %swap3A_651 = tpu.vector_load %arg6[%swap3A_649, %swap3A_650] {strides = array<i32>} : memref<16x1024xf32, #tpu.memory_space<vmem>>, vector<1x16xf32>,
        %swap3A_652 = vector.shape_cast %swap3A_651 : vector<1x16xf32> to vector<16xf32>
        %swap3A_653 = vector.shape_cast %add3A_648 : vector<16xf32> to vector<1x16xf32>
        tpu.vector_store %arg6[%swap3A_649, %swap3A_650], %swap3A_653 {strides = array<i32>} : memref<16x1024xf32, #tpu.memory_space<vmem>>, vector<1x16xf32>,
        %get3A_654 = arith.constant 1 : i32
        %get3A_655 = arith.index_cast %get3A_654 : i32 to index
        %get3A_656 = arith.index_cast %scan3A_238 : i32 to index
        %get3A_657 = arith.constant 416 : index
        %get3A_658 = tpu.vector_load %arg5[%get3A_655, %get3A_656, %get3A_657] {strides = array<i32>} : memref<2x16x1024xf32, #tpu.memory_space<vmem>>, vector<1x1x16xf32>,
        %get3A_659 = vector.shape_cast %get3A_658 : vector<1x1x16xf32> to vector<16xf32>
        %get3A_660 = arith.index_cast %scan3A_238 : i32 to index
        %get3A_661 = arith.constant 416 : index
        %get3A_662 = tpu.vector_load %arg7[%get3A_660, %get3A_661] {strides = array<i32>} : memref<16x1024xf32, #tpu.memory_space<vmem>>, vector<1x16xf32>,
        %get3A_663 = vector.shape_cast %get3A_662 : vector<1x16xf32> to vector<16xf32>
        %add3A_664 = arith.addf %get3A_659, %get3A_663 : vector<16xf32>
        %swap3A_665 = arith.index_cast %scan3A_238 : i32 to index
        %swap3A_666 = arith.constant 416 : index
        %swap3A_667 = tpu.vector_load %arg6[%swap3A_665, %swap3A_666] {strides = array<i32>} : memref<16x1024xf32, #tpu.memory_space<vmem>>, vector<1x16xf32>,
        %swap3A_668 = vector.shape_cast %swap3A_667 : vector<1x16xf32> to vector<16xf32>
        %swap3A_669 = vector.shape_cast %add3A_664 : vector<16xf32> to vector<1x16xf32>
        tpu.vector_store %arg6[%swap3A_665, %swap3A_666], %swap3A_669 {strides = array<i32>} : memref<16x1024xf32, #tpu.memory_space<vmem>>, vector<1x16xf32>,
        %get3A_670 = arith.constant 1 : i32
        %get3A_671 = arith.index_cast %get3A_670 : i32 to index
        %get3A_672 = arith.index_cast %scan3A_238 : i32 to index
        %get3A_673 = arith.constant 432 : index
        %get3A_674 = tpu.vector_load %arg5[%get3A_671, %get3A_672, %get3A_673] {strides = array<i32>} : memref<2x16x1024xf32, #tpu.memory_space<vmem>>, vector<1x1x16xf32>,
        %get3A_675 = vector.shape_cast %get3A_674 : vector<1x1x16xf32> to vector<16xf32>
        %get3A_676 = arith.index_cast %scan3A_238 : i32 to index
        %get3A_677 = arith.constant 432 : index
        %get3A_678 = tpu.vector_load %arg7[%get3A_676, %get3A_677] {strides = array<i32>} : memref<16x1024xf32, #tpu.memory_space<vmem>>, vector<1x16xf32>,
        %get3A_679 = vector.shape_cast %get3A_678 : vector<1x16xf32> to vector<16xf32>
        %add3A_680 = arith.addf %get3A_675, %get3A_679 : vector<16xf32>
        %swap3A_681 = arith.index_cast %scan3A_238 : i32 to index
        %swap3A_682 = arith.constant 432 : index
        %swap3A_683 = tpu.vector_load %arg6[%swap3A_681, %swap3A_682] {strides = array<i32>} : memref<16x1024xf32, #tpu.memory_space<vmem>>, vector<1x16xf32>,
        %swap3A_684 = vector.shape_cast %swap3A_683 : vector<1x16xf32> to vector<16xf32>
        %swap3A_685 = vector.shape_cast %add3A_680 : vector<16xf32> to vector<1x16xf32>
        tpu.vector_store %arg6[%swap3A_681, %swap3A_682], %swap3A_685 {strides = array<i32>} : memref<16x1024xf32, #tpu.memory_space<vmem>>, vector<1x16xf32>,
        %get3A_686 = arith.constant 1 : i32
        %get3A_687 = arith.index_cast %get3A_686 : i32 to index
        %get3A_688 = arith.index_cast %scan3A_238 : i32 to index
        %get3A_689 = arith.constant 448 : index
        %get3A_690 = tpu.vector_load %arg5[%get3A_687, %get3A_688, %get3A_689] {strides = array<i32>} : memref<2x16x1024xf32, #tpu.memory_space<vmem>>, vector<1x1x16xf32>,
        %get3A_691 = vector.shape_cast %get3A_690 : vector<1x1x16xf32> to vector<16xf32>
        %get3A_692 = arith.index_cast %scan3A_238 : i32 to index
        %get3A_693 = arith.constant 448 : index
        %get3A_694 = tpu.vector_load %arg7[%get3A_692, %get3A_693] {strides = array<i32>} : memref<16x1024xf32, #tpu.memory_space<vmem>>, vector<1x16xf32>,
        %get3A_695 = vector.shape_cast %get3A_694 : vector<1x16xf32> to vector<16xf32>
        %add3A_696 = arith.addf %get3A_691, %get3A_695 : vector<16xf32>
        %swap3A_697 = arith.index_cast %scan3A_238 : i32 to index
        %swap3A_698 = arith.constant 448 : index
        %swap3A_699 = tpu.vector_load %arg6[%swap3A_697, %swap3A_698] {strides = array<i32>} : memref<16x1024xf32, #tpu.memory_space<vmem>>, vector<1x16xf32>,
        %swap3A_700 = vector.shape_cast %swap3A_699 : vector<1x16xf32> to vector<16xf32>
        %swap3A_701 = vector.shape_cast %add3A_696 : vector<16xf32> to vector<1x16xf32>
        tpu.vector_store %arg6[%swap3A_697, %swap3A_698], %swap3A_701 {strides = array<i32>} : memref<16x1024xf32, #tpu.memory_space<vmem>>, vector<1x16xf32>,
        %get3A_702 = arith.constant 1 : i32
        %get3A_703 = arith.index_cast %get3A_702 : i32 to index
        %get3A_704 = arith.index_cast %scan3A_238 : i32 to index
        %get3A_705 = arith.constant 464 : index
        %get3A_706 = tpu.vector_load %arg5[%get3A_703, %get3A_704, %get3A_705] {strides = array<i32>} : memref<2x16x1024xf32, #tpu.memory_space<vmem>>, vector<1x1x16xf32>,
        %get3A_707 = vector.shape_cast %get3A_706 : vector<1x1x16xf32> to vector<16xf32>
        %get3A_708 = arith.index_cast %scan3A_238 : i32 to index
        %get3A_709 = arith.constant 464 : index
        %get3A_710 = tpu.vector_load %arg7[%get3A_708, %get3A_709] {strides = array<i32>} : memref<16x1024xf32, #tpu.memory_space<vmem>>, vector<1x16xf32>,
        %get3A_711 = vector.shape_cast %get3A_710 : vector<1x16xf32> to vector<16xf32>
        %add3A_712 = arith.addf %get3A_707, %get3A_711 : vector<16xf32>
        %swap3A_713 = arith.index_cast %scan3A_238 : i32 to index
        %swap3A_714 = arith.constant 464 : index
        %swap3A_715 = tpu.vector_load %arg6[%swap3A_713, %swap3A_714] {strides = array<i32>} : memref<16x1024xf32, #tpu.memory_space<vmem>>, vector<1x16xf32>,
        %swap3A_716 = vector.shape_cast %swap3A_715 : vector<1x16xf32> to vector<16xf32>
        %swap3A_717 = vector.shape_cast %add3A_712 : vector<16xf32> to vector<1x16xf32>
        tpu.vector_store %arg6[%swap3A_713, %swap3A_714], %swap3A_717 {strides = array<i32>} : memref<16x1024xf32, #tpu.memory_space<vmem>>, vector<1x16xf32>,
        %get3A_718 = arith.constant 1 : i32
        %get3A_719 = arith.index_cast %get3A_718 : i32 to index
        %get3A_720 = arith.index_cast %scan3A_238 : i32 to index
        %get3A_721 = arith.constant 480 : index
        %get3A_722 = tpu.vector_load %arg5[%get3A_719, %get3A_720, %get3A_721] {strides = array<i32>} : memref<2x16x1024xf32, #tpu.memory_space<vmem>>, vector<1x1x16xf32>,
        %get3A_723 = vector.shape_cast %get3A_722 : vector<1x1x16xf32> to vector<16xf32>
        %get3A_724 = arith.index_cast %scan3A_238 : i32 to index
        %get3A_725 = arith.constant 480 : index
        %get3A_726 = tpu.vector_load %arg7[%get3A_724, %get3A_725] {strides = array<i32>} : memref<16x1024xf32, #tpu.memory_space<vmem>>, vector<1x16xf32>,
        %get3A_727 = vector.shape_cast %get3A_726 : vector<1x16xf32> to vector<16xf32>
        %add3A_728 = arith.addf %get3A_723, %get3A_727 : vector<16xf32>
        %swap3A_729 = arith.index_cast %scan3A_238 : i32 to index
        %swap3A_730 = arith.constant 480 : index
        %swap3A_731 = tpu.vector_load %arg6[%swap3A_729, %swap3A_730] {strides = array<i32>} : memref<16x1024xf32, #tpu.memory_space<vmem>>, vector<1x16xf32>,
        %swap3A_732 = vector.shape_cast %swap3A_731 : vector<1x16xf32> to vector<16xf32>
        %swap3A_733 = vector.shape_cast %add3A_728 : vector<16xf32> to vector<1x16xf32>
        tpu.vector_store %arg6[%swap3A_729, %swap3A_730], %swap3A_733 {strides = array<i32>} : memref<16x1024xf32, #tpu.memory_space<vmem>>, vector<1x16xf32>,
        %get3A_734 = arith.constant 1 : i32
        %get3A_735 = arith.index_cast %get3A_734 : i32 to index
        %get3A_736 = arith.index_cast %scan3A_238 : i32 to index
        %get3A_737 = arith.constant 496 : index
        %get3A_738 = tpu.vector_load %arg5[%get3A_735, %get3A_736, %get3A_737] {strides = array<i32>} : memref<2x16x1024xf32, #tpu.memory_space<vmem>>, vector<1x1x16xf32>,
        %get3A_739 = vector.shape_cast %get3A_738 : vector<1x1x16xf32> to vector<16xf32>
        %get3A_740 = arith.index_cast %scan3A_238 : i32 to index
        %get3A_741 = arith.constant 496 : index
        %get3A_742 = tpu.vector_load %arg7[%get3A_740, %get3A_741] {strides = array<i32>} : memref<16x1024xf32, #tpu.memory_space<vmem>>, vector<1x16xf32>,
        %get3A_743 = vector.shape_cast %get3A_742 : vector<1x16xf32> to vector<16xf32>
        %add3A_744 = arith.addf %get3A_739, %get3A_743 : vector<16xf32>
        %swap3A_745 = arith.index_cast %scan3A_238 : i32 to index
        %swap3A_746 = arith.constant 496 : index
        %swap3A_747 = tpu.vector_load %arg6[%swap3A_745, %swap3A_746] {strides = array<i32>} : memref<16x1024xf32, #tpu.memory_space<vmem>>, vector<1x16xf32>,
        %swap3A_748 = vector.shape_cast %swap3A_747 : vector<1x16xf32> to vector<16xf32>
        %swap3A_749 = vector.shape_cast %add3A_744 : vector<16xf32> to vector<1x16xf32>
        tpu.vector_store %arg6[%swap3A_745, %swap3A_746], %swap3A_749 {strides = array<i32>} : memref<16x1024xf32, #tpu.memory_space<vmem>>, vector<1x16xf32>,
        %get3A_750 = arith.constant 1 : i32
        %get3A_751 = arith.index_cast %get3A_750 : i32 to index
        %get3A_752 = arith.index_cast %scan3A_238 : i32 to index
        %get3A_753 = arith.constant 512 : index
        %get3A_754 = tpu.vector_load %arg5[%get3A_751, %get3A_752, %get3A_753] {strides = array<i32>} : memref<2x16x1024xf32, #tpu.memory_space<vmem>>, vector<1x1x16xf32>,
        %get3A_755 = vector.shape_cast %get3A_754 : vector<1x1x16xf32> to vector<16xf32>
        %get3A_756 = arith.index_cast %scan3A_238 : i32 to index
        %get3A_757 = arith.constant 512 : index
        %get3A_758 = tpu.vector_load %arg7[%get3A_756, %get3A_757] {strides = array<i32>} : memref<16x1024xf32, #tpu.memory_space<vmem>>, vector<1x16xf32>,
        %get3A_759 = vector.shape_cast %get3A_758 : vector<1x16xf32> to vector<16xf32>
        %add3A_760 = arith.addf %get3A_755, %get3A_759 : vector<16xf32>
        %swap3A_761 = arith.index_cast %scan3A_238 : i32 to index
        %swap3A_762 = arith.constant 512 : index
        %swap3A_763 = tpu.vector_load %arg6[%swap3A_761, %swap3A_762] {strides = array<i32>} : memref<16x1024xf32, #tpu.memory_space<vmem>>, vector<1x16xf32>,
        %swap3A_764 = vector.shape_cast %swap3A_763 : vector<1x16xf32> to vector<16xf32>
        %swap3A_765 = vector.shape_cast %add3A_760 : vector<16xf32> to vector<1x16xf32>
        tpu.vector_store %arg6[%swap3A_761, %swap3A_762], %swap3A_765 {strides = array<i32>} : memref<16x1024xf32, #tpu.memory_space<vmem>>, vector<1x16xf32>,
        %get3A_766 = arith.constant 1 : i32
        %get3A_767 = arith.index_cast %get3A_766 : i32 to index
        %get3A_768 = arith.index_cast %scan3A_238 : i32 to index
        %get3A_769 = arith.constant 528 : index
        %get3A_770 = tpu.vector_load %arg5[%get3A_767, %get3A_768, %get3A_769] {strides = array<i32>} : memref<2x16x1024xf32, #tpu.memory_space<vmem>>, vector<1x1x16xf32>,
        %get3A_771 = vector.shape_cast %get3A_770 : vector<1x1x16xf32> to vector<16xf32>
        %get3A_772 = arith.index_cast %scan3A_238 : i32 to index
        %get3A_773 = arith.constant 528 : index
        %get3A_774 = tpu.vector_load %arg7[%get3A_772, %get3A_773] {strides = array<i32>} : memref<16x1024xf32, #tpu.memory_space<vmem>>, vector<1x16xf32>,
        %get3A_775 = vector.shape_cast %get3A_774 : vector<1x16xf32> to vector<16xf32>
        %add3A_776 = arith.addf %get3A_771, %get3A_775 : vector<16xf32>
        %swap3A_777 = arith.index_cast %scan3A_238 : i32 to index
        %swap3A_778 = arith.constant 528 : index
        %swap3A_779 = tpu.vector_load %arg6[%swap3A_777, %swap3A_778] {strides = array<i32>} : memref<16x1024xf32, #tpu.memory_space<vmem>>, vector<1x16xf32>,
        %swap3A_780 = vector.shape_cast %swap3A_779 : vector<1x16xf32> to vector<16xf32>
        %swap3A_781 = vector.shape_cast %add3A_776 : vector<16xf32> to vector<1x16xf32>
        tpu.vector_store %arg6[%swap3A_777, %swap3A_778], %swap3A_781 {strides = array<i32>} : memref<16x1024xf32, #tpu.memory_space<vmem>>, vector<1x16xf32>,
        %get3A_782 = arith.constant 1 : i32
        %get3A_783 = arith.index_cast %get3A_782 : i32 to index
        %get3A_784 = arith.index_cast %scan3A_238 : i32 to index
        %get3A_785 = arith.constant 544 : index
        %get3A_786 = tpu.vector_load %arg5[%get3A_783, %get3A_784, %get3A_785] {strides = array<i32>} : memref<2x16x1024xf32, #tpu.memory_space<vmem>>, vector<1x1x16xf32>,
        %get3A_787 = vector.shape_cast %get3A_786 : vector<1x1x16xf32> to vector<16xf32>
        %get3A_788 = arith.index_cast %scan3A_238 : i32 to index
        %get3A_789 = arith.constant 544 : index
        %get3A_790 = tpu.vector_load %arg7[%get3A_788, %get3A_789] {strides = array<i32>} : memref<16x1024xf32, #tpu.memory_space<vmem>>, vector<1x16xf32>,
        %get3A_791 = vector.shape_cast %get3A_790 : vector<1x16xf32> to vector<16xf32>
        %add3A_792 = arith.addf %get3A_787, %get3A_791 : vector<16xf32>
        %swap3A_793 = arith.index_cast %scan3A_238 : i32 to index
        %swap3A_794 = arith.constant 544 : index
        %swap3A_795 = tpu.vector_load %arg6[%swap3A_793, %swap3A_794] {strides = array<i32>} : memref<16x1024xf32, #tpu.memory_space<vmem>>, vector<1x16xf32>,
        %swap3A_796 = vector.shape_cast %swap3A_795 : vector<1x16xf32> to vector<16xf32>
        %swap3A_797 = vector.shape_cast %add3A_792 : vector<16xf32> to vector<1x16xf32>
        tpu.vector_store %arg6[%swap3A_793, %swap3A_794], %swap3A_797 {strides = array<i32>} : memref<16x1024xf32, #tpu.memory_space<vmem>>, vector<1x16xf32>,
        %get3A_798 = arith.constant 1 : i32
        %get3A_799 = arith.index_cast %get3A_798 : i32 to index
        %get3A_800 = arith.index_cast %scan3A_238 : i32 to index
        %get3A_801 = arith.constant 560 : index
        %get3A_802 = tpu.vector_load %arg5[%get3A_799, %get3A_800, %get3A_801] {strides = array<i32>} : memref<2x16x1024xf32, #tpu.memory_space<vmem>>, vector<1x1x16xf32>,
        %get3A_803 = vector.shape_cast %get3A_802 : vector<1x1x16xf32> to vector<16xf32>
        %get3A_804 = arith.index_cast %scan3A_238 : i32 to index
        %get3A_805 = arith.constant 560 : index
        %get3A_806 = tpu.vector_load %arg7[%get3A_804, %get3A_805] {strides = array<i32>} : memref<16x1024xf32, #tpu.memory_space<vmem>>, vector<1x16xf32>,
        %get3A_807 = vector.shape_cast %get3A_806 : vector<1x16xf32> to vector<16xf32>
        %add3A_808 = arith.addf %get3A_803, %get3A_807 : vector<16xf32>
        %swap3A_809 = arith.index_cast %scan3A_238 : i32 to index
        %swap3A_810 = arith.constant 560 : index
        %swap3A_811 = tpu.vector_load %arg6[%swap3A_809, %swap3A_810] {strides = array<i32>} : memref<16x1024xf32, #tpu.memory_space<vmem>>, vector<1x16xf32>,
        %swap3A_812 = vector.shape_cast %swap3A_811 : vector<1x16xf32> to vector<16xf32>
        %swap3A_813 = vector.shape_cast %add3A_808 : vector<16xf32> to vector<1x16xf32>
        tpu.vector_store %arg6[%swap3A_809, %swap3A_810], %swap3A_813 {strides = array<i32>} : memref<16x1024xf32, #tpu.memory_space<vmem>>, vector<1x16xf32>,
        %get3A_814 = arith.constant 1 : i32
        %get3A_815 = arith.index_cast %get3A_814 : i32 to index
        %get3A_816 = arith.index_cast %scan3A_238 : i32 to index
        %get3A_817 = arith.constant 576 : index
        %get3A_818 = tpu.vector_load %arg5[%get3A_815, %get3A_816, %get3A_817] {strides = array<i32>} : memref<2x16x1024xf32, #tpu.memory_space<vmem>>, vector<1x1x16xf32>,
        %get3A_819 = vector.shape_cast %get3A_818 : vector<1x1x16xf32> to vector<16xf32>
        %get3A_820 = arith.index_cast %scan3A_238 : i32 to index
        %get3A_821 = arith.constant 576 : index
        %get3A_822 = tpu.vector_load %arg7[%get3A_820, %get3A_821] {strides = array<i32>} : memref<16x1024xf32, #tpu.memory_space<vmem>>, vector<1x16xf32>,
        %get3A_823 = vector.shape_cast %get3A_822 : vector<1x16xf32> to vector<16xf32>
        %add3A_824 = arith.addf %get3A_819, %get3A_823 : vector<16xf32>
        %swap3A_825 = arith.index_cast %scan3A_238 : i32 to index
        %swap3A_826 = arith.constant 576 : index
        %swap3A_827 = tpu.vector_load %arg6[%swap3A_825, %swap3A_826] {strides = array<i32>} : memref<16x1024xf32, #tpu.memory_space<vmem>>, vector<1x16xf32>,
        %swap3A_828 = vector.shape_cast %swap3A_827 : vector<1x16xf32> to vector<16xf32>
        %swap3A_829 = vector.shape_cast %add3A_824 : vector<16xf32> to vector<1x16xf32>
        tpu.vector_store %arg6[%swap3A_825, %swap3A_826], %swap3A_829 {strides = array<i32>} : memref<16x1024xf32, #tpu.memory_space<vmem>>, vector<1x16xf32>,
        %get3A_830 = arith.constant 1 : i32
        %get3A_831 = arith.index_cast %get3A_830 : i32 to index
        %get3A_832 = arith.index_cast %scan3A_238 : i32 to index
        %get3A_833 = arith.constant 592 : index
        %get3A_834 = tpu.vector_load %arg5[%get3A_831, %get3A_832, %get3A_833] {strides = array<i32>} : memref<2x16x1024xf32, #tpu.memory_space<vmem>>, vector<1x1x16xf32>,
        %get3A_835 = vector.shape_cast %get3A_834 : vector<1x1x16xf32> to vector<16xf32>
        %get3A_836 = arith.index_cast %scan3A_238 : i32 to index
        %get3A_837 = arith.constant 592 : index
        %get3A_838 = tpu.vector_load %arg7[%get3A_836, %get3A_837] {strides = array<i32>} : memref<16x1024xf32, #tpu.memory_space<vmem>>, vector<1x16xf32>,
        %get3A_839 = vector.shape_cast %get3A_838 : vector<1x16xf32> to vector<16xf32>
        %add3A_840 = arith.addf %get3A_835, %get3A_839 : vector<16xf32>
        %swap3A_841 = arith.index_cast %scan3A_238 : i32 to index
        %swap3A_842 = arith.constant 592 : index
        %swap3A_843 = tpu.vector_load %arg6[%swap3A_841, %swap3A_842] {strides = array<i32>} : memref<16x1024xf32, #tpu.memory_space<vmem>>, vector<1x16xf32>,
        %swap3A_844 = vector.shape_cast %swap3A_843 : vector<1x16xf32> to vector<16xf32>
        %swap3A_845 = vector.shape_cast %add3A_840 : vector<16xf32> to vector<1x16xf32>
        tpu.vector_store %arg6[%swap3A_841, %swap3A_842], %swap3A_845 {strides = array<i32>} : memref<16x1024xf32, #tpu.memory_space<vmem>>, vector<1x16xf32>,
        %get3A_846 = arith.constant 1 : i32
        %get3A_847 = arith.index_cast %get3A_846 : i32 to index
        %get3A_848 = arith.index_cast %scan3A_238 : i32 to index
        %get3A_849 = arith.constant 608 : index
        %get3A_850 = tpu.vector_load %arg5[%get3A_847, %get3A_848, %get3A_849] {strides = array<i32>} : memref<2x16x1024xf32, #tpu.memory_space<vmem>>, vector<1x1x16xf32>,
        %get3A_851 = vector.shape_cast %get3A_850 : vector<1x1x16xf32> to vector<16xf32>
        %get3A_852 = arith.index_cast %scan3A_238 : i32 to index
        %get3A_853 = arith.constant 608 : index
        %get3A_854 = tpu.vector_load %arg7[%get3A_852, %get3A_853] {strides = array<i32>} : memref<16x1024xf32, #tpu.memory_space<vmem>>, vector<1x16xf32>,
        %get3A_855 = vector.shape_cast %get3A_854 : vector<1x16xf32> to vector<16xf32>
        %add3A_856 = arith.addf %get3A_851, %get3A_855 : vector<16xf32>
        %swap3A_857 = arith.index_cast %scan3A_238 : i32 to index
        %swap3A_858 = arith.constant 608 : index
        %swap3A_859 = tpu.vector_load %arg6[%swap3A_857, %swap3A_858] {strides = array<i32>} : memref<16x1024xf32, #tpu.memory_space<vmem>>, vector<1x16xf32>,
        %swap3A_860 = vector.shape_cast %swap3A_859 : vector<1x16xf32> to vector<16xf32>
        %swap3A_861 = vector.shape_cast %add3A_856 : vector<16xf32> to vector<1x16xf32>
        tpu.vector_store %arg6[%swap3A_857, %swap3A_858], %swap3A_861 {strides = array<i32>} : memref<16x1024xf32, #tpu.memory_space<vmem>>, vector<1x16xf32>,
        %get3A_862 = arith.constant 1 : i32
        %get3A_863 = arith.index_cast %get3A_862 : i32 to index
        %get3A_864 = arith.index_cast %scan3A_238 : i32 to index
        %get3A_865 = arith.constant 624 : index
        %get3A_866 = tpu.vector_load %arg5[%get3A_863, %get3A_864, %get3A_865] {strides = array<i32>} : memref<2x16x1024xf32, #tpu.memory_space<vmem>>, vector<1x1x16xf32>,
        %get3A_867 = vector.shape_cast %get3A_866 : vector<1x1x16xf32> to vector<16xf32>
        %get3A_868 = arith.index_cast %scan3A_238 : i32 to index
        %get3A_869 = arith.constant 624 : index
        %get3A_870 = tpu.vector_load %arg7[%get3A_868, %get3A_869] {strides = array<i32>} : memref<16x1024xf32, #tpu.memory_space<vmem>>, vector<1x16xf32>,
        %get3A_871 = vector.shape_cast %get3A_870 : vector<1x16xf32> to vector<16xf32>
        %add3A_872 = arith.addf %get3A_867, %get3A_871 : vector<16xf32>
        %swap3A_873 = arith.index_cast %scan3A_238 : i32 to index
        %swap3A_874 = arith.constant 624 : index
        %swap3A_875 = tpu.vector_load %arg6[%swap3A_873, %swap3A_874] {strides = array<i32>} : memref<16x1024xf32, #tpu.memory_space<vmem>>, vector<1x16xf32>,
        %swap3A_876 = vector.shape_cast %swap3A_875 : vector<1x16xf32> to vector<16xf32>
        %swap3A_877 = vector.shape_cast %add3A_872 : vector<16xf32> to vector<1x16xf32>
        tpu.vector_store %arg6[%swap3A_873, %swap3A_874], %swap3A_877 {strides = array<i32>} : memref<16x1024xf32, #tpu.memory_space<vmem>>, vector<1x16xf32>,
        %get3A_878 = arith.constant 1 : i32
        %get3A_879 = arith.index_cast %get3A_878 : i32 to index
        %get3A_880 = arith.index_cast %scan3A_238 : i32 to index
        %get3A_881 = arith.constant 640 : index
        %get3A_882 = tpu.vector_load %arg5[%get3A_879, %get3A_880, %get3A_881] {strides = array<i32>} : memref<2x16x1024xf32, #tpu.memory_space<vmem>>, vector<1x1x16xf32>,
        %get3A_883 = vector.shape_cast %get3A_882 : vector<1x1x16xf32> to vector<16xf32>
        %get3A_884 = arith.index_cast %scan3A_238 : i32 to index
        %get3A_885 = arith.constant 640 : index
        %get3A_886 = tpu.vector_load %arg7[%get3A_884, %get3A_885] {strides = array<i32>} : memref<16x1024xf32, #tpu.memory_space<vmem>>, vector<1x16xf32>,
        %get3A_887 = vector.shape_cast %get3A_886 : vector<1x16xf32> to vector<16xf32>
        %add3A_888 = arith.addf %get3A_883, %get3A_887 : vector<16xf32>
        %swap3A_889 = arith.index_cast %scan3A_238 : i32 to index
        %swap3A_890 = arith.constant 640 : index
        %swap3A_891 = tpu.vector_load %arg6[%swap3A_889, %swap3A_890] {strides = array<i32>} : memref<16x1024xf32, #tpu.memory_space<vmem>>, vector<1x16xf32>,
        %swap3A_892 = vector.shape_cast %swap3A_891 : vector<1x16xf32> to vector<16xf32>
        %swap3A_893 = vector.shape_cast %add3A_888 : vector<16xf32> to vector<1x16xf32>
        tpu.vector_store %arg6[%swap3A_889, %swap3A_890], %swap3A_893 {strides = array<i32>} : memref<16x1024xf32, #tpu.memory_space<vmem>>, vector<1x16xf32>,
        %get3A_894 = arith.constant 1 : i32
        %get3A_895 = arith.index_cast %get3A_894 : i32 to index
        %get3A_896 = arith.index_cast %scan3A_238 : i32 to index
        %get3A_897 = arith.constant 656 : index
        %get3A_898 = tpu.vector_load %arg5[%get3A_895, %get3A_896, %get3A_897] {strides = array<i32>} : memref<2x16x1024xf32, #tpu.memory_space<vmem>>, vector<1x1x16xf32>,
        %get3A_899 = vector.shape_cast %get3A_898 : vector<1x1x16xf32> to vector<16xf32>
        %get3A_900 = arith.index_cast %scan3A_238 : i32 to index
        %get3A_901 = arith.constant 656 : index
        %get3A_902 = tpu.vector_load %arg7[%get3A_900, %get3A_901] {strides = array<i32>} : memref<16x1024xf32, #tpu.memory_space<vmem>>, vector<1x16xf32>,
        %get3A_903 = vector.shape_cast %get3A_902 : vector<1x16xf32> to vector<16xf32>
        %add3A_904 = arith.addf %get3A_899, %get3A_903 : vector<16xf32>
        %swap3A_905 = arith.index_cast %scan3A_238 : i32 to index
        %swap3A_906 = arith.constant 656 : index
        %swap3A_907 = tpu.vector_load %arg6[%swap3A_905, %swap3A_906] {strides = array<i32>} : memref<16x1024xf32, #tpu.memory_space<vmem>>, vector<1x16xf32>,
        %swap3A_908 = vector.shape_cast %swap3A_907 : vector<1x16xf32> to vector<16xf32>
        %swap3A_909 = vector.shape_cast %add3A_904 : vector<16xf32> to vector<1x16xf32>
        tpu.vector_store %arg6[%swap3A_905, %swap3A_906], %swap3A_909 {strides = array<i32>} : memref<16x1024xf32, #tpu.memory_space<vmem>>, vector<1x16xf32>,
        %get3A_910 = arith.constant 1 : i32
        %get3A_911 = arith.index_cast %get3A_910 : i32 to index
        %get3A_912 = arith.index_cast %scan3A_238 : i32 to index
        %get3A_913 = arith.constant 672 : index
        %get3A_914 = tpu.vector_load %arg5[%get3A_911, %get3A_912, %get3A_913] {strides = array<i32>} : memref<2x16x1024xf32, #tpu.memory_space<vmem>>, vector<1x1x16xf32>,
        %get3A_915 = vector.shape_cast %get3A_914 : vector<1x1x16xf32> to vector<16xf32>
        %get3A_916 = arith.index_cast %scan3A_238 : i32 to index
        %get3A_917 = arith.constant 672 : index
        %get3A_918 = tpu.vector_load %arg7[%get3A_916, %get3A_917] {strides = array<i32>} : memref<16x1024xf32, #tpu.memory_space<vmem>>, vector<1x16xf32>,
        %get3A_919 = vector.shape_cast %get3A_918 : vector<1x16xf32> to vector<16xf32>
        %add3A_920 = arith.addf %get3A_915, %get3A_919 : vector<16xf32>
        %swap3A_921 = arith.index_cast %scan3A_238 : i32 to index
        %swap3A_922 = arith.constant 672 : index
        %swap3A_923 = tpu.vector_load %arg6[%swap3A_921, %swap3A_922] {strides = array<i32>} : memref<16x1024xf32, #tpu.memory_space<vmem>>, vector<1x16xf32>,
        %swap3A_924 = vector.shape_cast %swap3A_923 : vector<1x16xf32> to vector<16xf32>
        %swap3A_925 = vector.shape_cast %add3A_920 : vector<16xf32> to vector<1x16xf32>
        tpu.vector_store %arg6[%swap3A_921, %swap3A_922], %swap3A_925 {strides = array<i32>} : memref<16x1024xf32, #tpu.memory_space<vmem>>, vector<1x16xf32>,
        %get3A_926 = arith.constant 1 : i32
        %get3A_927 = arith.index_cast %get3A_926 : i32 to index
        %get3A_928 = arith.index_cast %scan3A_238 : i32 to index
        %get3A_929 = arith.constant 688 : index
        %get3A_930 = tpu.vector_load %arg5[%get3A_927, %get3A_928, %get3A_929] {strides = array<i32>} : memref<2x16x1024xf32, #tpu.memory_space<vmem>>, vector<1x1x16xf32>,
        %get3A_931 = vector.shape_cast %get3A_930 : vector<1x1x16xf32> to vector<16xf32>
        %get3A_932 = arith.index_cast %scan3A_238 : i32 to index
        %get3A_933 = arith.constant 688 : index
        %get3A_934 = tpu.vector_load %arg7[%get3A_932, %get3A_933] {strides = array<i32>} : memref<16x1024xf32, #tpu.memory_space<vmem>>, vector<1x16xf32>,
        %get3A_935 = vector.shape_cast %get3A_934 : vector<1x16xf32> to vector<16xf32>
        %add3A_936 = arith.addf %get3A_931, %get3A_935 : vector<16xf32>
        %swap3A_937 = arith.index_cast %scan3A_238 : i32 to index
        %swap3A_938 = arith.constant 688 : index
        %swap3A_939 = tpu.vector_load %arg6[%swap3A_937, %swap3A_938] {strides = array<i32>} : memref<16x1024xf32, #tpu.memory_space<vmem>>, vector<1x16xf32>,
        %swap3A_940 = vector.shape_cast %swap3A_939 : vector<1x16xf32> to vector<16xf32>
        %swap3A_941 = vector.shape_cast %add3A_936 : vector<16xf32> to vector<1x16xf32>
        tpu.vector_store %arg6[%swap3A_937, %swap3A_938], %swap3A_941 {strides = array<i32>} : memref<16x1024xf32, #tpu.memory_space<vmem>>, vector<1x16xf32>,
        %get3A_942 = arith.constant 1 : i32
        %get3A_943 = arith.index_cast %get3A_942 : i32 to index
        %get3A_944 = arith.index_cast %scan3A_238 : i32 to index
        %get3A_945 = arith.constant 704 : index
        %get3A_946 = tpu.vector_load %arg5[%get3A_943, %get3A_944, %get3A_945] {strides = array<i32>} : memref<2x16x1024xf32, #tpu.memory_space<vmem>>, vector<1x1x16xf32>,
        %get3A_947 = vector.shape_cast %get3A_946 : vector<1x1x16xf32> to vector<16xf32>
        %get3A_948 = arith.index_cast %scan3A_238 : i32 to index
        %get3A_949 = arith.constant 704 : index
        %get3A_950 = tpu.vector_load %arg7[%get3A_948, %get3A_949] {strides = array<i32>} : memref<16x1024xf32, #tpu.memory_space<vmem>>, vector<1x16xf32>,
        %get3A_951 = vector.shape_cast %get3A_950 : vector<1x16xf32> to vector<16xf32>
        %add3A_952 = arith.addf %get3A_947, %get3A_951 : vector<16xf32>
        %swap3A_953 = arith.index_cast %scan3A_238 : i32 to index
        %swap3A_954 = arith.constant 704 : index
        %swap3A_955 = tpu.vector_load %arg6[%swap3A_953, %swap3A_954] {strides = array<i32>} : memref<16x1024xf32, #tpu.memory_space<vmem>>, vector<1x16xf32>,
        %swap3A_956 = vector.shape_cast %swap3A_955 : vector<1x16xf32> to vector<16xf32>
        %swap3A_957 = vector.shape_cast %add3A_952 : vector<16xf32> to vector<1x16xf32>
        tpu.vector_store %arg6[%swap3A_953, %swap3A_954], %swap3A_957 {strides = array<i32>} : memref<16x1024xf32, #tpu.memory_space<vmem>>, vector<1x16xf32>,
        %get3A_958 = arith.constant 1 : i32
        %get3A_959 = arith.index_cast %get3A_958 : i32 to index
        %get3A_960 = arith.index_cast %scan3A_238 : i32 to index
        %get3A_961 = arith.constant 720 : index
        %get3A_962 = tpu.vector_load %arg5[%get3A_959, %get3A_960, %get3A_961] {strides = array<i32>} : memref<2x16x1024xf32, #tpu.memory_space<vmem>>, vector<1x1x16xf32>,
        %get3A_963 = vector.shape_cast %get3A_962 : vector<1x1x16xf32> to vector<16xf32>
        %get3A_964 = arith.index_cast %scan3A_238 : i32 to index
        %get3A_965 = arith.constant 720 : index
        %get3A_966 = tpu.vector_load %arg7[%get3A_964, %get3A_965] {strides = array<i32>} : memref<16x1024xf32, #tpu.memory_space<vmem>>, vector<1x16xf32>,
        %get3A_967 = vector.shape_cast %get3A_966 : vector<1x16xf32> to vector<16xf32>
        %add3A_968 = arith.addf %get3A_963, %get3A_967 : vector<16xf32>
        %swap3A_969 = arith.index_cast %scan3A_238 : i32 to index
        %swap3A_970 = arith.constant 720 : index
        %swap3A_971 = tpu.vector_load %arg6[%swap3A_969, %swap3A_970] {strides = array<i32>} : memref<16x1024xf32, #tpu.memory_space<vmem>>, vector<1x16xf32>,
        %swap3A_972 = vector.shape_cast %swap3A_971 : vector<1x16xf32> to vector<16xf32>
        %swap3A_973 = vector.shape_cast %add3A_968 : vector<16xf32> to vector<1x16xf32>
        tpu.vector_store %arg6[%swap3A_969, %swap3A_970], %swap3A_973 {strides = array<i32>} : memref<16x1024xf32, #tpu.memory_space<vmem>>, vector<1x16xf32>,
        %get3A_974 = arith.constant 1 : i32
        %get3A_975 = arith.index_cast %get3A_974 : i32 to index
        %get3A_976 = arith.index_cast %scan3A_238 : i32 to index
        %get3A_977 = arith.constant 736 : index
        %get3A_978 = tpu.vector_load %arg5[%get3A_975, %get3A_976, %get3A_977] {strides = array<i32>} : memref<2x16x1024xf32, #tpu.memory_space<vmem>>, vector<1x1x16xf32>,
        %get3A_979 = vector.shape_cast %get3A_978 : vector<1x1x16xf32> to vector<16xf32>
        %get3A_980 = arith.index_cast %scan3A_238 : i32 to index
        %get3A_981 = arith.constant 736 : index
        %get3A_982 = tpu.vector_load %arg7[%get3A_980, %get3A_981] {strides = array<i32>} : memref<16x1024xf32, #tpu.memory_space<vmem>>, vector<1x16xf32>,
        %get3A_983 = vector.shape_cast %get3A_982 : vector<1x16xf32> to vector<16xf32>
        %add3A_984 = arith.addf %get3A_979, %get3A_983 : vector<16xf32>
        %swap3A_985 = arith.index_cast %scan3A_238 : i32 to index
        %swap3A_986 = arith.constant 736 : index
        %swap3A_987 = tpu.vector_load %arg6[%swap3A_985, %swap3A_986] {strides = array<i32>} : memref<16x1024xf32, #tpu.memory_space<vmem>>, vector<1x16xf32>,
        %swap3A_988 = vector.shape_cast %swap3A_987 : vector<1x16xf32> to vector<16xf32>
        %swap3A_989 = vector.shape_cast %add3A_984 : vector<16xf32> to vector<1x16xf32>
        tpu.vector_store %arg6[%swap3A_985, %swap3A_986], %swap3A_989 {strides = array<i32>} : memref<16x1024xf32, #tpu.memory_space<vmem>>, vector<1x16xf32>,
        %get3A_990 = arith.constant 1 : i32
        %get3A_991 = arith.index_cast %get3A_990 : i32 to index
        %get3A_992 = arith.index_cast %scan3A_238 : i32 to index
        %get3A_993 = arith.constant 752 : index
        %get3A_994 = tpu.vector_load %arg5[%get3A_991, %get3A_992, %get3A_993] {strides = array<i32>} : memref<2x16x1024xf32, #tpu.memory_space<vmem>>, vector<1x1x16xf32>,
        %get3A_995 = vector.shape_cast %get3A_994 : vector<1x1x16xf32> to vector<16xf32>
        %get3A_996 = arith.index_cast %scan3A_238 : i32 to index
        %get3A_997 = arith.constant 752 : index
        %get3A_998 = tpu.vector_load %arg7[%get3A_996, %get3A_997] {strides = array<i32>} : memref<16x1024xf32, #tpu.memory_space<vmem>>, vector<1x16xf32>,
        %get3A_999 = vector.shape_cast %get3A_998 : vector<1x16xf32> to vector<16xf32>
        %add3A_1000 = arith.addf %get3A_995, %get3A_999 : vector<16xf32>
        %swap3A_1001 = arith.index_cast %scan3A_238 : i32 to index
        %swap3A_1002 = arith.constant 752 : index
        %swap3A_1003 = tpu.vector_load %arg6[%swap3A_1001, %swap3A_1002] {strides = array<i32>} : memref<16x1024xf32, #tpu.memory_space<vmem>>, vector<1x16xf32>,
        %swap3A_1004 = vector.shape_cast %swap3A_1003 : vector<1x16xf32> to vector<16xf32>
        %swap3A_1005 = vector.shape_cast %add3A_1000 : vector<16xf32> to vector<1x16xf32>
        tpu.vector_store %arg6[%swap3A_1001, %swap3A_1002], %swap3A_1005 {strides = array<i32>} : memref<16x1024xf32, #tpu.memory_space<vmem>>, vector<1x16xf32>,
        %get3A_1006 = arith.constant 1 : i32
        %get3A_1007 = arith.index_cast %get3A_1006 : i32 to index
        %get3A_1008 = arith.index_cast %scan3A_238 : i32 to index
        %get3A_1009 = arith.constant 768 : index
        %get3A_1010 = tpu.vector_load %arg5[%get3A_1007, %get3A_1008, %get3A_1009] {strides = array<i32>} : memref<2x16x1024xf32, #tpu.memory_space<vmem>>, vector<1x1x16xf32>,
        %get3A_1011 = vector.shape_cast %get3A_1010 : vector<1x1x16xf32> to vector<16xf32>
        %get3A_1012 = arith.index_cast %scan3A_238 : i32 to index
        %get3A_1013 = arith.constant 768 : index
        %get3A_1014 = tpu.vector_load %arg7[%get3A_1012, %get3A_1013] {strides = array<i32>} : memref<16x1024xf32, #tpu.memory_space<vmem>>, vector<1x16xf32>,
        %get3A_1015 = vector.shape_cast %get3A_1014 : vector<1x16xf32> to vector<16xf32>
        %add3A_1016 = arith.addf %get3A_1011, %get3A_1015 : vector<16xf32>
        %swap3A_1017 = arith.index_cast %scan3A_238 : i32 to index
        %swap3A_1018 = arith.constant 768 : index
        %swap3A_1019 = tpu.vector_load %arg6[%swap3A_1017, %swap3A_1018] {strides = array<i32>} : memref<16x1024xf32, #tpu.memory_space<vmem>>, vector<1x16xf32>,
        %swap3A_1020 = vector.shape_cast %swap3A_1019 : vector<1x16xf32> to vector<16xf32>
        %swap3A_1021 = vector.shape_cast %add3A_1016 : vector<16xf32> to vector<1x16xf32>
        tpu.vector_store %arg6[%swap3A_1017, %swap3A_1018], %swap3A_1021 {strides = array<i32>} : memref<16x1024xf32, #tpu.memory_space<vmem>>, vector<1x16xf32>,
        %get3A_1022 = arith.constant 1 : i32
        %get3A_1023 = arith.index_cast %get3A_1022 : i32 to index
        %get3A_1024 = arith.index_cast %scan3A_238 : i32 to index
        %get3A_1025 = arith.constant 784 : index
        %get3A_1026 = tpu.vector_load %arg5[%get3A_1023, %get3A_1024, %get3A_1025] {strides = array<i32>} : memref<2x16x1024xf32, #tpu.memory_space<vmem>>, vector<1x1x16xf32>,
        %get3A_1027 = vector.shape_cast %get3A_1026 : vector<1x1x16xf32> to vector<16xf32>
        %get3A_1028 = arith.index_cast %scan3A_238 : i32 to index
        %get3A_1029 = arith.constant 784 : index
        %get3A_1030 = tpu.vector_load %arg7[%get3A_1028, %get3A_1029] {strides = array<i32>} : memref<16x1024xf32, #tpu.memory_space<vmem>>, vector<1x16xf32>,
        %get3A_1031 = vector.shape_cast %get3A_1030 : vector<1x16xf32> to vector<16xf32>
        %add3A_1032 = arith.addf %get3A_1027, %get3A_1031 : vector<16xf32>
        %swap3A_1033 = arith.index_cast %scan3A_238 : i32 to index
        %swap3A_1034 = arith.constant 784 : index
        %swap3A_1035 = tpu.vector_load %arg6[%swap3A_1033, %swap3A_1034] {strides = array<i32>} : memref<16x1024xf32, #tpu.memory_space<vmem>>, vector<1x16xf32>,
        %swap3A_1036 = vector.shape_cast %swap3A_1035 : vector<1x16xf32> to vector<16xf32>
        %swap3A_1037 = vector.shape_cast %add3A_1032 : vector<16xf32> to vector<1x16xf32>
        tpu.vector_store %arg6[%swap3A_1033, %swap3A_1034], %swap3A_1037 {strides = array<i32>} : memref<16x1024xf32, #tpu.memory_space<vmem>>, vector<1x16xf32>,
        %get3A_1038 = arith.constant 1 : i32
        %get3A_1039 = arith.index_cast %get3A_1038 : i32 to index
        %get3A_1040 = arith.index_cast %scan3A_238 : i32 to index
        %get3A_1041 = arith.constant 800 : index
        %get3A_1042 = tpu.vector_load %arg5[%get3A_1039, %get3A_1040, %get3A_1041] {strides = array<i32>} : memref<2x16x1024xf32, #tpu.memory_space<vmem>>, vector<1x1x16xf32>,
        %get3A_1043 = vector.shape_cast %get3A_1042 : vector<1x1x16xf32> to vector<16xf32>
        %get3A_1044 = arith.index_cast %scan3A_238 : i32 to index
        %get3A_1045 = arith.constant 800 : index
        %get3A_1046 = tpu.vector_load %arg7[%get3A_1044, %get3A_1045] {strides = array<i32>} : memref<16x1024xf32, #tpu.memory_space<vmem>>, vector<1x16xf32>,
        %get3A_1047 = vector.shape_cast %get3A_1046 : vector<1x16xf32> to vector<16xf32>
        %add3A_1048 = arith.addf %get3A_1043, %get3A_1047 : vector<16xf32>
        %swap3A_1049 = arith.index_cast %scan3A_238 : i32 to index
        %swap3A_1050 = arith.constant 800 : index
        %swap3A_1051 = tpu.vector_load %arg6[%swap3A_1049, %swap3A_1050] {strides = array<i32>} : memref<16x1024xf32, #tpu.memory_space<vmem>>, vector<1x16xf32>,
        %swap3A_1052 = vector.shape_cast %swap3A_1051 : vector<1x16xf32> to vector<16xf32>
        %swap3A_1053 = vector.shape_cast %add3A_1048 : vector<16xf32> to vector<1x16xf32>
        tpu.vector_store %arg6[%swap3A_1049, %swap3A_1050], %swap3A_1053 {strides = array<i32>} : memref<16x1024xf32, #tpu.memory_space<vmem>>, vector<1x16xf32>,
        %get3A_1054 = arith.constant 1 : i32
        %get3A_1055 = arith.index_cast %get3A_1054 : i32 to index
        %get3A_1056 = arith.index_cast %scan3A_238 : i32 to index
        %get3A_1057 = arith.constant 816 : index
        %get3A_1058 = tpu.vector_load %arg5[%get3A_1055, %get3A_1056, %get3A_1057] {strides = array<i32>} : memref<2x16x1024xf32, #tpu.memory_space<vmem>>, vector<1x1x16xf32>,
        %get3A_1059 = vector.shape_cast %get3A_1058 : vector<1x1x16xf32> to vector<16xf32>
        %get3A_1060 = arith.index_cast %scan3A_238 : i32 to index
        %get3A_1061 = arith.constant 816 : index
        %get3A_1062 = tpu.vector_load %arg7[%get3A_1060, %get3A_1061] {strides = array<i32>} : memref<16x1024xf32, #tpu.memory_space<vmem>>, vector<1x16xf32>,
        %get3A_1063 = vector.shape_cast %get3A_1062 : vector<1x16xf32> to vector<16xf32>
        %add3A_1064 = arith.addf %get3A_1059, %get3A_1063 : vector<16xf32>
        %swap3A_1065 = arith.index_cast %scan3A_238 : i32 to index
        %swap3A_1066 = arith.constant 816 : index
        %swap3A_1067 = tpu.vector_load %arg6[%swap3A_1065, %swap3A_1066] {strides = array<i32>} : memref<16x1024xf32, #tpu.memory_space<vmem>>, vector<1x16xf32>,
        %swap3A_1068 = vector.shape_cast %swap3A_1067 : vector<1x16xf32> to vector<16xf32>
        %swap3A_1069 = vector.shape_cast %add3A_1064 : vector<16xf32> to vector<1x16xf32>
        tpu.vector_store %arg6[%swap3A_1065, %swap3A_1066], %swap3A_1069 {strides = array<i32>} : memref<16x1024xf32, #tpu.memory_space<vmem>>, vector<1x16xf32>,
        %get3A_1070 = arith.constant 1 : i32
        %get3A_1071 = arith.index_cast %get3A_1070 : i32 to index
        %get3A_1072 = arith.index_cast %scan3A_238 : i32 to index
        %get3A_1073 = arith.constant 832 : index
        %get3A_1074 = tpu.vector_load %arg5[%get3A_1071, %get3A_1072, %get3A_1073] {strides = array<i32>} : memref<2x16x1024xf32, #tpu.memory_space<vmem>>, vector<1x1x16xf32>,
        %get3A_1075 = vector.shape_cast %get3A_1074 : vector<1x1x16xf32> to vector<16xf32>
        %get3A_1076 = arith.index_cast %scan3A_238 : i32 to index
        %get3A_1077 = arith.constant 832 : index
        %get3A_1078 = tpu.vector_load %arg7[%get3A_1076, %get3A_1077] {strides = array<i32>} : memref<16x1024xf32, #tpu.memory_space<vmem>>, vector<1x16xf32>,
        %get3A_1079 = vector.shape_cast %get3A_1078 : vector<1x16xf32> to vector<16xf32>
        %add3A_1080 = arith.addf %get3A_1075, %get3A_1079 : vector<16xf32>
        %swap3A_1081 = arith.index_cast %scan3A_238 : i32 to index
        %swap3A_1082 = arith.constant 832 : index
        %swap3A_1083 = tpu.vector_load %arg6[%swap3A_1081, %swap3A_1082] {strides = array<i32>} : memref<16x1024xf32, #tpu.memory_space<vmem>>, vector<1x16xf32>,
        %swap3A_1084 = vector.shape_cast %swap3A_1083 : vector<1x16xf32> to vector<16xf32>
        %swap3A_1085 = vector.shape_cast %add3A_1080 : vector<16xf32> to vector<1x16xf32>
        tpu.vector_store %arg6[%swap3A_1081, %swap3A_1082], %swap3A_1085 {strides = array<i32>} : memref<16x1024xf32, #tpu.memory_space<vmem>>, vector<1x16xf32>,
        %get3A_1086 = arith.constant 1 : i32
        %get3A_1087 = arith.index_cast %get3A_1086 : i32 to index
        %get3A_1088 = arith.index_cast %scan3A_238 : i32 to index
        %get3A_1089 = arith.constant 848 : index
        %get3A_1090 = tpu.vector_load %arg5[%get3A_1087, %get3A_1088, %get3A_1089] {strides = array<i32>} : memref<2x16x1024xf32, #tpu.memory_space<vmem>>, vector<1x1x16xf32>,
        %get3A_1091 = vector.shape_cast %get3A_1090 : vector<1x1x16xf32> to vector<16xf32>
        %get3A_1092 = arith.index_cast %scan3A_238 : i32 to index
        %get3A_1093 = arith.constant 848 : index
        %get3A_1094 = tpu.vector_load %arg7[%get3A_1092, %get3A_1093] {strides = array<i32>} : memref<16x1024xf32, #tpu.memory_space<vmem>>, vector<1x16xf32>,
        %get3A_1095 = vector.shape_cast %get3A_1094 : vector<1x16xf32> to vector<16xf32>
        %add3A_1096 = arith.addf %get3A_1091, %get3A_1095 : vector<16xf32>
        %swap3A_1097 = arith.index_cast %scan3A_238 : i32 to index
        %swap3A_1098 = arith.constant 848 : index
        %swap3A_1099 = tpu.vector_load %arg6[%swap3A_1097, %swap3A_1098] {strides = array<i32>} : memref<16x1024xf32, #tpu.memory_space<vmem>>, vector<1x16xf32>,
        %swap3A_1100 = vector.shape_cast %swap3A_1099 : vector<1x16xf32> to vector<16xf32>
        %swap3A_1101 = vector.shape_cast %add3A_1096 : vector<16xf32> to vector<1x16xf32>
        tpu.vector_store %arg6[%swap3A_1097, %swap3A_1098], %swap3A_1101 {strides = array<i32>} : memref<16x1024xf32, #tpu.memory_space<vmem>>, vector<1x16xf32>,
        %get3A_1102 = arith.constant 1 : i32
        %get3A_1103 = arith.index_cast %get3A_1102 : i32 to index
        %get3A_1104 = arith.index_cast %scan3A_238 : i32 to index
        %get3A_1105 = arith.constant 864 : index
        %get3A_1106 = tpu.vector_load %arg5[%get3A_1103, %get3A_1104, %get3A_1105] {strides = array<i32>} : memref<2x16x1024xf32, #tpu.memory_space<vmem>>, vector<1x1x16xf32>,
        %get3A_1107 = vector.shape_cast %get3A_1106 : vector<1x1x16xf32> to vector<16xf32>
        %get3A_1108 = arith.index_cast %scan3A_238 : i32 to index
        %get3A_1109 = arith.constant 864 : index
        %get3A_1110 = tpu.vector_load %arg7[%get3A_1108, %get3A_1109] {strides = array<i32>} : memref<16x1024xf32, #tpu.memory_space<vmem>>, vector<1x16xf32>,
        %get3A_1111 = vector.shape_cast %get3A_1110 : vector<1x16xf32> to vector<16xf32>
        %add3A_1112 = arith.addf %get3A_1107, %get3A_1111 : vector<16xf32>
        %swap3A_1113 = arith.index_cast %scan3A_238 : i32 to index
        %swap3A_1114 = arith.constant 864 : index
        %swap3A_1115 = tpu.vector_load %arg6[%swap3A_1113, %swap3A_1114] {strides = array<i32>} : memref<16x1024xf32, #tpu.memory_space<vmem>>, vector<1x16xf32>,
        %swap3A_1116 = vector.shape_cast %swap3A_1115 : vector<1x16xf32> to vector<16xf32>
        %swap3A_1117 = vector.shape_cast %add3A_1112 : vector<16xf32> to vector<1x16xf32>
        tpu.vector_store %arg6[%swap3A_1113, %swap3A_1114], %swap3A_1117 {strides = array<i32>} : memref<16x1024xf32, #tpu.memory_space<vmem>>, vector<1x16xf32>,
        %get3A_1118 = arith.constant 1 : i32
        %get3A_1119 = arith.index_cast %get3A_1118 : i32 to index
        %get3A_1120 = arith.index_cast %scan3A_238 : i32 to index
        %get3A_1121 = arith.constant 880 : index
        %get3A_1122 = tpu.vector_load %arg5[%get3A_1119, %get3A_1120, %get3A_1121] {strides = array<i32>} : memref<2x16x1024xf32, #tpu.memory_space<vmem>>, vector<1x1x16xf32>,
        %get3A_1123 = vector.shape_cast %get3A_1122 : vector<1x1x16xf32> to vector<16xf32>
        %get3A_1124 = arith.index_cast %scan3A_238 : i32 to index
        %get3A_1125 = arith.constant 880 : index
        %get3A_1126 = tpu.vector_load %arg7[%get3A_1124, %get3A_1125] {strides = array<i32>} : memref<16x1024xf32, #tpu.memory_space<vmem>>, vector<1x16xf32>,
        %get3A_1127 = vector.shape_cast %get3A_1126 : vector<1x16xf32> to vector<16xf32>
        %add3A_1128 = arith.addf %get3A_1123, %get3A_1127 : vector<16xf32>
        %swap3A_1129 = arith.index_cast %scan3A_238 : i32 to index
        %swap3A_1130 = arith.constant 880 : index
        %swap3A_1131 = tpu.vector_load %arg6[%swap3A_1129, %swap3A_1130] {strides = array<i32>} : memref<16x1024xf32, #tpu.memory_space<vmem>>, vector<1x16xf32>,
        %swap3A_1132 = vector.shape_cast %swap3A_1131 : vector<1x16xf32> to vector<16xf32>
        %swap3A_1133 = vector.shape_cast %add3A_1128 : vector<16xf32> to vector<1x16xf32>
        tpu.vector_store %arg6[%swap3A_1129, %swap3A_1130], %swap3A_1133 {strides = array<i32>} : memref<16x1024xf32, #tpu.memory_space<vmem>>, vector<1x16xf32>,
        %get3A_1134 = arith.constant 1 : i32
        %get3A_1135 = arith.index_cast %get3A_1134 : i32 to index
        %get3A_1136 = arith.index_cast %scan3A_238 : i32 to index
        %get3A_1137 = arith.constant 896 : index
        %get3A_1138 = tpu.vector_load %arg5[%get3A_1135, %get3A_1136, %get3A_1137] {strides = array<i32>} : memref<2x16x1024xf32, #tpu.memory_space<vmem>>, vector<1x1x16xf32>,
        %get3A_1139 = vector.shape_cast %get3A_1138 : vector<1x1x16xf32> to vector<16xf32>
        %get3A_1140 = arith.index_cast %scan3A_238 : i32 to index
        %get3A_1141 = arith.constant 896 : index
        %get3A_1142 = tpu.vector_load %arg7[%get3A_1140, %get3A_1141] {strides = array<i32>} : memref<16x1024xf32, #tpu.memory_space<vmem>>, vector<1x16xf32>,
        %get3A_1143 = vector.shape_cast %get3A_1142 : vector<1x16xf32> to vector<16xf32>
        %add3A_1144 = arith.addf %get3A_1139, %get3A_1143 : vector<16xf32>
        %swap3A_1145 = arith.index_cast %scan3A_238 : i32 to index
        %swap3A_1146 = arith.constant 896 : index
        %swap3A_1147 = tpu.vector_load %arg6[%swap3A_1145, %swap3A_1146] {strides = array<i32>} : memref<16x1024xf32, #tpu.memory_space<vmem>>, vector<1x16xf32>,
        %swap3A_1148 = vector.shape_cast %swap3A_1147 : vector<1x16xf32> to vector<16xf32>
        %swap3A_1149 = vector.shape_cast %add3A_1144 : vector<16xf32> to vector<1x16xf32>
        tpu.vector_store %arg6[%swap3A_1145, %swap3A_1146], %swap3A_1149 {strides = array<i32>} : memref<16x1024xf32, #tpu.memory_space<vmem>>, vector<1x16xf32>,
        %get3A_1150 = arith.constant 1 : i32
        %get3A_1151 = arith.index_cast %get3A_1150 : i32 to index
        %get3A_1152 = arith.index_cast %scan3A_238 : i32 to index
        %get3A_1153 = arith.constant 912 : index
        %get3A_1154 = tpu.vector_load %arg5[%get3A_1151, %get3A_1152, %get3A_1153] {strides = array<i32>} : memref<2x16x1024xf32, #tpu.memory_space<vmem>>, vector<1x1x16xf32>,
        %get3A_1155 = vector.shape_cast %get3A_1154 : vector<1x1x16xf32> to vector<16xf32>
        %get3A_1156 = arith.index_cast %scan3A_238 : i32 to index
        %get3A_1157 = arith.constant 912 : index
        %get3A_1158 = tpu.vector_load %arg7[%get3A_1156, %get3A_1157] {strides = array<i32>} : memref<16x1024xf32, #tpu.memory_space<vmem>>, vector<1x16xf32>,
        %get3A_1159 = vector.shape_cast %get3A_1158 : vector<1x16xf32> to vector<16xf32>
        %add3A_1160 = arith.addf %get3A_1155, %get3A_1159 : vector<16xf32>
        %swap3A_1161 = arith.index_cast %scan3A_238 : i32 to index
        %swap3A_1162 = arith.constant 912 : index
        %swap3A_1163 = tpu.vector_load %arg6[%swap3A_1161, %swap3A_1162] {strides = array<i32>} : memref<16x1024xf32, #tpu.memory_space<vmem>>, vector<1x16xf32>,
        %swap3A_1164 = vector.shape_cast %swap3A_1163 : vector<1x16xf32> to vector<16xf32>
        %swap3A_1165 = vector.shape_cast %add3A_1160 : vector<16xf32> to vector<1x16xf32>
        tpu.vector_store %arg6[%swap3A_1161, %swap3A_1162], %swap3A_1165 {strides = array<i32>} : memref<16x1024xf32, #tpu.memory_space<vmem>>, vector<1x16xf32>,
        %get3A_1166 = arith.constant 1 : i32
        %get3A_1167 = arith.index_cast %get3A_1166 : i32 to index
        %get3A_1168 = arith.index_cast %scan3A_238 : i32 to index
        %get3A_1169 = arith.constant 928 : index
        %get3A_1170 = tpu.vector_load %arg5[%get3A_1167, %get3A_1168, %get3A_1169] {strides = array<i32>} : memref<2x16x1024xf32, #tpu.memory_space<vmem>>, vector<1x1x16xf32>,
        %get3A_1171 = vector.shape_cast %get3A_1170 : vector<1x1x16xf32> to vector<16xf32>
        %get3A_1172 = arith.index_cast %scan3A_238 : i32 to index
        %get3A_1173 = arith.constant 928 : index
        %get3A_1174 = tpu.vector_load %arg7[%get3A_1172, %get3A_1173] {strides = array<i32>} : memref<16x1024xf32, #tpu.memory_space<vmem>>, vector<1x16xf32>,
        %get3A_1175 = vector.shape_cast %get3A_1174 : vector<1x16xf32> to vector<16xf32>
        %add3A_1176 = arith.addf %get3A_1171, %get3A_1175 : vector<16xf32>
        %swap3A_1177 = arith.index_cast %scan3A_238 : i32 to index
        %swap3A_1178 = arith.constant 928 : index
        %swap3A_1179 = tpu.vector_load %arg6[%swap3A_1177, %swap3A_1178] {strides = array<i32>} : memref<16x1024xf32, #tpu.memory_space<vmem>>, vector<1x16xf32>,
        %swap3A_1180 = vector.shape_cast %swap3A_1179 : vector<1x16xf32> to vector<16xf32>
        %swap3A_1181 = vector.shape_cast %add3A_1176 : vector<16xf32> to vector<1x16xf32>
        tpu.vector_store %arg6[%swap3A_1177, %swap3A_1178], %swap3A_1181 {strides = array<i32>} : memref<16x1024xf32, #tpu.memory_space<vmem>>, vector<1x16xf32>,
        %get3A_1182 = arith.constant 1 : i32
        %get3A_1183 = arith.index_cast %get3A_1182 : i32 to index
        %get3A_1184 = arith.index_cast %scan3A_238 : i32 to index
        %get3A_1185 = arith.constant 944 : index
        %get3A_1186 = tpu.vector_load %arg5[%get3A_1183, %get3A_1184, %get3A_1185] {strides = array<i32>} : memref<2x16x1024xf32, #tpu.memory_space<vmem>>, vector<1x1x16xf32>,
        %get3A_1187 = vector.shape_cast %get3A_1186 : vector<1x1x16xf32> to vector<16xf32>
        %get3A_1188 = arith.index_cast %scan3A_238 : i32 to index
        %get3A_1189 = arith.constant 944 : index
        %get3A_1190 = tpu.vector_load %arg7[%get3A_1188, %get3A_1189] {strides = array<i32>} : memref<16x1024xf32, #tpu.memory_space<vmem>>, vector<1x16xf32>,
        %get3A_1191 = vector.shape_cast %get3A_1190 : vector<1x16xf32> to vector<16xf32>
        %add3A_1192 = arith.addf %get3A_1187, %get3A_1191 : vector<16xf32>
        %swap3A_1193 = arith.index_cast %scan3A_238 : i32 to index
        %swap3A_1194 = arith.constant 944 : index
        %swap3A_1195 = tpu.vector_load %arg6[%swap3A_1193, %swap3A_1194] {strides = array<i32>} : memref<16x1024xf32, #tpu.memory_space<vmem>>, vector<1x16xf32>,
        %swap3A_1196 = vector.shape_cast %swap3A_1195 : vector<1x16xf32> to vector<16xf32>
        %swap3A_1197 = vector.shape_cast %add3A_1192 : vector<16xf32> to vector<1x16xf32>
        tpu.vector_store %arg6[%swap3A_1193, %swap3A_1194], %swap3A_1197 {strides = array<i32>} : memref<16x1024xf32, #tpu.memory_space<vmem>>, vector<1x16xf32>,
        %get3A_1198 = arith.constant 1 : i32
        %get3A_1199 = arith.index_cast %get3A_1198 : i32 to index
        %get3A_1200 = arith.index_cast %scan3A_238 : i32 to index
        %get3A_1201 = arith.constant 960 : index
        %get3A_1202 = tpu.vector_load %arg5[%get3A_1199, %get3A_1200, %get3A_1201] {strides = array<i32>} : memref<2x16x1024xf32, #tpu.memory_space<vmem>>, vector<1x1x16xf32>,
        %get3A_1203 = vector.shape_cast %get3A_1202 : vector<1x1x16xf32> to vector<16xf32>
        %get3A_1204 = arith.index_cast %scan3A_238 : i32 to index
        %get3A_1205 = arith.constant 960 : index
        %get3A_1206 = tpu.vector_load %arg7[%get3A_1204, %get3A_1205] {strides = array<i32>} : memref<16x1024xf32, #tpu.memory_space<vmem>>, vector<1x16xf32>,
        %get3A_1207 = vector.shape_cast %get3A_1206 : vector<1x16xf32> to vector<16xf32>
        %add3A_1208 = arith.addf %get3A_1203, %get3A_1207 : vector<16xf32>
        %swap3A_1209 = arith.index_cast %scan3A_238 : i32 to index
        %swap3A_1210 = arith.constant 960 : index
        %swap3A_1211 = tpu.vector_load %arg6[%swap3A_1209, %swap3A_1210] {strides = array<i32>} : memref<16x1024xf32, #tpu.memory_space<vmem>>, vector<1x16xf32>,
        %swap3A_1212 = vector.shape_cast %swap3A_1211 : vector<1x16xf32> to vector<16xf32>
        %swap3A_1213 = vector.shape_cast %add3A_1208 : vector<16xf32> to vector<1x16xf32>
        tpu.vector_store %arg6[%swap3A_1209, %swap3A_1210], %swap3A_1213 {strides = array<i32>} : memref<16x1024xf32, #tpu.memory_space<vmem>>, vector<1x16xf32>,
        %get3A_1214 = arith.constant 1 : i32
        %get3A_1215 = arith.index_cast %get3A_1214 : i32 to index
        %get3A_1216 = arith.index_cast %scan3A_238 : i32 to index
        %get3A_1217 = arith.constant 976 : index
        %get3A_1218 = tpu.vector_load %arg5[%get3A_1215, %get3A_1216, %get3A_1217] {strides = array<i32>} : memref<2x16x1024xf32, #tpu.memory_space<vmem>>, vector<1x1x16xf32>,
        %get3A_1219 = vector.shape_cast %get3A_1218 : vector<1x1x16xf32> to vector<16xf32>
        %get3A_1220 = arith.index_cast %scan3A_238 : i32 to index
        %get3A_1221 = arith.constant 976 : index
        %get3A_1222 = tpu.vector_load %arg7[%get3A_1220, %get3A_1221] {strides = array<i32>} : memref<16x1024xf32, #tpu.memory_space<vmem>>, vector<1x16xf32>,
        %get3A_1223 = vector.shape_cast %get3A_1222 : vector<1x16xf32> to vector<16xf32>
        %add3A_1224 = arith.addf %get3A_1219, %get3A_1223 : vector<16xf32>
        %swap3A_1225 = arith.index_cast %scan3A_238 : i32 to index
        %swap3A_1226 = arith.constant 976 : index
        %swap3A_1227 = tpu.vector_load %arg6[%swap3A_1225, %swap3A_1226] {strides = array<i32>} : memref<16x1024xf32, #tpu.memory_space<vmem>>, vector<1x16xf32>,
        %swap3A_1228 = vector.shape_cast %swap3A_1227 : vector<1x16xf32> to vector<16xf32>
        %swap3A_1229 = vector.shape_cast %add3A_1224 : vector<16xf32> to vector<1x16xf32>
        tpu.vector_store %arg6[%swap3A_1225, %swap3A_1226], %swap3A_1229 {strides = array<i32>} : memref<16x1024xf32, #tpu.memory_space<vmem>>, vector<1x16xf32>,
        %get3A_1230 = arith.constant 1 : i32
        %get3A_1231 = arith.index_cast %get3A_1230 : i32 to index
        %get3A_1232 = arith.index_cast %scan3A_238 : i32 to index
        %get3A_1233 = arith.constant 992 : index
        %get3A_1234 = tpu.vector_load %arg5[%get3A_1231, %get3A_1232, %get3A_1233] {strides = array<i32>} : memref<2x16x1024xf32, #tpu.memory_space<vmem>>, vector<1x1x16xf32>,
        %get3A_1235 = vector.shape_cast %get3A_1234 : vector<1x1x16xf32> to vector<16xf32>
        %get3A_1236 = arith.index_cast %scan3A_238 : i32 to index
        %get3A_1237 = arith.constant 992 : index
        %get3A_1238 = tpu.vector_load %arg7[%get3A_1236, %get3A_1237] {strides = array<i32>} : memref<16x1024xf32, #tpu.memory_space<vmem>>, vector<1x16xf32>,
        %get3A_1239 = vector.shape_cast %get3A_1238 : vector<1x16xf32> to vector<16xf32>
        %add3A_1240 = arith.addf %get3A_1235, %get3A_1239 : vector<16xf32>
        %swap3A_1241 = arith.index_cast %scan3A_238 : i32 to index
        %swap3A_1242 = arith.constant 992 : index
        %swap3A_1243 = tpu.vector_load %arg6[%swap3A_1241, %swap3A_1242] {strides = array<i32>} : memref<16x1024xf32, #tpu.memory_space<vmem>>, vector<1x16xf32>,
        %swap3A_1244 = vector.shape_cast %swap3A_1243 : vector<1x16xf32> to vector<16xf32>
        %swap3A_1245 = vector.shape_cast %add3A_1240 : vector<16xf32> to vector<1x16xf32>
        tpu.vector_store %arg6[%swap3A_1241, %swap3A_1242], %swap3A_1245 {strides = array<i32>} : memref<16x1024xf32, #tpu.memory_space<vmem>>, vector<1x16xf32>,
        %get3A_1246 = arith.constant 1 : i32
        %get3A_1247 = arith.index_cast %get3A_1246 : i32 to index
        %get3A_1248 = arith.index_cast %scan3A_238 : i32 to index
        %get3A_1249 = arith.constant 1008 : index
        %get3A_1250 = tpu.vector_load %arg5[%get3A_1247, %get3A_1248, %get3A_1249] {strides = array<i32>} : memref<2x16x1024xf32, #tpu.memory_space<vmem>>, vector<1x1x16xf32>,
        %get3A_1251 = vector.shape_cast %get3A_1250 : vector<1x1x16xf32> to vector<16xf32>
        %get3A_1252 = arith.index_cast %scan3A_238 : i32 to index
        %get3A_1253 = arith.constant 1008 : index
        %get3A_1254 = tpu.vector_load %arg7[%get3A_1252, %get3A_1253] {strides = array<i32>} : memref<16x1024xf32, #tpu.memory_space<vmem>>, vector<1x16xf32>,
        %get3A_1255 = vector.shape_cast %get3A_1254 : vector<1x16xf32> to vector<16xf32>
        %add3A_1256 = arith.addf %get3A_1251, %get3A_1255 : vector<16xf32>
        %swap3A_1257 = arith.index_cast %scan3A_238 : i32 to index
        %swap3A_1258 = arith.constant 1008 : index
        %swap3A_1259 = tpu.vector_load %arg6[%swap3A_1257, %swap3A_1258] {strides = array<i32>} : memref<16x1024xf32, #tpu.memory_space<vmem>>, vector<1x16xf32>,
        %swap3A_1260 = vector.shape_cast %swap3A_1259 : vector<1x16xf32> to vector<16xf32>
        %swap3A_1261 = vector.shape_cast %add3A_1256 : vector<16xf32> to vector<1x16xf32>
        tpu.vector_store %arg6[%swap3A_1257, %swap3A_1258], %swap3A_1261 {strides = array<i32>} : memref<16x1024xf32, #tpu.memory_space<vmem>>, vector<1x16xf32>,
        %scan3A_1262 = arith.constant 0 : i32
        scf.yield %scan3A_1262 : i32
      }
      %scan3A_147 = arith.constant 16 : i32
      %run_scoped3A_148 = arith.constant 1 : i32
      "tpu.region"() ({
        %run_scoped3A_238 = tpu.sem_alloc : memref<!tpu.dma_semaphore, #tpu.memory_space<semaphore_mem>>
        %dma_start3A_239 = arith.constant 0 : i32
        %dma_start3A_240 = tpu.memref_slice %arg4[%run_scoped3A_148, %add3A_13, %dma_start3A_239] : memref<4x1024x1024xf32, #tpu.memory_space<hbm>> -> memref<1x16x1024xf32, #tpu.memory_space<hbm>>
        %dma_start3A_241 = tpu.memref_squeeze %dma_start3A_240 : memref<1x16x1024xf32, #tpu.memory_space<hbm>> -> memref<16x1024xf32, #tpu.memory_space<hbm>>
        %dma_start3A_242 = arith.constant 0 : i32
        %dma_start3A_243 = tpu.memref_slice %arg4[%run_scoped3A_148, %add3A_13, %dma_start3A_242] : memref<4x1024x1024xf32, #tpu.memory_space<hbm>> -> memref<1x16x1024xf32, #tpu.memory_space<hbm>>
        %dma_start3A_244 = tpu.memref_squeeze %dma_start3A_243 : memref<1x16x1024xf32, #tpu.memory_space<hbm>> -> memref<16x1024xf32, #tpu.memory_space<hbm>>
        tpu.enqueue_dma source(%arg6 : memref<16x1024xf32, #tpu.memory_space<vmem>>) target(%dma_start3A_244 : memref<16x1024xf32, #tpu.memory_space<hbm>>) target_semaphore(%run_scoped3A_238 : memref<!tpu.dma_semaphore, #tpu.memory_space<semaphore_mem>>)
        %dma_wait3A_245 = arith.constant 0 : i32
        %dma_wait3A_246 = tpu.memref_slice %arg4[%run_scoped3A_148, %add3A_13, %dma_wait3A_245] : memref<4x1024x1024xf32, #tpu.memory_space<hbm>> -> memref<1x16x1024xf32, #tpu.memory_space<hbm>>
        %dma_wait3A_247 = tpu.memref_squeeze %dma_wait3A_246 : memref<1x16x1024xf32, #tpu.memory_space<hbm>> -> memref<16x1024xf32, #tpu.memory_space<hbm>>
        %dma_wait3A_248 = arith.constant 0 : i32
        %dma_wait3A_249 = tpu.memref_slice %arg4[%run_scoped3A_148, %add3A_13, %dma_wait3A_248] : memref<4x1024x1024xf32, #tpu.memory_space<hbm>> -> memref<1x16x1024xf32, #tpu.memory_space<hbm>>
        %dma_wait3A_250 = tpu.memref_squeeze %dma_wait3A_249 : memref<1x16x1024xf32, #tpu.memory_space<hbm>> -> memref<16x1024xf32, #tpu.memory_space<hbm>>
        tpu.wait_dma2 semaphore(%run_scoped3A_238 : memref<!tpu.dma_semaphore, #tpu.memory_space<semaphore_mem>>) src(%arg6 : memref<16x1024xf32, #tpu.memory_space<vmem>>) dst(%dma_wait3A_250 : memref<16x1024xf32, #tpu.memory_space<hbm>>)
        tpu.yield
      }) : () -> ()
      %add3A_149 = arith.constant 7168 : i32
      %add3A_150 = arith.addi %add3A_149, %mul3A_2 : i32
      %mul3A_151 = arith.constant 16 : i32
      %mul3A_152 = arith.muli %scan3A_9, %mul3A_151 : i32
      %add3A_153 = arith.addi %add3A_150, %mul3A_152 : i32
      %dma_wait3A_154 = arith.constant 2 : i32
      %dma_wait3A_155 = arith.constant 0 : i32
      %dma_wait3A_156 = arith.constant 0 : i32
      %dma_wait3A_157 = arith.constant 0 : i32
      %dma_wait3A_158 = arith.constant 0 : i32
      %dma_wait3A_159 = tpu.memref_slice %arg5[%dma_wait3A_155, %dma_wait3A_157, %dma_wait3A_158] : memref<2x16x1024xf32, #tpu.memory_space<vmem>> -> memref<1x16x1024xf32, #tpu.memory_space<vmem>>
      %dma_wait3A_160 = tpu.memref_squeeze %dma_wait3A_159 : memref<1x16x1024xf32, #tpu.memory_space<vmem>> -> memref<16x1024xf32, #tpu.memory_space<vmem>>
      %dma_wait3A_161 = arith.constant 0 : i32
      %dma_wait3A_162 = tpu.memref_slice %arg2[%dma_wait3A_154, %add3A_153, %dma_wait3A_161] : memref<4x8192x1024xf32, #tpu.memory_space<hbm>> -> memref<1x16x1024xf32, #tpu.memory_space<hbm>>
      %dma_wait3A_163 = tpu.memref_squeeze %dma_wait3A_162 : memref<1x16x1024xf32, #tpu.memory_space<hbm>> -> memref<16x1024xf32, #tpu.memory_space<hbm>>
      %dma_wait3A_164 = tpu.memref_slice %arg8[%dma_wait3A_156] : memref<2x!tpu.dma_semaphore, #tpu.memory_space<semaphore_mem>> -> memref<1x!tpu.dma_semaphore, #tpu.memory_space<semaphore_mem>>
      %dma_wait3A_165 = tpu.memref_squeeze %dma_wait3A_164 : memref<1x!tpu.dma_semaphore, #tpu.memory_space<semaphore_mem>> -> memref<!tpu.dma_semaphore, #tpu.memory_space<semaphore_mem>>
      %dma_wait3A_166 = arith.constant 0 : i32
      %dma_wait3A_167 = arith.constant 0 : i32
      %dma_wait3A_168 = tpu.memref_slice %arg5[%dma_wait3A_155, %dma_wait3A_166, %dma_wait3A_167] : memref<2x16x1024xf32, #tpu.memory_space<vmem>> -> memref<1x16x1024xf32, #tpu.memory_space<vmem>>
      %dma_wait3A_169 = tpu.memref_squeeze %dma_wait3A_168 : memref<1x16x1024xf32, #tpu.memory_space<vmem>> -> memref<16x1024xf32, #tpu.memory_space<vmem>>
      %dma_wait3A_170 = arith.constant 0 : i32
      %dma_wait3A_171 = tpu.memref_slice %arg2[%dma_wait3A_154, %add3A_153, %dma_wait3A_170] : memref<4x8192x1024xf32, #tpu.memory_space<hbm>> -> memref<1x16x1024xf32, #tpu.memory_space<hbm>>
      %dma_wait3A_172 = tpu.memref_squeeze %dma_wait3A_171 : memref<1x16x1024xf32, #tpu.memory_space<hbm>> -> memref<16x1024xf32, #tpu.memory_space<hbm>>
      tpu.wait_dma2 semaphore(%dma_wait3A_165 : memref<!tpu.dma_semaphore, #tpu.memory_space<semaphore_mem>>) src(%dma_wait3A_172 : memref<16x1024xf32, #tpu.memory_space<hbm>>) dst(%dma_wait3A_169 : memref<16x1024xf32, #tpu.memory_space<vmem>>)
      %add3A_173 = arith.constant 7168 : i32
      %add3A_174 = arith.addi %add3A_173, %mul3A_2 : i32
      %mul3A_175 = arith.constant 16 : i32
      %mul3A_176 = arith.muli %scan3A_9, %mul3A_175 : i32
      %add3A_177 = arith.addi %add3A_174, %mul3A_176 : i32
      %dma_start3A_178 = arith.constant 3 : i32
      %dma_start3A_179 = arith.constant 1 : i32
      %dma_start3A_180 = arith.constant 1 : i32
      %dma_start3A_181 = arith.constant 0 : i32
      %dma_start3A_182 = arith.constant 0 : i32
      %dma_start3A_183 = tpu.memref_slice %arg5[%dma_start3A_179, %dma_start3A_181, %dma_start3A_182] : memref<2x16x1024xf32, #tpu.memory_space<vmem>> -> memref<1x16x1024xf32, #tpu.memory_space<vmem>>
      %dma_start3A_184 = tpu.memref_squeeze %dma_start3A_183 : memref<1x16x1024xf32, #tpu.memory_space<vmem>> -> memref<16x1024xf32, #tpu.memory_space<vmem>>
      %dma_start3A_185 = arith.constant 0 : i32
      %dma_start3A_186 = tpu.memref_slice %arg2[%dma_start3A_178, %add3A_177, %dma_start3A_185] : memref<4x8192x1024xf32, #tpu.memory_space<hbm>> -> memref<1x16x1024xf32, #tpu.memory_space<hbm>>
      %dma_start3A_187 = tpu.memref_squeeze %dma_start3A_186 : memref<1x16x1024xf32, #tpu.memory_space<hbm>> -> memref<16x1024xf32, #tpu.memory_space<hbm>>
      %dma_start3A_188 = tpu.memref_slice %arg8[%dma_start3A_180] : memref<2x!tpu.dma_semaphore, #tpu.memory_space<semaphore_mem>> -> memref<1x!tpu.dma_semaphore, #tpu.memory_space<semaphore_mem>>
      %dma_start3A_189 = tpu.memref_squeeze %dma_start3A_188 : memref<1x!tpu.dma_semaphore, #tpu.memory_space<semaphore_mem>> -> memref<!tpu.dma_semaphore, #tpu.memory_space<semaphore_mem>>
      %dma_start3A_190 = arith.constant 0 : i32
      %dma_start3A_191 = arith.constant 0 : i32
      %dma_start3A_192 = tpu.memref_slice %arg5[%dma_start3A_179, %dma_start3A_190, %dma_start3A_191] : memref<2x16x1024xf32, #tpu.memory_space<vmem>> -> memref<1x16x1024xf32, #tpu.memory_space<vmem>>
      %dma_start3A_193 = tpu.memref_squeeze %dma_start3A_192 : memref<1x16x1024xf32, #tpu.memory_space<vmem>> -> memref<16x1024xf32, #tpu.memory_space<vmem>>
      %dma_start3A_194 = arith.constant 0 : i32
      %dma_start3A_195 = tpu.memref_slice %arg2[%dma_start3A_178, %add3A_177, %dma_start3A_194] : memref<4x8192x1024xf32, #tpu.memory_space<hbm>> -> memref<1x16x1024xf32, #tpu.memory_space<hbm>>
      %dma_start3A_196 = tpu.memref_squeeze %dma_start3A_195 : memref<1x16x1024xf32, #tpu.memory_space<hbm>> -> memref<16x1024xf32, #tpu.memory_space<hbm>>
      tpu.enqueue_dma source(%dma_start3A_196 : memref<16x1024xf32, #tpu.memory_space<hbm>>) target(%dma_start3A_193 : memref<16x1024xf32, #tpu.memory_space<vmem>>) target_semaphore(%dma_start3A_189 : memref<!tpu.dma_semaphore, #tpu.memory_space<semaphore_mem>>)
      %scan3A_197 = arith.constant 0 : i32
      %scan3A_198 = arith.constant 0 : i32
      %scan3A_199 = arith.constant 16 : i32
      %scan3A_200 = arith.addi %scan3A_198, %scan3A_199 : i32
      %scan3A_201 = arith.constant 1 : i32
      %scan3A_202 = scf.for %scan3A_238 = %scan3A_198 to %scan3A_200 step %scan3A_201 iter_args(%scan3A_239 = %scan3A_197) -> (i32)  : i32 {
        %get3A = arith.constant 0 : i32
        %get3A_240 = arith.index_cast %get3A : i32 to index
        %get3A_241 = arith.index_cast %scan3A_238 : i32 to index
        %get3A_242 = arith.constant 0 : index
        %get3A_243 = tpu.vector_load %arg5[%get3A_240, %get3A_241, %get3A_242] {strides = array<i32>} : memref<2x16x1024xf32, #tpu.memory_space<vmem>>, vector<1x1x16xf32>,
        %get3A_244 = vector.shape_cast %get3A_243 : vector<1x1x16xf32> to vector<16xf32>
        %get3A_245 = arith.index_cast %scan3A_238 : i32 to index
        %get3A_246 = arith.constant 0 : index
        %get3A_247 = tpu.vector_load %arg7[%get3A_245, %get3A_246] {strides = array<i32>} : memref<16x1024xf32, #tpu.memory_space<vmem>>, vector<1x16xf32>,
        %get3A_248 = vector.shape_cast %get3A_247 : vector<1x16xf32> to vector<16xf32>
        %add3A_249 = arith.addf %get3A_244, %get3A_248 : vector<16xf32>
        %swap3A = arith.index_cast %scan3A_238 : i32 to index
        %swap3A_250 = arith.constant 0 : index
        %swap3A_251 = tpu.vector_load %arg6[%swap3A, %swap3A_250] {strides = array<i32>} : memref<16x1024xf32, #tpu.memory_space<vmem>>, vector<1x16xf32>,
        %swap3A_252 = vector.shape_cast %swap3A_251 : vector<1x16xf32> to vector<16xf32>
        %swap3A_253 = vector.shape_cast %add3A_249 : vector<16xf32> to vector<1x16xf32>
        tpu.vector_store %arg6[%swap3A, %swap3A_250], %swap3A_253 {strides = array<i32>} : memref<16x1024xf32, #tpu.memory_space<vmem>>, vector<1x16xf32>,
        %get3A_254 = arith.constant 0 : i32
        %get3A_255 = arith.index_cast %get3A_254 : i32 to index
        %get3A_256 = arith.index_cast %scan3A_238 : i32 to index
        %get3A_257 = arith.constant 16 : index
        %get3A_258 = tpu.vector_load %arg5[%get3A_255, %get3A_256, %get3A_257] {strides = array<i32>} : memref<2x16x1024xf32, #tpu.memory_space<vmem>>, vector<1x1x16xf32>,
        %get3A_259 = vector.shape_cast %get3A_258 : vector<1x1x16xf32> to vector<16xf32>
        %get3A_260 = arith.index_cast %scan3A_238 : i32 to index
        %get3A_261 = arith.constant 16 : index
        %get3A_262 = tpu.vector_load %arg7[%get3A_260, %get3A_261] {strides = array<i32>} : memref<16x1024xf32, #tpu.memory_space<vmem>>, vector<1x16xf32>,
        %get3A_263 = vector.shape_cast %get3A_262 : vector<1x16xf32> to vector<16xf32>
        %add3A_264 = arith.addf %get3A_259, %get3A_263 : vector<16xf32>
        %swap3A_265 = arith.index_cast %scan3A_238 : i32 to index
        %swap3A_266 = arith.constant 16 : index
        %swap3A_267 = tpu.vector_load %arg6[%swap3A_265, %swap3A_266] {strides = array<i32>} : memref<16x1024xf32, #tpu.memory_space<vmem>>, vector<1x16xf32>,
        %swap3A_268 = vector.shape_cast %swap3A_267 : vector<1x16xf32> to vector<16xf32>
        %swap3A_269 = vector.shape_cast %add3A_264 : vector<16xf32> to vector<1x16xf32>
        tpu.vector_store %arg6[%swap3A_265, %swap3A_266], %swap3A_269 {strides = array<i32>} : memref<16x1024xf32, #tpu.memory_space<vmem>>, vector<1x16xf32>,
        %get3A_270 = arith.constant 0 : i32
        %get3A_271 = arith.index_cast %get3A_270 : i32 to index
        %get3A_272 = arith.index_cast %scan3A_238 : i32 to index
        %get3A_273 = arith.constant 32 : index
        %get3A_274 = tpu.vector_load %arg5[%get3A_271, %get3A_272, %get3A_273] {strides = array<i32>} : memref<2x16x1024xf32, #tpu.memory_space<vmem>>, vector<1x1x16xf32>,
        %get3A_275 = vector.shape_cast %get3A_274 : vector<1x1x16xf32> to vector<16xf32>
        %get3A_276 = arith.index_cast %scan3A_238 : i32 to index
        %get3A_277 = arith.constant 32 : index
        %get3A_278 = tpu.vector_load %arg7[%get3A_276, %get3A_277] {strides = array<i32>} : memref<16x1024xf32, #tpu.memory_space<vmem>>, vector<1x16xf32>,
        %get3A_279 = vector.shape_cast %get3A_278 : vector<1x16xf32> to vector<16xf32>
        %add3A_280 = arith.addf %get3A_275, %get3A_279 : vector<16xf32>
        %swap3A_281 = arith.index_cast %scan3A_238 : i32 to index
        %swap3A_282 = arith.constant 32 : index
        %swap3A_283 = tpu.vector_load %arg6[%swap3A_281, %swap3A_282] {strides = array<i32>} : memref<16x1024xf32, #tpu.memory_space<vmem>>, vector<1x16xf32>,
        %swap3A_284 = vector.shape_cast %swap3A_283 : vector<1x16xf32> to vector<16xf32>
        %swap3A_285 = vector.shape_cast %add3A_280 : vector<16xf32> to vector<1x16xf32>
        tpu.vector_store %arg6[%swap3A_281, %swap3A_282], %swap3A_285 {strides = array<i32>} : memref<16x1024xf32, #tpu.memory_space<vmem>>, vector<1x16xf32>,
        %get3A_286 = arith.constant 0 : i32
        %get3A_287 = arith.index_cast %get3A_286 : i32 to index
        %get3A_288 = arith.index_cast %scan3A_238 : i32 to index
        %get3A_289 = arith.constant 48 : index
        %get3A_290 = tpu.vector_load %arg5[%get3A_287, %get3A_288, %get3A_289] {strides = array<i32>} : memref<2x16x1024xf32, #tpu.memory_space<vmem>>, vector<1x1x16xf32>,
        %get3A_291 = vector.shape_cast %get3A_290 : vector<1x1x16xf32> to vector<16xf32>
        %get3A_292 = arith.index_cast %scan3A_238 : i32 to index
        %get3A_293 = arith.constant 48 : index
        %get3A_294 = tpu.vector_load %arg7[%get3A_292, %get3A_293] {strides = array<i32>} : memref<16x1024xf32, #tpu.memory_space<vmem>>, vector<1x16xf32>,
        %get3A_295 = vector.shape_cast %get3A_294 : vector<1x16xf32> to vector<16xf32>
        %add3A_296 = arith.addf %get3A_291, %get3A_295 : vector<16xf32>
        %swap3A_297 = arith.index_cast %scan3A_238 : i32 to index
        %swap3A_298 = arith.constant 48 : index
        %swap3A_299 = tpu.vector_load %arg6[%swap3A_297, %swap3A_298] {strides = array<i32>} : memref<16x1024xf32, #tpu.memory_space<vmem>>, vector<1x16xf32>,
        %swap3A_300 = vector.shape_cast %swap3A_299 : vector<1x16xf32> to vector<16xf32>
        %swap3A_301 = vector.shape_cast %add3A_296 : vector<16xf32> to vector<1x16xf32>
        tpu.vector_store %arg6[%swap3A_297, %swap3A_298], %swap3A_301 {strides = array<i32>} : memref<16x1024xf32, #tpu.memory_space<vmem>>, vector<1x16xf32>,
        %get3A_302 = arith.constant 0 : i32
        %get3A_303 = arith.index_cast %get3A_302 : i32 to index
        %get3A_304 = arith.index_cast %scan3A_238 : i32 to index
        %get3A_305 = arith.constant 64 : index
        %get3A_306 = tpu.vector_load %arg5[%get3A_303, %get3A_304, %get3A_305] {strides = array<i32>} : memref<2x16x1024xf32, #tpu.memory_space<vmem>>, vector<1x1x16xf32>,
        %get3A_307 = vector.shape_cast %get3A_306 : vector<1x1x16xf32> to vector<16xf32>
        %get3A_308 = arith.index_cast %scan3A_238 : i32 to index
        %get3A_309 = arith.constant 64 : index
        %get3A_310 = tpu.vector_load %arg7[%get3A_308, %get3A_309] {strides = array<i32>} : memref<16x1024xf32, #tpu.memory_space<vmem>>, vector<1x16xf32>,
        %get3A_311 = vector.shape_cast %get3A_310 : vector<1x16xf32> to vector<16xf32>
        %add3A_312 = arith.addf %get3A_307, %get3A_311 : vector<16xf32>
        %swap3A_313 = arith.index_cast %scan3A_238 : i32 to index
        %swap3A_314 = arith.constant 64 : index
        %swap3A_315 = tpu.vector_load %arg6[%swap3A_313, %swap3A_314] {strides = array<i32>} : memref<16x1024xf32, #tpu.memory_space<vmem>>, vector<1x16xf32>,
        %swap3A_316 = vector.shape_cast %swap3A_315 : vector<1x16xf32> to vector<16xf32>
        %swap3A_317 = vector.shape_cast %add3A_312 : vector<16xf32> to vector<1x16xf32>
        tpu.vector_store %arg6[%swap3A_313, %swap3A_314], %swap3A_317 {strides = array<i32>} : memref<16x1024xf32, #tpu.memory_space<vmem>>, vector<1x16xf32>,
        %get3A_318 = arith.constant 0 : i32
        %get3A_319 = arith.index_cast %get3A_318 : i32 to index
        %get3A_320 = arith.index_cast %scan3A_238 : i32 to index
        %get3A_321 = arith.constant 80 : index
        %get3A_322 = tpu.vector_load %arg5[%get3A_319, %get3A_320, %get3A_321] {strides = array<i32>} : memref<2x16x1024xf32, #tpu.memory_space<vmem>>, vector<1x1x16xf32>,
        %get3A_323 = vector.shape_cast %get3A_322 : vector<1x1x16xf32> to vector<16xf32>
        %get3A_324 = arith.index_cast %scan3A_238 : i32 to index
        %get3A_325 = arith.constant 80 : index
        %get3A_326 = tpu.vector_load %arg7[%get3A_324, %get3A_325] {strides = array<i32>} : memref<16x1024xf32, #tpu.memory_space<vmem>>, vector<1x16xf32>,
        %get3A_327 = vector.shape_cast %get3A_326 : vector<1x16xf32> to vector<16xf32>
        %add3A_328 = arith.addf %get3A_323, %get3A_327 : vector<16xf32>
        %swap3A_329 = arith.index_cast %scan3A_238 : i32 to index
        %swap3A_330 = arith.constant 80 : index
        %swap3A_331 = tpu.vector_load %arg6[%swap3A_329, %swap3A_330] {strides = array<i32>} : memref<16x1024xf32, #tpu.memory_space<vmem>>, vector<1x16xf32>,
        %swap3A_332 = vector.shape_cast %swap3A_331 : vector<1x16xf32> to vector<16xf32>
        %swap3A_333 = vector.shape_cast %add3A_328 : vector<16xf32> to vector<1x16xf32>
        tpu.vector_store %arg6[%swap3A_329, %swap3A_330], %swap3A_333 {strides = array<i32>} : memref<16x1024xf32, #tpu.memory_space<vmem>>, vector<1x16xf32>,
        %get3A_334 = arith.constant 0 : i32
        %get3A_335 = arith.index_cast %get3A_334 : i32 to index
        %get3A_336 = arith.index_cast %scan3A_238 : i32 to index
        %get3A_337 = arith.constant 96 : index
        %get3A_338 = tpu.vector_load %arg5[%get3A_335, %get3A_336, %get3A_337] {strides = array<i32>} : memref<2x16x1024xf32, #tpu.memory_space<vmem>>, vector<1x1x16xf32>,
        %get3A_339 = vector.shape_cast %get3A_338 : vector<1x1x16xf32> to vector<16xf32>
        %get3A_340 = arith.index_cast %scan3A_238 : i32 to index
        %get3A_341 = arith.constant 96 : index
        %get3A_342 = tpu.vector_load %arg7[%get3A_340, %get3A_341] {strides = array<i32>} : memref<16x1024xf32, #tpu.memory_space<vmem>>, vector<1x16xf32>,
        %get3A_343 = vector.shape_cast %get3A_342 : vector<1x16xf32> to vector<16xf32>
        %add3A_344 = arith.addf %get3A_339, %get3A_343 : vector<16xf32>
        %swap3A_345 = arith.index_cast %scan3A_238 : i32 to index
        %swap3A_346 = arith.constant 96 : index
        %swap3A_347 = tpu.vector_load %arg6[%swap3A_345, %swap3A_346] {strides = array<i32>} : memref<16x1024xf32, #tpu.memory_space<vmem>>, vector<1x16xf32>,
        %swap3A_348 = vector.shape_cast %swap3A_347 : vector<1x16xf32> to vector<16xf32>
        %swap3A_349 = vector.shape_cast %add3A_344 : vector<16xf32> to vector<1x16xf32>
        tpu.vector_store %arg6[%swap3A_345, %swap3A_346], %swap3A_349 {strides = array<i32>} : memref<16x1024xf32, #tpu.memory_space<vmem>>, vector<1x16xf32>,
        %get3A_350 = arith.constant 0 : i32
        %get3A_351 = arith.index_cast %get3A_350 : i32 to index
        %get3A_352 = arith.index_cast %scan3A_238 : i32 to index
        %get3A_353 = arith.constant 112 : index
        %get3A_354 = tpu.vector_load %arg5[%get3A_351, %get3A_352, %get3A_353] {strides = array<i32>} : memref<2x16x1024xf32, #tpu.memory_space<vmem>>, vector<1x1x16xf32>,
        %get3A_355 = vector.shape_cast %get3A_354 : vector<1x1x16xf32> to vector<16xf32>
        %get3A_356 = arith.index_cast %scan3A_238 : i32 to index
        %get3A_357 = arith.constant 112 : index
        %get3A_358 = tpu.vector_load %arg7[%get3A_356, %get3A_357] {strides = array<i32>} : memref<16x1024xf32, #tpu.memory_space<vmem>>, vector<1x16xf32>,
        %get3A_359 = vector.shape_cast %get3A_358 : vector<1x16xf32> to vector<16xf32>
        %add3A_360 = arith.addf %get3A_355, %get3A_359 : vector<16xf32>
        %swap3A_361 = arith.index_cast %scan3A_238 : i32 to index
        %swap3A_362 = arith.constant 112 : index
        %swap3A_363 = tpu.vector_load %arg6[%swap3A_361, %swap3A_362] {strides = array<i32>} : memref<16x1024xf32, #tpu.memory_space<vmem>>, vector<1x16xf32>,
        %swap3A_364 = vector.shape_cast %swap3A_363 : vector<1x16xf32> to vector<16xf32>
        %swap3A_365 = vector.shape_cast %add3A_360 : vector<16xf32> to vector<1x16xf32>
        tpu.vector_store %arg6[%swap3A_361, %swap3A_362], %swap3A_365 {strides = array<i32>} : memref<16x1024xf32, #tpu.memory_space<vmem>>, vector<1x16xf32>,
        %get3A_366 = arith.constant 0 : i32
        %get3A_367 = arith.index_cast %get3A_366 : i32 to index
        %get3A_368 = arith.index_cast %scan3A_238 : i32 to index
        %get3A_369 = arith.constant 128 : index
        %get3A_370 = tpu.vector_load %arg5[%get3A_367, %get3A_368, %get3A_369] {strides = array<i32>} : memref<2x16x1024xf32, #tpu.memory_space<vmem>>, vector<1x1x16xf32>,
        %get3A_371 = vector.shape_cast %get3A_370 : vector<1x1x16xf32> to vector<16xf32>
        %get3A_372 = arith.index_cast %scan3A_238 : i32 to index
        %get3A_373 = arith.constant 128 : index
        %get3A_374 = tpu.vector_load %arg7[%get3A_372, %get3A_373] {strides = array<i32>} : memref<16x1024xf32, #tpu.memory_space<vmem>>, vector<1x16xf32>,
        %get3A_375 = vector.shape_cast %get3A_374 : vector<1x16xf32> to vector<16xf32>
        %add3A_376 = arith.addf %get3A_371, %get3A_375 : vector<16xf32>
        %swap3A_377 = arith.index_cast %scan3A_238 : i32 to index
        %swap3A_378 = arith.constant 128 : index
        %swap3A_379 = tpu.vector_load %arg6[%swap3A_377, %swap3A_378] {strides = array<i32>} : memref<16x1024xf32, #tpu.memory_space<vmem>>, vector<1x16xf32>,
        %swap3A_380 = vector.shape_cast %swap3A_379 : vector<1x16xf32> to vector<16xf32>
        %swap3A_381 = vector.shape_cast %add3A_376 : vector<16xf32> to vector<1x16xf32>
        tpu.vector_store %arg6[%swap3A_377, %swap3A_378], %swap3A_381 {strides = array<i32>} : memref<16x1024xf32, #tpu.memory_space<vmem>>, vector<1x16xf32>,
        %get3A_382 = arith.constant 0 : i32
        %get3A_383 = arith.index_cast %get3A_382 : i32 to index
        %get3A_384 = arith.index_cast %scan3A_238 : i32 to index
        %get3A_385 = arith.constant 144 : index
        %get3A_386 = tpu.vector_load %arg5[%get3A_383, %get3A_384, %get3A_385] {strides = array<i32>} : memref<2x16x1024xf32, #tpu.memory_space<vmem>>, vector<1x1x16xf32>,
        %get3A_387 = vector.shape_cast %get3A_386 : vector<1x1x16xf32> to vector<16xf32>
        %get3A_388 = arith.index_cast %scan3A_238 : i32 to index
        %get3A_389 = arith.constant 144 : index
        %get3A_390 = tpu.vector_load %arg7[%get3A_388, %get3A_389] {strides = array<i32>} : memref<16x1024xf32, #tpu.memory_space<vmem>>, vector<1x16xf32>,
        %get3A_391 = vector.shape_cast %get3A_390 : vector<1x16xf32> to vector<16xf32>
        %add3A_392 = arith.addf %get3A_387, %get3A_391 : vector<16xf32>
        %swap3A_393 = arith.index_cast %scan3A_238 : i32 to index
        %swap3A_394 = arith.constant 144 : index
        %swap3A_395 = tpu.vector_load %arg6[%swap3A_393, %swap3A_394] {strides = array<i32>} : memref<16x1024xf32, #tpu.memory_space<vmem>>, vector<1x16xf32>,
        %swap3A_396 = vector.shape_cast %swap3A_395 : vector<1x16xf32> to vector<16xf32>
        %swap3A_397 = vector.shape_cast %add3A_392 : vector<16xf32> to vector<1x16xf32>
        tpu.vector_store %arg6[%swap3A_393, %swap3A_394], %swap3A_397 {strides = array<i32>} : memref<16x1024xf32, #tpu.memory_space<vmem>>, vector<1x16xf32>,
        %get3A_398 = arith.constant 0 : i32
        %get3A_399 = arith.index_cast %get3A_398 : i32 to index
        %get3A_400 = arith.index_cast %scan3A_238 : i32 to index
        %get3A_401 = arith.constant 160 : index
        %get3A_402 = tpu.vector_load %arg5[%get3A_399, %get3A_400, %get3A_401] {strides = array<i32>} : memref<2x16x1024xf32, #tpu.memory_space<vmem>>, vector<1x1x16xf32>,
        %get3A_403 = vector.shape_cast %get3A_402 : vector<1x1x16xf32> to vector<16xf32>
        %get3A_404 = arith.index_cast %scan3A_238 : i32 to index
        %get3A_405 = arith.constant 160 : index
        %get3A_406 = tpu.vector_load %arg7[%get3A_404, %get3A_405] {strides = array<i32>} : memref<16x1024xf32, #tpu.memory_space<vmem>>, vector<1x16xf32>,
        %get3A_407 = vector.shape_cast %get3A_406 : vector<1x16xf32> to vector<16xf32>
        %add3A_408 = arith.addf %get3A_403, %get3A_407 : vector<16xf32>
        %swap3A_409 = arith.index_cast %scan3A_238 : i32 to index
        %swap3A_410 = arith.constant 160 : index
        %swap3A_411 = tpu.vector_load %arg6[%swap3A_409, %swap3A_410] {strides = array<i32>} : memref<16x1024xf32, #tpu.memory_space<vmem>>, vector<1x16xf32>,
        %swap3A_412 = vector.shape_cast %swap3A_411 : vector<1x16xf32> to vector<16xf32>
        %swap3A_413 = vector.shape_cast %add3A_408 : vector<16xf32> to vector<1x16xf32>
        tpu.vector_store %arg6[%swap3A_409, %swap3A_410], %swap3A_413 {strides = array<i32>} : memref<16x1024xf32, #tpu.memory_space<vmem>>, vector<1x16xf32>,
        %get3A_414 = arith.constant 0 : i32
        %get3A_415 = arith.index_cast %get3A_414 : i32 to index
        %get3A_416 = arith.index_cast %scan3A_238 : i32 to index
        %get3A_417 = arith.constant 176 : index
        %get3A_418 = tpu.vector_load %arg5[%get3A_415, %get3A_416, %get3A_417] {strides = array<i32>} : memref<2x16x1024xf32, #tpu.memory_space<vmem>>, vector<1x1x16xf32>,
        %get3A_419 = vector.shape_cast %get3A_418 : vector<1x1x16xf32> to vector<16xf32>
        %get3A_420 = arith.index_cast %scan3A_238 : i32 to index
        %get3A_421 = arith.constant 176 : index
        %get3A_422 = tpu.vector_load %arg7[%get3A_420, %get3A_421] {strides = array<i32>} : memref<16x1024xf32, #tpu.memory_space<vmem>>, vector<1x16xf32>,
        %get3A_423 = vector.shape_cast %get3A_422 : vector<1x16xf32> to vector<16xf32>
        %add3A_424 = arith.addf %get3A_419, %get3A_423 : vector<16xf32>
        %swap3A_425 = arith.index_cast %scan3A_238 : i32 to index
        %swap3A_426 = arith.constant 176 : index
        %swap3A_427 = tpu.vector_load %arg6[%swap3A_425, %swap3A_426] {strides = array<i32>} : memref<16x1024xf32, #tpu.memory_space<vmem>>, vector<1x16xf32>,
        %swap3A_428 = vector.shape_cast %swap3A_427 : vector<1x16xf32> to vector<16xf32>
        %swap3A_429 = vector.shape_cast %add3A_424 : vector<16xf32> to vector<1x16xf32>
        tpu.vector_store %arg6[%swap3A_425, %swap3A_426], %swap3A_429 {strides = array<i32>} : memref<16x1024xf32, #tpu.memory_space<vmem>>, vector<1x16xf32>,
        %get3A_430 = arith.constant 0 : i32
        %get3A_431 = arith.index_cast %get3A_430 : i32 to index
        %get3A_432 = arith.index_cast %scan3A_238 : i32 to index
        %get3A_433 = arith.constant 192 : index
        %get3A_434 = tpu.vector_load %arg5[%get3A_431, %get3A_432, %get3A_433] {strides = array<i32>} : memref<2x16x1024xf32, #tpu.memory_space<vmem>>, vector<1x1x16xf32>,
        %get3A_435 = vector.shape_cast %get3A_434 : vector<1x1x16xf32> to vector<16xf32>
        %get3A_436 = arith.index_cast %scan3A_238 : i32 to index
        %get3A_437 = arith.constant 192 : index
        %get3A_438 = tpu.vector_load %arg7[%get3A_436, %get3A_437] {strides = array<i32>} : memref<16x1024xf32, #tpu.memory_space<vmem>>, vector<1x16xf32>,
        %get3A_439 = vector.shape_cast %get3A_438 : vector<1x16xf32> to vector<16xf32>
        %add3A_440 = arith.addf %get3A_435, %get3A_439 : vector<16xf32>
        %swap3A_441 = arith.index_cast %scan3A_238 : i32 to index
        %swap3A_442 = arith.constant 192 : index
        %swap3A_443 = tpu.vector_load %arg6[%swap3A_441, %swap3A_442] {strides = array<i32>} : memref<16x1024xf32, #tpu.memory_space<vmem>>, vector<1x16xf32>,
        %swap3A_444 = vector.shape_cast %swap3A_443 : vector<1x16xf32> to vector<16xf32>
        %swap3A_445 = vector.shape_cast %add3A_440 : vector<16xf32> to vector<1x16xf32>
        tpu.vector_store %arg6[%swap3A_441, %swap3A_442], %swap3A_445 {strides = array<i32>} : memref<16x1024xf32, #tpu.memory_space<vmem>>, vector<1x16xf32>,
        %get3A_446 = arith.constant 0 : i32
        %get3A_447 = arith.index_cast %get3A_446 : i32 to index
        %get3A_448 = arith.index_cast %scan3A_238 : i32 to index
        %get3A_449 = arith.constant 208 : index
        %get3A_450 = tpu.vector_load %arg5[%get3A_447, %get3A_448, %get3A_449] {strides = array<i32>} : memref<2x16x1024xf32, #tpu.memory_space<vmem>>, vector<1x1x16xf32>,
        %get3A_451 = vector.shape_cast %get3A_450 : vector<1x1x16xf32> to vector<16xf32>
        %get3A_452 = arith.index_cast %scan3A_238 : i32 to index
        %get3A_453 = arith.constant 208 : index
        %get3A_454 = tpu.vector_load %arg7[%get3A_452, %get3A_453] {strides = array<i32>} : memref<16x1024xf32, #tpu.memory_space<vmem>>, vector<1x16xf32>,
        %get3A_455 = vector.shape_cast %get3A_454 : vector<1x16xf32> to vector<16xf32>
        %add3A_456 = arith.addf %get3A_451, %get3A_455 : vector<16xf32>
        %swap3A_457 = arith.index_cast %scan3A_238 : i32 to index
        %swap3A_458 = arith.constant 208 : index
        %swap3A_459 = tpu.vector_load %arg6[%swap3A_457, %swap3A_458] {strides = array<i32>} : memref<16x1024xf32, #tpu.memory_space<vmem>>, vector<1x16xf32>,
        %swap3A_460 = vector.shape_cast %swap3A_459 : vector<1x16xf32> to vector<16xf32>
        %swap3A_461 = vector.shape_cast %add3A_456 : vector<16xf32> to vector<1x16xf32>
        tpu.vector_store %arg6[%swap3A_457, %swap3A_458], %swap3A_461 {strides = array<i32>} : memref<16x1024xf32, #tpu.memory_space<vmem>>, vector<1x16xf32>,
        %get3A_462 = arith.constant 0 : i32
        %get3A_463 = arith.index_cast %get3A_462 : i32 to index
        %get3A_464 = arith.index_cast %scan3A_238 : i32 to index
        %get3A_465 = arith.constant 224 : index
        %get3A_466 = tpu.vector_load %arg5[%get3A_463, %get3A_464, %get3A_465] {strides = array<i32>} : memref<2x16x1024xf32, #tpu.memory_space<vmem>>, vector<1x1x16xf32>,
        %get3A_467 = vector.shape_cast %get3A_466 : vector<1x1x16xf32> to vector<16xf32>
        %get3A_468 = arith.index_cast %scan3A_238 : i32 to index
        %get3A_469 = arith.constant 224 : index
        %get3A_470 = tpu.vector_load %arg7[%get3A_468, %get3A_469] {strides = array<i32>} : memref<16x1024xf32, #tpu.memory_space<vmem>>, vector<1x16xf32>,
        %get3A_471 = vector.shape_cast %get3A_470 : vector<1x16xf32> to vector<16xf32>
        %add3A_472 = arith.addf %get3A_467, %get3A_471 : vector<16xf32>
        %swap3A_473 = arith.index_cast %scan3A_238 : i32 to index
        %swap3A_474 = arith.constant 224 : index
        %swap3A_475 = tpu.vector_load %arg6[%swap3A_473, %swap3A_474] {strides = array<i32>} : memref<16x1024xf32, #tpu.memory_space<vmem>>, vector<1x16xf32>,
        %swap3A_476 = vector.shape_cast %swap3A_475 : vector<1x16xf32> to vector<16xf32>
        %swap3A_477 = vector.shape_cast %add3A_472 : vector<16xf32> to vector<1x16xf32>
        tpu.vector_store %arg6[%swap3A_473, %swap3A_474], %swap3A_477 {strides = array<i32>} : memref<16x1024xf32, #tpu.memory_space<vmem>>, vector<1x16xf32>,
        %get3A_478 = arith.constant 0 : i32
        %get3A_479 = arith.index_cast %get3A_478 : i32 to index
        %get3A_480 = arith.index_cast %scan3A_238 : i32 to index
        %get3A_481 = arith.constant 240 : index
        %get3A_482 = tpu.vector_load %arg5[%get3A_479, %get3A_480, %get3A_481] {strides = array<i32>} : memref<2x16x1024xf32, #tpu.memory_space<vmem>>, vector<1x1x16xf32>,
        %get3A_483 = vector.shape_cast %get3A_482 : vector<1x1x16xf32> to vector<16xf32>
        %get3A_484 = arith.index_cast %scan3A_238 : i32 to index
        %get3A_485 = arith.constant 240 : index
        %get3A_486 = tpu.vector_load %arg7[%get3A_484, %get3A_485] {strides = array<i32>} : memref<16x1024xf32, #tpu.memory_space<vmem>>, vector<1x16xf32>,
        %get3A_487 = vector.shape_cast %get3A_486 : vector<1x16xf32> to vector<16xf32>
        %add3A_488 = arith.addf %get3A_483, %get3A_487 : vector<16xf32>
        %swap3A_489 = arith.index_cast %scan3A_238 : i32 to index
        %swap3A_490 = arith.constant 240 : index
        %swap3A_491 = tpu.vector_load %arg6[%swap3A_489, %swap3A_490] {strides = array<i32>} : memref<16x1024xf32, #tpu.memory_space<vmem>>, vector<1x16xf32>,
        %swap3A_492 = vector.shape_cast %swap3A_491 : vector<1x16xf32> to vector<16xf32>
        %swap3A_493 = vector.shape_cast %add3A_488 : vector<16xf32> to vector<1x16xf32>
        tpu.vector_store %arg6[%swap3A_489, %swap3A_490], %swap3A_493 {strides = array<i32>} : memref<16x1024xf32, #tpu.memory_space<vmem>>, vector<1x16xf32>,
        %get3A_494 = arith.constant 0 : i32
        %get3A_495 = arith.index_cast %get3A_494 : i32 to index
        %get3A_496 = arith.index_cast %scan3A_238 : i32 to index
        %get3A_497 = arith.constant 256 : index
        %get3A_498 = tpu.vector_load %arg5[%get3A_495, %get3A_496, %get3A_497] {strides = array<i32>} : memref<2x16x1024xf32, #tpu.memory_space<vmem>>, vector<1x1x16xf32>,
        %get3A_499 = vector.shape_cast %get3A_498 : vector<1x1x16xf32> to vector<16xf32>
        %get3A_500 = arith.index_cast %scan3A_238 : i32 to index
        %get3A_501 = arith.constant 256 : index
        %get3A_502 = tpu.vector_load %arg7[%get3A_500, %get3A_501] {strides = array<i32>} : memref<16x1024xf32, #tpu.memory_space<vmem>>, vector<1x16xf32>,
        %get3A_503 = vector.shape_cast %get3A_502 : vector<1x16xf32> to vector<16xf32>
        %add3A_504 = arith.addf %get3A_499, %get3A_503 : vector<16xf32>
        %swap3A_505 = arith.index_cast %scan3A_238 : i32 to index
        %swap3A_506 = arith.constant 256 : index
        %swap3A_507 = tpu.vector_load %arg6[%swap3A_505, %swap3A_506] {strides = array<i32>} : memref<16x1024xf32, #tpu.memory_space<vmem>>, vector<1x16xf32>,
        %swap3A_508 = vector.shape_cast %swap3A_507 : vector<1x16xf32> to vector<16xf32>
        %swap3A_509 = vector.shape_cast %add3A_504 : vector<16xf32> to vector<1x16xf32>
        tpu.vector_store %arg6[%swap3A_505, %swap3A_506], %swap3A_509 {strides = array<i32>} : memref<16x1024xf32, #tpu.memory_space<vmem>>, vector<1x16xf32>,
        %get3A_510 = arith.constant 0 : i32
        %get3A_511 = arith.index_cast %get3A_510 : i32 to index
        %get3A_512 = arith.index_cast %scan3A_238 : i32 to index
        %get3A_513 = arith.constant 272 : index
        %get3A_514 = tpu.vector_load %arg5[%get3A_511, %get3A_512, %get3A_513] {strides = array<i32>} : memref<2x16x1024xf32, #tpu.memory_space<vmem>>, vector<1x1x16xf32>,
        %get3A_515 = vector.shape_cast %get3A_514 : vector<1x1x16xf32> to vector<16xf32>
        %get3A_516 = arith.index_cast %scan3A_238 : i32 to index
        %get3A_517 = arith.constant 272 : index
        %get3A_518 = tpu.vector_load %arg7[%get3A_516, %get3A_517] {strides = array<i32>} : memref<16x1024xf32, #tpu.memory_space<vmem>>, vector<1x16xf32>,
        %get3A_519 = vector.shape_cast %get3A_518 : vector<1x16xf32> to vector<16xf32>
        %add3A_520 = arith.addf %get3A_515, %get3A_519 : vector<16xf32>
        %swap3A_521 = arith.index_cast %scan3A_238 : i32 to index
        %swap3A_522 = arith.constant 272 : index
        %swap3A_523 = tpu.vector_load %arg6[%swap3A_521, %swap3A_522] {strides = array<i32>} : memref<16x1024xf32, #tpu.memory_space<vmem>>, vector<1x16xf32>,
        %swap3A_524 = vector.shape_cast %swap3A_523 : vector<1x16xf32> to vector<16xf32>
        %swap3A_525 = vector.shape_cast %add3A_520 : vector<16xf32> to vector<1x16xf32>
        tpu.vector_store %arg6[%swap3A_521, %swap3A_522], %swap3A_525 {strides = array<i32>} : memref<16x1024xf32, #tpu.memory_space<vmem>>, vector<1x16xf32>,
        %get3A_526 = arith.constant 0 : i32
        %get3A_527 = arith.index_cast %get3A_526 : i32 to index
        %get3A_528 = arith.index_cast %scan3A_238 : i32 to index
        %get3A_529 = arith.constant 288 : index
        %get3A_530 = tpu.vector_load %arg5[%get3A_527, %get3A_528, %get3A_529] {strides = array<i32>} : memref<2x16x1024xf32, #tpu.memory_space<vmem>>, vector<1x1x16xf32>,
        %get3A_531 = vector.shape_cast %get3A_530 : vector<1x1x16xf32> to vector<16xf32>
        %get3A_532 = arith.index_cast %scan3A_238 : i32 to index
        %get3A_533 = arith.constant 288 : index
        %get3A_534 = tpu.vector_load %arg7[%get3A_532, %get3A_533] {strides = array<i32>} : memref<16x1024xf32, #tpu.memory_space<vmem>>, vector<1x16xf32>,
        %get3A_535 = vector.shape_cast %get3A_534 : vector<1x16xf32> to vector<16xf32>
        %add3A_536 = arith.addf %get3A_531, %get3A_535 : vector<16xf32>
        %swap3A_537 = arith.index_cast %scan3A_238 : i32 to index
        %swap3A_538 = arith.constant 288 : index
        %swap3A_539 = tpu.vector_load %arg6[%swap3A_537, %swap3A_538] {strides = array<i32>} : memref<16x1024xf32, #tpu.memory_space<vmem>>, vector<1x16xf32>,
        %swap3A_540 = vector.shape_cast %swap3A_539 : vector<1x16xf32> to vector<16xf32>
        %swap3A_541 = vector.shape_cast %add3A_536 : vector<16xf32> to vector<1x16xf32>
        tpu.vector_store %arg6[%swap3A_537, %swap3A_538], %swap3A_541 {strides = array<i32>} : memref<16x1024xf32, #tpu.memory_space<vmem>>, vector<1x16xf32>,
        %get3A_542 = arith.constant 0 : i32
        %get3A_543 = arith.index_cast %get3A_542 : i32 to index
        %get3A_544 = arith.index_cast %scan3A_238 : i32 to index
        %get3A_545 = arith.constant 304 : index
        %get3A_546 = tpu.vector_load %arg5[%get3A_543, %get3A_544, %get3A_545] {strides = array<i32>} : memref<2x16x1024xf32, #tpu.memory_space<vmem>>, vector<1x1x16xf32>,
        %get3A_547 = vector.shape_cast %get3A_546 : vector<1x1x16xf32> to vector<16xf32>
        %get3A_548 = arith.index_cast %scan3A_238 : i32 to index
        %get3A_549 = arith.constant 304 : index
        %get3A_550 = tpu.vector_load %arg7[%get3A_548, %get3A_549] {strides = array<i32>} : memref<16x1024xf32, #tpu.memory_space<vmem>>, vector<1x16xf32>,
        %get3A_551 = vector.shape_cast %get3A_550 : vector<1x16xf32> to vector<16xf32>
        %add3A_552 = arith.addf %get3A_547, %get3A_551 : vector<16xf32>
        %swap3A_553 = arith.index_cast %scan3A_238 : i32 to index
        %swap3A_554 = arith.constant 304 : index
        %swap3A_555 = tpu.vector_load %arg6[%swap3A_553, %swap3A_554] {strides = array<i32>} : memref<16x1024xf32, #tpu.memory_space<vmem>>, vector<1x16xf32>,
        %swap3A_556 = vector.shape_cast %swap3A_555 : vector<1x16xf32> to vector<16xf32>
        %swap3A_557 = vector.shape_cast %add3A_552 : vector<16xf32> to vector<1x16xf32>
        tpu.vector_store %arg6[%swap3A_553, %swap3A_554], %swap3A_557 {strides = array<i32>} : memref<16x1024xf32, #tpu.memory_space<vmem>>, vector<1x16xf32>,
        %get3A_558 = arith.constant 0 : i32
        %get3A_559 = arith.index_cast %get3A_558 : i32 to index
        %get3A_560 = arith.index_cast %scan3A_238 : i32 to index
        %get3A_561 = arith.constant 320 : index
        %get3A_562 = tpu.vector_load %arg5[%get3A_559, %get3A_560, %get3A_561] {strides = array<i32>} : memref<2x16x1024xf32, #tpu.memory_space<vmem>>, vector<1x1x16xf32>,
        %get3A_563 = vector.shape_cast %get3A_562 : vector<1x1x16xf32> to vector<16xf32>
        %get3A_564 = arith.index_cast %scan3A_238 : i32 to index
        %get3A_565 = arith.constant 320 : index
        %get3A_566 = tpu.vector_load %arg7[%get3A_564, %get3A_565] {strides = array<i32>} : memref<16x1024xf32, #tpu.memory_space<vmem>>, vector<1x16xf32>,
        %get3A_567 = vector.shape_cast %get3A_566 : vector<1x16xf32> to vector<16xf32>
        %add3A_568 = arith.addf %get3A_563, %get3A_567 : vector<16xf32>
        %swap3A_569 = arith.index_cast %scan3A_238 : i32 to index
        %swap3A_570 = arith.constant 320 : index
        %swap3A_571 = tpu.vector_load %arg6[%swap3A_569, %swap3A_570] {strides = array<i32>} : memref<16x1024xf32, #tpu.memory_space<vmem>>, vector<1x16xf32>,
        %swap3A_572 = vector.shape_cast %swap3A_571 : vector<1x16xf32> to vector<16xf32>
        %swap3A_573 = vector.shape_cast %add3A_568 : vector<16xf32> to vector<1x16xf32>
        tpu.vector_store %arg6[%swap3A_569, %swap3A_570], %swap3A_573 {strides = array<i32>} : memref<16x1024xf32, #tpu.memory_space<vmem>>, vector<1x16xf32>,
        %get3A_574 = arith.constant 0 : i32
        %get3A_575 = arith.index_cast %get3A_574 : i32 to index
        %get3A_576 = arith.index_cast %scan3A_238 : i32 to index
        %get3A_577 = arith.constant 336 : index
        %get3A_578 = tpu.vector_load %arg5[%get3A_575, %get3A_576, %get3A_577] {strides = array<i32>} : memref<2x16x1024xf32, #tpu.memory_space<vmem>>, vector<1x1x16xf32>,
        %get3A_579 = vector.shape_cast %get3A_578 : vector<1x1x16xf32> to vector<16xf32>
        %get3A_580 = arith.index_cast %scan3A_238 : i32 to index
        %get3A_581 = arith.constant 336 : index
        %get3A_582 = tpu.vector_load %arg7[%get3A_580, %get3A_581] {strides = array<i32>} : memref<16x1024xf32, #tpu.memory_space<vmem>>, vector<1x16xf32>,
        %get3A_583 = vector.shape_cast %get3A_582 : vector<1x16xf32> to vector<16xf32>
        %add3A_584 = arith.addf %get3A_579, %get3A_583 : vector<16xf32>
        %swap3A_585 = arith.index_cast %scan3A_238 : i32 to index
        %swap3A_586 = arith.constant 336 : index
        %swap3A_587 = tpu.vector_load %arg6[%swap3A_585, %swap3A_586] {strides = array<i32>} : memref<16x1024xf32, #tpu.memory_space<vmem>>, vector<1x16xf32>,
        %swap3A_588 = vector.shape_cast %swap3A_587 : vector<1x16xf32> to vector<16xf32>
        %swap3A_589 = vector.shape_cast %add3A_584 : vector<16xf32> to vector<1x16xf32>
        tpu.vector_store %arg6[%swap3A_585, %swap3A_586], %swap3A_589 {strides = array<i32>} : memref<16x1024xf32, #tpu.memory_space<vmem>>, vector<1x16xf32>,
        %get3A_590 = arith.constant 0 : i32
        %get3A_591 = arith.index_cast %get3A_590 : i32 to index
        %get3A_592 = arith.index_cast %scan3A_238 : i32 to index
        %get3A_593 = arith.constant 352 : index
        %get3A_594 = tpu.vector_load %arg5[%get3A_591, %get3A_592, %get3A_593] {strides = array<i32>} : memref<2x16x1024xf32, #tpu.memory_space<vmem>>, vector<1x1x16xf32>,
        %get3A_595 = vector.shape_cast %get3A_594 : vector<1x1x16xf32> to vector<16xf32>
        %get3A_596 = arith.index_cast %scan3A_238 : i32 to index
        %get3A_597 = arith.constant 352 : index
        %get3A_598 = tpu.vector_load %arg7[%get3A_596, %get3A_597] {strides = array<i32>} : memref<16x1024xf32, #tpu.memory_space<vmem>>, vector<1x16xf32>,
        %get3A_599 = vector.shape_cast %get3A_598 : vector<1x16xf32> to vector<16xf32>
        %add3A_600 = arith.addf %get3A_595, %get3A_599 : vector<16xf32>
        %swap3A_601 = arith.index_cast %scan3A_238 : i32 to index
        %swap3A_602 = arith.constant 352 : index
        %swap3A_603 = tpu.vector_load %arg6[%swap3A_601, %swap3A_602] {strides = array<i32>} : memref<16x1024xf32, #tpu.memory_space<vmem>>, vector<1x16xf32>,
        %swap3A_604 = vector.shape_cast %swap3A_603 : vector<1x16xf32> to vector<16xf32>
        %swap3A_605 = vector.shape_cast %add3A_600 : vector<16xf32> to vector<1x16xf32>
        tpu.vector_store %arg6[%swap3A_601, %swap3A_602], %swap3A_605 {strides = array<i32>} : memref<16x1024xf32, #tpu.memory_space<vmem>>, vector<1x16xf32>,
        %get3A_606 = arith.constant 0 : i32
        %get3A_607 = arith.index_cast %get3A_606 : i32 to index
        %get3A_608 = arith.index_cast %scan3A_238 : i32 to index
        %get3A_609 = arith.constant 368 : index
        %get3A_610 = tpu.vector_load %arg5[%get3A_607, %get3A_608, %get3A_609] {strides = array<i32>} : memref<2x16x1024xf32, #tpu.memory_space<vmem>>, vector<1x1x16xf32>,
        %get3A_611 = vector.shape_cast %get3A_610 : vector<1x1x16xf32> to vector<16xf32>
        %get3A_612 = arith.index_cast %scan3A_238 : i32 to index
        %get3A_613 = arith.constant 368 : index
        %get3A_614 = tpu.vector_load %arg7[%get3A_612, %get3A_613] {strides = array<i32>} : memref<16x1024xf32, #tpu.memory_space<vmem>>, vector<1x16xf32>,
        %get3A_615 = vector.shape_cast %get3A_614 : vector<1x16xf32> to vector<16xf32>
        %add3A_616 = arith.addf %get3A_611, %get3A_615 : vector<16xf32>
        %swap3A_617 = arith.index_cast %scan3A_238 : i32 to index
        %swap3A_618 = arith.constant 368 : index
        %swap3A_619 = tpu.vector_load %arg6[%swap3A_617, %swap3A_618] {strides = array<i32>} : memref<16x1024xf32, #tpu.memory_space<vmem>>, vector<1x16xf32>,
        %swap3A_620 = vector.shape_cast %swap3A_619 : vector<1x16xf32> to vector<16xf32>
        %swap3A_621 = vector.shape_cast %add3A_616 : vector<16xf32> to vector<1x16xf32>
        tpu.vector_store %arg6[%swap3A_617, %swap3A_618], %swap3A_621 {strides = array<i32>} : memref<16x1024xf32, #tpu.memory_space<vmem>>, vector<1x16xf32>,
        %get3A_622 = arith.constant 0 : i32
        %get3A_623 = arith.index_cast %get3A_622 : i32 to index
        %get3A_624 = arith.index_cast %scan3A_238 : i32 to index
        %get3A_625 = arith.constant 384 : index
        %get3A_626 = tpu.vector_load %arg5[%get3A_623, %get3A_624, %get3A_625] {strides = array<i32>} : memref<2x16x1024xf32, #tpu.memory_space<vmem>>, vector<1x1x16xf32>,
        %get3A_627 = vector.shape_cast %get3A_626 : vector<1x1x16xf32> to vector<16xf32>
        %get3A_628 = arith.index_cast %scan3A_238 : i32 to index
        %get3A_629 = arith.constant 384 : index
        %get3A_630 = tpu.vector_load %arg7[%get3A_628, %get3A_629] {strides = array<i32>} : memref<16x1024xf32, #tpu.memory_space<vmem>>, vector<1x16xf32>,
        %get3A_631 = vector.shape_cast %get3A_630 : vector<1x16xf32> to vector<16xf32>
        %add3A_632 = arith.addf %get3A_627, %get3A_631 : vector<16xf32>
        %swap3A_633 = arith.index_cast %scan3A_238 : i32 to index
        %swap3A_634 = arith.constant 384 : index
        %swap3A_635 = tpu.vector_load %arg6[%swap3A_633, %swap3A_634] {strides = array<i32>} : memref<16x1024xf32, #tpu.memory_space<vmem>>, vector<1x16xf32>,
        %swap3A_636 = vector.shape_cast %swap3A_635 : vector<1x16xf32> to vector<16xf32>
        %swap3A_637 = vector.shape_cast %add3A_632 : vector<16xf32> to vector<1x16xf32>
        tpu.vector_store %arg6[%swap3A_633, %swap3A_634], %swap3A_637 {strides = array<i32>} : memref<16x1024xf32, #tpu.memory_space<vmem>>, vector<1x16xf32>,
        %get3A_638 = arith.constant 0 : i32
        %get3A_639 = arith.index_cast %get3A_638 : i32 to index
        %get3A_640 = arith.index_cast %scan3A_238 : i32 to index
        %get3A_641 = arith.constant 400 : index
        %get3A_642 = tpu.vector_load %arg5[%get3A_639, %get3A_640, %get3A_641] {strides = array<i32>} : memref<2x16x1024xf32, #tpu.memory_space<vmem>>, vector<1x1x16xf32>,
        %get3A_643 = vector.shape_cast %get3A_642 : vector<1x1x16xf32> to vector<16xf32>
        %get3A_644 = arith.index_cast %scan3A_238 : i32 to index
        %get3A_645 = arith.constant 400 : index
        %get3A_646 = tpu.vector_load %arg7[%get3A_644, %get3A_645] {strides = array<i32>} : memref<16x1024xf32, #tpu.memory_space<vmem>>, vector<1x16xf32>,
        %get3A_647 = vector.shape_cast %get3A_646 : vector<1x16xf32> to vector<16xf32>
        %add3A_648 = arith.addf %get3A_643, %get3A_647 : vector<16xf32>
        %swap3A_649 = arith.index_cast %scan3A_238 : i32 to index
        %swap3A_650 = arith.constant 400 : index
        %swap3A_651 = tpu.vector_load %arg6[%swap3A_649, %swap3A_650] {strides = array<i32>} : memref<16x1024xf32, #tpu.memory_space<vmem>>, vector<1x16xf32>,
        %swap3A_652 = vector.shape_cast %swap3A_651 : vector<1x16xf32> to vector<16xf32>
        %swap3A_653 = vector.shape_cast %add3A_648 : vector<16xf32> to vector<1x16xf32>
        tpu.vector_store %arg6[%swap3A_649, %swap3A_650], %swap3A_653 {strides = array<i32>} : memref<16x1024xf32, #tpu.memory_space<vmem>>, vector<1x16xf32>,
        %get3A_654 = arith.constant 0 : i32
        %get3A_655 = arith.index_cast %get3A_654 : i32 to index
        %get3A_656 = arith.index_cast %scan3A_238 : i32 to index
        %get3A_657 = arith.constant 416 : index
        %get3A_658 = tpu.vector_load %arg5[%get3A_655, %get3A_656, %get3A_657] {strides = array<i32>} : memref<2x16x1024xf32, #tpu.memory_space<vmem>>, vector<1x1x16xf32>,
        %get3A_659 = vector.shape_cast %get3A_658 : vector<1x1x16xf32> to vector<16xf32>
        %get3A_660 = arith.index_cast %scan3A_238 : i32 to index
        %get3A_661 = arith.constant 416 : index
        %get3A_662 = tpu.vector_load %arg7[%get3A_660, %get3A_661] {strides = array<i32>} : memref<16x1024xf32, #tpu.memory_space<vmem>>, vector<1x16xf32>,
        %get3A_663 = vector.shape_cast %get3A_662 : vector<1x16xf32> to vector<16xf32>
        %add3A_664 = arith.addf %get3A_659, %get3A_663 : vector<16xf32>
        %swap3A_665 = arith.index_cast %scan3A_238 : i32 to index
        %swap3A_666 = arith.constant 416 : index
        %swap3A_667 = tpu.vector_load %arg6[%swap3A_665, %swap3A_666] {strides = array<i32>} : memref<16x1024xf32, #tpu.memory_space<vmem>>, vector<1x16xf32>,
        %swap3A_668 = vector.shape_cast %swap3A_667 : vector<1x16xf32> to vector<16xf32>
        %swap3A_669 = vector.shape_cast %add3A_664 : vector<16xf32> to vector<1x16xf32>
        tpu.vector_store %arg6[%swap3A_665, %swap3A_666], %swap3A_669 {strides = array<i32>} : memref<16x1024xf32, #tpu.memory_space<vmem>>, vector<1x16xf32>,
        %get3A_670 = arith.constant 0 : i32
        %get3A_671 = arith.index_cast %get3A_670 : i32 to index
        %get3A_672 = arith.index_cast %scan3A_238 : i32 to index
        %get3A_673 = arith.constant 432 : index
        %get3A_674 = tpu.vector_load %arg5[%get3A_671, %get3A_672, %get3A_673] {strides = array<i32>} : memref<2x16x1024xf32, #tpu.memory_space<vmem>>, vector<1x1x16xf32>,
        %get3A_675 = vector.shape_cast %get3A_674 : vector<1x1x16xf32> to vector<16xf32>
        %get3A_676 = arith.index_cast %scan3A_238 : i32 to index
        %get3A_677 = arith.constant 432 : index
        %get3A_678 = tpu.vector_load %arg7[%get3A_676, %get3A_677] {strides = array<i32>} : memref<16x1024xf32, #tpu.memory_space<vmem>>, vector<1x16xf32>,
        %get3A_679 = vector.shape_cast %get3A_678 : vector<1x16xf32> to vector<16xf32>
        %add3A_680 = arith.addf %get3A_675, %get3A_679 : vector<16xf32>
        %swap3A_681 = arith.index_cast %scan3A_238 : i32 to index
        %swap3A_682 = arith.constant 432 : index
        %swap3A_683 = tpu.vector_load %arg6[%swap3A_681, %swap3A_682] {strides = array<i32>} : memref<16x1024xf32, #tpu.memory_space<vmem>>, vector<1x16xf32>,
        %swap3A_684 = vector.shape_cast %swap3A_683 : vector<1x16xf32> to vector<16xf32>
        %swap3A_685 = vector.shape_cast %add3A_680 : vector<16xf32> to vector<1x16xf32>
        tpu.vector_store %arg6[%swap3A_681, %swap3A_682], %swap3A_685 {strides = array<i32>} : memref<16x1024xf32, #tpu.memory_space<vmem>>, vector<1x16xf32>,
        %get3A_686 = arith.constant 0 : i32
        %get3A_687 = arith.index_cast %get3A_686 : i32 to index
        %get3A_688 = arith.index_cast %scan3A_238 : i32 to index
        %get3A_689 = arith.constant 448 : index
        %get3A_690 = tpu.vector_load %arg5[%get3A_687, %get3A_688, %get3A_689] {strides = array<i32>} : memref<2x16x1024xf32, #tpu.memory_space<vmem>>, vector<1x1x16xf32>,
        %get3A_691 = vector.shape_cast %get3A_690 : vector<1x1x16xf32> to vector<16xf32>
        %get3A_692 = arith.index_cast %scan3A_238 : i32 to index
        %get3A_693 = arith.constant 448 : index
        %get3A_694 = tpu.vector_load %arg7[%get3A_692, %get3A_693] {strides = array<i32>} : memref<16x1024xf32, #tpu.memory_space<vmem>>, vector<1x16xf32>,
        %get3A_695 = vector.shape_cast %get3A_694 : vector<1x16xf32> to vector<16xf32>
        %add3A_696 = arith.addf %get3A_691, %get3A_695 : vector<16xf32>
        %swap3A_697 = arith.index_cast %scan3A_238 : i32 to index
        %swap3A_698 = arith.constant 448 : index
        %swap3A_699 = tpu.vector_load %arg6[%swap3A_697, %swap3A_698] {strides = array<i32>} : memref<16x1024xf32, #tpu.memory_space<vmem>>, vector<1x16xf32>,
        %swap3A_700 = vector.shape_cast %swap3A_699 : vector<1x16xf32> to vector<16xf32>
        %swap3A_701 = vector.shape_cast %add3A_696 : vector<16xf32> to vector<1x16xf32>
        tpu.vector_store %arg6[%swap3A_697, %swap3A_698], %swap3A_701 {strides = array<i32>} : memref<16x1024xf32, #tpu.memory_space<vmem>>, vector<1x16xf32>,
        %get3A_702 = arith.constant 0 : i32
        %get3A_703 = arith.index_cast %get3A_702 : i32 to index
        %get3A_704 = arith.index_cast %scan3A_238 : i32 to index
        %get3A_705 = arith.constant 464 : index
        %get3A_706 = tpu.vector_load %arg5[%get3A_703, %get3A_704, %get3A_705] {strides = array<i32>} : memref<2x16x1024xf32, #tpu.memory_space<vmem>>, vector<1x1x16xf32>,
        %get3A_707 = vector.shape_cast %get3A_706 : vector<1x1x16xf32> to vector<16xf32>
        %get3A_708 = arith.index_cast %scan3A_238 : i32 to index
        %get3A_709 = arith.constant 464 : index
        %get3A_710 = tpu.vector_load %arg7[%get3A_708, %get3A_709] {strides = array<i32>} : memref<16x1024xf32, #tpu.memory_space<vmem>>, vector<1x16xf32>,
        %get3A_711 = vector.shape_cast %get3A_710 : vector<1x16xf32> to vector<16xf32>
        %add3A_712 = arith.addf %get3A_707, %get3A_711 : vector<16xf32>
        %swap3A_713 = arith.index_cast %scan3A_238 : i32 to index
        %swap3A_714 = arith.constant 464 : index
        %swap3A_715 = tpu.vector_load %arg6[%swap3A_713, %swap3A_714] {strides = array<i32>} : memref<16x1024xf32, #tpu.memory_space<vmem>>, vector<1x16xf32>,
        %swap3A_716 = vector.shape_cast %swap3A_715 : vector<1x16xf32> to vector<16xf32>
        %swap3A_717 = vector.shape_cast %add3A_712 : vector<16xf32> to vector<1x16xf32>
        tpu.vector_store %arg6[%swap3A_713, %swap3A_714], %swap3A_717 {strides = array<i32>} : memref<16x1024xf32, #tpu.memory_space<vmem>>, vector<1x16xf32>,
        %get3A_718 = arith.constant 0 : i32
        %get3A_719 = arith.index_cast %get3A_718 : i32 to index
        %get3A_720 = arith.index_cast %scan3A_238 : i32 to index
        %get3A_721 = arith.constant 480 : index
        %get3A_722 = tpu.vector_load %arg5[%get3A_719, %get3A_720, %get3A_721] {strides = array<i32>} : memref<2x16x1024xf32, #tpu.memory_space<vmem>>, vector<1x1x16xf32>,
        %get3A_723 = vector.shape_cast %get3A_722 : vector<1x1x16xf32> to vector<16xf32>
        %get3A_724 = arith.index_cast %scan3A_238 : i32 to index
        %get3A_725 = arith.constant 480 : index
        %get3A_726 = tpu.vector_load %arg7[%get3A_724, %get3A_725] {strides = array<i32>} : memref<16x1024xf32, #tpu.memory_space<vmem>>, vector<1x16xf32>,
        %get3A_727 = vector.shape_cast %get3A_726 : vector<1x16xf32> to vector<16xf32>
        %add3A_728 = arith.addf %get3A_723, %get3A_727 : vector<16xf32>
        %swap3A_729 = arith.index_cast %scan3A_238 : i32 to index
        %swap3A_730 = arith.constant 480 : index
        %swap3A_731 = tpu.vector_load %arg6[%swap3A_729, %swap3A_730] {strides = array<i32>} : memref<16x1024xf32, #tpu.memory_space<vmem>>, vector<1x16xf32>,
        %swap3A_732 = vector.shape_cast %swap3A_731 : vector<1x16xf32> to vector<16xf32>
        %swap3A_733 = vector.shape_cast %add3A_728 : vector<16xf32> to vector<1x16xf32>
        tpu.vector_store %arg6[%swap3A_729, %swap3A_730], %swap3A_733 {strides = array<i32>} : memref<16x1024xf32, #tpu.memory_space<vmem>>, vector<1x16xf32>,
        %get3A_734 = arith.constant 0 : i32
        %get3A_735 = arith.index_cast %get3A_734 : i32 to index
        %get3A_736 = arith.index_cast %scan3A_238 : i32 to index
        %get3A_737 = arith.constant 496 : index
        %get3A_738 = tpu.vector_load %arg5[%get3A_735, %get3A_736, %get3A_737] {strides = array<i32>} : memref<2x16x1024xf32, #tpu.memory_space<vmem>>, vector<1x1x16xf32>,
        %get3A_739 = vector.shape_cast %get3A_738 : vector<1x1x16xf32> to vector<16xf32>
        %get3A_740 = arith.index_cast %scan3A_238 : i32 to index
        %get3A_741 = arith.constant 496 : index
        %get3A_742 = tpu.vector_load %arg7[%get3A_740, %get3A_741] {strides = array<i32>} : memref<16x1024xf32, #tpu.memory_space<vmem>>, vector<1x16xf32>,
        %get3A_743 = vector.shape_cast %get3A_742 : vector<1x16xf32> to vector<16xf32>
        %add3A_744 = arith.addf %get3A_739, %get3A_743 : vector<16xf32>
        %swap3A_745 = arith.index_cast %scan3A_238 : i32 to index
        %swap3A_746 = arith.constant 496 : index
        %swap3A_747 = tpu.vector_load %arg6[%swap3A_745, %swap3A_746] {strides = array<i32>} : memref<16x1024xf32, #tpu.memory_space<vmem>>, vector<1x16xf32>,
        %swap3A_748 = vector.shape_cast %swap3A_747 : vector<1x16xf32> to vector<16xf32>
        %swap3A_749 = vector.shape_cast %add3A_744 : vector<16xf32> to vector<1x16xf32>
        tpu.vector_store %arg6[%swap3A_745, %swap3A_746], %swap3A_749 {strides = array<i32>} : memref<16x1024xf32, #tpu.memory_space<vmem>>, vector<1x16xf32>,
        %get3A_750 = arith.constant 0 : i32
        %get3A_751 = arith.index_cast %get3A_750 : i32 to index
        %get3A_752 = arith.index_cast %scan3A_238 : i32 to index
        %get3A_753 = arith.constant 512 : index
        %get3A_754 = tpu.vector_load %arg5[%get3A_751, %get3A_752, %get3A_753] {strides = array<i32>} : memref<2x16x1024xf32, #tpu.memory_space<vmem>>, vector<1x1x16xf32>,
        %get3A_755 = vector.shape_cast %get3A_754 : vector<1x1x16xf32> to vector<16xf32>
        %get3A_756 = arith.index_cast %scan3A_238 : i32 to index
        %get3A_757 = arith.constant 512 : index
        %get3A_758 = tpu.vector_load %arg7[%get3A_756, %get3A_757] {strides = array<i32>} : memref<16x1024xf32, #tpu.memory_space<vmem>>, vector<1x16xf32>,
        %get3A_759 = vector.shape_cast %get3A_758 : vector<1x16xf32> to vector<16xf32>
        %add3A_760 = arith.addf %get3A_755, %get3A_759 : vector<16xf32>
        %swap3A_761 = arith.index_cast %scan3A_238 : i32 to index
        %swap3A_762 = arith.constant 512 : index
        %swap3A_763 = tpu.vector_load %arg6[%swap3A_761, %swap3A_762] {strides = array<i32>} : memref<16x1024xf32, #tpu.memory_space<vmem>>, vector<1x16xf32>,
        %swap3A_764 = vector.shape_cast %swap3A_763 : vector<1x16xf32> to vector<16xf32>
        %swap3A_765 = vector.shape_cast %add3A_760 : vector<16xf32> to vector<1x16xf32>
        tpu.vector_store %arg6[%swap3A_761, %swap3A_762], %swap3A_765 {strides = array<i32>} : memref<16x1024xf32, #tpu.memory_space<vmem>>, vector<1x16xf32>,
        %get3A_766 = arith.constant 0 : i32
        %get3A_767 = arith.index_cast %get3A_766 : i32 to index
        %get3A_768 = arith.index_cast %scan3A_238 : i32 to index
        %get3A_769 = arith.constant 528 : index
        %get3A_770 = tpu.vector_load %arg5[%get3A_767, %get3A_768, %get3A_769] {strides = array<i32>} : memref<2x16x1024xf32, #tpu.memory_space<vmem>>, vector<1x1x16xf32>,
        %get3A_771 = vector.shape_cast %get3A_770 : vector<1x1x16xf32> to vector<16xf32>
        %get3A_772 = arith.index_cast %scan3A_238 : i32 to index
        %get3A_773 = arith.constant 528 : index
        %get3A_774 = tpu.vector_load %arg7[%get3A_772, %get3A_773] {strides = array<i32>} : memref<16x1024xf32, #tpu.memory_space<vmem>>, vector<1x16xf32>,
        %get3A_775 = vector.shape_cast %get3A_774 : vector<1x16xf32> to vector<16xf32>
        %add3A_776 = arith.addf %get3A_771, %get3A_775 : vector<16xf32>
        %swap3A_777 = arith.index_cast %scan3A_238 : i32 to index
        %swap3A_778 = arith.constant 528 : index
        %swap3A_779 = tpu.vector_load %arg6[%swap3A_777, %swap3A_778] {strides = array<i32>} : memref<16x1024xf32, #tpu.memory_space<vmem>>, vector<1x16xf32>,
        %swap3A_780 = vector.shape_cast %swap3A_779 : vector<1x16xf32> to vector<16xf32>
        %swap3A_781 = vector.shape_cast %add3A_776 : vector<16xf32> to vector<1x16xf32>
        tpu.vector_store %arg6[%swap3A_777, %swap3A_778], %swap3A_781 {strides = array<i32>} : memref<16x1024xf32, #tpu.memory_space<vmem>>, vector<1x16xf32>,
        %get3A_782 = arith.constant 0 : i32
        %get3A_783 = arith.index_cast %get3A_782 : i32 to index
        %get3A_784 = arith.index_cast %scan3A_238 : i32 to index
        %get3A_785 = arith.constant 544 : index
        %get3A_786 = tpu.vector_load %arg5[%get3A_783, %get3A_784, %get3A_785] {strides = array<i32>} : memref<2x16x1024xf32, #tpu.memory_space<vmem>>, vector<1x1x16xf32>,
        %get3A_787 = vector.shape_cast %get3A_786 : vector<1x1x16xf32> to vector<16xf32>
        %get3A_788 = arith.index_cast %scan3A_238 : i32 to index
        %get3A_789 = arith.constant 544 : index
        %get3A_790 = tpu.vector_load %arg7[%get3A_788, %get3A_789] {strides = array<i32>} : memref<16x1024xf32, #tpu.memory_space<vmem>>, vector<1x16xf32>,
        %get3A_791 = vector.shape_cast %get3A_790 : vector<1x16xf32> to vector<16xf32>
        %add3A_792 = arith.addf %get3A_787, %get3A_791 : vector<16xf32>
        %swap3A_793 = arith.index_cast %scan3A_238 : i32 to index
        %swap3A_794 = arith.constant 544 : index
        %swap3A_795 = tpu.vector_load %arg6[%swap3A_793, %swap3A_794] {strides = array<i32>} : memref<16x1024xf32, #tpu.memory_space<vmem>>, vector<1x16xf32>,
        %swap3A_796 = vector.shape_cast %swap3A_795 : vector<1x16xf32> to vector<16xf32>
        %swap3A_797 = vector.shape_cast %add3A_792 : vector<16xf32> to vector<1x16xf32>
        tpu.vector_store %arg6[%swap3A_793, %swap3A_794], %swap3A_797 {strides = array<i32>} : memref<16x1024xf32, #tpu.memory_space<vmem>>, vector<1x16xf32>,
        %get3A_798 = arith.constant 0 : i32
        %get3A_799 = arith.index_cast %get3A_798 : i32 to index
        %get3A_800 = arith.index_cast %scan3A_238 : i32 to index
        %get3A_801 = arith.constant 560 : index
        %get3A_802 = tpu.vector_load %arg5[%get3A_799, %get3A_800, %get3A_801] {strides = array<i32>} : memref<2x16x1024xf32, #tpu.memory_space<vmem>>, vector<1x1x16xf32>,
        %get3A_803 = vector.shape_cast %get3A_802 : vector<1x1x16xf32> to vector<16xf32>
        %get3A_804 = arith.index_cast %scan3A_238 : i32 to index
        %get3A_805 = arith.constant 560 : index
        %get3A_806 = tpu.vector_load %arg7[%get3A_804, %get3A_805] {strides = array<i32>} : memref<16x1024xf32, #tpu.memory_space<vmem>>, vector<1x16xf32>,
        %get3A_807 = vector.shape_cast %get3A_806 : vector<1x16xf32> to vector<16xf32>
        %add3A_808 = arith.addf %get3A_803, %get3A_807 : vector<16xf32>
        %swap3A_809 = arith.index_cast %scan3A_238 : i32 to index
        %swap3A_810 = arith.constant 560 : index
        %swap3A_811 = tpu.vector_load %arg6[%swap3A_809, %swap3A_810] {strides = array<i32>} : memref<16x1024xf32, #tpu.memory_space<vmem>>, vector<1x16xf32>,
        %swap3A_812 = vector.shape_cast %swap3A_811 : vector<1x16xf32> to vector<16xf32>
        %swap3A_813 = vector.shape_cast %add3A_808 : vector<16xf32> to vector<1x16xf32>
        tpu.vector_store %arg6[%swap3A_809, %swap3A_810], %swap3A_813 {strides = array<i32>} : memref<16x1024xf32, #tpu.memory_space<vmem>>, vector<1x16xf32>,
        %get3A_814 = arith.constant 0 : i32
        %get3A_815 = arith.index_cast %get3A_814 : i32 to index
        %get3A_816 = arith.index_cast %scan3A_238 : i32 to index
        %get3A_817 = arith.constant 576 : index
        %get3A_818 = tpu.vector_load %arg5[%get3A_815, %get3A_816, %get3A_817] {strides = array<i32>} : memref<2x16x1024xf32, #tpu.memory_space<vmem>>, vector<1x1x16xf32>,
        %get3A_819 = vector.shape_cast %get3A_818 : vector<1x1x16xf32> to vector<16xf32>
        %get3A_820 = arith.index_cast %scan3A_238 : i32 to index
        %get3A_821 = arith.constant 576 : index
        %get3A_822 = tpu.vector_load %arg7[%get3A_820, %get3A_821] {strides = array<i32>} : memref<16x1024xf32, #tpu.memory_space<vmem>>, vector<1x16xf32>,
        %get3A_823 = vector.shape_cast %get3A_822 : vector<1x16xf32> to vector<16xf32>
        %add3A_824 = arith.addf %get3A_819, %get3A_823 : vector<16xf32>
        %swap3A_825 = arith.index_cast %scan3A_238 : i32 to index
        %swap3A_826 = arith.constant 576 : index
        %swap3A_827 = tpu.vector_load %arg6[%swap3A_825, %swap3A_826] {strides = array<i32>} : memref<16x1024xf32, #tpu.memory_space<vmem>>, vector<1x16xf32>,
        %swap3A_828 = vector.shape_cast %swap3A_827 : vector<1x16xf32> to vector<16xf32>
        %swap3A_829 = vector.shape_cast %add3A_824 : vector<16xf32> to vector<1x16xf32>
        tpu.vector_store %arg6[%swap3A_825, %swap3A_826], %swap3A_829 {strides = array<i32>} : memref<16x1024xf32, #tpu.memory_space<vmem>>, vector<1x16xf32>,
        %get3A_830 = arith.constant 0 : i32
        %get3A_831 = arith.index_cast %get3A_830 : i32 to index
        %get3A_832 = arith.index_cast %scan3A_238 : i32 to index
        %get3A_833 = arith.constant 592 : index
        %get3A_834 = tpu.vector_load %arg5[%get3A_831, %get3A_832, %get3A_833] {strides = array<i32>} : memref<2x16x1024xf32, #tpu.memory_space<vmem>>, vector<1x1x16xf32>,
        %get3A_835 = vector.shape_cast %get3A_834 : vector<1x1x16xf32> to vector<16xf32>
        %get3A_836 = arith.index_cast %scan3A_238 : i32 to index
        %get3A_837 = arith.constant 592 : index
        %get3A_838 = tpu.vector_load %arg7[%get3A_836, %get3A_837] {strides = array<i32>} : memref<16x1024xf32, #tpu.memory_space<vmem>>, vector<1x16xf32>,
        %get3A_839 = vector.shape_cast %get3A_838 : vector<1x16xf32> to vector<16xf32>
        %add3A_840 = arith.addf %get3A_835, %get3A_839 : vector<16xf32>
        %swap3A_841 = arith.index_cast %scan3A_238 : i32 to index
        %swap3A_842 = arith.constant 592 : index
        %swap3A_843 = tpu.vector_load %arg6[%swap3A_841, %swap3A_842] {strides = array<i32>} : memref<16x1024xf32, #tpu.memory_space<vmem>>, vector<1x16xf32>,
        %swap3A_844 = vector.shape_cast %swap3A_843 : vector<1x16xf32> to vector<16xf32>
        %swap3A_845 = vector.shape_cast %add3A_840 : vector<16xf32> to vector<1x16xf32>
        tpu.vector_store %arg6[%swap3A_841, %swap3A_842], %swap3A_845 {strides = array<i32>} : memref<16x1024xf32, #tpu.memory_space<vmem>>, vector<1x16xf32>,
        %get3A_846 = arith.constant 0 : i32
        %get3A_847 = arith.index_cast %get3A_846 : i32 to index
        %get3A_848 = arith.index_cast %scan3A_238 : i32 to index
        %get3A_849 = arith.constant 608 : index
        %get3A_850 = tpu.vector_load %arg5[%get3A_847, %get3A_848, %get3A_849] {strides = array<i32>} : memref<2x16x1024xf32, #tpu.memory_space<vmem>>, vector<1x1x16xf32>,
        %get3A_851 = vector.shape_cast %get3A_850 : vector<1x1x16xf32> to vector<16xf32>
        %get3A_852 = arith.index_cast %scan3A_238 : i32 to index
        %get3A_853 = arith.constant 608 : index
        %get3A_854 = tpu.vector_load %arg7[%get3A_852, %get3A_853] {strides = array<i32>} : memref<16x1024xf32, #tpu.memory_space<vmem>>, vector<1x16xf32>,
        %get3A_855 = vector.shape_cast %get3A_854 : vector<1x16xf32> to vector<16xf32>
        %add3A_856 = arith.addf %get3A_851, %get3A_855 : vector<16xf32>
        %swap3A_857 = arith.index_cast %scan3A_238 : i32 to index
        %swap3A_858 = arith.constant 608 : index
        %swap3A_859 = tpu.vector_load %arg6[%swap3A_857, %swap3A_858] {strides = array<i32>} : memref<16x1024xf32, #tpu.memory_space<vmem>>, vector<1x16xf32>,
        %swap3A_860 = vector.shape_cast %swap3A_859 : vector<1x16xf32> to vector<16xf32>
        %swap3A_861 = vector.shape_cast %add3A_856 : vector<16xf32> to vector<1x16xf32>
        tpu.vector_store %arg6[%swap3A_857, %swap3A_858], %swap3A_861 {strides = array<i32>} : memref<16x1024xf32, #tpu.memory_space<vmem>>, vector<1x16xf32>,
        %get3A_862 = arith.constant 0 : i32
        %get3A_863 = arith.index_cast %get3A_862 : i32 to index
        %get3A_864 = arith.index_cast %scan3A_238 : i32 to index
        %get3A_865 = arith.constant 624 : index
        %get3A_866 = tpu.vector_load %arg5[%get3A_863, %get3A_864, %get3A_865] {strides = array<i32>} : memref<2x16x1024xf32, #tpu.memory_space<vmem>>, vector<1x1x16xf32>,
        %get3A_867 = vector.shape_cast %get3A_866 : vector<1x1x16xf32> to vector<16xf32>
        %get3A_868 = arith.index_cast %scan3A_238 : i32 to index
        %get3A_869 = arith.constant 624 : index
        %get3A_870 = tpu.vector_load %arg7[%get3A_868, %get3A_869] {strides = array<i32>} : memref<16x1024xf32, #tpu.memory_space<vmem>>, vector<1x16xf32>,
        %get3A_871 = vector.shape_cast %get3A_870 : vector<1x16xf32> to vector<16xf32>
        %add3A_872 = arith.addf %get3A_867, %get3A_871 : vector<16xf32>
        %swap3A_873 = arith.index_cast %scan3A_238 : i32 to index
        %swap3A_874 = arith.constant 624 : index
        %swap3A_875 = tpu.vector_load %arg6[%swap3A_873, %swap3A_874] {strides = array<i32>} : memref<16x1024xf32, #tpu.memory_space<vmem>>, vector<1x16xf32>,
        %swap3A_876 = vector.shape_cast %swap3A_875 : vector<1x16xf32> to vector<16xf32>
        %swap3A_877 = vector.shape_cast %add3A_872 : vector<16xf32> to vector<1x16xf32>
        tpu.vector_store %arg6[%swap3A_873, %swap3A_874], %swap3A_877 {strides = array<i32>} : memref<16x1024xf32, #tpu.memory_space<vmem>>, vector<1x16xf32>,
        %get3A_878 = arith.constant 0 : i32
        %get3A_879 = arith.index_cast %get3A_878 : i32 to index
        %get3A_880 = arith.index_cast %scan3A_238 : i32 to index
        %get3A_881 = arith.constant 640 : index
        %get3A_882 = tpu.vector_load %arg5[%get3A_879, %get3A_880, %get3A_881] {strides = array<i32>} : memref<2x16x1024xf32, #tpu.memory_space<vmem>>, vector<1x1x16xf32>,
        %get3A_883 = vector.shape_cast %get3A_882 : vector<1x1x16xf32> to vector<16xf32>
        %get3A_884 = arith.index_cast %scan3A_238 : i32 to index
        %get3A_885 = arith.constant 640 : index
        %get3A_886 = tpu.vector_load %arg7[%get3A_884, %get3A_885] {strides = array<i32>} : memref<16x1024xf32, #tpu.memory_space<vmem>>, vector<1x16xf32>,
        %get3A_887 = vector.shape_cast %get3A_886 : vector<1x16xf32> to vector<16xf32>
        %add3A_888 = arith.addf %get3A_883, %get3A_887 : vector<16xf32>
        %swap3A_889 = arith.index_cast %scan3A_238 : i32 to index
        %swap3A_890 = arith.constant 640 : index
        %swap3A_891 = tpu.vector_load %arg6[%swap3A_889, %swap3A_890] {strides = array<i32>} : memref<16x1024xf32, #tpu.memory_space<vmem>>, vector<1x16xf32>,
        %swap3A_892 = vector.shape_cast %swap3A_891 : vector<1x16xf32> to vector<16xf32>
        %swap3A_893 = vector.shape_cast %add3A_888 : vector<16xf32> to vector<1x16xf32>
        tpu.vector_store %arg6[%swap3A_889, %swap3A_890], %swap3A_893 {strides = array<i32>} : memref<16x1024xf32, #tpu.memory_space<vmem>>, vector<1x16xf32>,
        %get3A_894 = arith.constant 0 : i32
        %get3A_895 = arith.index_cast %get3A_894 : i32 to index
        %get3A_896 = arith.index_cast %scan3A_238 : i32 to index
        %get3A_897 = arith.constant 656 : index
        %get3A_898 = tpu.vector_load %arg5[%get3A_895, %get3A_896, %get3A_897] {strides = array<i32>} : memref<2x16x1024xf32, #tpu.memory_space<vmem>>, vector<1x1x16xf32>,
        %get3A_899 = vector.shape_cast %get3A_898 : vector<1x1x16xf32> to vector<16xf32>
        %get3A_900 = arith.index_cast %scan3A_238 : i32 to index
        %get3A_901 = arith.constant 656 : index
        %get3A_902 = tpu.vector_load %arg7[%get3A_900, %get3A_901] {strides = array<i32>} : memref<16x1024xf32, #tpu.memory_space<vmem>>, vector<1x16xf32>,
        %get3A_903 = vector.shape_cast %get3A_902 : vector<1x16xf32> to vector<16xf32>
        %add3A_904 = arith.addf %get3A_899, %get3A_903 : vector<16xf32>
        %swap3A_905 = arith.index_cast %scan3A_238 : i32 to index
        %swap3A_906 = arith.constant 656 : index
        %swap3A_907 = tpu.vector_load %arg6[%swap3A_905, %swap3A_906] {strides = array<i32>} : memref<16x1024xf32, #tpu.memory_space<vmem>>, vector<1x16xf32>,
        %swap3A_908 = vector.shape_cast %swap3A_907 : vector<1x16xf32> to vector<16xf32>
        %swap3A_909 = vector.shape_cast %add3A_904 : vector<16xf32> to vector<1x16xf32>
        tpu.vector_store %arg6[%swap3A_905, %swap3A_906], %swap3A_909 {strides = array<i32>} : memref<16x1024xf32, #tpu.memory_space<vmem>>, vector<1x16xf32>,
        %get3A_910 = arith.constant 0 : i32
        %get3A_911 = arith.index_cast %get3A_910 : i32 to index
        %get3A_912 = arith.index_cast %scan3A_238 : i32 to index
        %get3A_913 = arith.constant 672 : index
        %get3A_914 = tpu.vector_load %arg5[%get3A_911, %get3A_912, %get3A_913] {strides = array<i32>} : memref<2x16x1024xf32, #tpu.memory_space<vmem>>, vector<1x1x16xf32>,
        %get3A_915 = vector.shape_cast %get3A_914 : vector<1x1x16xf32> to vector<16xf32>
        %get3A_916 = arith.index_cast %scan3A_238 : i32 to index
        %get3A_917 = arith.constant 672 : index
        %get3A_918 = tpu.vector_load %arg7[%get3A_916, %get3A_917] {strides = array<i32>} : memref<16x1024xf32, #tpu.memory_space<vmem>>, vector<1x16xf32>,
        %get3A_919 = vector.shape_cast %get3A_918 : vector<1x16xf32> to vector<16xf32>
        %add3A_920 = arith.addf %get3A_915, %get3A_919 : vector<16xf32>
        %swap3A_921 = arith.index_cast %scan3A_238 : i32 to index
        %swap3A_922 = arith.constant 672 : index
        %swap3A_923 = tpu.vector_load %arg6[%swap3A_921, %swap3A_922] {strides = array<i32>} : memref<16x1024xf32, #tpu.memory_space<vmem>>, vector<1x16xf32>,
        %swap3A_924 = vector.shape_cast %swap3A_923 : vector<1x16xf32> to vector<16xf32>
        %swap3A_925 = vector.shape_cast %add3A_920 : vector<16xf32> to vector<1x16xf32>
        tpu.vector_store %arg6[%swap3A_921, %swap3A_922], %swap3A_925 {strides = array<i32>} : memref<16x1024xf32, #tpu.memory_space<vmem>>, vector<1x16xf32>,
        %get3A_926 = arith.constant 0 : i32
        %get3A_927 = arith.index_cast %get3A_926 : i32 to index
        %get3A_928 = arith.index_cast %scan3A_238 : i32 to index
        %get3A_929 = arith.constant 688 : index
        %get3A_930 = tpu.vector_load %arg5[%get3A_927, %get3A_928, %get3A_929] {strides = array<i32>} : memref<2x16x1024xf32, #tpu.memory_space<vmem>>, vector<1x1x16xf32>,
        %get3A_931 = vector.shape_cast %get3A_930 : vector<1x1x16xf32> to vector<16xf32>
        %get3A_932 = arith.index_cast %scan3A_238 : i32 to index
        %get3A_933 = arith.constant 688 : index
        %get3A_934 = tpu.vector_load %arg7[%get3A_932, %get3A_933] {strides = array<i32>} : memref<16x1024xf32, #tpu.memory_space<vmem>>, vector<1x16xf32>,
        %get3A_935 = vector.shape_cast %get3A_934 : vector<1x16xf32> to vector<16xf32>
        %add3A_936 = arith.addf %get3A_931, %get3A_935 : vector<16xf32>
        %swap3A_937 = arith.index_cast %scan3A_238 : i32 to index
        %swap3A_938 = arith.constant 688 : index
        %swap3A_939 = tpu.vector_load %arg6[%swap3A_937, %swap3A_938] {strides = array<i32>} : memref<16x1024xf32, #tpu.memory_space<vmem>>, vector<1x16xf32>,
        %swap3A_940 = vector.shape_cast %swap3A_939 : vector<1x16xf32> to vector<16xf32>
        %swap3A_941 = vector.shape_cast %add3A_936 : vector<16xf32> to vector<1x16xf32>
        tpu.vector_store %arg6[%swap3A_937, %swap3A_938], %swap3A_941 {strides = array<i32>} : memref<16x1024xf32, #tpu.memory_space<vmem>>, vector<1x16xf32>,
        %get3A_942 = arith.constant 0 : i32
        %get3A_943 = arith.index_cast %get3A_942 : i32 to index
        %get3A_944 = arith.index_cast %scan3A_238 : i32 to index
        %get3A_945 = arith.constant 704 : index
        %get3A_946 = tpu.vector_load %arg5[%get3A_943, %get3A_944, %get3A_945] {strides = array<i32>} : memref<2x16x1024xf32, #tpu.memory_space<vmem>>, vector<1x1x16xf32>,
        %get3A_947 = vector.shape_cast %get3A_946 : vector<1x1x16xf32> to vector<16xf32>
        %get3A_948 = arith.index_cast %scan3A_238 : i32 to index
        %get3A_949 = arith.constant 704 : index
        %get3A_950 = tpu.vector_load %arg7[%get3A_948, %get3A_949] {strides = array<i32>} : memref<16x1024xf32, #tpu.memory_space<vmem>>, vector<1x16xf32>,
        %get3A_951 = vector.shape_cast %get3A_950 : vector<1x16xf32> to vector<16xf32>
        %add3A_952 = arith.addf %get3A_947, %get3A_951 : vector<16xf32>
        %swap3A_953 = arith.index_cast %scan3A_238 : i32 to index
        %swap3A_954 = arith.constant 704 : index
        %swap3A_955 = tpu.vector_load %arg6[%swap3A_953, %swap3A_954] {strides = array<i32>} : memref<16x1024xf32, #tpu.memory_space<vmem>>, vector<1x16xf32>,
        %swap3A_956 = vector.shape_cast %swap3A_955 : vector<1x16xf32> to vector<16xf32>
        %swap3A_957 = vector.shape_cast %add3A_952 : vector<16xf32> to vector<1x16xf32>
        tpu.vector_store %arg6[%swap3A_953, %swap3A_954], %swap3A_957 {strides = array<i32>} : memref<16x1024xf32, #tpu.memory_space<vmem>>, vector<1x16xf32>,
        %get3A_958 = arith.constant 0 : i32
        %get3A_959 = arith.index_cast %get3A_958 : i32 to index
        %get3A_960 = arith.index_cast %scan3A_238 : i32 to index
        %get3A_961 = arith.constant 720 : index
        %get3A_962 = tpu.vector_load %arg5[%get3A_959, %get3A_960, %get3A_961] {strides = array<i32>} : memref<2x16x1024xf32, #tpu.memory_space<vmem>>, vector<1x1x16xf32>,
        %get3A_963 = vector.shape_cast %get3A_962 : vector<1x1x16xf32> to vector<16xf32>
        %get3A_964 = arith.index_cast %scan3A_238 : i32 to index
        %get3A_965 = arith.constant 720 : index
        %get3A_966 = tpu.vector_load %arg7[%get3A_964, %get3A_965] {strides = array<i32>} : memref<16x1024xf32, #tpu.memory_space<vmem>>, vector<1x16xf32>,
        %get3A_967 = vector.shape_cast %get3A_966 : vector<1x16xf32> to vector<16xf32>
        %add3A_968 = arith.addf %get3A_963, %get3A_967 : vector<16xf32>
        %swap3A_969 = arith.index_cast %scan3A_238 : i32 to index
        %swap3A_970 = arith.constant 720 : index
        %swap3A_971 = tpu.vector_load %arg6[%swap3A_969, %swap3A_970] {strides = array<i32>} : memref<16x1024xf32, #tpu.memory_space<vmem>>, vector<1x16xf32>,
        %swap3A_972 = vector.shape_cast %swap3A_971 : vector<1x16xf32> to vector<16xf32>
        %swap3A_973 = vector.shape_cast %add3A_968 : vector<16xf32> to vector<1x16xf32>
        tpu.vector_store %arg6[%swap3A_969, %swap3A_970], %swap3A_973 {strides = array<i32>} : memref<16x1024xf32, #tpu.memory_space<vmem>>, vector<1x16xf32>,
        %get3A_974 = arith.constant 0 : i32
        %get3A_975 = arith.index_cast %get3A_974 : i32 to index
        %get3A_976 = arith.index_cast %scan3A_238 : i32 to index
        %get3A_977 = arith.constant 736 : index
        %get3A_978 = tpu.vector_load %arg5[%get3A_975, %get3A_976, %get3A_977] {strides = array<i32>} : memref<2x16x1024xf32, #tpu.memory_space<vmem>>, vector<1x1x16xf32>,
        %get3A_979 = vector.shape_cast %get3A_978 : vector<1x1x16xf32> to vector<16xf32>
        %get3A_980 = arith.index_cast %scan3A_238 : i32 to index
        %get3A_981 = arith.constant 736 : index
        %get3A_982 = tpu.vector_load %arg7[%get3A_980, %get3A_981] {strides = array<i32>} : memref<16x1024xf32, #tpu.memory_space<vmem>>, vector<1x16xf32>,
        %get3A_983 = vector.shape_cast %get3A_982 : vector<1x16xf32> to vector<16xf32>
        %add3A_984 = arith.addf %get3A_979, %get3A_983 : vector<16xf32>
        %swap3A_985 = arith.index_cast %scan3A_238 : i32 to index
        %swap3A_986 = arith.constant 736 : index
        %swap3A_987 = tpu.vector_load %arg6[%swap3A_985, %swap3A_986] {strides = array<i32>} : memref<16x1024xf32, #tpu.memory_space<vmem>>, vector<1x16xf32>,
        %swap3A_988 = vector.shape_cast %swap3A_987 : vector<1x16xf32> to vector<16xf32>
        %swap3A_989 = vector.shape_cast %add3A_984 : vector<16xf32> to vector<1x16xf32>
        tpu.vector_store %arg6[%swap3A_985, %swap3A_986], %swap3A_989 {strides = array<i32>} : memref<16x1024xf32, #tpu.memory_space<vmem>>, vector<1x16xf32>,
        %get3A_990 = arith.constant 0 : i32
        %get3A_991 = arith.index_cast %get3A_990 : i32 to index
        %get3A_992 = arith.index_cast %scan3A_238 : i32 to index
        %get3A_993 = arith.constant 752 : index
        %get3A_994 = tpu.vector_load %arg5[%get3A_991, %get3A_992, %get3A_993] {strides = array<i32>} : memref<2x16x1024xf32, #tpu.memory_space<vmem>>, vector<1x1x16xf32>,
        %get3A_995 = vector.shape_cast %get3A_994 : vector<1x1x16xf32> to vector<16xf32>
        %get3A_996 = arith.index_cast %scan3A_238 : i32 to index
        %get3A_997 = arith.constant 752 : index
        %get3A_998 = tpu.vector_load %arg7[%get3A_996, %get3A_997] {strides = array<i32>} : memref<16x1024xf32, #tpu.memory_space<vmem>>, vector<1x16xf32>,
        %get3A_999 = vector.shape_cast %get3A_998 : vector<1x16xf32> to vector<16xf32>
        %add3A_1000 = arith.addf %get3A_995, %get3A_999 : vector<16xf32>
        %swap3A_1001 = arith.index_cast %scan3A_238 : i32 to index
        %swap3A_1002 = arith.constant 752 : index
        %swap3A_1003 = tpu.vector_load %arg6[%swap3A_1001, %swap3A_1002] {strides = array<i32>} : memref<16x1024xf32, #tpu.memory_space<vmem>>, vector<1x16xf32>,
        %swap3A_1004 = vector.shape_cast %swap3A_1003 : vector<1x16xf32> to vector<16xf32>
        %swap3A_1005 = vector.shape_cast %add3A_1000 : vector<16xf32> to vector<1x16xf32>
        tpu.vector_store %arg6[%swap3A_1001, %swap3A_1002], %swap3A_1005 {strides = array<i32>} : memref<16x1024xf32, #tpu.memory_space<vmem>>, vector<1x16xf32>,
        %get3A_1006 = arith.constant 0 : i32
        %get3A_1007 = arith.index_cast %get3A_1006 : i32 to index
        %get3A_1008 = arith.index_cast %scan3A_238 : i32 to index
        %get3A_1009 = arith.constant 768 : index
        %get3A_1010 = tpu.vector_load %arg5[%get3A_1007, %get3A_1008, %get3A_1009] {strides = array<i32>} : memref<2x16x1024xf32, #tpu.memory_space<vmem>>, vector<1x1x16xf32>,
        %get3A_1011 = vector.shape_cast %get3A_1010 : vector<1x1x16xf32> to vector<16xf32>
        %get3A_1012 = arith.index_cast %scan3A_238 : i32 to index
        %get3A_1013 = arith.constant 768 : index
        %get3A_1014 = tpu.vector_load %arg7[%get3A_1012, %get3A_1013] {strides = array<i32>} : memref<16x1024xf32, #tpu.memory_space<vmem>>, vector<1x16xf32>,
        %get3A_1015 = vector.shape_cast %get3A_1014 : vector<1x16xf32> to vector<16xf32>
        %add3A_1016 = arith.addf %get3A_1011, %get3A_1015 : vector<16xf32>
        %swap3A_1017 = arith.index_cast %scan3A_238 : i32 to index
        %swap3A_1018 = arith.constant 768 : index
        %swap3A_1019 = tpu.vector_load %arg6[%swap3A_1017, %swap3A_1018] {strides = array<i32>} : memref<16x1024xf32, #tpu.memory_space<vmem>>, vector<1x16xf32>,
        %swap3A_1020 = vector.shape_cast %swap3A_1019 : vector<1x16xf32> to vector<16xf32>
        %swap3A_1021 = vector.shape_cast %add3A_1016 : vector<16xf32> to vector<1x16xf32>
        tpu.vector_store %arg6[%swap3A_1017, %swap3A_1018], %swap3A_1021 {strides = array<i32>} : memref<16x1024xf32, #tpu.memory_space<vmem>>, vector<1x16xf32>,
        %get3A_1022 = arith.constant 0 : i32
        %get3A_1023 = arith.index_cast %get3A_1022 : i32 to index
        %get3A_1024 = arith.index_cast %scan3A_238 : i32 to index
        %get3A_1025 = arith.constant 784 : index
        %get3A_1026 = tpu.vector_load %arg5[%get3A_1023, %get3A_1024, %get3A_1025] {strides = array<i32>} : memref<2x16x1024xf32, #tpu.memory_space<vmem>>, vector<1x1x16xf32>,
        %get3A_1027 = vector.shape_cast %get3A_1026 : vector<1x1x16xf32> to vector<16xf32>
        %get3A_1028 = arith.index_cast %scan3A_238 : i32 to index
        %get3A_1029 = arith.constant 784 : index
        %get3A_1030 = tpu.vector_load %arg7[%get3A_1028, %get3A_1029] {strides = array<i32>} : memref<16x1024xf32, #tpu.memory_space<vmem>>, vector<1x16xf32>,
        %get3A_1031 = vector.shape_cast %get3A_1030 : vector<1x16xf32> to vector<16xf32>
        %add3A_1032 = arith.addf %get3A_1027, %get3A_1031 : vector<16xf32>
        %swap3A_1033 = arith.index_cast %scan3A_238 : i32 to index
        %swap3A_1034 = arith.constant 784 : index
        %swap3A_1035 = tpu.vector_load %arg6[%swap3A_1033, %swap3A_1034] {strides = array<i32>} : memref<16x1024xf32, #tpu.memory_space<vmem>>, vector<1x16xf32>,
        %swap3A_1036 = vector.shape_cast %swap3A_1035 : vector<1x16xf32> to vector<16xf32>
        %swap3A_1037 = vector.shape_cast %add3A_1032 : vector<16xf32> to vector<1x16xf32>
        tpu.vector_store %arg6[%swap3A_1033, %swap3A_1034], %swap3A_1037 {strides = array<i32>} : memref<16x1024xf32, #tpu.memory_space<vmem>>, vector<1x16xf32>,
        %get3A_1038 = arith.constant 0 : i32
        %get3A_1039 = arith.index_cast %get3A_1038 : i32 to index
        %get3A_1040 = arith.index_cast %scan3A_238 : i32 to index
        %get3A_1041 = arith.constant 800 : index
        %get3A_1042 = tpu.vector_load %arg5[%get3A_1039, %get3A_1040, %get3A_1041] {strides = array<i32>} : memref<2x16x1024xf32, #tpu.memory_space<vmem>>, vector<1x1x16xf32>,
        %get3A_1043 = vector.shape_cast %get3A_1042 : vector<1x1x16xf32> to vector<16xf32>
        %get3A_1044 = arith.index_cast %scan3A_238 : i32 to index
        %get3A_1045 = arith.constant 800 : index
        %get3A_1046 = tpu.vector_load %arg7[%get3A_1044, %get3A_1045] {strides = array<i32>} : memref<16x1024xf32, #tpu.memory_space<vmem>>, vector<1x16xf32>,
        %get3A_1047 = vector.shape_cast %get3A_1046 : vector<1x16xf32> to vector<16xf32>
        %add3A_1048 = arith.addf %get3A_1043, %get3A_1047 : vector<16xf32>
        %swap3A_1049 = arith.index_cast %scan3A_238 : i32 to index
        %swap3A_1050 = arith.constant 800 : index
        %swap3A_1051 = tpu.vector_load %arg6[%swap3A_1049, %swap3A_1050] {strides = array<i32>} : memref<16x1024xf32, #tpu.memory_space<vmem>>, vector<1x16xf32>,
        %swap3A_1052 = vector.shape_cast %swap3A_1051 : vector<1x16xf32> to vector<16xf32>
        %swap3A_1053 = vector.shape_cast %add3A_1048 : vector<16xf32> to vector<1x16xf32>
        tpu.vector_store %arg6[%swap3A_1049, %swap3A_1050], %swap3A_1053 {strides = array<i32>} : memref<16x1024xf32, #tpu.memory_space<vmem>>, vector<1x16xf32>,
        %get3A_1054 = arith.constant 0 : i32
        %get3A_1055 = arith.index_cast %get3A_1054 : i32 to index
        %get3A_1056 = arith.index_cast %scan3A_238 : i32 to index
        %get3A_1057 = arith.constant 816 : index
        %get3A_1058 = tpu.vector_load %arg5[%get3A_1055, %get3A_1056, %get3A_1057] {strides = array<i32>} : memref<2x16x1024xf32, #tpu.memory_space<vmem>>, vector<1x1x16xf32>,
        %get3A_1059 = vector.shape_cast %get3A_1058 : vector<1x1x16xf32> to vector<16xf32>
        %get3A_1060 = arith.index_cast %scan3A_238 : i32 to index
        %get3A_1061 = arith.constant 816 : index
        %get3A_1062 = tpu.vector_load %arg7[%get3A_1060, %get3A_1061] {strides = array<i32>} : memref<16x1024xf32, #tpu.memory_space<vmem>>, vector<1x16xf32>,
        %get3A_1063 = vector.shape_cast %get3A_1062 : vector<1x16xf32> to vector<16xf32>
        %add3A_1064 = arith.addf %get3A_1059, %get3A_1063 : vector<16xf32>
        %swap3A_1065 = arith.index_cast %scan3A_238 : i32 to index
        %swap3A_1066 = arith.constant 816 : index
        %swap3A_1067 = tpu.vector_load %arg6[%swap3A_1065, %swap3A_1066] {strides = array<i32>} : memref<16x1024xf32, #tpu.memory_space<vmem>>, vector<1x16xf32>,
        %swap3A_1068 = vector.shape_cast %swap3A_1067 : vector<1x16xf32> to vector<16xf32>
        %swap3A_1069 = vector.shape_cast %add3A_1064 : vector<16xf32> to vector<1x16xf32>
        tpu.vector_store %arg6[%swap3A_1065, %swap3A_1066], %swap3A_1069 {strides = array<i32>} : memref<16x1024xf32, #tpu.memory_space<vmem>>, vector<1x16xf32>,
        %get3A_1070 = arith.constant 0 : i32
        %get3A_1071 = arith.index_cast %get3A_1070 : i32 to index
        %get3A_1072 = arith.index_cast %scan3A_238 : i32 to index
        %get3A_1073 = arith.constant 832 : index
        %get3A_1074 = tpu.vector_load %arg5[%get3A_1071, %get3A_1072, %get3A_1073] {strides = array<i32>} : memref<2x16x1024xf32, #tpu.memory_space<vmem>>, vector<1x1x16xf32>,
        %get3A_1075 = vector.shape_cast %get3A_1074 : vector<1x1x16xf32> to vector<16xf32>
        %get3A_1076 = arith.index_cast %scan3A_238 : i32 to index
        %get3A_1077 = arith.constant 832 : index
        %get3A_1078 = tpu.vector_load %arg7[%get3A_1076, %get3A_1077] {strides = array<i32>} : memref<16x1024xf32, #tpu.memory_space<vmem>>, vector<1x16xf32>,
        %get3A_1079 = vector.shape_cast %get3A_1078 : vector<1x16xf32> to vector<16xf32>
        %add3A_1080 = arith.addf %get3A_1075, %get3A_1079 : vector<16xf32>
        %swap3A_1081 = arith.index_cast %scan3A_238 : i32 to index
        %swap3A_1082 = arith.constant 832 : index
        %swap3A_1083 = tpu.vector_load %arg6[%swap3A_1081, %swap3A_1082] {strides = array<i32>} : memref<16x1024xf32, #tpu.memory_space<vmem>>, vector<1x16xf32>,
        %swap3A_1084 = vector.shape_cast %swap3A_1083 : vector<1x16xf32> to vector<16xf32>
        %swap3A_1085 = vector.shape_cast %add3A_1080 : vector<16xf32> to vector<1x16xf32>
        tpu.vector_store %arg6[%swap3A_1081, %swap3A_1082], %swap3A_1085 {strides = array<i32>} : memref<16x1024xf32, #tpu.memory_space<vmem>>, vector<1x16xf32>,
        %get3A_1086 = arith.constant 0 : i32
        %get3A_1087 = arith.index_cast %get3A_1086 : i32 to index
        %get3A_1088 = arith.index_cast %scan3A_238 : i32 to index
        %get3A_1089 = arith.constant 848 : index
        %get3A_1090 = tpu.vector_load %arg5[%get3A_1087, %get3A_1088, %get3A_1089] {strides = array<i32>} : memref<2x16x1024xf32, #tpu.memory_space<vmem>>, vector<1x1x16xf32>,
        %get3A_1091 = vector.shape_cast %get3A_1090 : vector<1x1x16xf32> to vector<16xf32>
        %get3A_1092 = arith.index_cast %scan3A_238 : i32 to index
        %get3A_1093 = arith.constant 848 : index
        %get3A_1094 = tpu.vector_load %arg7[%get3A_1092, %get3A_1093] {strides = array<i32>} : memref<16x1024xf32, #tpu.memory_space<vmem>>, vector<1x16xf32>,
        %get3A_1095 = vector.shape_cast %get3A_1094 : vector<1x16xf32> to vector<16xf32>
        %add3A_1096 = arith.addf %get3A_1091, %get3A_1095 : vector<16xf32>
        %swap3A_1097 = arith.index_cast %scan3A_238 : i32 to index
        %swap3A_1098 = arith.constant 848 : index
        %swap3A_1099 = tpu.vector_load %arg6[%swap3A_1097, %swap3A_1098] {strides = array<i32>} : memref<16x1024xf32, #tpu.memory_space<vmem>>, vector<1x16xf32>,
        %swap3A_1100 = vector.shape_cast %swap3A_1099 : vector<1x16xf32> to vector<16xf32>
        %swap3A_1101 = vector.shape_cast %add3A_1096 : vector<16xf32> to vector<1x16xf32>
        tpu.vector_store %arg6[%swap3A_1097, %swap3A_1098], %swap3A_1101 {strides = array<i32>} : memref<16x1024xf32, #tpu.memory_space<vmem>>, vector<1x16xf32>,
        %get3A_1102 = arith.constant 0 : i32
        %get3A_1103 = arith.index_cast %get3A_1102 : i32 to index
        %get3A_1104 = arith.index_cast %scan3A_238 : i32 to index
        %get3A_1105 = arith.constant 864 : index
        %get3A_1106 = tpu.vector_load %arg5[%get3A_1103, %get3A_1104, %get3A_1105] {strides = array<i32>} : memref<2x16x1024xf32, #tpu.memory_space<vmem>>, vector<1x1x16xf32>,
        %get3A_1107 = vector.shape_cast %get3A_1106 : vector<1x1x16xf32> to vector<16xf32>
        %get3A_1108 = arith.index_cast %scan3A_238 : i32 to index
        %get3A_1109 = arith.constant 864 : index
        %get3A_1110 = tpu.vector_load %arg7[%get3A_1108, %get3A_1109] {strides = array<i32>} : memref<16x1024xf32, #tpu.memory_space<vmem>>, vector<1x16xf32>,
        %get3A_1111 = vector.shape_cast %get3A_1110 : vector<1x16xf32> to vector<16xf32>
        %add3A_1112 = arith.addf %get3A_1107, %get3A_1111 : vector<16xf32>
        %swap3A_1113 = arith.index_cast %scan3A_238 : i32 to index
        %swap3A_1114 = arith.constant 864 : index
        %swap3A_1115 = tpu.vector_load %arg6[%swap3A_1113, %swap3A_1114] {strides = array<i32>} : memref<16x1024xf32, #tpu.memory_space<vmem>>, vector<1x16xf32>,
        %swap3A_1116 = vector.shape_cast %swap3A_1115 : vector<1x16xf32> to vector<16xf32>
        %swap3A_1117 = vector.shape_cast %add3A_1112 : vector<16xf32> to vector<1x16xf32>
        tpu.vector_store %arg6[%swap3A_1113, %swap3A_1114], %swap3A_1117 {strides = array<i32>} : memref<16x1024xf32, #tpu.memory_space<vmem>>, vector<1x16xf32>,
        %get3A_1118 = arith.constant 0 : i32
        %get3A_1119 = arith.index_cast %get3A_1118 : i32 to index
        %get3A_1120 = arith.index_cast %scan3A_238 : i32 to index
        %get3A_1121 = arith.constant 880 : index
        %get3A_1122 = tpu.vector_load %arg5[%get3A_1119, %get3A_1120, %get3A_1121] {strides = array<i32>} : memref<2x16x1024xf32, #tpu.memory_space<vmem>>, vector<1x1x16xf32>,
        %get3A_1123 = vector.shape_cast %get3A_1122 : vector<1x1x16xf32> to vector<16xf32>
        %get3A_1124 = arith.index_cast %scan3A_238 : i32 to index
        %get3A_1125 = arith.constant 880 : index
        %get3A_1126 = tpu.vector_load %arg7[%get3A_1124, %get3A_1125] {strides = array<i32>} : memref<16x1024xf32, #tpu.memory_space<vmem>>, vector<1x16xf32>,
        %get3A_1127 = vector.shape_cast %get3A_1126 : vector<1x16xf32> to vector<16xf32>
        %add3A_1128 = arith.addf %get3A_1123, %get3A_1127 : vector<16xf32>
        %swap3A_1129 = arith.index_cast %scan3A_238 : i32 to index
        %swap3A_1130 = arith.constant 880 : index
        %swap3A_1131 = tpu.vector_load %arg6[%swap3A_1129, %swap3A_1130] {strides = array<i32>} : memref<16x1024xf32, #tpu.memory_space<vmem>>, vector<1x16xf32>,
        %swap3A_1132 = vector.shape_cast %swap3A_1131 : vector<1x16xf32> to vector<16xf32>
        %swap3A_1133 = vector.shape_cast %add3A_1128 : vector<16xf32> to vector<1x16xf32>
        tpu.vector_store %arg6[%swap3A_1129, %swap3A_1130], %swap3A_1133 {strides = array<i32>} : memref<16x1024xf32, #tpu.memory_space<vmem>>, vector<1x16xf32>,
        %get3A_1134 = arith.constant 0 : i32
        %get3A_1135 = arith.index_cast %get3A_1134 : i32 to index
        %get3A_1136 = arith.index_cast %scan3A_238 : i32 to index
        %get3A_1137 = arith.constant 896 : index
        %get3A_1138 = tpu.vector_load %arg5[%get3A_1135, %get3A_1136, %get3A_1137] {strides = array<i32>} : memref<2x16x1024xf32, #tpu.memory_space<vmem>>, vector<1x1x16xf32>,
        %get3A_1139 = vector.shape_cast %get3A_1138 : vector<1x1x16xf32> to vector<16xf32>
        %get3A_1140 = arith.index_cast %scan3A_238 : i32 to index
        %get3A_1141 = arith.constant 896 : index
        %get3A_1142 = tpu.vector_load %arg7[%get3A_1140, %get3A_1141] {strides = array<i32>} : memref<16x1024xf32, #tpu.memory_space<vmem>>, vector<1x16xf32>,
        %get3A_1143 = vector.shape_cast %get3A_1142 : vector<1x16xf32> to vector<16xf32>
        %add3A_1144 = arith.addf %get3A_1139, %get3A_1143 : vector<16xf32>
        %swap3A_1145 = arith.index_cast %scan3A_238 : i32 to index
        %swap3A_1146 = arith.constant 896 : index
        %swap3A_1147 = tpu.vector_load %arg6[%swap3A_1145, %swap3A_1146] {strides = array<i32>} : memref<16x1024xf32, #tpu.memory_space<vmem>>, vector<1x16xf32>,
        %swap3A_1148 = vector.shape_cast %swap3A_1147 : vector<1x16xf32> to vector<16xf32>
        %swap3A_1149 = vector.shape_cast %add3A_1144 : vector<16xf32> to vector<1x16xf32>
        tpu.vector_store %arg6[%swap3A_1145, %swap3A_1146], %swap3A_1149 {strides = array<i32>} : memref<16x1024xf32, #tpu.memory_space<vmem>>, vector<1x16xf32>,
        %get3A_1150 = arith.constant 0 : i32
        %get3A_1151 = arith.index_cast %get3A_1150 : i32 to index
        %get3A_1152 = arith.index_cast %scan3A_238 : i32 to index
        %get3A_1153 = arith.constant 912 : index
        %get3A_1154 = tpu.vector_load %arg5[%get3A_1151, %get3A_1152, %get3A_1153] {strides = array<i32>} : memref<2x16x1024xf32, #tpu.memory_space<vmem>>, vector<1x1x16xf32>,
        %get3A_1155 = vector.shape_cast %get3A_1154 : vector<1x1x16xf32> to vector<16xf32>
        %get3A_1156 = arith.index_cast %scan3A_238 : i32 to index
        %get3A_1157 = arith.constant 912 : index
        %get3A_1158 = tpu.vector_load %arg7[%get3A_1156, %get3A_1157] {strides = array<i32>} : memref<16x1024xf32, #tpu.memory_space<vmem>>, vector<1x16xf32>,
        %get3A_1159 = vector.shape_cast %get3A_1158 : vector<1x16xf32> to vector<16xf32>
        %add3A_1160 = arith.addf %get3A_1155, %get3A_1159 : vector<16xf32>
        %swap3A_1161 = arith.index_cast %scan3A_238 : i32 to index
        %swap3A_1162 = arith.constant 912 : index
        %swap3A_1163 = tpu.vector_load %arg6[%swap3A_1161, %swap3A_1162] {strides = array<i32>} : memref<16x1024xf32, #tpu.memory_space<vmem>>, vector<1x16xf32>,
        %swap3A_1164 = vector.shape_cast %swap3A_1163 : vector<1x16xf32> to vector<16xf32>
        %swap3A_1165 = vector.shape_cast %add3A_1160 : vector<16xf32> to vector<1x16xf32>
        tpu.vector_store %arg6[%swap3A_1161, %swap3A_1162], %swap3A_1165 {strides = array<i32>} : memref<16x1024xf32, #tpu.memory_space<vmem>>, vector<1x16xf32>,
        %get3A_1166 = arith.constant 0 : i32
        %get3A_1167 = arith.index_cast %get3A_1166 : i32 to index
        %get3A_1168 = arith.index_cast %scan3A_238 : i32 to index
        %get3A_1169 = arith.constant 928 : index
        %get3A_1170 = tpu.vector_load %arg5[%get3A_1167, %get3A_1168, %get3A_1169] {strides = array<i32>} : memref<2x16x1024xf32, #tpu.memory_space<vmem>>, vector<1x1x16xf32>,
        %get3A_1171 = vector.shape_cast %get3A_1170 : vector<1x1x16xf32> to vector<16xf32>
        %get3A_1172 = arith.index_cast %scan3A_238 : i32 to index
        %get3A_1173 = arith.constant 928 : index
        %get3A_1174 = tpu.vector_load %arg7[%get3A_1172, %get3A_1173] {strides = array<i32>} : memref<16x1024xf32, #tpu.memory_space<vmem>>, vector<1x16xf32>,
        %get3A_1175 = vector.shape_cast %get3A_1174 : vector<1x16xf32> to vector<16xf32>
        %add3A_1176 = arith.addf %get3A_1171, %get3A_1175 : vector<16xf32>
        %swap3A_1177 = arith.index_cast %scan3A_238 : i32 to index
        %swap3A_1178 = arith.constant 928 : index
        %swap3A_1179 = tpu.vector_load %arg6[%swap3A_1177, %swap3A_1178] {strides = array<i32>} : memref<16x1024xf32, #tpu.memory_space<vmem>>, vector<1x16xf32>,
        %swap3A_1180 = vector.shape_cast %swap3A_1179 : vector<1x16xf32> to vector<16xf32>
        %swap3A_1181 = vector.shape_cast %add3A_1176 : vector<16xf32> to vector<1x16xf32>
        tpu.vector_store %arg6[%swap3A_1177, %swap3A_1178], %swap3A_1181 {strides = array<i32>} : memref<16x1024xf32, #tpu.memory_space<vmem>>, vector<1x16xf32>,
        %get3A_1182 = arith.constant 0 : i32
        %get3A_1183 = arith.index_cast %get3A_1182 : i32 to index
        %get3A_1184 = arith.index_cast %scan3A_238 : i32 to index
        %get3A_1185 = arith.constant 944 : index
        %get3A_1186 = tpu.vector_load %arg5[%get3A_1183, %get3A_1184, %get3A_1185] {strides = array<i32>} : memref<2x16x1024xf32, #tpu.memory_space<vmem>>, vector<1x1x16xf32>,
        %get3A_1187 = vector.shape_cast %get3A_1186 : vector<1x1x16xf32> to vector<16xf32>
        %get3A_1188 = arith.index_cast %scan3A_238 : i32 to index
        %get3A_1189 = arith.constant 944 : index
        %get3A_1190 = tpu.vector_load %arg7[%get3A_1188, %get3A_1189] {strides = array<i32>} : memref<16x1024xf32, #tpu.memory_space<vmem>>, vector<1x16xf32>,
        %get3A_1191 = vector.shape_cast %get3A_1190 : vector<1x16xf32> to vector<16xf32>
        %add3A_1192 = arith.addf %get3A_1187, %get3A_1191 : vector<16xf32>
        %swap3A_1193 = arith.index_cast %scan3A_238 : i32 to index
        %swap3A_1194 = arith.constant 944 : index
        %swap3A_1195 = tpu.vector_load %arg6[%swap3A_1193, %swap3A_1194] {strides = array<i32>} : memref<16x1024xf32, #tpu.memory_space<vmem>>, vector<1x16xf32>,
        %swap3A_1196 = vector.shape_cast %swap3A_1195 : vector<1x16xf32> to vector<16xf32>
        %swap3A_1197 = vector.shape_cast %add3A_1192 : vector<16xf32> to vector<1x16xf32>
        tpu.vector_store %arg6[%swap3A_1193, %swap3A_1194], %swap3A_1197 {strides = array<i32>} : memref<16x1024xf32, #tpu.memory_space<vmem>>, vector<1x16xf32>,
        %get3A_1198 = arith.constant 0 : i32
        %get3A_1199 = arith.index_cast %get3A_1198 : i32 to index
        %get3A_1200 = arith.index_cast %scan3A_238 : i32 to index
        %get3A_1201 = arith.constant 960 : index
        %get3A_1202 = tpu.vector_load %arg5[%get3A_1199, %get3A_1200, %get3A_1201] {strides = array<i32>} : memref<2x16x1024xf32, #tpu.memory_space<vmem>>, vector<1x1x16xf32>,
        %get3A_1203 = vector.shape_cast %get3A_1202 : vector<1x1x16xf32> to vector<16xf32>
        %get3A_1204 = arith.index_cast %scan3A_238 : i32 to index
        %get3A_1205 = arith.constant 960 : index
        %get3A_1206 = tpu.vector_load %arg7[%get3A_1204, %get3A_1205] {strides = array<i32>} : memref<16x1024xf32, #tpu.memory_space<vmem>>, vector<1x16xf32>,
        %get3A_1207 = vector.shape_cast %get3A_1206 : vector<1x16xf32> to vector<16xf32>
        %add3A_1208 = arith.addf %get3A_1203, %get3A_1207 : vector<16xf32>
        %swap3A_1209 = arith.index_cast %scan3A_238 : i32 to index
        %swap3A_1210 = arith.constant 960 : index
        %swap3A_1211 = tpu.vector_load %arg6[%swap3A_1209, %swap3A_1210] {strides = array<i32>} : memref<16x1024xf32, #tpu.memory_space<vmem>>, vector<1x16xf32>,
        %swap3A_1212 = vector.shape_cast %swap3A_1211 : vector<1x16xf32> to vector<16xf32>
        %swap3A_1213 = vector.shape_cast %add3A_1208 : vector<16xf32> to vector<1x16xf32>
        tpu.vector_store %arg6[%swap3A_1209, %swap3A_1210], %swap3A_1213 {strides = array<i32>} : memref<16x1024xf32, #tpu.memory_space<vmem>>, vector<1x16xf32>,
        %get3A_1214 = arith.constant 0 : i32
        %get3A_1215 = arith.index_cast %get3A_1214 : i32 to index
        %get3A_1216 = arith.index_cast %scan3A_238 : i32 to index
        %get3A_1217 = arith.constant 976 : index
        %get3A_1218 = tpu.vector_load %arg5[%get3A_1215, %get3A_1216, %get3A_1217] {strides = array<i32>} : memref<2x16x1024xf32, #tpu.memory_space<vmem>>, vector<1x1x16xf32>,
        %get3A_1219 = vector.shape_cast %get3A_1218 : vector<1x1x16xf32> to vector<16xf32>
        %get3A_1220 = arith.index_cast %scan3A_238 : i32 to index
        %get3A_1221 = arith.constant 976 : index
        %get3A_1222 = tpu.vector_load %arg7[%get3A_1220, %get3A_1221] {strides = array<i32>} : memref<16x1024xf32, #tpu.memory_space<vmem>>, vector<1x16xf32>,
        %get3A_1223 = vector.shape_cast %get3A_1222 : vector<1x16xf32> to vector<16xf32>
        %add3A_1224 = arith.addf %get3A_1219, %get3A_1223 : vector<16xf32>
        %swap3A_1225 = arith.index_cast %scan3A_238 : i32 to index
        %swap3A_1226 = arith.constant 976 : index
        %swap3A_1227 = tpu.vector_load %arg6[%swap3A_1225, %swap3A_1226] {strides = array<i32>} : memref<16x1024xf32, #tpu.memory_space<vmem>>, vector<1x16xf32>,
        %swap3A_1228 = vector.shape_cast %swap3A_1227 : vector<1x16xf32> to vector<16xf32>
        %swap3A_1229 = vector.shape_cast %add3A_1224 : vector<16xf32> to vector<1x16xf32>
        tpu.vector_store %arg6[%swap3A_1225, %swap3A_1226], %swap3A_1229 {strides = array<i32>} : memref<16x1024xf32, #tpu.memory_space<vmem>>, vector<1x16xf32>,
        %get3A_1230 = arith.constant 0 : i32
        %get3A_1231 = arith.index_cast %get3A_1230 : i32 to index
        %get3A_1232 = arith.index_cast %scan3A_238 : i32 to index
        %get3A_1233 = arith.constant 992 : index
        %get3A_1234 = tpu.vector_load %arg5[%get3A_1231, %get3A_1232, %get3A_1233] {strides = array<i32>} : memref<2x16x1024xf32, #tpu.memory_space<vmem>>, vector<1x1x16xf32>,
        %get3A_1235 = vector.shape_cast %get3A_1234 : vector<1x1x16xf32> to vector<16xf32>
        %get3A_1236 = arith.index_cast %scan3A_238 : i32 to index
        %get3A_1237 = arith.constant 992 : index
        %get3A_1238 = tpu.vector_load %arg7[%get3A_1236, %get3A_1237] {strides = array<i32>} : memref<16x1024xf32, #tpu.memory_space<vmem>>, vector<1x16xf32>,
        %get3A_1239 = vector.shape_cast %get3A_1238 : vector<1x16xf32> to vector<16xf32>
        %add3A_1240 = arith.addf %get3A_1235, %get3A_1239 : vector<16xf32>
        %swap3A_1241 = arith.index_cast %scan3A_238 : i32 to index
        %swap3A_1242 = arith.constant 992 : index
        %swap3A_1243 = tpu.vector_load %arg6[%swap3A_1241, %swap3A_1242] {strides = array<i32>} : memref<16x1024xf32, #tpu.memory_space<vmem>>, vector<1x16xf32>,
        %swap3A_1244 = vector.shape_cast %swap3A_1243 : vector<1x16xf32> to vector<16xf32>
        %swap3A_1245 = vector.shape_cast %add3A_1240 : vector<16xf32> to vector<1x16xf32>
        tpu.vector_store %arg6[%swap3A_1241, %swap3A_1242], %swap3A_1245 {strides = array<i32>} : memref<16x1024xf32, #tpu.memory_space<vmem>>, vector<1x16xf32>,
        %get3A_1246 = arith.constant 0 : i32
        %get3A_1247 = arith.index_cast %get3A_1246 : i32 to index
        %get3A_1248 = arith.index_cast %scan3A_238 : i32 to index
        %get3A_1249 = arith.constant 1008 : index
        %get3A_1250 = tpu.vector_load %arg5[%get3A_1247, %get3A_1248, %get3A_1249] {strides = array<i32>} : memref<2x16x1024xf32, #tpu.memory_space<vmem>>, vector<1x1x16xf32>,
        %get3A_1251 = vector.shape_cast %get3A_1250 : vector<1x1x16xf32> to vector<16xf32>
        %get3A_1252 = arith.index_cast %scan3A_238 : i32 to index
        %get3A_1253 = arith.constant 1008 : index
        %get3A_1254 = tpu.vector_load %arg7[%get3A_1252, %get3A_1253] {strides = array<i32>} : memref<16x1024xf32, #tpu.memory_space<vmem>>, vector<1x16xf32>,
        %get3A_1255 = vector.shape_cast %get3A_1254 : vector<1x16xf32> to vector<16xf32>
        %add3A_1256 = arith.addf %get3A_1251, %get3A_1255 : vector<16xf32>
        %swap3A_1257 = arith.index_cast %scan3A_238 : i32 to index
        %swap3A_1258 = arith.constant 1008 : index
        %swap3A_1259 = tpu.vector_load %arg6[%swap3A_1257, %swap3A_1258] {strides = array<i32>} : memref<16x1024xf32, #tpu.memory_space<vmem>>, vector<1x16xf32>,
        %swap3A_1260 = vector.shape_cast %swap3A_1259 : vector<1x16xf32> to vector<16xf32>
        %swap3A_1261 = vector.shape_cast %add3A_1256 : vector<16xf32> to vector<1x16xf32>
        tpu.vector_store %arg6[%swap3A_1257, %swap3A_1258], %swap3A_1261 {strides = array<i32>} : memref<16x1024xf32, #tpu.memory_space<vmem>>, vector<1x16xf32>,
        %scan3A_1262 = arith.constant 0 : i32
        scf.yield %scan3A_1262 : i32
      }
      %scan3A_203 = arith.constant 16 : i32
      %run_scoped3A_204 = arith.constant 2 : i32
      "tpu.region"() ({
        %run_scoped3A_238 = tpu.sem_alloc : memref<!tpu.dma_semaphore, #tpu.memory_space<semaphore_mem>>
        %dma_start3A_239 = arith.constant 0 : i32
        %dma_start3A_240 = tpu.memref_slice %arg4[%run_scoped3A_204, %add3A_13, %dma_start3A_239] : memref<4x1024x1024xf32, #tpu.memory_space<hbm>> -> memref<1x16x1024xf32, #tpu.memory_space<hbm>>
        %dma_start3A_241 = tpu.memref_squeeze %dma_start3A_240 : memref<1x16x1024xf32, #tpu.memory_space<hbm>> -> memref<16x1024xf32, #tpu.memory_space<hbm>>
        %dma_start3A_242 = arith.constant 0 : i32
        %dma_start3A_243 = tpu.memref_slice %arg4[%run_scoped3A_204, %add3A_13, %dma_start3A_242] : memref<4x1024x1024xf32, #tpu.memory_space<hbm>> -> memref<1x16x1024xf32, #tpu.memory_space<hbm>>
        %dma_start3A_244 = tpu.memref_squeeze %dma_start3A_243 : memref<1x16x1024xf32, #tpu.memory_space<hbm>> -> memref<16x1024xf32, #tpu.memory_space<hbm>>
        tpu.enqueue_dma source(%arg6 : memref<16x1024xf32, #tpu.memory_space<vmem>>) target(%dma_start3A_244 : memref<16x1024xf32, #tpu.memory_space<hbm>>) target_semaphore(%run_scoped3A_238 : memref<!tpu.dma_semaphore, #tpu.memory_space<semaphore_mem>>)
        %dma_wait3A_245 = arith.constant 0 : i32
        %dma_wait3A_246 = tpu.memref_slice %arg4[%run_scoped3A_204, %add3A_13, %dma_wait3A_245] : memref<4x1024x1024xf32, #tpu.memory_space<hbm>> -> memref<1x16x1024xf32, #tpu.memory_space<hbm>>
        %dma_wait3A_247 = tpu.memref_squeeze %dma_wait3A_246 : memref<1x16x1024xf32, #tpu.memory_space<hbm>> -> memref<16x1024xf32, #tpu.memory_space<hbm>>
        %dma_wait3A_248 = arith.constant 0 : i32
        %dma_wait3A_249 = tpu.memref_slice %arg4[%run_scoped3A_204, %add3A_13, %dma_wait3A_248] : memref<4x1024x1024xf32, #tpu.memory_space<hbm>> -> memref<1x16x1024xf32, #tpu.memory_space<hbm>>
        %dma_wait3A_250 = tpu.memref_squeeze %dma_wait3A_249 : memref<1x16x1024xf32, #tpu.memory_space<hbm>> -> memref<16x1024xf32, #tpu.memory_space<hbm>>
        tpu.wait_dma2 semaphore(%run_scoped3A_238 : memref<!tpu.dma_semaphore, #tpu.memory_space<semaphore_mem>>) src(%arg6 : memref<16x1024xf32, #tpu.memory_space<vmem>>) dst(%dma_wait3A_250 : memref<16x1024xf32, #tpu.memory_space<hbm>>)
        tpu.yield
      }) : () -> ()
      %add3A_205 = arith.constant 7168 : i32
      %add3A_206 = arith.addi %add3A_205, %mul3A_2 : i32
      %mul3A_207 = arith.constant 16 : i32
      %mul3A_208 = arith.muli %scan3A_9, %mul3A_207 : i32
      %add3A_209 = arith.addi %add3A_206, %mul3A_208 : i32
      %dma_wait3A_210 = arith.constant 3 : i32
      %dma_wait3A_211 = arith.constant 1 : i32
      %dma_wait3A_212 = arith.constant 1 : i32
      %dma_wait3A_213 = arith.constant 0 : i32
      %dma_wait3A_214 = arith.constant 0 : i32
      %dma_wait3A_215 = tpu.memref_slice %arg5[%dma_wait3A_211, %dma_wait3A_213, %dma_wait3A_214] : memref<2x16x1024xf32, #tpu.memory_space<vmem>> -> memref<1x16x1024xf32, #tpu.memory_space<vmem>>
      %dma_wait3A_216 = tpu.memref_squeeze %dma_wait3A_215 : memref<1x16x1024xf32, #tpu.memory_space<vmem>> -> memref<16x1024xf32, #tpu.memory_space<vmem>>
      %dma_wait3A_217 = arith.constant 0 : i32
      %dma_wait3A_218 = tpu.memref_slice %arg2[%dma_wait3A_210, %add3A_209, %dma_wait3A_217] : memref<4x8192x1024xf32, #tpu.memory_space<hbm>> -> memref<1x16x1024xf32, #tpu.memory_space<hbm>>
      %dma_wait3A_219 = tpu.memref_squeeze %dma_wait3A_218 : memref<1x16x1024xf32, #tpu.memory_space<hbm>> -> memref<16x1024xf32, #tpu.memory_space<hbm>>
      %dma_wait3A_220 = tpu.memref_slice %arg8[%dma_wait3A_212] : memref<2x!tpu.dma_semaphore, #tpu.memory_space<semaphore_mem>> -> memref<1x!tpu.dma_semaphore, #tpu.memory_space<semaphore_mem>>
      %dma_wait3A_221 = tpu.memref_squeeze %dma_wait3A_220 : memref<1x!tpu.dma_semaphore, #tpu.memory_space<semaphore_mem>> -> memref<!tpu.dma_semaphore, #tpu.memory_space<semaphore_mem>>
      %dma_wait3A_222 = arith.constant 0 : i32
      %dma_wait3A_223 = arith.constant 0 : i32
      %dma_wait3A_224 = tpu.memref_slice %arg5[%dma_wait3A_211, %dma_wait3A_222, %dma_wait3A_223] : memref<2x16x1024xf32, #tpu.memory_space<vmem>> -> memref<1x16x1024xf32, #tpu.memory_space<vmem>>
      %dma_wait3A_225 = tpu.memref_squeeze %dma_wait3A_224 : memref<1x16x1024xf32, #tpu.memory_space<vmem>> -> memref<16x1024xf32, #tpu.memory_space<vmem>>
      %dma_wait3A_226 = arith.constant 0 : i32
      %dma_wait3A_227 = tpu.memref_slice %arg2[%dma_wait3A_210, %add3A_209, %dma_wait3A_226] : memref<4x8192x1024xf32, #tpu.memory_space<hbm>> -> memref<1x16x1024xf32, #tpu.memory_space<hbm>>
      %dma_wait3A_228 = tpu.memref_squeeze %dma_wait3A_227 : memref<1x16x1024xf32, #tpu.memory_space<hbm>> -> memref<16x1024xf32, #tpu.memory_space<hbm>>
      tpu.wait_dma2 semaphore(%dma_wait3A_221 : memref<!tpu.dma_semaphore, #tpu.memory_space<semaphore_mem>>) src(%dma_wait3A_228 : memref<16x1024xf32, #tpu.memory_space<hbm>>) dst(%dma_wait3A_225 : memref<16x1024xf32, #tpu.memory_space<vmem>>)
      %scan3A_229 = arith.constant 0 : i32
      %scan3A_230 = arith.constant 0 : i32
      %scan3A_231 = arith.constant 16 : i32
      %scan3A_232 = arith.addi %scan3A_230, %scan3A_231 : i32
      %scan3A_233 = arith.constant 1 : i32
      %scan3A_234 = scf.for %scan3A_238 = %scan3A_230 to %scan3A_232 step %scan3A_233 iter_args(%scan3A_239 = %scan3A_229) -> (i32)  : i32 {
        %get3A = arith.constant 1 : i32
        %get3A_240 = arith.index_cast %get3A : i32 to index
        %get3A_241 = arith.index_cast %scan3A_238 : i32 to index
        %get3A_242 = arith.constant 0 : index
        %get3A_243 = tpu.vector_load %arg5[%get3A_240, %get3A_241, %get3A_242] {strides = array<i32>} : memref<2x16x1024xf32, #tpu.memory_space<vmem>>, vector<1x1x16xf32>,
        %get3A_244 = vector.shape_cast %get3A_243 : vector<1x1x16xf32> to vector<16xf32>
        %get3A_245 = arith.index_cast %scan3A_238 : i32 to index
        %get3A_246 = arith.constant 0 : index
        %get3A_247 = tpu.vector_load %arg7[%get3A_245, %get3A_246] {strides = array<i32>} : memref<16x1024xf32, #tpu.memory_space<vmem>>, vector<1x16xf32>,
        %get3A_248 = vector.shape_cast %get3A_247 : vector<1x16xf32> to vector<16xf32>
        %add3A_249 = arith.addf %get3A_244, %get3A_248 : vector<16xf32>
        %swap3A = arith.index_cast %scan3A_238 : i32 to index
        %swap3A_250 = arith.constant 0 : index
        %swap3A_251 = tpu.vector_load %arg6[%swap3A, %swap3A_250] {strides = array<i32>} : memref<16x1024xf32, #tpu.memory_space<vmem>>, vector<1x16xf32>,
        %swap3A_252 = vector.shape_cast %swap3A_251 : vector<1x16xf32> to vector<16xf32>
        %swap3A_253 = vector.shape_cast %add3A_249 : vector<16xf32> to vector<1x16xf32>
        tpu.vector_store %arg6[%swap3A, %swap3A_250], %swap3A_253 {strides = array<i32>} : memref<16x1024xf32, #tpu.memory_space<vmem>>, vector<1x16xf32>,
        %get3A_254 = arith.constant 1 : i32
        %get3A_255 = arith.index_cast %get3A_254 : i32 to index
        %get3A_256 = arith.index_cast %scan3A_238 : i32 to index
        %get3A_257 = arith.constant 16 : index
        %get3A_258 = tpu.vector_load %arg5[%get3A_255, %get3A_256, %get3A_257] {strides = array<i32>} : memref<2x16x1024xf32, #tpu.memory_space<vmem>>, vector<1x1x16xf32>,
        %get3A_259 = vector.shape_cast %get3A_258 : vector<1x1x16xf32> to vector<16xf32>
        %get3A_260 = arith.index_cast %scan3A_238 : i32 to index
        %get3A_261 = arith.constant 16 : index
        %get3A_262 = tpu.vector_load %arg7[%get3A_260, %get3A_261] {strides = array<i32>} : memref<16x1024xf32, #tpu.memory_space<vmem>>, vector<1x16xf32>,
        %get3A_263 = vector.shape_cast %get3A_262 : vector<1x16xf32> to vector<16xf32>
        %add3A_264 = arith.addf %get3A_259, %get3A_263 : vector<16xf32>
        %swap3A_265 = arith.index_cast %scan3A_238 : i32 to index
        %swap3A_266 = arith.constant 16 : index
        %swap3A_267 = tpu.vector_load %arg6[%swap3A_265, %swap3A_266] {strides = array<i32>} : memref<16x1024xf32, #tpu.memory_space<vmem>>, vector<1x16xf32>,
        %swap3A_268 = vector.shape_cast %swap3A_267 : vector<1x16xf32> to vector<16xf32>
        %swap3A_269 = vector.shape_cast %add3A_264 : vector<16xf32> to vector<1x16xf32>
        tpu.vector_store %arg6[%swap3A_265, %swap3A_266], %swap3A_269 {strides = array<i32>} : memref<16x1024xf32, #tpu.memory_space<vmem>>, vector<1x16xf32>,
        %get3A_270 = arith.constant 1 : i32
        %get3A_271 = arith.index_cast %get3A_270 : i32 to index
        %get3A_272 = arith.index_cast %scan3A_238 : i32 to index
        %get3A_273 = arith.constant 32 : index
        %get3A_274 = tpu.vector_load %arg5[%get3A_271, %get3A_272, %get3A_273] {strides = array<i32>} : memref<2x16x1024xf32, #tpu.memory_space<vmem>>, vector<1x1x16xf32>,
        %get3A_275 = vector.shape_cast %get3A_274 : vector<1x1x16xf32> to vector<16xf32>
        %get3A_276 = arith.index_cast %scan3A_238 : i32 to index
        %get3A_277 = arith.constant 32 : index
        %get3A_278 = tpu.vector_load %arg7[%get3A_276, %get3A_277] {strides = array<i32>} : memref<16x1024xf32, #tpu.memory_space<vmem>>, vector<1x16xf32>,
        %get3A_279 = vector.shape_cast %get3A_278 : vector<1x16xf32> to vector<16xf32>
        %add3A_280 = arith.addf %get3A_275, %get3A_279 : vector<16xf32>
        %swap3A_281 = arith.index_cast %scan3A_238 : i32 to index
        %swap3A_282 = arith.constant 32 : index
        %swap3A_283 = tpu.vector_load %arg6[%swap3A_281, %swap3A_282] {strides = array<i32>} : memref<16x1024xf32, #tpu.memory_space<vmem>>, vector<1x16xf32>,
        %swap3A_284 = vector.shape_cast %swap3A_283 : vector<1x16xf32> to vector<16xf32>
        %swap3A_285 = vector.shape_cast %add3A_280 : vector<16xf32> to vector<1x16xf32>
        tpu.vector_store %arg6[%swap3A_281, %swap3A_282], %swap3A_285 {strides = array<i32>} : memref<16x1024xf32, #tpu.memory_space<vmem>>, vector<1x16xf32>,
        %get3A_286 = arith.constant 1 : i32
        %get3A_287 = arith.index_cast %get3A_286 : i32 to index
        %get3A_288 = arith.index_cast %scan3A_238 : i32 to index
        %get3A_289 = arith.constant 48 : index
        %get3A_290 = tpu.vector_load %arg5[%get3A_287, %get3A_288, %get3A_289] {strides = array<i32>} : memref<2x16x1024xf32, #tpu.memory_space<vmem>>, vector<1x1x16xf32>,
        %get3A_291 = vector.shape_cast %get3A_290 : vector<1x1x16xf32> to vector<16xf32>
        %get3A_292 = arith.index_cast %scan3A_238 : i32 to index
        %get3A_293 = arith.constant 48 : index
        %get3A_294 = tpu.vector_load %arg7[%get3A_292, %get3A_293] {strides = array<i32>} : memref<16x1024xf32, #tpu.memory_space<vmem>>, vector<1x16xf32>,
        %get3A_295 = vector.shape_cast %get3A_294 : vector<1x16xf32> to vector<16xf32>
        %add3A_296 = arith.addf %get3A_291, %get3A_295 : vector<16xf32>
        %swap3A_297 = arith.index_cast %scan3A_238 : i32 to index
        %swap3A_298 = arith.constant 48 : index
        %swap3A_299 = tpu.vector_load %arg6[%swap3A_297, %swap3A_298] {strides = array<i32>} : memref<16x1024xf32, #tpu.memory_space<vmem>>, vector<1x16xf32>,
        %swap3A_300 = vector.shape_cast %swap3A_299 : vector<1x16xf32> to vector<16xf32>
        %swap3A_301 = vector.shape_cast %add3A_296 : vector<16xf32> to vector<1x16xf32>
        tpu.vector_store %arg6[%swap3A_297, %swap3A_298], %swap3A_301 {strides = array<i32>} : memref<16x1024xf32, #tpu.memory_space<vmem>>, vector<1x16xf32>,
        %get3A_302 = arith.constant 1 : i32
        %get3A_303 = arith.index_cast %get3A_302 : i32 to index
        %get3A_304 = arith.index_cast %scan3A_238 : i32 to index
        %get3A_305 = arith.constant 64 : index
        %get3A_306 = tpu.vector_load %arg5[%get3A_303, %get3A_304, %get3A_305] {strides = array<i32>} : memref<2x16x1024xf32, #tpu.memory_space<vmem>>, vector<1x1x16xf32>,
        %get3A_307 = vector.shape_cast %get3A_306 : vector<1x1x16xf32> to vector<16xf32>
        %get3A_308 = arith.index_cast %scan3A_238 : i32 to index
        %get3A_309 = arith.constant 64 : index
        %get3A_310 = tpu.vector_load %arg7[%get3A_308, %get3A_309] {strides = array<i32>} : memref<16x1024xf32, #tpu.memory_space<vmem>>, vector<1x16xf32>,
        %get3A_311 = vector.shape_cast %get3A_310 : vector<1x16xf32> to vector<16xf32>
        %add3A_312 = arith.addf %get3A_307, %get3A_311 : vector<16xf32>
        %swap3A_313 = arith.index_cast %scan3A_238 : i32 to index
        %swap3A_314 = arith.constant 64 : index
        %swap3A_315 = tpu.vector_load %arg6[%swap3A_313, %swap3A_314] {strides = array<i32>} : memref<16x1024xf32, #tpu.memory_space<vmem>>, vector<1x16xf32>,
        %swap3A_316 = vector.shape_cast %swap3A_315 : vector<1x16xf32> to vector<16xf32>
        %swap3A_317 = vector.shape_cast %add3A_312 : vector<16xf32> to vector<1x16xf32>
        tpu.vector_store %arg6[%swap3A_313, %swap3A_314], %swap3A_317 {strides = array<i32>} : memref<16x1024xf32, #tpu.memory_space<vmem>>, vector<1x16xf32>,
        %get3A_318 = arith.constant 1 : i32
        %get3A_319 = arith.index_cast %get3A_318 : i32 to index
        %get3A_320 = arith.index_cast %scan3A_238 : i32 to index
        %get3A_321 = arith.constant 80 : index
        %get3A_322 = tpu.vector_load %arg5[%get3A_319, %get3A_320, %get3A_321] {strides = array<i32>} : memref<2x16x1024xf32, #tpu.memory_space<vmem>>, vector<1x1x16xf32>,
        %get3A_323 = vector.shape_cast %get3A_322 : vector<1x1x16xf32> to vector<16xf32>
        %get3A_324 = arith.index_cast %scan3A_238 : i32 to index
        %get3A_325 = arith.constant 80 : index
        %get3A_326 = tpu.vector_load %arg7[%get3A_324, %get3A_325] {strides = array<i32>} : memref<16x1024xf32, #tpu.memory_space<vmem>>, vector<1x16xf32>,
        %get3A_327 = vector.shape_cast %get3A_326 : vector<1x16xf32> to vector<16xf32>
        %add3A_328 = arith.addf %get3A_323, %get3A_327 : vector<16xf32>
        %swap3A_329 = arith.index_cast %scan3A_238 : i32 to index
        %swap3A_330 = arith.constant 80 : index
        %swap3A_331 = tpu.vector_load %arg6[%swap3A_329, %swap3A_330] {strides = array<i32>} : memref<16x1024xf32, #tpu.memory_space<vmem>>, vector<1x16xf32>,
        %swap3A_332 = vector.shape_cast %swap3A_331 : vector<1x16xf32> to vector<16xf32>
        %swap3A_333 = vector.shape_cast %add3A_328 : vector<16xf32> to vector<1x16xf32>
        tpu.vector_store %arg6[%swap3A_329, %swap3A_330], %swap3A_333 {strides = array<i32>} : memref<16x1024xf32, #tpu.memory_space<vmem>>, vector<1x16xf32>,
        %get3A_334 = arith.constant 1 : i32
        %get3A_335 = arith.index_cast %get3A_334 : i32 to index
        %get3A_336 = arith.index_cast %scan3A_238 : i32 to index
        %get3A_337 = arith.constant 96 : index
        %get3A_338 = tpu.vector_load %arg5[%get3A_335, %get3A_336, %get3A_337] {strides = array<i32>} : memref<2x16x1024xf32, #tpu.memory_space<vmem>>, vector<1x1x16xf32>,
        %get3A_339 = vector.shape_cast %get3A_338 : vector<1x1x16xf32> to vector<16xf32>
        %get3A_340 = arith.index_cast %scan3A_238 : i32 to index
        %get3A_341 = arith.constant 96 : index
        %get3A_342 = tpu.vector_load %arg7[%get3A_340, %get3A_341] {strides = array<i32>} : memref<16x1024xf32, #tpu.memory_space<vmem>>, vector<1x16xf32>,
        %get3A_343 = vector.shape_cast %get3A_342 : vector<1x16xf32> to vector<16xf32>
        %add3A_344 = arith.addf %get3A_339, %get3A_343 : vector<16xf32>
        %swap3A_345 = arith.index_cast %scan3A_238 : i32 to index
        %swap3A_346 = arith.constant 96 : index
        %swap3A_347 = tpu.vector_load %arg6[%swap3A_345, %swap3A_346] {strides = array<i32>} : memref<16x1024xf32, #tpu.memory_space<vmem>>, vector<1x16xf32>,
        %swap3A_348 = vector.shape_cast %swap3A_347 : vector<1x16xf32> to vector<16xf32>
        %swap3A_349 = vector.shape_cast %add3A_344 : vector<16xf32> to vector<1x16xf32>
        tpu.vector_store %arg6[%swap3A_345, %swap3A_346], %swap3A_349 {strides = array<i32>} : memref<16x1024xf32, #tpu.memory_space<vmem>>, vector<1x16xf32>,
        %get3A_350 = arith.constant 1 : i32
        %get3A_351 = arith.index_cast %get3A_350 : i32 to index
        %get3A_352 = arith.index_cast %scan3A_238 : i32 to index
        %get3A_353 = arith.constant 112 : index
        %get3A_354 = tpu.vector_load %arg5[%get3A_351, %get3A_352, %get3A_353] {strides = array<i32>} : memref<2x16x1024xf32, #tpu.memory_space<vmem>>, vector<1x1x16xf32>,
        %get3A_355 = vector.shape_cast %get3A_354 : vector<1x1x16xf32> to vector<16xf32>
        %get3A_356 = arith.index_cast %scan3A_238 : i32 to index
        %get3A_357 = arith.constant 112 : index
        %get3A_358 = tpu.vector_load %arg7[%get3A_356, %get3A_357] {strides = array<i32>} : memref<16x1024xf32, #tpu.memory_space<vmem>>, vector<1x16xf32>,
        %get3A_359 = vector.shape_cast %get3A_358 : vector<1x16xf32> to vector<16xf32>
        %add3A_360 = arith.addf %get3A_355, %get3A_359 : vector<16xf32>
        %swap3A_361 = arith.index_cast %scan3A_238 : i32 to index
        %swap3A_362 = arith.constant 112 : index
        %swap3A_363 = tpu.vector_load %arg6[%swap3A_361, %swap3A_362] {strides = array<i32>} : memref<16x1024xf32, #tpu.memory_space<vmem>>, vector<1x16xf32>,
        %swap3A_364 = vector.shape_cast %swap3A_363 : vector<1x16xf32> to vector<16xf32>
        %swap3A_365 = vector.shape_cast %add3A_360 : vector<16xf32> to vector<1x16xf32>
        tpu.vector_store %arg6[%swap3A_361, %swap3A_362], %swap3A_365 {strides = array<i32>} : memref<16x1024xf32, #tpu.memory_space<vmem>>, vector<1x16xf32>,
        %get3A_366 = arith.constant 1 : i32
        %get3A_367 = arith.index_cast %get3A_366 : i32 to index
        %get3A_368 = arith.index_cast %scan3A_238 : i32 to index
        %get3A_369 = arith.constant 128 : index
        %get3A_370 = tpu.vector_load %arg5[%get3A_367, %get3A_368, %get3A_369] {strides = array<i32>} : memref<2x16x1024xf32, #tpu.memory_space<vmem>>, vector<1x1x16xf32>,
        %get3A_371 = vector.shape_cast %get3A_370 : vector<1x1x16xf32> to vector<16xf32>
        %get3A_372 = arith.index_cast %scan3A_238 : i32 to index
        %get3A_373 = arith.constant 128 : index
        %get3A_374 = tpu.vector_load %arg7[%get3A_372, %get3A_373] {strides = array<i32>} : memref<16x1024xf32, #tpu.memory_space<vmem>>, vector<1x16xf32>,
        %get3A_375 = vector.shape_cast %get3A_374 : vector<1x16xf32> to vector<16xf32>
        %add3A_376 = arith.addf %get3A_371, %get3A_375 : vector<16xf32>
        %swap3A_377 = arith.index_cast %scan3A_238 : i32 to index
        %swap3A_378 = arith.constant 128 : index
        %swap3A_379 = tpu.vector_load %arg6[%swap3A_377, %swap3A_378] {strides = array<i32>} : memref<16x1024xf32, #tpu.memory_space<vmem>>, vector<1x16xf32>,
        %swap3A_380 = vector.shape_cast %swap3A_379 : vector<1x16xf32> to vector<16xf32>
        %swap3A_381 = vector.shape_cast %add3A_376 : vector<16xf32> to vector<1x16xf32>
        tpu.vector_store %arg6[%swap3A_377, %swap3A_378], %swap3A_381 {strides = array<i32>} : memref<16x1024xf32, #tpu.memory_space<vmem>>, vector<1x16xf32>,
        %get3A_382 = arith.constant 1 : i32
        %get3A_383 = arith.index_cast %get3A_382 : i32 to index
        %get3A_384 = arith.index_cast %scan3A_238 : i32 to index
        %get3A_385 = arith.constant 144 : index
        %get3A_386 = tpu.vector_load %arg5[%get3A_383, %get3A_384, %get3A_385] {strides = array<i32>} : memref<2x16x1024xf32, #tpu.memory_space<vmem>>, vector<1x1x16xf32>,
        %get3A_387 = vector.shape_cast %get3A_386 : vector<1x1x16xf32> to vector<16xf32>
        %get3A_388 = arith.index_cast %scan3A_238 : i32 to index
        %get3A_389 = arith.constant 144 : index
        %get3A_390 = tpu.vector_load %arg7[%get3A_388, %get3A_389] {strides = array<i32>} : memref<16x1024xf32, #tpu.memory_space<vmem>>, vector<1x16xf32>,
        %get3A_391 = vector.shape_cast %get3A_390 : vector<1x16xf32> to vector<16xf32>
        %add3A_392 = arith.addf %get3A_387, %get3A_391 : vector<16xf32>
        %swap3A_393 = arith.index_cast %scan3A_238 : i32 to index
        %swap3A_394 = arith.constant 144 : index
        %swap3A_395 = tpu.vector_load %arg6[%swap3A_393, %swap3A_394] {strides = array<i32>} : memref<16x1024xf32, #tpu.memory_space<vmem>>, vector<1x16xf32>,
        %swap3A_396 = vector.shape_cast %swap3A_395 : vector<1x16xf32> to vector<16xf32>
        %swap3A_397 = vector.shape_cast %add3A_392 : vector<16xf32> to vector<1x16xf32>
        tpu.vector_store %arg6[%swap3A_393, %swap3A_394], %swap3A_397 {strides = array<i32>} : memref<16x1024xf32, #tpu.memory_space<vmem>>, vector<1x16xf32>,
        %get3A_398 = arith.constant 1 : i32
        %get3A_399 = arith.index_cast %get3A_398 : i32 to index
        %get3A_400 = arith.index_cast %scan3A_238 : i32 to index
        %get3A_401 = arith.constant 160 : index
        %get3A_402 = tpu.vector_load %arg5[%get3A_399, %get3A_400, %get3A_401] {strides = array<i32>} : memref<2x16x1024xf32, #tpu.memory_space<vmem>>, vector<1x1x16xf32>,
        %get3A_403 = vector.shape_cast %get3A_402 : vector<1x1x16xf32> to vector<16xf32>
        %get3A_404 = arith.index_cast %scan3A_238 : i32 to index
        %get3A_405 = arith.constant 160 : index
        %get3A_406 = tpu.vector_load %arg7[%get3A_404, %get3A_405] {strides = array<i32>} : memref<16x1024xf32, #tpu.memory_space<vmem>>, vector<1x16xf32>,
        %get3A_407 = vector.shape_cast %get3A_406 : vector<1x16xf32> to vector<16xf32>
        %add3A_408 = arith.addf %get3A_403, %get3A_407 : vector<16xf32>
        %swap3A_409 = arith.index_cast %scan3A_238 : i32 to index
        %swap3A_410 = arith.constant 160 : index
        %swap3A_411 = tpu.vector_load %arg6[%swap3A_409, %swap3A_410] {strides = array<i32>} : memref<16x1024xf32, #tpu.memory_space<vmem>>, vector<1x16xf32>,
        %swap3A_412 = vector.shape_cast %swap3A_411 : vector<1x16xf32> to vector<16xf32>
        %swap3A_413 = vector.shape_cast %add3A_408 : vector<16xf32> to vector<1x16xf32>
        tpu.vector_store %arg6[%swap3A_409, %swap3A_410], %swap3A_413 {strides = array<i32>} : memref<16x1024xf32, #tpu.memory_space<vmem>>, vector<1x16xf32>,
        %get3A_414 = arith.constant 1 : i32
        %get3A_415 = arith.index_cast %get3A_414 : i32 to index
        %get3A_416 = arith.index_cast %scan3A_238 : i32 to index
        %get3A_417 = arith.constant 176 : index
        %get3A_418 = tpu.vector_load %arg5[%get3A_415, %get3A_416, %get3A_417] {strides = array<i32>} : memref<2x16x1024xf32, #tpu.memory_space<vmem>>, vector<1x1x16xf32>,
        %get3A_419 = vector.shape_cast %get3A_418 : vector<1x1x16xf32> to vector<16xf32>
        %get3A_420 = arith.index_cast %scan3A_238 : i32 to index
        %get3A_421 = arith.constant 176 : index
        %get3A_422 = tpu.vector_load %arg7[%get3A_420, %get3A_421] {strides = array<i32>} : memref<16x1024xf32, #tpu.memory_space<vmem>>, vector<1x16xf32>,
        %get3A_423 = vector.shape_cast %get3A_422 : vector<1x16xf32> to vector<16xf32>
        %add3A_424 = arith.addf %get3A_419, %get3A_423 : vector<16xf32>
        %swap3A_425 = arith.index_cast %scan3A_238 : i32 to index
        %swap3A_426 = arith.constant 176 : index
        %swap3A_427 = tpu.vector_load %arg6[%swap3A_425, %swap3A_426] {strides = array<i32>} : memref<16x1024xf32, #tpu.memory_space<vmem>>, vector<1x16xf32>,
        %swap3A_428 = vector.shape_cast %swap3A_427 : vector<1x16xf32> to vector<16xf32>
        %swap3A_429 = vector.shape_cast %add3A_424 : vector<16xf32> to vector<1x16xf32>
        tpu.vector_store %arg6[%swap3A_425, %swap3A_426], %swap3A_429 {strides = array<i32>} : memref<16x1024xf32, #tpu.memory_space<vmem>>, vector<1x16xf32>,
        %get3A_430 = arith.constant 1 : i32
        %get3A_431 = arith.index_cast %get3A_430 : i32 to index
        %get3A_432 = arith.index_cast %scan3A_238 : i32 to index
        %get3A_433 = arith.constant 192 : index
        %get3A_434 = tpu.vector_load %arg5[%get3A_431, %get3A_432, %get3A_433] {strides = array<i32>} : memref<2x16x1024xf32, #tpu.memory_space<vmem>>, vector<1x1x16xf32>,
        %get3A_435 = vector.shape_cast %get3A_434 : vector<1x1x16xf32> to vector<16xf32>
        %get3A_436 = arith.index_cast %scan3A_238 : i32 to index
        %get3A_437 = arith.constant 192 : index
        %get3A_438 = tpu.vector_load %arg7[%get3A_436, %get3A_437] {strides = array<i32>} : memref<16x1024xf32, #tpu.memory_space<vmem>>, vector<1x16xf32>,
        %get3A_439 = vector.shape_cast %get3A_438 : vector<1x16xf32> to vector<16xf32>
        %add3A_440 = arith.addf %get3A_435, %get3A_439 : vector<16xf32>
        %swap3A_441 = arith.index_cast %scan3A_238 : i32 to index
        %swap3A_442 = arith.constant 192 : index
        %swap3A_443 = tpu.vector_load %arg6[%swap3A_441, %swap3A_442] {strides = array<i32>} : memref<16x1024xf32, #tpu.memory_space<vmem>>, vector<1x16xf32>,
        %swap3A_444 = vector.shape_cast %swap3A_443 : vector<1x16xf32> to vector<16xf32>
        %swap3A_445 = vector.shape_cast %add3A_440 : vector<16xf32> to vector<1x16xf32>
        tpu.vector_store %arg6[%swap3A_441, %swap3A_442], %swap3A_445 {strides = array<i32>} : memref<16x1024xf32, #tpu.memory_space<vmem>>, vector<1x16xf32>,
        %get3A_446 = arith.constant 1 : i32
        %get3A_447 = arith.index_cast %get3A_446 : i32 to index
        %get3A_448 = arith.index_cast %scan3A_238 : i32 to index
        %get3A_449 = arith.constant 208 : index
        %get3A_450 = tpu.vector_load %arg5[%get3A_447, %get3A_448, %get3A_449] {strides = array<i32>} : memref<2x16x1024xf32, #tpu.memory_space<vmem>>, vector<1x1x16xf32>,
        %get3A_451 = vector.shape_cast %get3A_450 : vector<1x1x16xf32> to vector<16xf32>
        %get3A_452 = arith.index_cast %scan3A_238 : i32 to index
        %get3A_453 = arith.constant 208 : index
        %get3A_454 = tpu.vector_load %arg7[%get3A_452, %get3A_453] {strides = array<i32>} : memref<16x1024xf32, #tpu.memory_space<vmem>>, vector<1x16xf32>,
        %get3A_455 = vector.shape_cast %get3A_454 : vector<1x16xf32> to vector<16xf32>
        %add3A_456 = arith.addf %get3A_451, %get3A_455 : vector<16xf32>
        %swap3A_457 = arith.index_cast %scan3A_238 : i32 to index
        %swap3A_458 = arith.constant 208 : index
        %swap3A_459 = tpu.vector_load %arg6[%swap3A_457, %swap3A_458] {strides = array<i32>} : memref<16x1024xf32, #tpu.memory_space<vmem>>, vector<1x16xf32>,
        %swap3A_460 = vector.shape_cast %swap3A_459 : vector<1x16xf32> to vector<16xf32>
        %swap3A_461 = vector.shape_cast %add3A_456 : vector<16xf32> to vector<1x16xf32>
        tpu.vector_store %arg6[%swap3A_457, %swap3A_458], %swap3A_461 {strides = array<i32>} : memref<16x1024xf32, #tpu.memory_space<vmem>>, vector<1x16xf32>,
        %get3A_462 = arith.constant 1 : i32
        %get3A_463 = arith.index_cast %get3A_462 : i32 to index
        %get3A_464 = arith.index_cast %scan3A_238 : i32 to index
        %get3A_465 = arith.constant 224 : index
        %get3A_466 = tpu.vector_load %arg5[%get3A_463, %get3A_464, %get3A_465] {strides = array<i32>} : memref<2x16x1024xf32, #tpu.memory_space<vmem>>, vector<1x1x16xf32>,
        %get3A_467 = vector.shape_cast %get3A_466 : vector<1x1x16xf32> to vector<16xf32>
        %get3A_468 = arith.index_cast %scan3A_238 : i32 to index
        %get3A_469 = arith.constant 224 : index
        %get3A_470 = tpu.vector_load %arg7[%get3A_468, %get3A_469] {strides = array<i32>} : memref<16x1024xf32, #tpu.memory_space<vmem>>, vector<1x16xf32>,
        %get3A_471 = vector.shape_cast %get3A_470 : vector<1x16xf32> to vector<16xf32>
        %add3A_472 = arith.addf %get3A_467, %get3A_471 : vector<16xf32>
        %swap3A_473 = arith.index_cast %scan3A_238 : i32 to index
        %swap3A_474 = arith.constant 224 : index
        %swap3A_475 = tpu.vector_load %arg6[%swap3A_473, %swap3A_474] {strides = array<i32>} : memref<16x1024xf32, #tpu.memory_space<vmem>>, vector<1x16xf32>,
        %swap3A_476 = vector.shape_cast %swap3A_475 : vector<1x16xf32> to vector<16xf32>
        %swap3A_477 = vector.shape_cast %add3A_472 : vector<16xf32> to vector<1x16xf32>
        tpu.vector_store %arg6[%swap3A_473, %swap3A_474], %swap3A_477 {strides = array<i32>} : memref<16x1024xf32, #tpu.memory_space<vmem>>, vector<1x16xf32>,
        %get3A_478 = arith.constant 1 : i32
        %get3A_479 = arith.index_cast %get3A_478 : i32 to index
        %get3A_480 = arith.index_cast %scan3A_238 : i32 to index
        %get3A_481 = arith.constant 240 : index
        %get3A_482 = tpu.vector_load %arg5[%get3A_479, %get3A_480, %get3A_481] {strides = array<i32>} : memref<2x16x1024xf32, #tpu.memory_space<vmem>>, vector<1x1x16xf32>,
        %get3A_483 = vector.shape_cast %get3A_482 : vector<1x1x16xf32> to vector<16xf32>
        %get3A_484 = arith.index_cast %scan3A_238 : i32 to index
        %get3A_485 = arith.constant 240 : index
        %get3A_486 = tpu.vector_load %arg7[%get3A_484, %get3A_485] {strides = array<i32>} : memref<16x1024xf32, #tpu.memory_space<vmem>>, vector<1x16xf32>,
        %get3A_487 = vector.shape_cast %get3A_486 : vector<1x16xf32> to vector<16xf32>
        %add3A_488 = arith.addf %get3A_483, %get3A_487 : vector<16xf32>
        %swap3A_489 = arith.index_cast %scan3A_238 : i32 to index
        %swap3A_490 = arith.constant 240 : index
        %swap3A_491 = tpu.vector_load %arg6[%swap3A_489, %swap3A_490] {strides = array<i32>} : memref<16x1024xf32, #tpu.memory_space<vmem>>, vector<1x16xf32>,
        %swap3A_492 = vector.shape_cast %swap3A_491 : vector<1x16xf32> to vector<16xf32>
        %swap3A_493 = vector.shape_cast %add3A_488 : vector<16xf32> to vector<1x16xf32>
        tpu.vector_store %arg6[%swap3A_489, %swap3A_490], %swap3A_493 {strides = array<i32>} : memref<16x1024xf32, #tpu.memory_space<vmem>>, vector<1x16xf32>,
        %get3A_494 = arith.constant 1 : i32
        %get3A_495 = arith.index_cast %get3A_494 : i32 to index
        %get3A_496 = arith.index_cast %scan3A_238 : i32 to index
        %get3A_497 = arith.constant 256 : index
        %get3A_498 = tpu.vector_load %arg5[%get3A_495, %get3A_496, %get3A_497] {strides = array<i32>} : memref<2x16x1024xf32, #tpu.memory_space<vmem>>, vector<1x1x16xf32>,
        %get3A_499 = vector.shape_cast %get3A_498 : vector<1x1x16xf32> to vector<16xf32>
        %get3A_500 = arith.index_cast %scan3A_238 : i32 to index
        %get3A_501 = arith.constant 256 : index
        %get3A_502 = tpu.vector_load %arg7[%get3A_500, %get3A_501] {strides = array<i32>} : memref<16x1024xf32, #tpu.memory_space<vmem>>, vector<1x16xf32>,
        %get3A_503 = vector.shape_cast %get3A_502 : vector<1x16xf32> to vector<16xf32>
        %add3A_504 = arith.addf %get3A_499, %get3A_503 : vector<16xf32>
        %swap3A_505 = arith.index_cast %scan3A_238 : i32 to index
        %swap3A_506 = arith.constant 256 : index
        %swap3A_507 = tpu.vector_load %arg6[%swap3A_505, %swap3A_506] {strides = array<i32>} : memref<16x1024xf32, #tpu.memory_space<vmem>>, vector<1x16xf32>,
        %swap3A_508 = vector.shape_cast %swap3A_507 : vector<1x16xf32> to vector<16xf32>
        %swap3A_509 = vector.shape_cast %add3A_504 : vector<16xf32> to vector<1x16xf32>
        tpu.vector_store %arg6[%swap3A_505, %swap3A_506], %swap3A_509 {strides = array<i32>} : memref<16x1024xf32, #tpu.memory_space<vmem>>, vector<1x16xf32>,
        %get3A_510 = arith.constant 1 : i32
        %get3A_511 = arith.index_cast %get3A_510 : i32 to index
        %get3A_512 = arith.index_cast %scan3A_238 : i32 to index
        %get3A_513 = arith.constant 272 : index
        %get3A_514 = tpu.vector_load %arg5[%get3A_511, %get3A_512, %get3A_513] {strides = array<i32>} : memref<2x16x1024xf32, #tpu.memory_space<vmem>>, vector<1x1x16xf32>,
        %get3A_515 = vector.shape_cast %get3A_514 : vector<1x1x16xf32> to vector<16xf32>
        %get3A_516 = arith.index_cast %scan3A_238 : i32 to index
        %get3A_517 = arith.constant 272 : index
        %get3A_518 = tpu.vector_load %arg7[%get3A_516, %get3A_517] {strides = array<i32>} : memref<16x1024xf32, #tpu.memory_space<vmem>>, vector<1x16xf32>,
        %get3A_519 = vector.shape_cast %get3A_518 : vector<1x16xf32> to vector<16xf32>
        %add3A_520 = arith.addf %get3A_515, %get3A_519 : vector<16xf32>
        %swap3A_521 = arith.index_cast %scan3A_238 : i32 to index
        %swap3A_522 = arith.constant 272 : index
        %swap3A_523 = tpu.vector_load %arg6[%swap3A_521, %swap3A_522] {strides = array<i32>} : memref<16x1024xf32, #tpu.memory_space<vmem>>, vector<1x16xf32>,
        %swap3A_524 = vector.shape_cast %swap3A_523 : vector<1x16xf32> to vector<16xf32>
        %swap3A_525 = vector.shape_cast %add3A_520 : vector<16xf32> to vector<1x16xf32>
        tpu.vector_store %arg6[%swap3A_521, %swap3A_522], %swap3A_525 {strides = array<i32>} : memref<16x1024xf32, #tpu.memory_space<vmem>>, vector<1x16xf32>,
        %get3A_526 = arith.constant 1 : i32
        %get3A_527 = arith.index_cast %get3A_526 : i32 to index
        %get3A_528 = arith.index_cast %scan3A_238 : i32 to index
        %get3A_529 = arith.constant 288 : index
        %get3A_530 = tpu.vector_load %arg5[%get3A_527, %get3A_528, %get3A_529] {strides = array<i32>} : memref<2x16x1024xf32, #tpu.memory_space<vmem>>, vector<1x1x16xf32>,
        %get3A_531 = vector.shape_cast %get3A_530 : vector<1x1x16xf32> to vector<16xf32>
        %get3A_532 = arith.index_cast %scan3A_238 : i32 to index
        %get3A_533 = arith.constant 288 : index
        %get3A_534 = tpu.vector_load %arg7[%get3A_532, %get3A_533] {strides = array<i32>} : memref<16x1024xf32, #tpu.memory_space<vmem>>, vector<1x16xf32>,
        %get3A_535 = vector.shape_cast %get3A_534 : vector<1x16xf32> to vector<16xf32>
        %add3A_536 = arith.addf %get3A_531, %get3A_535 : vector<16xf32>
        %swap3A_537 = arith.index_cast %scan3A_238 : i32 to index
        %swap3A_538 = arith.constant 288 : index
        %swap3A_539 = tpu.vector_load %arg6[%swap3A_537, %swap3A_538] {strides = array<i32>} : memref<16x1024xf32, #tpu.memory_space<vmem>>, vector<1x16xf32>,
        %swap3A_540 = vector.shape_cast %swap3A_539 : vector<1x16xf32> to vector<16xf32>
        %swap3A_541 = vector.shape_cast %add3A_536 : vector<16xf32> to vector<1x16xf32>
        tpu.vector_store %arg6[%swap3A_537, %swap3A_538], %swap3A_541 {strides = array<i32>} : memref<16x1024xf32, #tpu.memory_space<vmem>>, vector<1x16xf32>,
        %get3A_542 = arith.constant 1 : i32
        %get3A_543 = arith.index_cast %get3A_542 : i32 to index
        %get3A_544 = arith.index_cast %scan3A_238 : i32 to index
        %get3A_545 = arith.constant 304 : index
        %get3A_546 = tpu.vector_load %arg5[%get3A_543, %get3A_544, %get3A_545] {strides = array<i32>} : memref<2x16x1024xf32, #tpu.memory_space<vmem>>, vector<1x1x16xf32>,
        %get3A_547 = vector.shape_cast %get3A_546 : vector<1x1x16xf32> to vector<16xf32>
        %get3A_548 = arith.index_cast %scan3A_238 : i32 to index
        %get3A_549 = arith.constant 304 : index
        %get3A_550 = tpu.vector_load %arg7[%get3A_548, %get3A_549] {strides = array<i32>} : memref<16x1024xf32, #tpu.memory_space<vmem>>, vector<1x16xf32>,
        %get3A_551 = vector.shape_cast %get3A_550 : vector<1x16xf32> to vector<16xf32>
        %add3A_552 = arith.addf %get3A_547, %get3A_551 : vector<16xf32>
        %swap3A_553 = arith.index_cast %scan3A_238 : i32 to index
        %swap3A_554 = arith.constant 304 : index
        %swap3A_555 = tpu.vector_load %arg6[%swap3A_553, %swap3A_554] {strides = array<i32>} : memref<16x1024xf32, #tpu.memory_space<vmem>>, vector<1x16xf32>,
        %swap3A_556 = vector.shape_cast %swap3A_555 : vector<1x16xf32> to vector<16xf32>
        %swap3A_557 = vector.shape_cast %add3A_552 : vector<16xf32> to vector<1x16xf32>
        tpu.vector_store %arg6[%swap3A_553, %swap3A_554], %swap3A_557 {strides = array<i32>} : memref<16x1024xf32, #tpu.memory_space<vmem>>, vector<1x16xf32>,
        %get3A_558 = arith.constant 1 : i32
        %get3A_559 = arith.index_cast %get3A_558 : i32 to index
        %get3A_560 = arith.index_cast %scan3A_238 : i32 to index
        %get3A_561 = arith.constant 320 : index
        %get3A_562 = tpu.vector_load %arg5[%get3A_559, %get3A_560, %get3A_561] {strides = array<i32>} : memref<2x16x1024xf32, #tpu.memory_space<vmem>>, vector<1x1x16xf32>,
        %get3A_563 = vector.shape_cast %get3A_562 : vector<1x1x16xf32> to vector<16xf32>
        %get3A_564 = arith.index_cast %scan3A_238 : i32 to index
        %get3A_565 = arith.constant 320 : index
        %get3A_566 = tpu.vector_load %arg7[%get3A_564, %get3A_565] {strides = array<i32>} : memref<16x1024xf32, #tpu.memory_space<vmem>>, vector<1x16xf32>,
        %get3A_567 = vector.shape_cast %get3A_566 : vector<1x16xf32> to vector<16xf32>
        %add3A_568 = arith.addf %get3A_563, %get3A_567 : vector<16xf32>
        %swap3A_569 = arith.index_cast %scan3A_238 : i32 to index
        %swap3A_570 = arith.constant 320 : index
        %swap3A_571 = tpu.vector_load %arg6[%swap3A_569, %swap3A_570] {strides = array<i32>} : memref<16x1024xf32, #tpu.memory_space<vmem>>, vector<1x16xf32>,
        %swap3A_572 = vector.shape_cast %swap3A_571 : vector<1x16xf32> to vector<16xf32>
        %swap3A_573 = vector.shape_cast %add3A_568 : vector<16xf32> to vector<1x16xf32>
        tpu.vector_store %arg6[%swap3A_569, %swap3A_570], %swap3A_573 {strides = array<i32>} : memref<16x1024xf32, #tpu.memory_space<vmem>>, vector<1x16xf32>,
        %get3A_574 = arith.constant 1 : i32
        %get3A_575 = arith.index_cast %get3A_574 : i32 to index
        %get3A_576 = arith.index_cast %scan3A_238 : i32 to index
        %get3A_577 = arith.constant 336 : index
        %get3A_578 = tpu.vector_load %arg5[%get3A_575, %get3A_576, %get3A_577] {strides = array<i32>} : memref<2x16x1024xf32, #tpu.memory_space<vmem>>, vector<1x1x16xf32>,
        %get3A_579 = vector.shape_cast %get3A_578 : vector<1x1x16xf32> to vector<16xf32>
        %get3A_580 = arith.index_cast %scan3A_238 : i32 to index
        %get3A_581 = arith.constant 336 : index
        %get3A_582 = tpu.vector_load %arg7[%get3A_580, %get3A_581] {strides = array<i32>} : memref<16x1024xf32, #tpu.memory_space<vmem>>, vector<1x16xf32>,
        %get3A_583 = vector.shape_cast %get3A_582 : vector<1x16xf32> to vector<16xf32>
        %add3A_584 = arith.addf %get3A_579, %get3A_583 : vector<16xf32>
        %swap3A_585 = arith.index_cast %scan3A_238 : i32 to index
        %swap3A_586 = arith.constant 336 : index
        %swap3A_587 = tpu.vector_load %arg6[%swap3A_585, %swap3A_586] {strides = array<i32>} : memref<16x1024xf32, #tpu.memory_space<vmem>>, vector<1x16xf32>,
        %swap3A_588 = vector.shape_cast %swap3A_587 : vector<1x16xf32> to vector<16xf32>
        %swap3A_589 = vector.shape_cast %add3A_584 : vector<16xf32> to vector<1x16xf32>
        tpu.vector_store %arg6[%swap3A_585, %swap3A_586], %swap3A_589 {strides = array<i32>} : memref<16x1024xf32, #tpu.memory_space<vmem>>, vector<1x16xf32>,
        %get3A_590 = arith.constant 1 : i32
        %get3A_591 = arith.index_cast %get3A_590 : i32 to index
        %get3A_592 = arith.index_cast %scan3A_238 : i32 to index
        %get3A_593 = arith.constant 352 : index
        %get3A_594 = tpu.vector_load %arg5[%get3A_591, %get3A_592, %get3A_593] {strides = array<i32>} : memref<2x16x1024xf32, #tpu.memory_space<vmem>>, vector<1x1x16xf32>,
        %get3A_595 = vector.shape_cast %get3A_594 : vector<1x1x16xf32> to vector<16xf32>
        %get3A_596 = arith.index_cast %scan3A_238 : i32 to index
        %get3A_597 = arith.constant 352 : index
        %get3A_598 = tpu.vector_load %arg7[%get3A_596, %get3A_597] {strides = array<i32>} : memref<16x1024xf32, #tpu.memory_space<vmem>>, vector<1x16xf32>,
        %get3A_599 = vector.shape_cast %get3A_598 : vector<1x16xf32> to vector<16xf32>
        %add3A_600 = arith.addf %get3A_595, %get3A_599 : vector<16xf32>
        %swap3A_601 = arith.index_cast %scan3A_238 : i32 to index
        %swap3A_602 = arith.constant 352 : index
        %swap3A_603 = tpu.vector_load %arg6[%swap3A_601, %swap3A_602] {strides = array<i32>} : memref<16x1024xf32, #tpu.memory_space<vmem>>, vector<1x16xf32>,
        %swap3A_604 = vector.shape_cast %swap3A_603 : vector<1x16xf32> to vector<16xf32>
        %swap3A_605 = vector.shape_cast %add3A_600 : vector<16xf32> to vector<1x16xf32>
        tpu.vector_store %arg6[%swap3A_601, %swap3A_602], %swap3A_605 {strides = array<i32>} : memref<16x1024xf32, #tpu.memory_space<vmem>>, vector<1x16xf32>,
        %get3A_606 = arith.constant 1 : i32
        %get3A_607 = arith.index_cast %get3A_606 : i32 to index
        %get3A_608 = arith.index_cast %scan3A_238 : i32 to index
        %get3A_609 = arith.constant 368 : index
        %get3A_610 = tpu.vector_load %arg5[%get3A_607, %get3A_608, %get3A_609] {strides = array<i32>} : memref<2x16x1024xf32, #tpu.memory_space<vmem>>, vector<1x1x16xf32>,
        %get3A_611 = vector.shape_cast %get3A_610 : vector<1x1x16xf32> to vector<16xf32>
        %get3A_612 = arith.index_cast %scan3A_238 : i32 to index
        %get3A_613 = arith.constant 368 : index
        %get3A_614 = tpu.vector_load %arg7[%get3A_612, %get3A_613] {strides = array<i32>} : memref<16x1024xf32, #tpu.memory_space<vmem>>, vector<1x16xf32>,
        %get3A_615 = vector.shape_cast %get3A_614 : vector<1x16xf32> to vector<16xf32>
        %add3A_616 = arith.addf %get3A_611, %get3A_615 : vector<16xf32>
        %swap3A_617 = arith.index_cast %scan3A_238 : i32 to index
        %swap3A_618 = arith.constant 368 : index
        %swap3A_619 = tpu.vector_load %arg6[%swap3A_617, %swap3A_618] {strides = array<i32>} : memref<16x1024xf32, #tpu.memory_space<vmem>>, vector<1x16xf32>,
        %swap3A_620 = vector.shape_cast %swap3A_619 : vector<1x16xf32> to vector<16xf32>
        %swap3A_621 = vector.shape_cast %add3A_616 : vector<16xf32> to vector<1x16xf32>
        tpu.vector_store %arg6[%swap3A_617, %swap3A_618], %swap3A_621 {strides = array<i32>} : memref<16x1024xf32, #tpu.memory_space<vmem>>, vector<1x16xf32>,
        %get3A_622 = arith.constant 1 : i32
        %get3A_623 = arith.index_cast %get3A_622 : i32 to index
        %get3A_624 = arith.index_cast %scan3A_238 : i32 to index
        %get3A_625 = arith.constant 384 : index
        %get3A_626 = tpu.vector_load %arg5[%get3A_623, %get3A_624, %get3A_625] {strides = array<i32>} : memref<2x16x1024xf32, #tpu.memory_space<vmem>>, vector<1x1x16xf32>,
        %get3A_627 = vector.shape_cast %get3A_626 : vector<1x1x16xf32> to vector<16xf32>
        %get3A_628 = arith.index_cast %scan3A_238 : i32 to index
        %get3A_629 = arith.constant 384 : index
        %get3A_630 = tpu.vector_load %arg7[%get3A_628, %get3A_629] {strides = array<i32>} : memref<16x1024xf32, #tpu.memory_space<vmem>>, vector<1x16xf32>,
        %get3A_631 = vector.shape_cast %get3A_630 : vector<1x16xf32> to vector<16xf32>
        %add3A_632 = arith.addf %get3A_627, %get3A_631 : vector<16xf32>
        %swap3A_633 = arith.index_cast %scan3A_238 : i32 to index
        %swap3A_634 = arith.constant 384 : index
        %swap3A_635 = tpu.vector_load %arg6[%swap3A_633, %swap3A_634] {strides = array<i32>} : memref<16x1024xf32, #tpu.memory_space<vmem>>, vector<1x16xf32>,
        %swap3A_636 = vector.shape_cast %swap3A_635 : vector<1x16xf32> to vector<16xf32>
        %swap3A_637 = vector.shape_cast %add3A_632 : vector<16xf32> to vector<1x16xf32>
        tpu.vector_store %arg6[%swap3A_633, %swap3A_634], %swap3A_637 {strides = array<i32>} : memref<16x1024xf32, #tpu.memory_space<vmem>>, vector<1x16xf32>,
        %get3A_638 = arith.constant 1 : i32
        %get3A_639 = arith.index_cast %get3A_638 : i32 to index
        %get3A_640 = arith.index_cast %scan3A_238 : i32 to index
        %get3A_641 = arith.constant 400 : index
        %get3A_642 = tpu.vector_load %arg5[%get3A_639, %get3A_640, %get3A_641] {strides = array<i32>} : memref<2x16x1024xf32, #tpu.memory_space<vmem>>, vector<1x1x16xf32>,
        %get3A_643 = vector.shape_cast %get3A_642 : vector<1x1x16xf32> to vector<16xf32>
        %get3A_644 = arith.index_cast %scan3A_238 : i32 to index
        %get3A_645 = arith.constant 400 : index
        %get3A_646 = tpu.vector_load %arg7[%get3A_644, %get3A_645] {strides = array<i32>} : memref<16x1024xf32, #tpu.memory_space<vmem>>, vector<1x16xf32>,
        %get3A_647 = vector.shape_cast %get3A_646 : vector<1x16xf32> to vector<16xf32>
        %add3A_648 = arith.addf %get3A_643, %get3A_647 : vector<16xf32>
        %swap3A_649 = arith.index_cast %scan3A_238 : i32 to index
        %swap3A_650 = arith.constant 400 : index
        %swap3A_651 = tpu.vector_load %arg6[%swap3A_649, %swap3A_650] {strides = array<i32>} : memref<16x1024xf32, #tpu.memory_space<vmem>>, vector<1x16xf32>,
        %swap3A_652 = vector.shape_cast %swap3A_651 : vector<1x16xf32> to vector<16xf32>
        %swap3A_653 = vector.shape_cast %add3A_648 : vector<16xf32> to vector<1x16xf32>
        tpu.vector_store %arg6[%swap3A_649, %swap3A_650], %swap3A_653 {strides = array<i32>} : memref<16x1024xf32, #tpu.memory_space<vmem>>, vector<1x16xf32>,
        %get3A_654 = arith.constant 1 : i32
        %get3A_655 = arith.index_cast %get3A_654 : i32 to index
        %get3A_656 = arith.index_cast %scan3A_238 : i32 to index
        %get3A_657 = arith.constant 416 : index
        %get3A_658 = tpu.vector_load %arg5[%get3A_655, %get3A_656, %get3A_657] {strides = array<i32>} : memref<2x16x1024xf32, #tpu.memory_space<vmem>>, vector<1x1x16xf32>,
        %get3A_659 = vector.shape_cast %get3A_658 : vector<1x1x16xf32> to vector<16xf32>
        %get3A_660 = arith.index_cast %scan3A_238 : i32 to index
        %get3A_661 = arith.constant 416 : index
        %get3A_662 = tpu.vector_load %arg7[%get3A_660, %get3A_661] {strides = array<i32>} : memref<16x1024xf32, #tpu.memory_space<vmem>>, vector<1x16xf32>,
        %get3A_663 = vector.shape_cast %get3A_662 : vector<1x16xf32> to vector<16xf32>
        %add3A_664 = arith.addf %get3A_659, %get3A_663 : vector<16xf32>
        %swap3A_665 = arith.index_cast %scan3A_238 : i32 to index
        %swap3A_666 = arith.constant 416 : index
        %swap3A_667 = tpu.vector_load %arg6[%swap3A_665, %swap3A_666] {strides = array<i32>} : memref<16x1024xf32, #tpu.memory_space<vmem>>, vector<1x16xf32>,
        %swap3A_668 = vector.shape_cast %swap3A_667 : vector<1x16xf32> to vector<16xf32>
        %swap3A_669 = vector.shape_cast %add3A_664 : vector<16xf32> to vector<1x16xf32>
        tpu.vector_store %arg6[%swap3A_665, %swap3A_666], %swap3A_669 {strides = array<i32>} : memref<16x1024xf32, #tpu.memory_space<vmem>>, vector<1x16xf32>,
        %get3A_670 = arith.constant 1 : i32
        %get3A_671 = arith.index_cast %get3A_670 : i32 to index
        %get3A_672 = arith.index_cast %scan3A_238 : i32 to index
        %get3A_673 = arith.constant 432 : index
        %get3A_674 = tpu.vector_load %arg5[%get3A_671, %get3A_672, %get3A_673] {strides = array<i32>} : memref<2x16x1024xf32, #tpu.memory_space<vmem>>, vector<1x1x16xf32>,
        %get3A_675 = vector.shape_cast %get3A_674 : vector<1x1x16xf32> to vector<16xf32>
        %get3A_676 = arith.index_cast %scan3A_238 : i32 to index
        %get3A_677 = arith.constant 432 : index
        %get3A_678 = tpu.vector_load %arg7[%get3A_676, %get3A_677] {strides = array<i32>} : memref<16x1024xf32, #tpu.memory_space<vmem>>, vector<1x16xf32>,
        %get3A_679 = vector.shape_cast %get3A_678 : vector<1x16xf32> to vector<16xf32>
        %add3A_680 = arith.addf %get3A_675, %get3A_679 : vector<16xf32>
        %swap3A_681 = arith.index_cast %scan3A_238 : i32 to index
        %swap3A_682 = arith.constant 432 : index
        %swap3A_683 = tpu.vector_load %arg6[%swap3A_681, %swap3A_682] {strides = array<i32>} : memref<16x1024xf32, #tpu.memory_space<vmem>>, vector<1x16xf32>,
        %swap3A_684 = vector.shape_cast %swap3A_683 : vector<1x16xf32> to vector<16xf32>
        %swap3A_685 = vector.shape_cast %add3A_680 : vector<16xf32> to vector<1x16xf32>
        tpu.vector_store %arg6[%swap3A_681, %swap3A_682], %swap3A_685 {strides = array<i32>} : memref<16x1024xf32, #tpu.memory_space<vmem>>, vector<1x16xf32>,
        %get3A_686 = arith.constant 1 : i32
        %get3A_687 = arith.index_cast %get3A_686 : i32 to index
        %get3A_688 = arith.index_cast %scan3A_238 : i32 to index
        %get3A_689 = arith.constant 448 : index
        %get3A_690 = tpu.vector_load %arg5[%get3A_687, %get3A_688, %get3A_689] {strides = array<i32>} : memref<2x16x1024xf32, #tpu.memory_space<vmem>>, vector<1x1x16xf32>,
        %get3A_691 = vector.shape_cast %get3A_690 : vector<1x1x16xf32> to vector<16xf32>
        %get3A_692 = arith.index_cast %scan3A_238 : i32 to index
        %get3A_693 = arith.constant 448 : index
        %get3A_694 = tpu.vector_load %arg7[%get3A_692, %get3A_693] {strides = array<i32>} : memref<16x1024xf32, #tpu.memory_space<vmem>>, vector<1x16xf32>,
        %get3A_695 = vector.shape_cast %get3A_694 : vector<1x16xf32> to vector<16xf32>
        %add3A_696 = arith.addf %get3A_691, %get3A_695 : vector<16xf32>
        %swap3A_697 = arith.index_cast %scan3A_238 : i32 to index
        %swap3A_698 = arith.constant 448 : index
        %swap3A_699 = tpu.vector_load %arg6[%swap3A_697, %swap3A_698] {strides = array<i32>} : memref<16x1024xf32, #tpu.memory_space<vmem>>, vector<1x16xf32>,
        %swap3A_700 = vector.shape_cast %swap3A_699 : vector<1x16xf32> to vector<16xf32>
        %swap3A_701 = vector.shape_cast %add3A_696 : vector<16xf32> to vector<1x16xf32>
        tpu.vector_store %arg6[%swap3A_697, %swap3A_698], %swap3A_701 {strides = array<i32>} : memref<16x1024xf32, #tpu.memory_space<vmem>>, vector<1x16xf32>,
        %get3A_702 = arith.constant 1 : i32
        %get3A_703 = arith.index_cast %get3A_702 : i32 to index
        %get3A_704 = arith.index_cast %scan3A_238 : i32 to index
        %get3A_705 = arith.constant 464 : index
        %get3A_706 = tpu.vector_load %arg5[%get3A_703, %get3A_704, %get3A_705] {strides = array<i32>} : memref<2x16x1024xf32, #tpu.memory_space<vmem>>, vector<1x1x16xf32>,
        %get3A_707 = vector.shape_cast %get3A_706 : vector<1x1x16xf32> to vector<16xf32>
        %get3A_708 = arith.index_cast %scan3A_238 : i32 to index
        %get3A_709 = arith.constant 464 : index
        %get3A_710 = tpu.vector_load %arg7[%get3A_708, %get3A_709] {strides = array<i32>} : memref<16x1024xf32, #tpu.memory_space<vmem>>, vector<1x16xf32>,
        %get3A_711 = vector.shape_cast %get3A_710 : vector<1x16xf32> to vector<16xf32>
        %add3A_712 = arith.addf %get3A_707, %get3A_711 : vector<16xf32>
        %swap3A_713 = arith.index_cast %scan3A_238 : i32 to index
        %swap3A_714 = arith.constant 464 : index
        %swap3A_715 = tpu.vector_load %arg6[%swap3A_713, %swap3A_714] {strides = array<i32>} : memref<16x1024xf32, #tpu.memory_space<vmem>>, vector<1x16xf32>,
        %swap3A_716 = vector.shape_cast %swap3A_715 : vector<1x16xf32> to vector<16xf32>
        %swap3A_717 = vector.shape_cast %add3A_712 : vector<16xf32> to vector<1x16xf32>
        tpu.vector_store %arg6[%swap3A_713, %swap3A_714], %swap3A_717 {strides = array<i32>} : memref<16x1024xf32, #tpu.memory_space<vmem>>, vector<1x16xf32>,
        %get3A_718 = arith.constant 1 : i32
        %get3A_719 = arith.index_cast %get3A_718 : i32 to index
        %get3A_720 = arith.index_cast %scan3A_238 : i32 to index
        %get3A_721 = arith.constant 480 : index
        %get3A_722 = tpu.vector_load %arg5[%get3A_719, %get3A_720, %get3A_721] {strides = array<i32>} : memref<2x16x1024xf32, #tpu.memory_space<vmem>>, vector<1x1x16xf32>,
        %get3A_723 = vector.shape_cast %get3A_722 : vector<1x1x16xf32> to vector<16xf32>
        %get3A_724 = arith.index_cast %scan3A_238 : i32 to index
        %get3A_725 = arith.constant 480 : index
        %get3A_726 = tpu.vector_load %arg7[%get3A_724, %get3A_725] {strides = array<i32>} : memref<16x1024xf32, #tpu.memory_space<vmem>>, vector<1x16xf32>,
        %get3A_727 = vector.shape_cast %get3A_726 : vector<1x16xf32> to vector<16xf32>
        %add3A_728 = arith.addf %get3A_723, %get3A_727 : vector<16xf32>
        %swap3A_729 = arith.index_cast %scan3A_238 : i32 to index
        %swap3A_730 = arith.constant 480 : index
        %swap3A_731 = tpu.vector_load %arg6[%swap3A_729, %swap3A_730] {strides = array<i32>} : memref<16x1024xf32, #tpu.memory_space<vmem>>, vector<1x16xf32>,
        %swap3A_732 = vector.shape_cast %swap3A_731 : vector<1x16xf32> to vector<16xf32>
        %swap3A_733 = vector.shape_cast %add3A_728 : vector<16xf32> to vector<1x16xf32>
        tpu.vector_store %arg6[%swap3A_729, %swap3A_730], %swap3A_733 {strides = array<i32>} : memref<16x1024xf32, #tpu.memory_space<vmem>>, vector<1x16xf32>,
        %get3A_734 = arith.constant 1 : i32
        %get3A_735 = arith.index_cast %get3A_734 : i32 to index
        %get3A_736 = arith.index_cast %scan3A_238 : i32 to index
        %get3A_737 = arith.constant 496 : index
        %get3A_738 = tpu.vector_load %arg5[%get3A_735, %get3A_736, %get3A_737] {strides = array<i32>} : memref<2x16x1024xf32, #tpu.memory_space<vmem>>, vector<1x1x16xf32>,
        %get3A_739 = vector.shape_cast %get3A_738 : vector<1x1x16xf32> to vector<16xf32>
        %get3A_740 = arith.index_cast %scan3A_238 : i32 to index
        %get3A_741 = arith.constant 496 : index
        %get3A_742 = tpu.vector_load %arg7[%get3A_740, %get3A_741] {strides = array<i32>} : memref<16x1024xf32, #tpu.memory_space<vmem>>, vector<1x16xf32>,
        %get3A_743 = vector.shape_cast %get3A_742 : vector<1x16xf32> to vector<16xf32>
        %add3A_744 = arith.addf %get3A_739, %get3A_743 : vector<16xf32>
        %swap3A_745 = arith.index_cast %scan3A_238 : i32 to index
        %swap3A_746 = arith.constant 496 : index
        %swap3A_747 = tpu.vector_load %arg6[%swap3A_745, %swap3A_746] {strides = array<i32>} : memref<16x1024xf32, #tpu.memory_space<vmem>>, vector<1x16xf32>,
        %swap3A_748 = vector.shape_cast %swap3A_747 : vector<1x16xf32> to vector<16xf32>
        %swap3A_749 = vector.shape_cast %add3A_744 : vector<16xf32> to vector<1x16xf32>
        tpu.vector_store %arg6[%swap3A_745, %swap3A_746], %swap3A_749 {strides = array<i32>} : memref<16x1024xf32, #tpu.memory_space<vmem>>, vector<1x16xf32>,
        %get3A_750 = arith.constant 1 : i32
        %get3A_751 = arith.index_cast %get3A_750 : i32 to index
        %get3A_752 = arith.index_cast %scan3A_238 : i32 to index
        %get3A_753 = arith.constant 512 : index
        %get3A_754 = tpu.vector_load %arg5[%get3A_751, %get3A_752, %get3A_753] {strides = array<i32>} : memref<2x16x1024xf32, #tpu.memory_space<vmem>>, vector<1x1x16xf32>,
        %get3A_755 = vector.shape_cast %get3A_754 : vector<1x1x16xf32> to vector<16xf32>
        %get3A_756 = arith.index_cast %scan3A_238 : i32 to index
        %get3A_757 = arith.constant 512 : index
        %get3A_758 = tpu.vector_load %arg7[%get3A_756, %get3A_757] {strides = array<i32>} : memref<16x1024xf32, #tpu.memory_space<vmem>>, vector<1x16xf32>,
        %get3A_759 = vector.shape_cast %get3A_758 : vector<1x16xf32> to vector<16xf32>
        %add3A_760 = arith.addf %get3A_755, %get3A_759 : vector<16xf32>
        %swap3A_761 = arith.index_cast %scan3A_238 : i32 to index
        %swap3A_762 = arith.constant 512 : index
        %swap3A_763 = tpu.vector_load %arg6[%swap3A_761, %swap3A_762] {strides = array<i32>} : memref<16x1024xf32, #tpu.memory_space<vmem>>, vector<1x16xf32>,
        %swap3A_764 = vector.shape_cast %swap3A_763 : vector<1x16xf32> to vector<16xf32>
        %swap3A_765 = vector.shape_cast %add3A_760 : vector<16xf32> to vector<1x16xf32>
        tpu.vector_store %arg6[%swap3A_761, %swap3A_762], %swap3A_765 {strides = array<i32>} : memref<16x1024xf32, #tpu.memory_space<vmem>>, vector<1x16xf32>,
        %get3A_766 = arith.constant 1 : i32
        %get3A_767 = arith.index_cast %get3A_766 : i32 to index
        %get3A_768 = arith.index_cast %scan3A_238 : i32 to index
        %get3A_769 = arith.constant 528 : index
        %get3A_770 = tpu.vector_load %arg5[%get3A_767, %get3A_768, %get3A_769] {strides = array<i32>} : memref<2x16x1024xf32, #tpu.memory_space<vmem>>, vector<1x1x16xf32>,
        %get3A_771 = vector.shape_cast %get3A_770 : vector<1x1x16xf32> to vector<16xf32>
        %get3A_772 = arith.index_cast %scan3A_238 : i32 to index
        %get3A_773 = arith.constant 528 : index
        %get3A_774 = tpu.vector_load %arg7[%get3A_772, %get3A_773] {strides = array<i32>} : memref<16x1024xf32, #tpu.memory_space<vmem>>, vector<1x16xf32>,
        %get3A_775 = vector.shape_cast %get3A_774 : vector<1x16xf32> to vector<16xf32>
        %add3A_776 = arith.addf %get3A_771, %get3A_775 : vector<16xf32>
        %swap3A_777 = arith.index_cast %scan3A_238 : i32 to index
        %swap3A_778 = arith.constant 528 : index
        %swap3A_779 = tpu.vector_load %arg6[%swap3A_777, %swap3A_778] {strides = array<i32>} : memref<16x1024xf32, #tpu.memory_space<vmem>>, vector<1x16xf32>,
        %swap3A_780 = vector.shape_cast %swap3A_779 : vector<1x16xf32> to vector<16xf32>
        %swap3A_781 = vector.shape_cast %add3A_776 : vector<16xf32> to vector<1x16xf32>
        tpu.vector_store %arg6[%swap3A_777, %swap3A_778], %swap3A_781 {strides = array<i32>} : memref<16x1024xf32, #tpu.memory_space<vmem>>, vector<1x16xf32>,
        %get3A_782 = arith.constant 1 : i32
        %get3A_783 = arith.index_cast %get3A_782 : i32 to index
        %get3A_784 = arith.index_cast %scan3A_238 : i32 to index
        %get3A_785 = arith.constant 544 : index
        %get3A_786 = tpu.vector_load %arg5[%get3A_783, %get3A_784, %get3A_785] {strides = array<i32>} : memref<2x16x1024xf32, #tpu.memory_space<vmem>>, vector<1x1x16xf32>,
        %get3A_787 = vector.shape_cast %get3A_786 : vector<1x1x16xf32> to vector<16xf32>
        %get3A_788 = arith.index_cast %scan3A_238 : i32 to index
        %get3A_789 = arith.constant 544 : index
        %get3A_790 = tpu.vector_load %arg7[%get3A_788, %get3A_789] {strides = array<i32>} : memref<16x1024xf32, #tpu.memory_space<vmem>>, vector<1x16xf32>,
        %get3A_791 = vector.shape_cast %get3A_790 : vector<1x16xf32> to vector<16xf32>
        %add3A_792 = arith.addf %get3A_787, %get3A_791 : vector<16xf32>
        %swap3A_793 = arith.index_cast %scan3A_238 : i32 to index
        %swap3A_794 = arith.constant 544 : index
        %swap3A_795 = tpu.vector_load %arg6[%swap3A_793, %swap3A_794] {strides = array<i32>} : memref<16x1024xf32, #tpu.memory_space<vmem>>, vector<1x16xf32>,
        %swap3A_796 = vector.shape_cast %swap3A_795 : vector<1x16xf32> to vector<16xf32>
        %swap3A_797 = vector.shape_cast %add3A_792 : vector<16xf32> to vector<1x16xf32>
        tpu.vector_store %arg6[%swap3A_793, %swap3A_794], %swap3A_797 {strides = array<i32>} : memref<16x1024xf32, #tpu.memory_space<vmem>>, vector<1x16xf32>,
        %get3A_798 = arith.constant 1 : i32
        %get3A_799 = arith.index_cast %get3A_798 : i32 to index
        %get3A_800 = arith.index_cast %scan3A_238 : i32 to index
        %get3A_801 = arith.constant 560 : index
        %get3A_802 = tpu.vector_load %arg5[%get3A_799, %get3A_800, %get3A_801] {strides = array<i32>} : memref<2x16x1024xf32, #tpu.memory_space<vmem>>, vector<1x1x16xf32>,
        %get3A_803 = vector.shape_cast %get3A_802 : vector<1x1x16xf32> to vector<16xf32>
        %get3A_804 = arith.index_cast %scan3A_238 : i32 to index
        %get3A_805 = arith.constant 560 : index
        %get3A_806 = tpu.vector_load %arg7[%get3A_804, %get3A_805] {strides = array<i32>} : memref<16x1024xf32, #tpu.memory_space<vmem>>, vector<1x16xf32>,
        %get3A_807 = vector.shape_cast %get3A_806 : vector<1x16xf32> to vector<16xf32>
        %add3A_808 = arith.addf %get3A_803, %get3A_807 : vector<16xf32>
        %swap3A_809 = arith.index_cast %scan3A_238 : i32 to index
        %swap3A_810 = arith.constant 560 : index
        %swap3A_811 = tpu.vector_load %arg6[%swap3A_809, %swap3A_810] {strides = array<i32>} : memref<16x1024xf32, #tpu.memory_space<vmem>>, vector<1x16xf32>,
        %swap3A_812 = vector.shape_cast %swap3A_811 : vector<1x16xf32> to vector<16xf32>
        %swap3A_813 = vector.shape_cast %add3A_808 : vector<16xf32> to vector<1x16xf32>
        tpu.vector_store %arg6[%swap3A_809, %swap3A_810], %swap3A_813 {strides = array<i32>} : memref<16x1024xf32, #tpu.memory_space<vmem>>, vector<1x16xf32>,
        %get3A_814 = arith.constant 1 : i32
        %get3A_815 = arith.index_cast %get3A_814 : i32 to index
        %get3A_816 = arith.index_cast %scan3A_238 : i32 to index
        %get3A_817 = arith.constant 576 : index
        %get3A_818 = tpu.vector_load %arg5[%get3A_815, %get3A_816, %get3A_817] {strides = array<i32>} : memref<2x16x1024xf32, #tpu.memory_space<vmem>>, vector<1x1x16xf32>,
        %get3A_819 = vector.shape_cast %get3A_818 : vector<1x1x16xf32> to vector<16xf32>
        %get3A_820 = arith.index_cast %scan3A_238 : i32 to index
        %get3A_821 = arith.constant 576 : index
        %get3A_822 = tpu.vector_load %arg7[%get3A_820, %get3A_821] {strides = array<i32>} : memref<16x1024xf32, #tpu.memory_space<vmem>>, vector<1x16xf32>,
        %get3A_823 = vector.shape_cast %get3A_822 : vector<1x16xf32> to vector<16xf32>
        %add3A_824 = arith.addf %get3A_819, %get3A_823 : vector<16xf32>
        %swap3A_825 = arith.index_cast %scan3A_238 : i32 to index
        %swap3A_826 = arith.constant 576 : index
        %swap3A_827 = tpu.vector_load %arg6[%swap3A_825, %swap3A_826] {strides = array<i32>} : memref<16x1024xf32, #tpu.memory_space<vmem>>, vector<1x16xf32>,
        %swap3A_828 = vector.shape_cast %swap3A_827 : vector<1x16xf32> to vector<16xf32>
        %swap3A_829 = vector.shape_cast %add3A_824 : vector<16xf32> to vector<1x16xf32>
        tpu.vector_store %arg6[%swap3A_825, %swap3A_826], %swap3A_829 {strides = array<i32>} : memref<16x1024xf32, #tpu.memory_space<vmem>>, vector<1x16xf32>,
        %get3A_830 = arith.constant 1 : i32
        %get3A_831 = arith.index_cast %get3A_830 : i32 to index
        %get3A_832 = arith.index_cast %scan3A_238 : i32 to index
        %get3A_833 = arith.constant 592 : index
        %get3A_834 = tpu.vector_load %arg5[%get3A_831, %get3A_832, %get3A_833] {strides = array<i32>} : memref<2x16x1024xf32, #tpu.memory_space<vmem>>, vector<1x1x16xf32>,
        %get3A_835 = vector.shape_cast %get3A_834 : vector<1x1x16xf32> to vector<16xf32>
        %get3A_836 = arith.index_cast %scan3A_238 : i32 to index
        %get3A_837 = arith.constant 592 : index
        %get3A_838 = tpu.vector_load %arg7[%get3A_836, %get3A_837] {strides = array<i32>} : memref<16x1024xf32, #tpu.memory_space<vmem>>, vector<1x16xf32>,
        %get3A_839 = vector.shape_cast %get3A_838 : vector<1x16xf32> to vector<16xf32>
        %add3A_840 = arith.addf %get3A_835, %get3A_839 : vector<16xf32>
        %swap3A_841 = arith.index_cast %scan3A_238 : i32 to index
        %swap3A_842 = arith.constant 592 : index
        %swap3A_843 = tpu.vector_load %arg6[%swap3A_841, %swap3A_842] {strides = array<i32>} : memref<16x1024xf32, #tpu.memory_space<vmem>>, vector<1x16xf32>,
        %swap3A_844 = vector.shape_cast %swap3A_843 : vector<1x16xf32> to vector<16xf32>
        %swap3A_845 = vector.shape_cast %add3A_840 : vector<16xf32> to vector<1x16xf32>
        tpu.vector_store %arg6[%swap3A_841, %swap3A_842], %swap3A_845 {strides = array<i32>} : memref<16x1024xf32, #tpu.memory_space<vmem>>, vector<1x16xf32>,
        %get3A_846 = arith.constant 1 : i32
        %get3A_847 = arith.index_cast %get3A_846 : i32 to index
        %get3A_848 = arith.index_cast %scan3A_238 : i32 to index
        %get3A_849 = arith.constant 608 : index
        %get3A_850 = tpu.vector_load %arg5[%get3A_847, %get3A_848, %get3A_849] {strides = array<i32>} : memref<2x16x1024xf32, #tpu.memory_space<vmem>>, vector<1x1x16xf32>,
        %get3A_851 = vector.shape_cast %get3A_850 : vector<1x1x16xf32> to vector<16xf32>
        %get3A_852 = arith.index_cast %scan3A_238 : i32 to index
        %get3A_853 = arith.constant 608 : index
        %get3A_854 = tpu.vector_load %arg7[%get3A_852, %get3A_853] {strides = array<i32>} : memref<16x1024xf32, #tpu.memory_space<vmem>>, vector<1x16xf32>,
        %get3A_855 = vector.shape_cast %get3A_854 : vector<1x16xf32> to vector<16xf32>
        %add3A_856 = arith.addf %get3A_851, %get3A_855 : vector<16xf32>
        %swap3A_857 = arith.index_cast %scan3A_238 : i32 to index
        %swap3A_858 = arith.constant 608 : index
        %swap3A_859 = tpu.vector_load %arg6[%swap3A_857, %swap3A_858] {strides = array<i32>} : memref<16x1024xf32, #tpu.memory_space<vmem>>, vector<1x16xf32>,
        %swap3A_860 = vector.shape_cast %swap3A_859 : vector<1x16xf32> to vector<16xf32>
        %swap3A_861 = vector.shape_cast %add3A_856 : vector<16xf32> to vector<1x16xf32>
        tpu.vector_store %arg6[%swap3A_857, %swap3A_858], %swap3A_861 {strides = array<i32>} : memref<16x1024xf32, #tpu.memory_space<vmem>>, vector<1x16xf32>,
        %get3A_862 = arith.constant 1 : i32
        %get3A_863 = arith.index_cast %get3A_862 : i32 to index
        %get3A_864 = arith.index_cast %scan3A_238 : i32 to index
        %get3A_865 = arith.constant 624 : index
        %get3A_866 = tpu.vector_load %arg5[%get3A_863, %get3A_864, %get3A_865] {strides = array<i32>} : memref<2x16x1024xf32, #tpu.memory_space<vmem>>, vector<1x1x16xf32>,
        %get3A_867 = vector.shape_cast %get3A_866 : vector<1x1x16xf32> to vector<16xf32>
        %get3A_868 = arith.index_cast %scan3A_238 : i32 to index
        %get3A_869 = arith.constant 624 : index
        %get3A_870 = tpu.vector_load %arg7[%get3A_868, %get3A_869] {strides = array<i32>} : memref<16x1024xf32, #tpu.memory_space<vmem>>, vector<1x16xf32>,
        %get3A_871 = vector.shape_cast %get3A_870 : vector<1x16xf32> to vector<16xf32>
        %add3A_872 = arith.addf %get3A_867, %get3A_871 : vector<16xf32>
        %swap3A_873 = arith.index_cast %scan3A_238 : i32 to index
        %swap3A_874 = arith.constant 624 : index
        %swap3A_875 = tpu.vector_load %arg6[%swap3A_873, %swap3A_874] {strides = array<i32>} : memref<16x1024xf32, #tpu.memory_space<vmem>>, vector<1x16xf32>,
        %swap3A_876 = vector.shape_cast %swap3A_875 : vector<1x16xf32> to vector<16xf32>
        %swap3A_877 = vector.shape_cast %add3A_872 : vector<16xf32> to vector<1x16xf32>
        tpu.vector_store %arg6[%swap3A_873, %swap3A_874], %swap3A_877 {strides = array<i32>} : memref<16x1024xf32, #tpu.memory_space<vmem>>, vector<1x16xf32>,
        %get3A_878 = arith.constant 1 : i32
        %get3A_879 = arith.index_cast %get3A_878 : i32 to index
        %get3A_880 = arith.index_cast %scan3A_238 : i32 to index
        %get3A_881 = arith.constant 640 : index
        %get3A_882 = tpu.vector_load %arg5[%get3A_879, %get3A_880, %get3A_881] {strides = array<i32>} : memref<2x16x1024xf32, #tpu.memory_space<vmem>>, vector<1x1x16xf32>,
        %get3A_883 = vector.shape_cast %get3A_882 : vector<1x1x16xf32> to vector<16xf32>
        %get3A_884 = arith.index_cast %scan3A_238 : i32 to index
        %get3A_885 = arith.constant 640 : index
        %get3A_886 = tpu.vector_load %arg7[%get3A_884, %get3A_885] {strides = array<i32>} : memref<16x1024xf32, #tpu.memory_space<vmem>>, vector<1x16xf32>,
        %get3A_887 = vector.shape_cast %get3A_886 : vector<1x16xf32> to vector<16xf32>
        %add3A_888 = arith.addf %get3A_883, %get3A_887 : vector<16xf32>
        %swap3A_889 = arith.index_cast %scan3A_238 : i32 to index
        %swap3A_890 = arith.constant 640 : index
        %swap3A_891 = tpu.vector_load %arg6[%swap3A_889, %swap3A_890] {strides = array<i32>} : memref<16x1024xf32, #tpu.memory_space<vmem>>, vector<1x16xf32>,
        %swap3A_892 = vector.shape_cast %swap3A_891 : vector<1x16xf32> to vector<16xf32>
        %swap3A_893 = vector.shape_cast %add3A_888 : vector<16xf32> to vector<1x16xf32>
        tpu.vector_store %arg6[%swap3A_889, %swap3A_890], %swap3A_893 {strides = array<i32>} : memref<16x1024xf32, #tpu.memory_space<vmem>>, vector<1x16xf32>,
        %get3A_894 = arith.constant 1 : i32
        %get3A_895 = arith.index_cast %get3A_894 : i32 to index
        %get3A_896 = arith.index_cast %scan3A_238 : i32 to index
        %get3A_897 = arith.constant 656 : index
        %get3A_898 = tpu.vector_load %arg5[%get3A_895, %get3A_896, %get3A_897] {strides = array<i32>} : memref<2x16x1024xf32, #tpu.memory_space<vmem>>, vector<1x1x16xf32>,
        %get3A_899 = vector.shape_cast %get3A_898 : vector<1x1x16xf32> to vector<16xf32>
        %get3A_900 = arith.index_cast %scan3A_238 : i32 to index
        %get3A_901 = arith.constant 656 : index
        %get3A_902 = tpu.vector_load %arg7[%get3A_900, %get3A_901] {strides = array<i32>} : memref<16x1024xf32, #tpu.memory_space<vmem>>, vector<1x16xf32>,
        %get3A_903 = vector.shape_cast %get3A_902 : vector<1x16xf32> to vector<16xf32>
        %add3A_904 = arith.addf %get3A_899, %get3A_903 : vector<16xf32>
        %swap3A_905 = arith.index_cast %scan3A_238 : i32 to index
        %swap3A_906 = arith.constant 656 : index
        %swap3A_907 = tpu.vector_load %arg6[%swap3A_905, %swap3A_906] {strides = array<i32>} : memref<16x1024xf32, #tpu.memory_space<vmem>>, vector<1x16xf32>,
        %swap3A_908 = vector.shape_cast %swap3A_907 : vector<1x16xf32> to vector<16xf32>
        %swap3A_909 = vector.shape_cast %add3A_904 : vector<16xf32> to vector<1x16xf32>
        tpu.vector_store %arg6[%swap3A_905, %swap3A_906], %swap3A_909 {strides = array<i32>} : memref<16x1024xf32, #tpu.memory_space<vmem>>, vector<1x16xf32>,
        %get3A_910 = arith.constant 1 : i32
        %get3A_911 = arith.index_cast %get3A_910 : i32 to index
        %get3A_912 = arith.index_cast %scan3A_238 : i32 to index
        %get3A_913 = arith.constant 672 : index
        %get3A_914 = tpu.vector_load %arg5[%get3A_911, %get3A_912, %get3A_913] {strides = array<i32>} : memref<2x16x1024xf32, #tpu.memory_space<vmem>>, vector<1x1x16xf32>,
        %get3A_915 = vector.shape_cast %get3A_914 : vector<1x1x16xf32> to vector<16xf32>
        %get3A_916 = arith.index_cast %scan3A_238 : i32 to index
        %get3A_917 = arith.constant 672 : index
        %get3A_918 = tpu.vector_load %arg7[%get3A_916, %get3A_917] {strides = array<i32>} : memref<16x1024xf32, #tpu.memory_space<vmem>>, vector<1x16xf32>,
        %get3A_919 = vector.shape_cast %get3A_918 : vector<1x16xf32> to vector<16xf32>
        %add3A_920 = arith.addf %get3A_915, %get3A_919 : vector<16xf32>
        %swap3A_921 = arith.index_cast %scan3A_238 : i32 to index
        %swap3A_922 = arith.constant 672 : index
        %swap3A_923 = tpu.vector_load %arg6[%swap3A_921, %swap3A_922] {strides = array<i32>} : memref<16x1024xf32, #tpu.memory_space<vmem>>, vector<1x16xf32>,
        %swap3A_924 = vector.shape_cast %swap3A_923 : vector<1x16xf32> to vector<16xf32>
        %swap3A_925 = vector.shape_cast %add3A_920 : vector<16xf32> to vector<1x16xf32>
        tpu.vector_store %arg6[%swap3A_921, %swap3A_922], %swap3A_925 {strides = array<i32>} : memref<16x1024xf32, #tpu.memory_space<vmem>>, vector<1x16xf32>,
        %get3A_926 = arith.constant 1 : i32
        %get3A_927 = arith.index_cast %get3A_926 : i32 to index
        %get3A_928 = arith.index_cast %scan3A_238 : i32 to index
        %get3A_929 = arith.constant 688 : index
        %get3A_930 = tpu.vector_load %arg5[%get3A_927, %get3A_928, %get3A_929] {strides = array<i32>} : memref<2x16x1024xf32, #tpu.memory_space<vmem>>, vector<1x1x16xf32>,
        %get3A_931 = vector.shape_cast %get3A_930 : vector<1x1x16xf32> to vector<16xf32>
        %get3A_932 = arith.index_cast %scan3A_238 : i32 to index
        %get3A_933 = arith.constant 688 : index
        %get3A_934 = tpu.vector_load %arg7[%get3A_932, %get3A_933] {strides = array<i32>} : memref<16x1024xf32, #tpu.memory_space<vmem>>, vector<1x16xf32>,
        %get3A_935 = vector.shape_cast %get3A_934 : vector<1x16xf32> to vector<16xf32>
        %add3A_936 = arith.addf %get3A_931, %get3A_935 : vector<16xf32>
        %swap3A_937 = arith.index_cast %scan3A_238 : i32 to index
        %swap3A_938 = arith.constant 688 : index
        %swap3A_939 = tpu.vector_load %arg6[%swap3A_937, %swap3A_938] {strides = array<i32>} : memref<16x1024xf32, #tpu.memory_space<vmem>>, vector<1x16xf32>,
        %swap3A_940 = vector.shape_cast %swap3A_939 : vector<1x16xf32> to vector<16xf32>
        %swap3A_941 = vector.shape_cast %add3A_936 : vector<16xf32> to vector<1x16xf32>
        tpu.vector_store %arg6[%swap3A_937, %swap3A_938], %swap3A_941 {strides = array<i32>} : memref<16x1024xf32, #tpu.memory_space<vmem>>, vector<1x16xf32>,
        %get3A_942 = arith.constant 1 : i32
        %get3A_943 = arith.index_cast %get3A_942 : i32 to index
        %get3A_944 = arith.index_cast %scan3A_238 : i32 to index
        %get3A_945 = arith.constant 704 : index
        %get3A_946 = tpu.vector_load %arg5[%get3A_943, %get3A_944, %get3A_945] {strides = array<i32>} : memref<2x16x1024xf32, #tpu.memory_space<vmem>>, vector<1x1x16xf32>,
        %get3A_947 = vector.shape_cast %get3A_946 : vector<1x1x16xf32> to vector<16xf32>
        %get3A_948 = arith.index_cast %scan3A_238 : i32 to index
        %get3A_949 = arith.constant 704 : index
        %get3A_950 = tpu.vector_load %arg7[%get3A_948, %get3A_949] {strides = array<i32>} : memref<16x1024xf32, #tpu.memory_space<vmem>>, vector<1x16xf32>,
        %get3A_951 = vector.shape_cast %get3A_950 : vector<1x16xf32> to vector<16xf32>
        %add3A_952 = arith.addf %get3A_947, %get3A_951 : vector<16xf32>
        %swap3A_953 = arith.index_cast %scan3A_238 : i32 to index
        %swap3A_954 = arith.constant 704 : index
        %swap3A_955 = tpu.vector_load %arg6[%swap3A_953, %swap3A_954] {strides = array<i32>} : memref<16x1024xf32, #tpu.memory_space<vmem>>, vector<1x16xf32>,
        %swap3A_956 = vector.shape_cast %swap3A_955 : vector<1x16xf32> to vector<16xf32>
        %swap3A_957 = vector.shape_cast %add3A_952 : vector<16xf32> to vector<1x16xf32>
        tpu.vector_store %arg6[%swap3A_953, %swap3A_954], %swap3A_957 {strides = array<i32>} : memref<16x1024xf32, #tpu.memory_space<vmem>>, vector<1x16xf32>,
        %get3A_958 = arith.constant 1 : i32
        %get3A_959 = arith.index_cast %get3A_958 : i32 to index
        %get3A_960 = arith.index_cast %scan3A_238 : i32 to index
        %get3A_961 = arith.constant 720 : index
        %get3A_962 = tpu.vector_load %arg5[%get3A_959, %get3A_960, %get3A_961] {strides = array<i32>} : memref<2x16x1024xf32, #tpu.memory_space<vmem>>, vector<1x1x16xf32>,
        %get3A_963 = vector.shape_cast %get3A_962 : vector<1x1x16xf32> to vector<16xf32>
        %get3A_964 = arith.index_cast %scan3A_238 : i32 to index
        %get3A_965 = arith.constant 720 : index
        %get3A_966 = tpu.vector_load %arg7[%get3A_964, %get3A_965] {strides = array<i32>} : memref<16x1024xf32, #tpu.memory_space<vmem>>, vector<1x16xf32>,
        %get3A_967 = vector.shape_cast %get3A_966 : vector<1x16xf32> to vector<16xf32>
        %add3A_968 = arith.addf %get3A_963, %get3A_967 : vector<16xf32>
        %swap3A_969 = arith.index_cast %scan3A_238 : i32 to index
        %swap3A_970 = arith.constant 720 : index
        %swap3A_971 = tpu.vector_load %arg6[%swap3A_969, %swap3A_970] {strides = array<i32>} : memref<16x1024xf32, #tpu.memory_space<vmem>>, vector<1x16xf32>,
        %swap3A_972 = vector.shape_cast %swap3A_971 : vector<1x16xf32> to vector<16xf32>
        %swap3A_973 = vector.shape_cast %add3A_968 : vector<16xf32> to vector<1x16xf32>
        tpu.vector_store %arg6[%swap3A_969, %swap3A_970], %swap3A_973 {strides = array<i32>} : memref<16x1024xf32, #tpu.memory_space<vmem>>, vector<1x16xf32>,
        %get3A_974 = arith.constant 1 : i32
        %get3A_975 = arith.index_cast %get3A_974 : i32 to index
        %get3A_976 = arith.index_cast %scan3A_238 : i32 to index
        %get3A_977 = arith.constant 736 : index
        %get3A_978 = tpu.vector_load %arg5[%get3A_975, %get3A_976, %get3A_977] {strides = array<i32>} : memref<2x16x1024xf32, #tpu.memory_space<vmem>>, vector<1x1x16xf32>,
        %get3A_979 = vector.shape_cast %get3A_978 : vector<1x1x16xf32> to vector<16xf32>
        %get3A_980 = arith.index_cast %scan3A_238 : i32 to index
        %get3A_981 = arith.constant 736 : index
        %get3A_982 = tpu.vector_load %arg7[%get3A_980, %get3A_981] {strides = array<i32>} : memref<16x1024xf32, #tpu.memory_space<vmem>>, vector<1x16xf32>,
        %get3A_983 = vector.shape_cast %get3A_982 : vector<1x16xf32> to vector<16xf32>
        %add3A_984 = arith.addf %get3A_979, %get3A_983 : vector<16xf32>
        %swap3A_985 = arith.index_cast %scan3A_238 : i32 to index
        %swap3A_986 = arith.constant 736 : index
        %swap3A_987 = tpu.vector_load %arg6[%swap3A_985, %swap3A_986] {strides = array<i32>} : memref<16x1024xf32, #tpu.memory_space<vmem>>, vector<1x16xf32>,
        %swap3A_988 = vector.shape_cast %swap3A_987 : vector<1x16xf32> to vector<16xf32>
        %swap3A_989 = vector.shape_cast %add3A_984 : vector<16xf32> to vector<1x16xf32>
        tpu.vector_store %arg6[%swap3A_985, %swap3A_986], %swap3A_989 {strides = array<i32>} : memref<16x1024xf32, #tpu.memory_space<vmem>>, vector<1x16xf32>,
        %get3A_990 = arith.constant 1 : i32
        %get3A_991 = arith.index_cast %get3A_990 : i32 to index
        %get3A_992 = arith.index_cast %scan3A_238 : i32 to index
        %get3A_993 = arith.constant 752 : index
        %get3A_994 = tpu.vector_load %arg5[%get3A_991, %get3A_992, %get3A_993] {strides = array<i32>} : memref<2x16x1024xf32, #tpu.memory_space<vmem>>, vector<1x1x16xf32>,
        %get3A_995 = vector.shape_cast %get3A_994 : vector<1x1x16xf32> to vector<16xf32>
        %get3A_996 = arith.index_cast %scan3A_238 : i32 to index
        %get3A_997 = arith.constant 752 : index
        %get3A_998 = tpu.vector_load %arg7[%get3A_996, %get3A_997] {strides = array<i32>} : memref<16x1024xf32, #tpu.memory_space<vmem>>, vector<1x16xf32>,
        %get3A_999 = vector.shape_cast %get3A_998 : vector<1x16xf32> to vector<16xf32>
        %add3A_1000 = arith.addf %get3A_995, %get3A_999 : vector<16xf32>
        %swap3A_1001 = arith.index_cast %scan3A_238 : i32 to index
        %swap3A_1002 = arith.constant 752 : index
        %swap3A_1003 = tpu.vector_load %arg6[%swap3A_1001, %swap3A_1002] {strides = array<i32>} : memref<16x1024xf32, #tpu.memory_space<vmem>>, vector<1x16xf32>,
        %swap3A_1004 = vector.shape_cast %swap3A_1003 : vector<1x16xf32> to vector<16xf32>
        %swap3A_1005 = vector.shape_cast %add3A_1000 : vector<16xf32> to vector<1x16xf32>
        tpu.vector_store %arg6[%swap3A_1001, %swap3A_1002], %swap3A_1005 {strides = array<i32>} : memref<16x1024xf32, #tpu.memory_space<vmem>>, vector<1x16xf32>,
        %get3A_1006 = arith.constant 1 : i32
        %get3A_1007 = arith.index_cast %get3A_1006 : i32 to index
        %get3A_1008 = arith.index_cast %scan3A_238 : i32 to index
        %get3A_1009 = arith.constant 768 : index
        %get3A_1010 = tpu.vector_load %arg5[%get3A_1007, %get3A_1008, %get3A_1009] {strides = array<i32>} : memref<2x16x1024xf32, #tpu.memory_space<vmem>>, vector<1x1x16xf32>,
        %get3A_1011 = vector.shape_cast %get3A_1010 : vector<1x1x16xf32> to vector<16xf32>
        %get3A_1012 = arith.index_cast %scan3A_238 : i32 to index
        %get3A_1013 = arith.constant 768 : index
        %get3A_1014 = tpu.vector_load %arg7[%get3A_1012, %get3A_1013] {strides = array<i32>} : memref<16x1024xf32, #tpu.memory_space<vmem>>, vector<1x16xf32>,
        %get3A_1015 = vector.shape_cast %get3A_1014 : vector<1x16xf32> to vector<16xf32>
        %add3A_1016 = arith.addf %get3A_1011, %get3A_1015 : vector<16xf32>
        %swap3A_1017 = arith.index_cast %scan3A_238 : i32 to index
        %swap3A_1018 = arith.constant 768 : index
        %swap3A_1019 = tpu.vector_load %arg6[%swap3A_1017, %swap3A_1018] {strides = array<i32>} : memref<16x1024xf32, #tpu.memory_space<vmem>>, vector<1x16xf32>,
        %swap3A_1020 = vector.shape_cast %swap3A_1019 : vector<1x16xf32> to vector<16xf32>
        %swap3A_1021 = vector.shape_cast %add3A_1016 : vector<16xf32> to vector<1x16xf32>
        tpu.vector_store %arg6[%swap3A_1017, %swap3A_1018], %swap3A_1021 {strides = array<i32>} : memref<16x1024xf32, #tpu.memory_space<vmem>>, vector<1x16xf32>,
        %get3A_1022 = arith.constant 1 : i32
        %get3A_1023 = arith.index_cast %get3A_1022 : i32 to index
        %get3A_1024 = arith.index_cast %scan3A_238 : i32 to index
        %get3A_1025 = arith.constant 784 : index
        %get3A_1026 = tpu.vector_load %arg5[%get3A_1023, %get3A_1024, %get3A_1025] {strides = array<i32>} : memref<2x16x1024xf32, #tpu.memory_space<vmem>>, vector<1x1x16xf32>,
        %get3A_1027 = vector.shape_cast %get3A_1026 : vector<1x1x16xf32> to vector<16xf32>
        %get3A_1028 = arith.index_cast %scan3A_238 : i32 to index
        %get3A_1029 = arith.constant 784 : index
        %get3A_1030 = tpu.vector_load %arg7[%get3A_1028, %get3A_1029] {strides = array<i32>} : memref<16x1024xf32, #tpu.memory_space<vmem>>, vector<1x16xf32>,
        %get3A_1031 = vector.shape_cast %get3A_1030 : vector<1x16xf32> to vector<16xf32>
        %add3A_1032 = arith.addf %get3A_1027, %get3A_1031 : vector<16xf32>
        %swap3A_1033 = arith.index_cast %scan3A_238 : i32 to index
        %swap3A_1034 = arith.constant 784 : index
        %swap3A_1035 = tpu.vector_load %arg6[%swap3A_1033, %swap3A_1034] {strides = array<i32>} : memref<16x1024xf32, #tpu.memory_space<vmem>>, vector<1x16xf32>,
        %swap3A_1036 = vector.shape_cast %swap3A_1035 : vector<1x16xf32> to vector<16xf32>
        %swap3A_1037 = vector.shape_cast %add3A_1032 : vector<16xf32> to vector<1x16xf32>
        tpu.vector_store %arg6[%swap3A_1033, %swap3A_1034], %swap3A_1037 {strides = array<i32>} : memref<16x1024xf32, #tpu.memory_space<vmem>>, vector<1x16xf32>,
        %get3A_1038 = arith.constant 1 : i32
        %get3A_1039 = arith.index_cast %get3A_1038 : i32 to index
        %get3A_1040 = arith.index_cast %scan3A_238 : i32 to index
        %get3A_1041 = arith.constant 800 : index
        %get3A_1042 = tpu.vector_load %arg5[%get3A_1039, %get3A_1040, %get3A_1041] {strides = array<i32>} : memref<2x16x1024xf32, #tpu.memory_space<vmem>>, vector<1x1x16xf32>,
        %get3A_1043 = vector.shape_cast %get3A_1042 : vector<1x1x16xf32> to vector<16xf32>
        %get3A_1044 = arith.index_cast %scan3A_238 : i32 to index
        %get3A_1045 = arith.constant 800 : index
        %get3A_1046 = tpu.vector_load %arg7[%get3A_1044, %get3A_1045] {strides = array<i32>} : memref<16x1024xf32, #tpu.memory_space<vmem>>, vector<1x16xf32>,
        %get3A_1047 = vector.shape_cast %get3A_1046 : vector<1x16xf32> to vector<16xf32>
        %add3A_1048 = arith.addf %get3A_1043, %get3A_1047 : vector<16xf32>
        %swap3A_1049 = arith.index_cast %scan3A_238 : i32 to index
        %swap3A_1050 = arith.constant 800 : index
        %swap3A_1051 = tpu.vector_load %arg6[%swap3A_1049, %swap3A_1050] {strides = array<i32>} : memref<16x1024xf32, #tpu.memory_space<vmem>>, vector<1x16xf32>,
        %swap3A_1052 = vector.shape_cast %swap3A_1051 : vector<1x16xf32> to vector<16xf32>
        %swap3A_1053 = vector.shape_cast %add3A_1048 : vector<16xf32> to vector<1x16xf32>
        tpu.vector_store %arg6[%swap3A_1049, %swap3A_1050], %swap3A_1053 {strides = array<i32>} : memref<16x1024xf32, #tpu.memory_space<vmem>>, vector<1x16xf32>,
        %get3A_1054 = arith.constant 1 : i32
        %get3A_1055 = arith.index_cast %get3A_1054 : i32 to index
        %get3A_1056 = arith.index_cast %scan3A_238 : i32 to index
        %get3A_1057 = arith.constant 816 : index
        %get3A_1058 = tpu.vector_load %arg5[%get3A_1055, %get3A_1056, %get3A_1057] {strides = array<i32>} : memref<2x16x1024xf32, #tpu.memory_space<vmem>>, vector<1x1x16xf32>,
        %get3A_1059 = vector.shape_cast %get3A_1058 : vector<1x1x16xf32> to vector<16xf32>
        %get3A_1060 = arith.index_cast %scan3A_238 : i32 to index
        %get3A_1061 = arith.constant 816 : index
        %get3A_1062 = tpu.vector_load %arg7[%get3A_1060, %get3A_1061] {strides = array<i32>} : memref<16x1024xf32, #tpu.memory_space<vmem>>, vector<1x16xf32>,
        %get3A_1063 = vector.shape_cast %get3A_1062 : vector<1x16xf32> to vector<16xf32>
        %add3A_1064 = arith.addf %get3A_1059, %get3A_1063 : vector<16xf32>
        %swap3A_1065 = arith.index_cast %scan3A_238 : i32 to index
        %swap3A_1066 = arith.constant 816 : index
        %swap3A_1067 = tpu.vector_load %arg6[%swap3A_1065, %swap3A_1066] {strides = array<i32>} : memref<16x1024xf32, #tpu.memory_space<vmem>>, vector<1x16xf32>,
        %swap3A_1068 = vector.shape_cast %swap3A_1067 : vector<1x16xf32> to vector<16xf32>
        %swap3A_1069 = vector.shape_cast %add3A_1064 : vector<16xf32> to vector<1x16xf32>
        tpu.vector_store %arg6[%swap3A_1065, %swap3A_1066], %swap3A_1069 {strides = array<i32>} : memref<16x1024xf32, #tpu.memory_space<vmem>>, vector<1x16xf32>,
        %get3A_1070 = arith.constant 1 : i32
        %get3A_1071 = arith.index_cast %get3A_1070 : i32 to index
        %get3A_1072 = arith.index_cast %scan3A_238 : i32 to index
        %get3A_1073 = arith.constant 832 : index
        %get3A_1074 = tpu.vector_load %arg5[%get3A_1071, %get3A_1072, %get3A_1073] {strides = array<i32>} : memref<2x16x1024xf32, #tpu.memory_space<vmem>>, vector<1x1x16xf32>,
        %get3A_1075 = vector.shape_cast %get3A_1074 : vector<1x1x16xf32> to vector<16xf32>
        %get3A_1076 = arith.index_cast %scan3A_238 : i32 to index
        %get3A_1077 = arith.constant 832 : index
        %get3A_1078 = tpu.vector_load %arg7[%get3A_1076, %get3A_1077] {strides = array<i32>} : memref<16x1024xf32, #tpu.memory_space<vmem>>, vector<1x16xf32>,
        %get3A_1079 = vector.shape_cast %get3A_1078 : vector<1x16xf32> to vector<16xf32>
        %add3A_1080 = arith.addf %get3A_1075, %get3A_1079 : vector<16xf32>
        %swap3A_1081 = arith.index_cast %scan3A_238 : i32 to index
        %swap3A_1082 = arith.constant 832 : index
        %swap3A_1083 = tpu.vector_load %arg6[%swap3A_1081, %swap3A_1082] {strides = array<i32>} : memref<16x1024xf32, #tpu.memory_space<vmem>>, vector<1x16xf32>,
        %swap3A_1084 = vector.shape_cast %swap3A_1083 : vector<1x16xf32> to vector<16xf32>
        %swap3A_1085 = vector.shape_cast %add3A_1080 : vector<16xf32> to vector<1x16xf32>
        tpu.vector_store %arg6[%swap3A_1081, %swap3A_1082], %swap3A_1085 {strides = array<i32>} : memref<16x1024xf32, #tpu.memory_space<vmem>>, vector<1x16xf32>,
        %get3A_1086 = arith.constant 1 : i32
        %get3A_1087 = arith.index_cast %get3A_1086 : i32 to index
        %get3A_1088 = arith.index_cast %scan3A_238 : i32 to index
        %get3A_1089 = arith.constant 848 : index
        %get3A_1090 = tpu.vector_load %arg5[%get3A_1087, %get3A_1088, %get3A_1089] {strides = array<i32>} : memref<2x16x1024xf32, #tpu.memory_space<vmem>>, vector<1x1x16xf32>,
        %get3A_1091 = vector.shape_cast %get3A_1090 : vector<1x1x16xf32> to vector<16xf32>
        %get3A_1092 = arith.index_cast %scan3A_238 : i32 to index
        %get3A_1093 = arith.constant 848 : index
        %get3A_1094 = tpu.vector_load %arg7[%get3A_1092, %get3A_1093] {strides = array<i32>} : memref<16x1024xf32, #tpu.memory_space<vmem>>, vector<1x16xf32>,
        %get3A_1095 = vector.shape_cast %get3A_1094 : vector<1x16xf32> to vector<16xf32>
        %add3A_1096 = arith.addf %get3A_1091, %get3A_1095 : vector<16xf32>
        %swap3A_1097 = arith.index_cast %scan3A_238 : i32 to index
        %swap3A_1098 = arith.constant 848 : index
        %swap3A_1099 = tpu.vector_load %arg6[%swap3A_1097, %swap3A_1098] {strides = array<i32>} : memref<16x1024xf32, #tpu.memory_space<vmem>>, vector<1x16xf32>,
        %swap3A_1100 = vector.shape_cast %swap3A_1099 : vector<1x16xf32> to vector<16xf32>
        %swap3A_1101 = vector.shape_cast %add3A_1096 : vector<16xf32> to vector<1x16xf32>
        tpu.vector_store %arg6[%swap3A_1097, %swap3A_1098], %swap3A_1101 {strides = array<i32>} : memref<16x1024xf32, #tpu.memory_space<vmem>>, vector<1x16xf32>,
        %get3A_1102 = arith.constant 1 : i32
        %get3A_1103 = arith.index_cast %get3A_1102 : i32 to index
        %get3A_1104 = arith.index_cast %scan3A_238 : i32 to index
        %get3A_1105 = arith.constant 864 : index
        %get3A_1106 = tpu.vector_load %arg5[%get3A_1103, %get3A_1104, %get3A_1105] {strides = array<i32>} : memref<2x16x1024xf32, #tpu.memory_space<vmem>>, vector<1x1x16xf32>,
        %get3A_1107 = vector.shape_cast %get3A_1106 : vector<1x1x16xf32> to vector<16xf32>
        %get3A_1108 = arith.index_cast %scan3A_238 : i32 to index
        %get3A_1109 = arith.constant 864 : index
        %get3A_1110 = tpu.vector_load %arg7[%get3A_1108, %get3A_1109] {strides = array<i32>} : memref<16x1024xf32, #tpu.memory_space<vmem>>, vector<1x16xf32>,
        %get3A_1111 = vector.shape_cast %get3A_1110 : vector<1x16xf32> to vector<16xf32>
        %add3A_1112 = arith.addf %get3A_1107, %get3A_1111 : vector<16xf32>
        %swap3A_1113 = arith.index_cast %scan3A_238 : i32 to index
        %swap3A_1114 = arith.constant 864 : index
        %swap3A_1115 = tpu.vector_load %arg6[%swap3A_1113, %swap3A_1114] {strides = array<i32>} : memref<16x1024xf32, #tpu.memory_space<vmem>>, vector<1x16xf32>,
        %swap3A_1116 = vector.shape_cast %swap3A_1115 : vector<1x16xf32> to vector<16xf32>
        %swap3A_1117 = vector.shape_cast %add3A_1112 : vector<16xf32> to vector<1x16xf32>
        tpu.vector_store %arg6[%swap3A_1113, %swap3A_1114], %swap3A_1117 {strides = array<i32>} : memref<16x1024xf32, #tpu.memory_space<vmem>>, vector<1x16xf32>,
        %get3A_1118 = arith.constant 1 : i32
        %get3A_1119 = arith.index_cast %get3A_1118 : i32 to index
        %get3A_1120 = arith.index_cast %scan3A_238 : i32 to index
        %get3A_1121 = arith.constant 880 : index
        %get3A_1122 = tpu.vector_load %arg5[%get3A_1119, %get3A_1120, %get3A_1121] {strides = array<i32>} : memref<2x16x1024xf32, #tpu.memory_space<vmem>>, vector<1x1x16xf32>,
        %get3A_1123 = vector.shape_cast %get3A_1122 : vector<1x1x16xf32> to vector<16xf32>
        %get3A_1124 = arith.index_cast %scan3A_238 : i32 to index
        %get3A_1125 = arith.constant 880 : index
        %get3A_1126 = tpu.vector_load %arg7[%get3A_1124, %get3A_1125] {strides = array<i32>} : memref<16x1024xf32, #tpu.memory_space<vmem>>, vector<1x16xf32>,
        %get3A_1127 = vector.shape_cast %get3A_1126 : vector<1x16xf32> to vector<16xf32>
        %add3A_1128 = arith.addf %get3A_1123, %get3A_1127 : vector<16xf32>
        %swap3A_1129 = arith.index_cast %scan3A_238 : i32 to index
        %swap3A_1130 = arith.constant 880 : index
        %swap3A_1131 = tpu.vector_load %arg6[%swap3A_1129, %swap3A_1130] {strides = array<i32>} : memref<16x1024xf32, #tpu.memory_space<vmem>>, vector<1x16xf32>,
        %swap3A_1132 = vector.shape_cast %swap3A_1131 : vector<1x16xf32> to vector<16xf32>
        %swap3A_1133 = vector.shape_cast %add3A_1128 : vector<16xf32> to vector<1x16xf32>
        tpu.vector_store %arg6[%swap3A_1129, %swap3A_1130], %swap3A_1133 {strides = array<i32>} : memref<16x1024xf32, #tpu.memory_space<vmem>>, vector<1x16xf32>,
        %get3A_1134 = arith.constant 1 : i32
        %get3A_1135 = arith.index_cast %get3A_1134 : i32 to index
        %get3A_1136 = arith.index_cast %scan3A_238 : i32 to index
        %get3A_1137 = arith.constant 896 : index
        %get3A_1138 = tpu.vector_load %arg5[%get3A_1135, %get3A_1136, %get3A_1137] {strides = array<i32>} : memref<2x16x1024xf32, #tpu.memory_space<vmem>>, vector<1x1x16xf32>,
        %get3A_1139 = vector.shape_cast %get3A_1138 : vector<1x1x16xf32> to vector<16xf32>
        %get3A_1140 = arith.index_cast %scan3A_238 : i32 to index
        %get3A_1141 = arith.constant 896 : index
        %get3A_1142 = tpu.vector_load %arg7[%get3A_1140, %get3A_1141] {strides = array<i32>} : memref<16x1024xf32, #tpu.memory_space<vmem>>, vector<1x16xf32>,
        %get3A_1143 = vector.shape_cast %get3A_1142 : vector<1x16xf32> to vector<16xf32>
        %add3A_1144 = arith.addf %get3A_1139, %get3A_1143 : vector<16xf32>
        %swap3A_1145 = arith.index_cast %scan3A_238 : i32 to index
        %swap3A_1146 = arith.constant 896 : index
        %swap3A_1147 = tpu.vector_load %arg6[%swap3A_1145, %swap3A_1146] {strides = array<i32>} : memref<16x1024xf32, #tpu.memory_space<vmem>>, vector<1x16xf32>,
        %swap3A_1148 = vector.shape_cast %swap3A_1147 : vector<1x16xf32> to vector<16xf32>
        %swap3A_1149 = vector.shape_cast %add3A_1144 : vector<16xf32> to vector<1x16xf32>
        tpu.vector_store %arg6[%swap3A_1145, %swap3A_1146], %swap3A_1149 {strides = array<i32>} : memref<16x1024xf32, #tpu.memory_space<vmem>>, vector<1x16xf32>,
        %get3A_1150 = arith.constant 1 : i32
        %get3A_1151 = arith.index_cast %get3A_1150 : i32 to index
        %get3A_1152 = arith.index_cast %scan3A_238 : i32 to index
        %get3A_1153 = arith.constant 912 : index
        %get3A_1154 = tpu.vector_load %arg5[%get3A_1151, %get3A_1152, %get3A_1153] {strides = array<i32>} : memref<2x16x1024xf32, #tpu.memory_space<vmem>>, vector<1x1x16xf32>,
        %get3A_1155 = vector.shape_cast %get3A_1154 : vector<1x1x16xf32> to vector<16xf32>
        %get3A_1156 = arith.index_cast %scan3A_238 : i32 to index
        %get3A_1157 = arith.constant 912 : index
        %get3A_1158 = tpu.vector_load %arg7[%get3A_1156, %get3A_1157] {strides = array<i32>} : memref<16x1024xf32, #tpu.memory_space<vmem>>, vector<1x16xf32>,
        %get3A_1159 = vector.shape_cast %get3A_1158 : vector<1x16xf32> to vector<16xf32>
        %add3A_1160 = arith.addf %get3A_1155, %get3A_1159 : vector<16xf32>
        %swap3A_1161 = arith.index_cast %scan3A_238 : i32 to index
        %swap3A_1162 = arith.constant 912 : index
        %swap3A_1163 = tpu.vector_load %arg6[%swap3A_1161, %swap3A_1162] {strides = array<i32>} : memref<16x1024xf32, #tpu.memory_space<vmem>>, vector<1x16xf32>,
        %swap3A_1164 = vector.shape_cast %swap3A_1163 : vector<1x16xf32> to vector<16xf32>
        %swap3A_1165 = vector.shape_cast %add3A_1160 : vector<16xf32> to vector<1x16xf32>
        tpu.vector_store %arg6[%swap3A_1161, %swap3A_1162], %swap3A_1165 {strides = array<i32>} : memref<16x1024xf32, #tpu.memory_space<vmem>>, vector<1x16xf32>,
        %get3A_1166 = arith.constant 1 : i32
        %get3A_1167 = arith.index_cast %get3A_1166 : i32 to index
        %get3A_1168 = arith.index_cast %scan3A_238 : i32 to index
        %get3A_1169 = arith.constant 928 : index
        %get3A_1170 = tpu.vector_load %arg5[%get3A_1167, %get3A_1168, %get3A_1169] {strides = array<i32>} : memref<2x16x1024xf32, #tpu.memory_space<vmem>>, vector<1x1x16xf32>,
        %get3A_1171 = vector.shape_cast %get3A_1170 : vector<1x1x16xf32> to vector<16xf32>
        %get3A_1172 = arith.index_cast %scan3A_238 : i32 to index
        %get3A_1173 = arith.constant 928 : index
        %get3A_1174 = tpu.vector_load %arg7[%get3A_1172, %get3A_1173] {strides = array<i32>} : memref<16x1024xf32, #tpu.memory_space<vmem>>, vector<1x16xf32>,
        %get3A_1175 = vector.shape_cast %get3A_1174 : vector<1x16xf32> to vector<16xf32>
        %add3A_1176 = arith.addf %get3A_1171, %get3A_1175 : vector<16xf32>
        %swap3A_1177 = arith.index_cast %scan3A_238 : i32 to index
        %swap3A_1178 = arith.constant 928 : index
        %swap3A_1179 = tpu.vector_load %arg6[%swap3A_1177, %swap3A_1178] {strides = array<i32>} : memref<16x1024xf32, #tpu.memory_space<vmem>>, vector<1x16xf32>,
        %swap3A_1180 = vector.shape_cast %swap3A_1179 : vector<1x16xf32> to vector<16xf32>
        %swap3A_1181 = vector.shape_cast %add3A_1176 : vector<16xf32> to vector<1x16xf32>
        tpu.vector_store %arg6[%swap3A_1177, %swap3A_1178], %swap3A_1181 {strides = array<i32>} : memref<16x1024xf32, #tpu.memory_space<vmem>>, vector<1x16xf32>,
        %get3A_1182 = arith.constant 1 : i32
        %get3A_1183 = arith.index_cast %get3A_1182 : i32 to index
        %get3A_1184 = arith.index_cast %scan3A_238 : i32 to index
        %get3A_1185 = arith.constant 944 : index
        %get3A_1186 = tpu.vector_load %arg5[%get3A_1183, %get3A_1184, %get3A_1185] {strides = array<i32>} : memref<2x16x1024xf32, #tpu.memory_space<vmem>>, vector<1x1x16xf32>,
        %get3A_1187 = vector.shape_cast %get3A_1186 : vector<1x1x16xf32> to vector<16xf32>
        %get3A_1188 = arith.index_cast %scan3A_238 : i32 to index
        %get3A_1189 = arith.constant 944 : index
        %get3A_1190 = tpu.vector_load %arg7[%get3A_1188, %get3A_1189] {strides = array<i32>} : memref<16x1024xf32, #tpu.memory_space<vmem>>, vector<1x16xf32>,
        %get3A_1191 = vector.shape_cast %get3A_1190 : vector<1x16xf32> to vector<16xf32>
        %add3A_1192 = arith.addf %get3A_1187, %get3A_1191 : vector<16xf32>
        %swap3A_1193 = arith.index_cast %scan3A_238 : i32 to index
        %swap3A_1194 = arith.constant 944 : index
        %swap3A_1195 = tpu.vector_load %arg6[%swap3A_1193, %swap3A_1194] {strides = array<i32>} : memref<16x1024xf32, #tpu.memory_space<vmem>>, vector<1x16xf32>,
        %swap3A_1196 = vector.shape_cast %swap3A_1195 : vector<1x16xf32> to vector<16xf32>
        %swap3A_1197 = vector.shape_cast %add3A_1192 : vector<16xf32> to vector<1x16xf32>
        tpu.vector_store %arg6[%swap3A_1193, %swap3A_1194], %swap3A_1197 {strides = array<i32>} : memref<16x1024xf32, #tpu.memory_space<vmem>>, vector<1x16xf32>,
        %get3A_1198 = arith.constant 1 : i32
        %get3A_1199 = arith.index_cast %get3A_1198 : i32 to index
        %get3A_1200 = arith.index_cast %scan3A_238 : i32 to index
        %get3A_1201 = arith.constant 960 : index
        %get3A_1202 = tpu.vector_load %arg5[%get3A_1199, %get3A_1200, %get3A_1201] {strides = array<i32>} : memref<2x16x1024xf32, #tpu.memory_space<vmem>>, vector<1x1x16xf32>,
        %get3A_1203 = vector.shape_cast %get3A_1202 : vector<1x1x16xf32> to vector<16xf32>
        %get3A_1204 = arith.index_cast %scan3A_238 : i32 to index
        %get3A_1205 = arith.constant 960 : index
        %get3A_1206 = tpu.vector_load %arg7[%get3A_1204, %get3A_1205] {strides = array<i32>} : memref<16x1024xf32, #tpu.memory_space<vmem>>, vector<1x16xf32>,
        %get3A_1207 = vector.shape_cast %get3A_1206 : vector<1x16xf32> to vector<16xf32>
        %add3A_1208 = arith.addf %get3A_1203, %get3A_1207 : vector<16xf32>
        %swap3A_1209 = arith.index_cast %scan3A_238 : i32 to index
        %swap3A_1210 = arith.constant 960 : index
        %swap3A_1211 = tpu.vector_load %arg6[%swap3A_1209, %swap3A_1210] {strides = array<i32>} : memref<16x1024xf32, #tpu.memory_space<vmem>>, vector<1x16xf32>,
        %swap3A_1212 = vector.shape_cast %swap3A_1211 : vector<1x16xf32> to vector<16xf32>
        %swap3A_1213 = vector.shape_cast %add3A_1208 : vector<16xf32> to vector<1x16xf32>
        tpu.vector_store %arg6[%swap3A_1209, %swap3A_1210], %swap3A_1213 {strides = array<i32>} : memref<16x1024xf32, #tpu.memory_space<vmem>>, vector<1x16xf32>,
        %get3A_1214 = arith.constant 1 : i32
        %get3A_1215 = arith.index_cast %get3A_1214 : i32 to index
        %get3A_1216 = arith.index_cast %scan3A_238 : i32 to index
        %get3A_1217 = arith.constant 976 : index
        %get3A_1218 = tpu.vector_load %arg5[%get3A_1215, %get3A_1216, %get3A_1217] {strides = array<i32>} : memref<2x16x1024xf32, #tpu.memory_space<vmem>>, vector<1x1x16xf32>,
        %get3A_1219 = vector.shape_cast %get3A_1218 : vector<1x1x16xf32> to vector<16xf32>
        %get3A_1220 = arith.index_cast %scan3A_238 : i32 to index
        %get3A_1221 = arith.constant 976 : index
        %get3A_1222 = tpu.vector_load %arg7[%get3A_1220, %get3A_1221] {strides = array<i32>} : memref<16x1024xf32, #tpu.memory_space<vmem>>, vector<1x16xf32>,
        %get3A_1223 = vector.shape_cast %get3A_1222 : vector<1x16xf32> to vector<16xf32>
        %add3A_1224 = arith.addf %get3A_1219, %get3A_1223 : vector<16xf32>
        %swap3A_1225 = arith.index_cast %scan3A_238 : i32 to index
        %swap3A_1226 = arith.constant 976 : index
        %swap3A_1227 = tpu.vector_load %arg6[%swap3A_1225, %swap3A_1226] {strides = array<i32>} : memref<16x1024xf32, #tpu.memory_space<vmem>>, vector<1x16xf32>,
        %swap3A_1228 = vector.shape_cast %swap3A_1227 : vector<1x16xf32> to vector<16xf32>
        %swap3A_1229 = vector.shape_cast %add3A_1224 : vector<16xf32> to vector<1x16xf32>
        tpu.vector_store %arg6[%swap3A_1225, %swap3A_1226], %swap3A_1229 {strides = array<i32>} : memref<16x1024xf32, #tpu.memory_space<vmem>>, vector<1x16xf32>,
        %get3A_1230 = arith.constant 1 : i32
        %get3A_1231 = arith.index_cast %get3A_1230 : i32 to index
        %get3A_1232 = arith.index_cast %scan3A_238 : i32 to index
        %get3A_1233 = arith.constant 992 : index
        %get3A_1234 = tpu.vector_load %arg5[%get3A_1231, %get3A_1232, %get3A_1233] {strides = array<i32>} : memref<2x16x1024xf32, #tpu.memory_space<vmem>>, vector<1x1x16xf32>,
        %get3A_1235 = vector.shape_cast %get3A_1234 : vector<1x1x16xf32> to vector<16xf32>
        %get3A_1236 = arith.index_cast %scan3A_238 : i32 to index
        %get3A_1237 = arith.constant 992 : index
        %get3A_1238 = tpu.vector_load %arg7[%get3A_1236, %get3A_1237] {strides = array<i32>} : memref<16x1024xf32, #tpu.memory_space<vmem>>, vector<1x16xf32>,
        %get3A_1239 = vector.shape_cast %get3A_1238 : vector<1x16xf32> to vector<16xf32>
        %add3A_1240 = arith.addf %get3A_1235, %get3A_1239 : vector<16xf32>
        %swap3A_1241 = arith.index_cast %scan3A_238 : i32 to index
        %swap3A_1242 = arith.constant 992 : index
        %swap3A_1243 = tpu.vector_load %arg6[%swap3A_1241, %swap3A_1242] {strides = array<i32>} : memref<16x1024xf32, #tpu.memory_space<vmem>>, vector<1x16xf32>,
        %swap3A_1244 = vector.shape_cast %swap3A_1243 : vector<1x16xf32> to vector<16xf32>
        %swap3A_1245 = vector.shape_cast %add3A_1240 : vector<16xf32> to vector<1x16xf32>
        tpu.vector_store %arg6[%swap3A_1241, %swap3A_1242], %swap3A_1245 {strides = array<i32>} : memref<16x1024xf32, #tpu.memory_space<vmem>>, vector<1x16xf32>,
        %get3A_1246 = arith.constant 1 : i32
        %get3A_1247 = arith.index_cast %get3A_1246 : i32 to index
        %get3A_1248 = arith.index_cast %scan3A_238 : i32 to index
        %get3A_1249 = arith.constant 1008 : index
        %get3A_1250 = tpu.vector_load %arg5[%get3A_1247, %get3A_1248, %get3A_1249] {strides = array<i32>} : memref<2x16x1024xf32, #tpu.memory_space<vmem>>, vector<1x1x16xf32>,
        %get3A_1251 = vector.shape_cast %get3A_1250 : vector<1x1x16xf32> to vector<16xf32>
        %get3A_1252 = arith.index_cast %scan3A_238 : i32 to index
        %get3A_1253 = arith.constant 1008 : index
        %get3A_1254 = tpu.vector_load %arg7[%get3A_1252, %get3A_1253] {strides = array<i32>} : memref<16x1024xf32, #tpu.memory_space<vmem>>, vector<1x16xf32>,
        %get3A_1255 = vector.shape_cast %get3A_1254 : vector<1x16xf32> to vector<16xf32>
        %add3A_1256 = arith.addf %get3A_1251, %get3A_1255 : vector<16xf32>
        %swap3A_1257 = arith.index_cast %scan3A_238 : i32 to index
        %swap3A_1258 = arith.constant 1008 : index
        %swap3A_1259 = tpu.vector_load %arg6[%swap3A_1257, %swap3A_1258] {strides = array<i32>} : memref<16x1024xf32, #tpu.memory_space<vmem>>, vector<1x16xf32>,
        %swap3A_1260 = vector.shape_cast %swap3A_1259 : vector<1x16xf32> to vector<16xf32>
        %swap3A_1261 = vector.shape_cast %add3A_1256 : vector<16xf32> to vector<1x16xf32>
        tpu.vector_store %arg6[%swap3A_1257, %swap3A_1258], %swap3A_1261 {strides = array<i32>} : memref<16x1024xf32, #tpu.memory_space<vmem>>, vector<1x16xf32>,
        %scan3A_1262 = arith.constant 0 : i32
        scf.yield %scan3A_1262 : i32
      }
      %scan3A_235 = arith.constant 16 : i32
      %run_scoped3A_236 = arith.constant 3 : i32
      "tpu.region"() ({
        %run_scoped3A_238 = tpu.sem_alloc : memref<!tpu.dma_semaphore, #tpu.memory_space<semaphore_mem>>
        %dma_start3A_239 = arith.constant 0 : i32
        %dma_start3A_240 = tpu.memref_slice %arg4[%run_scoped3A_236, %add3A_13, %dma_start3A_239] : memref<4x1024x1024xf32, #tpu.memory_space<hbm>> -> memref<1x16x1024xf32, #tpu.memory_space<hbm>>
        %dma_start3A_241 = tpu.memref_squeeze %dma_start3A_240 : memref<1x16x1024xf32, #tpu.memory_space<hbm>> -> memref<16x1024xf32, #tpu.memory_space<hbm>>
        %dma_start3A_242 = arith.constant 0 : i32
        %dma_start3A_243 = tpu.memref_slice %arg4[%run_scoped3A_236, %add3A_13, %dma_start3A_242] : memref<4x1024x1024xf32, #tpu.memory_space<hbm>> -> memref<1x16x1024xf32, #tpu.memory_space<hbm>>
        %dma_start3A_244 = tpu.memref_squeeze %dma_start3A_243 : memref<1x16x1024xf32, #tpu.memory_space<hbm>> -> memref<16x1024xf32, #tpu.memory_space<hbm>>
        tpu.enqueue_dma source(%arg6 : memref<16x1024xf32, #tpu.memory_space<vmem>>) target(%dma_start3A_244 : memref<16x1024xf32, #tpu.memory_space<hbm>>) target_semaphore(%run_scoped3A_238 : memref<!tpu.dma_semaphore, #tpu.memory_space<semaphore_mem>>)
        %dma_wait3A_245 = arith.constant 0 : i32
        %dma_wait3A_246 = tpu.memref_slice %arg4[%run_scoped3A_236, %add3A_13, %dma_wait3A_245] : memref<4x1024x1024xf32, #tpu.memory_space<hbm>> -> memref<1x16x1024xf32, #tpu.memory_space<hbm>>
        %dma_wait3A_247 = tpu.memref_squeeze %dma_wait3A_246 : memref<1x16x1024xf32, #tpu.memory_space<hbm>> -> memref<16x1024xf32, #tpu.memory_space<hbm>>
        %dma_wait3A_248 = arith.constant 0 : i32
        %dma_wait3A_249 = tpu.memref_slice %arg4[%run_scoped3A_236, %add3A_13, %dma_wait3A_248] : memref<4x1024x1024xf32, #tpu.memory_space<hbm>> -> memref<1x16x1024xf32, #tpu.memory_space<hbm>>
        %dma_wait3A_250 = tpu.memref_squeeze %dma_wait3A_249 : memref<1x16x1024xf32, #tpu.memory_space<hbm>> -> memref<16x1024xf32, #tpu.memory_space<hbm>>
        tpu.wait_dma2 semaphore(%run_scoped3A_238 : memref<!tpu.dma_semaphore, #tpu.memory_space<semaphore_mem>>) src(%arg6 : memref<16x1024xf32, #tpu.memory_space<vmem>>) dst(%dma_wait3A_250 : memref<16x1024xf32, #tpu.memory_space<hbm>>)
        tpu.yield
      }) : () -> ()
      %scan3A_237 = arith.constant 0 : i32
      scf.yield %scan3A_237 : i32
    }
    %scan3A_8 = arith.constant 2 : i32
    return
  }
}

module attributes {stable_mosaic.version = 14 : i64} {
  func.func @_add_kernel(%arg0: i32, %arg1: i32, %arg2: memref<1x1024x1024xf32, #tpu.memory_space<vmem>>, %arg3: memref<1024x1024xf32, #tpu.memory_space<vmem>>, %arg4: memref<1x1024x1024xf32, #tpu.memory_space<vmem>>) attributes {dimension_semantics = [#tpu.dimension_semantics<arbitrary>, #tpu.dimension_semantics<arbitrary>], iteration_bounds = array<i64: 7, 4>, scalar_prefetch = 0 : i64, scratch_operands = 0 : i64, tpu.core_type = #tpu.core_type<tc>, window_params = [{transform_indices = @transform_0, window_bounds = array<i64: 1, 1024, 1024>}, {transform_indices = @transform_1, window_bounds = array<i64: 1024, 1024>}, {transform_indices = @transform_2, window_bounds = array<i64: 1, 1024, 1024>}]} {
    %get3A = arith.constant 0 : index
    %get3A_0 = arith.constant 0 : index
    %get3A_1 = arith.constant 0 : index
    %get3A_2 = vector.load %arg2[%get3A, %get3A_0, %get3A_1] : memref<1x1024x1024xf32, #tpu.memory_space<vmem>>, vector<1x1024x1024xf32>
    %get3A_3 = arith.constant 0 : index
    %get3A_4 = arith.constant 0 : index
    %get3A_5 = vector.load %arg3[%get3A_3, %get3A_4] : memref<1024x1024xf32, #tpu.memory_space<vmem>>, vector<1024x1024xf32>
    %broadcast_in_dim3A = vector.shape_cast %get3A_5 : vector<1024x1024xf32> to vector<1x1024x1024xf32>
    %add3A = arith.addf %get3A_2, %broadcast_in_dim3A : vector<1x1024x1024xf32>
    %swap3A = arith.constant 0 : index
    %swap3A_6 = arith.constant 0 : index
    %swap3A_7 = arith.constant 0 : index
    %swap3A_8 = vector.load %arg4[%swap3A, %swap3A_6, %swap3A_7] : memref<1x1024x1024xf32, #tpu.memory_space<vmem>>, vector<1x1024x1024xf32>
    tpu.vector_store %arg4[%swap3A, %swap3A_6, %swap3A_7], %add3A {strides = array<i32>} : memref<1x1024x1024xf32, #tpu.memory_space<vmem>>, vector<1x1024x1024xf32>,
    return
  }
  func.func @transform_0(%arg0: i32, %arg1: i32) -> (i32, i32, i32) {
    %c0_i32 = arith.constant 0 : i32
    %c0_i32_0 = arith.constant 0 : i32
    return %arg1, %arg0, %c0_i32 : i32, i32, i32
  }
  func.func @transform_1(%arg0: i32, %arg1: i32) -> (i32, i32) {
    %c0_i32 = arith.constant 0 : i32
    %c0_i32_0 = arith.constant 0 : i32
    return %arg0, %c0_i32 : i32, i32
  }
  func.func @transform_2(%arg0: i32, %arg1: i32) -> (i32, i32, i32) {
    %c0_i32 = arith.constant 0 : i32
    %c0_i32_0 = arith.constant 0 : i32
    return %arg1, %arg0, %c0_i32 : i32, i32, i32
  }
}

</mosaic_0001>

<sc_bundles>
// kernel: kernel.4.cloned.1.call-start
scs
__scs_entry_jumppad:
0x0: {  	(pc) =	sbr.rel $0x88, $3  }
0x1: {  	(tag) =	ssettag $0x0;
	lr =	simm.s32 $0x1  }
0x2: {  	[smem:$0x3F9F] =	sst lr;
	_ =	strace $0xD0000000  }
0x3: {  	_ = 	snop  }
0x4: {  	_ = 	snop  }
0x5: {  	_ = 	snop  }
0x6: {  	_ = 	snop  }
0x7: {  	_ = 	snop  }
__scs_overlays_trampoline_lowered:
0x8: {  	[smem:$0x3FAE] =	sst s0  }
0x9: {  	[smem:$0x3FAF] =	sst s1  }
0xa: {  	[smem:$0x3FB0] =	sst s2  }
0xb: {  	[smem:$0x3FB1] =	sst s3  }
0xc: {  	[smem:$0x3FB2] =	sst s4  }
0xd: {  	[smem:$0x3FB3] =	sst s5  }
0xe: {  	[smem:$0x3FB4] =	sst s6  }
0xf: {  	[smem:$0x3FB5] =	sst s7  }
0x10: {  	[smem:$0x3FB6] =	sst s8  }
0x11: {  	[smem:$0x3FB7] =	sst s9;
	s0 =	simm.s32 @!p0 $0x0  }
0x12: {  	s1 =	sld [smem:$0x3F9D];
	s0 =	simm.s32 @p0 $0x1  }
0x13: {  	[smem:$0x3FB8] =	sst s0;
	s0 =	simm.s32 @!p1 $0x0  }
0x14: {  	s2 =	sld [smem:$0x3F9C];
	s0 =	simm.s32 @p1 $0x1  }
0x15: {  	[smem:$0x3FB9] =	sst s0;
	s0 =	simm.s32 @!p2 $0x0  }
0x16: {  	s3 =	sld [smem:$0x3FDB];
	s0 =	simm.s32 @p2 $0x1  }
0x17: {  	s4 =	simm.s32 $0x1BF5;
	[smem:$0x3FBB] =	sst s0  }
0x18: {  	s0 =	sld [smem:$0x3F9E];
	_ =	swait.ge [sflag:s4], $0x0  }
0x19: {  	s7 =	sld [smem:$0x3F9F]  }
0x1a: {  	s8 =	sadd.s32 $0xFFFFE003, lr  }
0x1b: {  	s9 =	sadd.s32 $0xFFFFFEF7, lr;
	s5 =	simm.s32 $0xFFFFFFFF;
	p2 =	slt.u32 s8, $0xFFFFF086  }
0x1c: {  	p1 =	slt.u32 s9, $0xF7A;
	s5 =	simm.s32 @!p2 $0x0  }
0x1d: {  	s5 =	simm.s32 @p1 $0x1;
	p0 =	seq.s32 s7, s2  }
0x1e: {  	s7 =	smul.u32 @!p0 $0xF7A, s2;
	p2 =	seq.s32 @!p0 s5, $0x0  }
0x1f: {  	s9 =	smul.u32 $0xF7A, s1;
	s8 =	simm.s32 @!p0 $0x1BF5;
	p2 =	por !p2, p0  }
0x20: {  	[sflag:s8] =	ssyncset.s32 @!p0 $0xFFFFF086;
	s6 =	sadd.s32 @!p0 s3, s7;
	s7 =	simm.s32 @!p0 $0x108  }
0x21: {  	s3 =	sadd.s32 s3, s9;
	s6 =	sadd.s32 @!p0 $0x88, s6;
	s7 =	simm.s32 @p2 $0x1082  }
0x22: {  	[simem:s7], [sflag:s8] =	dma.local @!p0 [hbm:s6], $0xF7A  }
0x23: {  	s9 =	sor.u32 $0xD0000000, s2;
	s6 =	simm.s32 $0x108;
	_ =	swait.ge @!p0 [sflag:s8], $0x0  }
0x24: {  	s3 =	sadd.s32 $0x88, s3;
	s6 =	simm.s32 @!p1 $0x1082;
	[sflag:s4] =	ssyncset.s32 $0xFFFFF086  }
0x25: {  	[simem:s6], [sflag:s4] =	dma.local [hbm:s3], $0xF7A  }
0x26: {  	[smem:$0x3F9F] =	sst s1;
	(tag) =	ssettag s2;
	_ =	strace s9  }
0x27: {  	s1 =	sld [smem:$0x3FAF]  }
0x28: {  	s2 =	sld [smem:$0x3FB0]  }
0x29: {  	s4 =	sld [smem:$0x3FB2]  }
0x2a: {  	p0 =	seq.s32 s5, $0x0;
	s5 =	sld [smem:$0x3FB3]  }
0x2b: {  	s6 =	sld [smem:$0x3FB4]  }
0x2c: {  	s7 =	sld [smem:$0x3FB5]  }
0x2d: {  	s3 =	simm.s32 $0x108;
	s8 =	sld [smem:$0x3FB6]  }
0x2e: {  	s3 =	simm.s32 @!p0 $0x1082;
	s9 =	sld [smem:$0x3FB7]  }
0x2f: {  	lr =	sadd.s32 s0, s3;
	s0 =	sld [smem:$0x3FAE]  }
0x30: {  	s3 =	sld [smem:$0x3FB1]  }
0x31: {  	[smem:$0x3FBA] =	sst s10  }
0x32: {  	s10 =	sld [smem:$0x3FB8];
	_ =	sdelay $0x3  }
0x33: {  	p0 =	seq.s32 s10, $0x1;
	s10 =	sld [smem:$0x3FBA];
	_ =	sdelay $0x3  }
0x34: {  	[smem:$0x3FBA] =	sst s10  }
0x35: {  	s10 =	sld [smem:$0x3FB9];
	_ =	sdelay $0x3  }
0x36: {  	p1 =	seq.s32 s10, $0x1;
	s10 =	sld [smem:$0x3FBA];
	_ =	sdelay $0x3  }
0x37: {  	[smem:$0x3FBA] =	sst s10  }
0x38: {  	s10 =	sld [smem:$0x3FBB]  }
0x39: {  	_ = 	snop;
	(pc) =	sbr.ind lr, $3  }
0x3a: {  	_ = 	snop  }
0x3b: {  	_ = 	snop  }
0x3c: {  	p2 =	seq.s32 s10, $0x1;
	s10 =	sld [smem:$0x3FBA]  }
0x3d: {  	_ =	shalt  }
0x3e: {  	_ =	shalt  }
0x3f: {  	_ =	shalt  }
0x40: {  	_ =	shalt  }
0x41: {  	_ =	shalt  }
0x42: {  	_ =	shalt  }
0x43: {  	_ =	shalt  }
0x44: {  	_ =	shalt  }
0x45: {  	_ =	shalt  }
0x46: {  	_ =	shalt  }
0x47: {  	_ =	shalt  }
0x48: {  	_ =	shalt  }
0x49: {  	_ =	shalt  }
0x4a: {  	_ =	shalt  }
0x4b: {  	_ =	shalt  }
0x4c: {  	_ =	shalt  }
0x4d: {  	_ =	shalt  }
0x4e: {  	_ =	shalt  }
0x4f: {  	_ =	shalt  }
0x50: {  	_ =	shalt  }
0x51: {  	_ =	shalt  }
0x52: {  	_ =	shalt  }
0x53: {  	_ =	shalt  }
0x54: {  	_ =	shalt  }
0x55: {  	_ =	shalt  }
0x56: {  	_ =	shalt  }
0x57: {  	_ =	shalt  }
0x58: {  	_ =	shalt  }
0x59: {  	_ =	shalt  }
0x5a: {  	_ =	shalt  }
0x5b: {  	_ =	shalt  }
0x5c: {  	_ =	shalt  }
0x5d: {  	_ =	shalt  }
0x5e: {  	_ =	shalt  }
0x5f: {  	_ =	shalt  }
0x60: {  	_ =	shalt  }
0x61: {  	_ =	shalt  }
0x62: {  	_ =	shalt  }
0x63: {  	_ =	shalt  }
0x64: {  	_ =	shalt  }
0x65: {  	_ =	shalt  }
0x66: {  	_ =	shalt  }
0x67: {  	_ =	shalt  }
0x68: {  	_ =	shalt  }
0x69: {  	_ =	shalt  }
0x6a: {  	_ =	shalt  }
0x6b: {  	_ =	shalt  }
0x6c: {  	_ =	shalt  }
0x6d: {  	_ =	shalt  }
0x6e: {  	_ =	shalt  }
0x6f: {  	_ =	shalt  }
0x70: {  	_ =	shalt  }
0x71: {  	_ =	shalt  }
0x72: {  	_ =	shalt  }
0x73: {  	_ =	shalt  }
0x74: {  	_ =	shalt  }
0x75: {  	_ =	shalt  }
0x76: {  	_ =	shalt  }
0x77: {  	_ =	shalt  }
0x78: {  	_ =	shalt  }
0x79: {  	_ =	shalt  }
0x7a: {  	_ =	shalt  }
0x7b: {  	_ =	shalt  }
0x7c: {  	_ =	shalt  }
0x7d: {  	_ =	shalt  }
0x7e: {  	_ =	shalt  }
0x7f: {  	_ =	shalt  }
0x80: {  	_ =	shalt  }
0x81: {  	_ =	shalt  }
0x82: {  	_ =	shalt  }
0x83: {  	_ =	shalt  }
0x84: {  	_ =	shalt  }
0x85: {  	_ =	shalt  }
0x86: {  	_ =	shalt  }
0x87: {  	_ =	shalt  }
.Lfunc_end0:
.L_simem_size_0:
called_computation_lowered:
.L_overlay_start_0:
0x88: {  	s2 =	sld [smem:$0x3FD9]  }
0x89: {  	s3 =	sld [smem:$0x3FFE];
	_ =	sdelay $0x1  }
0x8a: {  	s1 =	srdreg.scid  }
0x8b: {  	s0 =	sand.u32 $0x1, s1  }
0x8c: {  	s14 =	sshll.u32 s0, $0xA;
	s2 =	sadd.s32 s3, s2  }
0x8d: {  	s2 =	sadd.s32 s2, s14  }
0x8e: {  	[smem:$0x3FC6] =	sst s2  }
0x8f: {  	_ = 	snop  }
0x90: {  	s2 =	sld [smem:$0x3FD0];
	_ =	sdelay $0x2  }
0x91: {  	s4 =	simm.s32 $0xA;
	s5 =	simm.s32 $0x10;
	s15 =	sld [smem:$0x3FC9]  }
0x92: {  	[smem:s5], [sflag:s4] =	dma.local [hbm:s2], $0x1  }
0x93: {  	_ =	swait.eq [sflag:s4], $0x1  }
0x94: {  	[sflag:s4] =	ssyncset.done $0x0  }
0x95: {  	[sflag:s4] =	ssyncadd.s32 $0xFFFFFFFF  }
0x96: {  	s16 =	sld [smem:$0x11];
	(tm) =	ssettm $0x1  }
0x97: {  	s17 =	sld [smem:$0x3FFB];
	_ =	sdelay $0x3  }
0x98: {  	_ =	strace s17  }
0x99: {  	s4 =	sld [smem:$0x3FFC];
	_ =	sdelay $0x3  }
0x9a: {  	_ =	strace s4  }
0x9b: {  	s4 =	sld [smem:$0x3FFD];
	_ =	sdelay $0x3  }
0x9c: {  	_ =	strace s4  }
0x9d: {  	_ =	strace $0x8FFFFFFF  }
0x9e: {  	s18 =	sld [smem:$0x3FDB];
	_ =	sdelay $0x1  }
0x9f: {  	s19 =	simm.s32 $_scs_section_size  }
0xa0: {  	s6 =	simm.s32 $_size__tile_overlayer_lowered;
	s7 =	simm.s32 $_tile_overlayer_lowered  }
0xa1: {  	s22 =	simm.s32 $0x1BFF;
	s21 =	sshll.u32 s7, $0x1;
	s4 =	sadd.s32 s19, s18  }
0xa2: {  	s8 =	simm.s32 $0x0;
	s20 =	sshll.u32 s6, $0x1;
	s6 =	sadd.s32 s21, s4  }
0xa3: {  	[timem:s8], [sflag:s22] =	dma.local [hbm:s6], s20  }
0xa4: {  	_ =	swait.ge [sflag:s22], s20  }
0xa5: {  	s5 =	ssub.s32 $0x0, s20;
	[sflag:s22] =	ssyncset.done $0x0  }
0xa6: {  	[sflag:s22] =	ssyncadd.s32 s5;
	_ =	sdelay $0x1  }
0xa7: {  	s23 =	simm.s32 $0x1B8B  }
0xa8: {  	_ =	swait.ge [sflag:s23], $0x1  }
0xa9: {  	[sflag:s23] =	ssyncset.done $0x0  }
0xaa: {  	s25 =	simm.s32 $0x1B8E;
	s24 =	sld [smem:$0x3FFE];
	[sflag:s23] =	ssyncadd.s32 $0xFFFFFFFF  }
0xab: {  	s26 =	simm.s32 $execute0_lowered;
	[smem:$0x3FD2] =	sst s25  }
0xac: {  	s6 =	sshll.u32 s26, $0x1;
	_ =	strace $0x80000046;
	[dreg:$0x1] =	wrdreg $0xFFFFFFFF  }
0xad: {  	s28 =	simm.s32 $_size_execute0_lowered;
	s4 =	sadd.s32 s4, s6;
	[dreg:$0x0] =	wrdreg $0x0  }
0xae: {  	s6 =	sshll.u32 s28, $0x1;
	[dreg:$0x2] =	wrdreg s4  }
0xaf: {  	[dreg:$0x3] =	wrdreg s6  }
0xb0: {  	[dreg:$0x4] =	wrdreg $0xC0  }
0xb1: {  	_ =	task [dreg:s8], $0x5FFFF  }
0xb2: {  	[dreg:$0x1] =	wrdreg $0xFFFFFFFF  }
0xb3: {  	[dreg:$0x0] =	wrdreg $0x60  }
0xb4: {  	[dreg:$0x2] =	wrdreg s15  }
0xb5: {  	[dreg:$0x3] =	wrdreg s24  }
0xb6: {  	[dreg:$0x4] =	wrdreg s16  }
0xb7: {  	[dreg:$0x5] =	wrdreg $0x9  }
0xb8: {  	_ =	task.clear_ibuf [dreg:s8], $0x6FFFF;
	_ =	strace $0x90000046  }
0xb9: {  	s29 =	simm.s32 $0x9;
	_ =	strace $0x80000048  }
0xba: {  	_ =	swait.ge [sflag:s29], $0x1  }
0xbb: {  	[sflag:s29] =	ssyncadd.s32 $0xFFFFFFFF  }
0xbc: {  	_ =	strace $0x90000048  }
0xbd: {  	_ =	sfence  }
0xbe: {  	s30 =	sld [smem:$0x0];
	_ =	sdelay $0x2  }
0xbf: {  	s31 =	sshll.u32 s1, $0xD;
	s1 =	sshrl.u32 s1, $0x2  }
0xc0: {  	s3 =	sand.u32 $0x4000, s31;
	s1 =	sadd.s32 s1, s30  }
0xc1: {  	s0 =	sor.u32 s3, s0;
	s1 =	sshll.u32 s1, $0x11  }
0xc2: {  	s0 =	sor.u32 s1, s0  }
0xc3: {  	s0 =	sadd.s32 $0x8F2B, s0  }
0xc4: {  	[sflag:s0] =	ssyncadd.remote.s32 $0x1  }
0xc5: {  	_ =	sfence.sel $0xFFFF  }
0xc6: {  	[dreg:$0x0] =	wrdreg $0xFFFFFFFF;
	(pc) =	sbr.abs _section_cstart, $3  }
0xc7: {  	[dreg:$0x1] =	wrdreg $0xFFFFFFFF  }
0xc8: {  	_ =	task.clear_ibuf [dreg:s8], $0x2FFFF;
	_ =	strace $0x9FFFFFFF  }
0xc9: {  	(tm) =	ssettm $0x7FFFFFFF  }
tec
execute0_lowered:
.L_overlay_start_1:
0x0: {  	(tag) =	ssettag $0x1  }
0x1: {  	s10 =	rddreg [dreg:$0x0]  }
0x2: {  	s6 =	rddreg [dreg:$0x1]  }
0x3: {  	s1 =	rddreg [dreg:$0x2]  }
0x4: {  	s0 =	rddreg [dreg:$0x3];
	s2 =	simm.s32 $0x0  }
0x5: {  	s3 =	srdreg.scid;
	s14 =	simm.s32 $0xC000;
	s15 =	simm.s32 $0x3  }
0x6: {  	s16 =	simm.s32 $0x1;
	s17 =	simm.s32 $0x4000;
	s18 =	simm.s32 $0x8000  }
0x7: {  	s19 =	simm.s32 $0x2;
	s20 =	simm.s32 $0x0;
	[smem:$0x7FF] =	sst s2  }
0x8: {  	s4 =	sand.u32 $0x1, s3;
	s3 =	stileid.u32;
	s6 =	sadd.s32 $0xE0400, s6  }
0x9: {  	s9 =	sadd.s32 $0x20000, s1;
	s11 =	sadd.s32 $0x40000, s1;
	s12 =	sadd.s32 $0x60000, s1  }
0xa: {  	s5 =	ssub.s32 $0x2, s4;
	s8 =	sshll.u32 s3, $0xD;
	s4 =	sshll.u32 s4, $0xC  }
0xb: {  	_ =	strace $0x80000047;
	s7 =	sshrl.u32 s5, $0x1;
	s4 =	sor.u32 s4, s8  }
0xc: {  	s8 =	sadd.s32 $0x2E0000, s10;
	s13 =	ssub.s32 s5, s7;
	s5 =	sadd.s32 $0xE0000, s10  }
0xd: {  	s7 =	sadd.s32 $0x1E0000, s10;
	s10 =	sadd.s32 $0x3E0000, s10;
	s13 =	smax.u32 s13, $0x1  }
.LBB2_1:
0xe: {  	p1 =	por $0x1, $0x1;
	s21 =	simm.s32 $0x0  }
.LBB2_2:
0xf: {  	s21 =	sor.u32 s4, s21  }
0x10: {  	s22 =	simm.s32 $0x0;
	s23 =	sadd.s32 s21, s5  }
0x11: {  	[tilespmem:s22], [sflag:$0x1] =	stream.linear.gather [hbm4b:s23+s22], $0x4000, $0x38;
	[tilespmem:$0x10000] =	vst v63  }
0x12: {  	s30 =	sadd.s32 s21, s6  }
0x13: {  	[tilespmem:s14], [sflag:$0x3] =	stream.linear.gather [hbm4b:s30+s22], $0x4000, $0x38;
	[tilespmem:$0x10000] =	vst v63  }
0x14: {  	_ =	swait.ge [sflag:s15], $0x4000  }
0x15: {  	[sflag:s15] =	ssyncset.done $0x0  }
0x16: {  	[sflag:s15] =	ssyncadd.s32 $0xFFFFC000  }
0x17: {  	p0 =	por p1, p1;
	_ =	swait.ge [sflag:s16], $0x4000  }
0x18: {  	s24 =	simm.s32 $0x0;
	s25 =	simm.s32 $0x0;
	[sflag:s16] =	ssyncset.done $0x0  }
0x19: {  	s31 =	sadd.s32 s21, s7;
	s23 =	simm.s32 $0xFFFFC000;
	[sflag:s16] =	ssyncadd.s32 $0xFFFFC000  }
0x1a: {  	[tilespmem:s17], [sflag:$0x2] =	stream.linear.gather [hbm4b:s31+s22], $0x4000, $0x38;
	[tilespmem:$0x10000] =	vst v63  }
.LBB2_3:
0x1b: {  	s26 =	sadd.s32 $0x4000, s23  }
0x1c: {  	s28 =	sand.u32 $0x380, s25;
	s26 =	sand.u32 $0x2000, s26  }
0x1d: {  	s26 =	sor.u32 s28, s26  }
0x1e: {  	v0 =	vld [tilespmem:s26+$0x0]  }
0x1f: {  	v1 =	vld [tilespmem:s26+$0xC000]  }
0x20: {  	v2 =	vld [tilespmem:s26+$0x10]  }
0x21: {  	v3 =	vld [tilespmem:s26+$0xC010]  }
0x22: {  	v4 =	vld [tilespmem:s26+$0x20]  }
0x23: {  	v5 =	vld [tilespmem:s26+$0xC020]  }
0x24: {  	v6 =	vld [tilespmem:s26+$0x30]  }
0x25: {  	v7 =	vld [tilespmem:s26+$0xC030]  }
0x26: {  	v8 =	vld [tilespmem:s26+$0x40]  }
0x27: {  	v9 =	vld [tilespmem:s26+$0xC040]  }
0x28: {  	v10 =	vld [tilespmem:s26+$0x50]  }
0x29: {  	v11 =	vld [tilespmem:s26+$0xC050]  }
0x2a: {  	v12 =	vld [tilespmem:s26+$0x60]  }
0x2b: {  	v13 =	vld [tilespmem:s26+$0xC060]  }
0x2c: {  	v14 =	vld [tilespmem:s26+$0x70]  }
0x2d: {  	v15 =	vld [tilespmem:s26+$0xC070]  }
0x2e: {  	v16 =	vld [tilespmem:s26+$0x400]  }
0x2f: {  	v17 =	vld [tilespmem:s26+$0xC400]  }
0x30: {  	v18 =	vld [tilespmem:s26+$0x410]  }
0x31: {  	v19 =	vld [tilespmem:s26+$0xC410]  }
0x32: {  	v20 =	vld [tilespmem:s26+$0x420]  }
0x33: {  	v21 =	vld [tilespmem:s26+$0xC420]  }
0x34: {  	v22 =	vld [tilespmem:s26+$0x430]  }
0x35: {  	v23 =	vld [tilespmem:s26+$0xC430]  }
0x36: {  	v24 =	vld [tilespmem:s26+$0x440]  }
0x37: {  	v25 =	vld [tilespmem:s26+$0xC440]  }
0x38: {  	v26 =	vld [tilespmem:s26+$0x450]  }
0x39: {  	v27 =	vld [tilespmem:s26+$0xC450]  }
0x3a: {  	v28 =	vld [tilespmem:s26+$0x460]  }
0x3b: {  	v29 =	vld [tilespmem:s26+$0xC460]  }
0x3c: {  	v30 =	vld [tilespmem:s26+$0x470]  }
0x3d: {  	v31 =	vld [tilespmem:s26+$0xC470]  }
0x3e: {  	v32 =	vld [tilespmem:s26+$0x800]  }
0x3f: {  	v33 =	vld [tilespmem:s26+$0xC800]  }
0x40: {  	v34 =	vld [tilespmem:s26+$0x810]  }
0x41: {  	v35 =	vld [tilespmem:s26+$0xC810]  }
0x42: {  	v36 =	vld [tilespmem:s26+$0x820]  }
0x43: {  	v37 =	vld [tilespmem:s26+$0xC820]  }
0x44: {  	v38 =	vld [tilespmem:s26+$0x830]  }
0x45: {  	v39 =	vld [tilespmem:s26+$0xC830]  }
0x46: {  	v40 =	vld [tilespmem:s26+$0x840]  }
0x47: {  	v41 =	vld [tilespmem:s26+$0xC840]  }
0x48: {  	v42 =	vld [tilespmem:s26+$0x850]  }
0x49: {  	v43 =	vld [tilespmem:s26+$0xC850]  }
0x4a: {  	v44 =	vld [tilespmem:s26+$0x860]  }
0x4b: {  	v45 =	vld [tilespmem:s26+$0xC860]  }
0x4c: {  	v46 =	vld [tilespmem:s26+$0x870]  }
0x4d: {  	v47 =	vld [tilespmem:s26+$0xC870]  }
0x4e: {  	v48 =	vld [tilespmem:s26+$0xC00]  }
0x4f: {  	v49 =	vld [tilespmem:s26+$0xCC00]  }
0x50: {  	v50 =	vld [tilespmem:s26+$0xC10]  }
0x51: {  	v51 =	vld [tilespmem:s26+$0xCC10]  }
0x52: {  	v52 =	vld [tilespmem:s26+$0xC20]  }
0x53: {  	v53 =	vld [tilespmem:s26+$0xCC20]  }
0x54: {  	v54 =	vld [tilespmem:s26+$0xC30]  }
0x55: {  	v55 =	vld [tilespmem:s26+$0xCC30]  }
0x56: {  	v56 =	vld [tilespmem:s26+$0xC40]  }
0x57: {  	v57 =	vld [tilespmem:s26+$0xCC40]  }
0x58: {  	v58 =	vld [tilespmem:s26+$0xC50]  }
0x59: {  	v59 =	vld [tilespmem:s26+$0xCC50]  }
0x5a: {  	v60 =	vld [tilespmem:s26+$0xC60]  }
0x5b: {  	v0 =	vadd.f32 v1, v0;
	v1 =	vld [tilespmem:s26+$0xCC60]  }
0x5c: {  	v2 =	vadd.f32 v3, v2;
	v3 =	vld [tilespmem:s26+$0xC70]  }
0x5d: {  	v63 =	vadd.f32 v5, v4;
	v4 =	vld [tilespmem:s26+$0xCC70];
	[tilespmem:s26+$0x8000] =	vst v0  }
0x5e: {  	v61 =	vadd.f32 v7, v6;
	v5 =	vld [tilespmem:s26+$0x1000];
	[tilespmem:s26+$0x8010] =	vst v2  }
0x5f: {  	v62 =	vadd.f32 v9, v8;
	v6 =	vld [tilespmem:s26+$0xD000];
	[tilespmem:s26+$0x8020] =	vst v63  }
0x60: {  	v7 =	vld [tilespmem:s26+$0x1010];
	v13 =	vadd.f32 v13, v12;
	[tilespmem:s26+$0x8030] =	vst v61  }
0x61: {  	v8 =	vld [tilespmem:s26+$0xD010];
	v15 =	vadd.f32 v15, v14;
	[tilespmem:s26+$0x8040] =	vst v62  }
0x62: {  	v9 =	vld [tilespmem:s26+$0x1020];
	v17 =	vadd.f32 v17, v16;
	[tilespmem:s26+$0x8060] =	vst v13  }
0x63: {  	v19 =	vadd.f32 v19, v18;
	v12 =	vld [tilespmem:s26+$0xD030];
	[tilespmem:s26+$0x8070] =	vst v15  }
0x64: {  	v21 =	vadd.f32 v21, v20;
	v14 =	vld [tilespmem:s26+$0xD040];
	[tilespmem:s26+$0x8400] =	vst v17  }
0x65: {  	v23 =	vadd.f32 v23, v22;
	v16 =	vld [tilespmem:s26+$0xD050];
	[tilespmem:s26+$0x8410] =	vst v19  }
0x66: {  	v25 =	vadd.f32 v25, v24;
	v20 =	vld [tilespmem:s26+$0xD070];
	[tilespmem:s26+$0x8420] =	vst v21  }
0x67: {  	v27 =	vadd.f32 v27, v26;
	v22 =	vld [tilespmem:s26+$0xD400];
	[tilespmem:s26+$0x8430] =	vst v23  }
0x68: {  	v29 =	vadd.f32 v29, v28;
	v24 =	vld [tilespmem:s26+$0xD410];
	[tilespmem:s26+$0x8440] =	vst v25  }
0x69: {  	v28 =	vadd.f32 v37, v36;
	v37 =	vld [tilespmem:s26+$0x1430];
	[tilespmem:s26+$0x8450] =	vst v27  }
0x6a: {  	v36 =	vadd.f32 v51, v50;
	v51 =	vld [tilespmem:s26+$0xD460];
	[tilespmem:s26+$0x8460] =	vst v29  }
0x6b: {  	v63 =	vadd.f32 v11, v10;
	v10 =	vld [tilespmem:s26+$0xD020];
	[tilespmem:s26+$0x8820] =	vst v28  }
0x6c: {  	v11 =	vld [tilespmem:s26+$0x1030];
	v61 =	vadd.f32 v31, v30;
	[tilespmem:s26+$0x8C10] =	vst v36  }
0x6d: {  	v13 =	vld [tilespmem:s26+$0x1040];
	v62 =	vadd.f32 v33, v32;
	[tilespmem:s26+$0x8050] =	vst v63  }
0x6e: {  	v15 =	vld [tilespmem:s26+$0x1050];
	v27 =	vadd.f32 v35, v34;
	[tilespmem:s26+$0x8470] =	vst v61  }
0x6f: {  	v17 =	vld [tilespmem:s26+$0x1060];
	v29 =	vadd.f32 v39, v38;
	[tilespmem:s26+$0x8800] =	vst v62  }
0x70: {  	v19 =	vld [tilespmem:s26+$0x1070];
	v30 =	vadd.f32 v41, v40;
	[tilespmem:s26+$0x8810] =	vst v27  }
0x71: {  	v21 =	vld [tilespmem:s26+$0x1400];
	v31 =	vadd.f32 v43, v42;
	[tilespmem:s26+$0x8830] =	vst v29  }
0x72: {  	v23 =	vld [tilespmem:s26+$0x1410];
	v32 =	vadd.f32 v45, v44;
	[tilespmem:s26+$0x8840] =	vst v30  }
0x73: {  	v33 =	vadd.f32 v47, v46;
	v25 =	vld [tilespmem:s26+$0x1420];
	[tilespmem:s26+$0x8850] =	vst v31  }
0x74: {  	v34 =	vadd.f32 v49, v48;
	v35 =	vld [tilespmem:s26+$0xD420];
	[tilespmem:s26+$0x8860] =	vst v32  }
0x75: {  	v38 =	vadd.f32 v53, v52;
	v39 =	vld [tilespmem:s26+$0xD430];
	[tilespmem:s26+$0x8870] =	vst v33  }
0x76: {  	v40 =	vadd.f32 v55, v54;
	v41 =	vld [tilespmem:s26+$0x1440];
	[tilespmem:s26+$0x8C00] =	vst v34  }
0x77: {  	v42 =	vadd.f32 v57, v56;
	v43 =	vld [tilespmem:s26+$0xD440];
	[tilespmem:s26+$0x8C20] =	vst v38  }
0x78: {  	v44 =	vadd.f32 v59, v58;
	v45 =	vld [tilespmem:s26+$0x1450];
	[tilespmem:s26+$0x8C30] =	vst v40  }
0x79: {  	v47 =	vld [tilespmem:s26+$0xD450];
	[tilespmem:s26+$0x8C40] =	vst v42;
	v46 =	vadd.f32 v1, v60  }
0x7a: {  	v49 =	vld [tilespmem:s26+$0x1460];
	[tilespmem:s26+$0x8C50] =	vst v44;
	v48 =	vadd.f32 v4, v3  }
0x7b: {  	v53 =	vld [tilespmem:s26+$0x1470];
	v50 =	vadd.f32 v6, v5;
	[tilespmem:s26+$0x8C60] =	vst v46  }
0x7c: {  	v55 =	vld [tilespmem:s26+$0xD470];
	v52 =	vadd.f32 v8, v7;
	[tilespmem:s26+$0x8C70] =	vst v48  }
0x7d: {  	v57 =	vld [tilespmem:s26+$0x1800];
	[tilespmem:s26+$0x9000] =	vst v50;
	v54 =	vadd.f32 v10, v9  }
0x7e: {  	v59 =	vld [tilespmem:s26+$0xD800];
	[tilespmem:s26+$0x9010] =	vst v52;
	v56 =	vadd.f32 v12, v11  }
0x7f: {  	v36 =	vld [tilespmem:s26+$0xD830];
	v58 =	vadd.f32 v14, v13;
	[tilespmem:s26+$0x9020] =	vst v54  }
0x80: {  	v63 =	vld [tilespmem:s26+$0xD060];
	v60 =	vadd.f32 v16, v15;
	[tilespmem:s26+$0x9030] =	vst v56  }
0x81: {  	v61 =	vld [tilespmem:s26+$0x1810];
	v19 =	vadd.f32 v20, v19;
	[tilespmem:s26+$0x9040] =	vst v58  }
0x82: {  	v32 =	vld [tilespmem:s26+$0xD820];
	v22 =	vadd.f32 v22, v21;
	[tilespmem:s26+$0x9050] =	vst v60  }
0x83: {  	v34 =	vld [tilespmem:s26+$0x1830];
	v33 =	vadd.f32 v24, v23;
	[tilespmem:s26+$0x9070] =	vst v19  }
0x84: {  	v38 =	vld [tilespmem:s26+$0x1840];
	v35 =	vadd.f32 v35, v25;
	[tilespmem:s26+$0x9400] =	vst v22  }
0x85: {  	v40 =	vld [tilespmem:s26+$0xD840];
	v37 =	vadd.f32 v39, v37;
	[tilespmem:s26+$0x9410] =	vst v33  }
0x86: {  	v20 =	vld [tilespmem:s26+$0x1820];
	v39 =	vadd.f32 v43, v41;
	[tilespmem:s26+$0x9420] =	vst v35  }
0x87: {  	v1 =	vadd.f32 v47, v45;
	v41 =	vld [tilespmem:s26+$0x1850];
	[tilespmem:s26+$0x9430] =	vst v37  }
0x88: {  	v42 =	vadd.f32 v51, v49;
	v43 =	vld [tilespmem:s26+$0xD850];
	[tilespmem:s26+$0x9440] =	vst v39  }
0x89: {  	v44 =	vadd.f32 v55, v53;
	v45 =	vld [tilespmem:s26+$0x1860];
	[tilespmem:s26+$0x9450] =	vst v1  }
0x8a: {  	v46 =	vadd.f32 v59, v57;
	v47 =	vld [tilespmem:s26+$0xD860];
	[tilespmem:s26+$0x9460] =	vst v42  }
0x8b: {  	v49 =	vld [tilespmem:s26+$0x1870];
	v62 =	vadd.f32 v63, v17;
	[tilespmem:s26+$0x9470] =	vst v44  }
0x8c: {  	v51 =	vld [tilespmem:s26+$0xD870];
	[tilespmem:s26+$0x9800] =	vst v46;
	v52 =	vadd.f32 v36, v34  }
0x8d: {  	v63 =	vld [tilespmem:s26+$0xD810];
	v53 =	vadd.f32 v40, v38;
	[tilespmem:s26+$0x9060] =	vst v62  }
0x8e: {  	[tilespmem:s26+$0x9830] =	vst v52;
	v50 =	vadd.f32 v32, v20  }
0x8f: {  	[tilespmem:s26+$0x9840] =	vst v53;
	v54 =	vadd.f32 v43, v41  }
0x90: {  	v55 =	vadd.f32 v47, v45;
	[tilespmem:s26+$0x9820] =	vst v50  }
0x91: {  	s29 =	sand.u32 $0x7, s22;
	v56 =	vadd.f32 v51, v49;
	[tilespmem:s26+$0x9850] =	vst v54  }
0x92: {  	s28 =	sshll.u32 s29, $0x7;
	v48 =	vadd.f32 v63, v61;
	[tilespmem:s26+$0x9860] =	vst v55  }
0x93: {  	s28 =	sadd.s32 s28, s24;
	[tilespmem:s26+$0x9870] =	vst v56  }
0x94: {  	s30 =	sor.u32 $0x1C00, s28;
	[tilespmem:s26+$0x9810] =	vst v48  }
0x95: {  	v0 =	vld [tilespmem:s30+$0x0]  }
0x96: {  	v1 =	vld [tilespmem:s30+$0xC000];
	_ =	sdelay $0x4  }
0x97: {  	v0 =	vadd.f32 v1, v0;
	_ =	sdelay $0x1  }
0x98: {  	s31 =	sor.u32 $0x1C10, s28;
	[tilespmem:s30+$0x8000] =	vst v0  }
0x99: {  	v0 =	vld [tilespmem:s31+$0x0]  }
0x9a: {  	v57 =	vld [tilespmem:s31+$0xC000];
	_ =	sdelay $0x4  }
0x9b: {  	v0 =	vadd.f32 v57, v0;
	_ =	sdelay $0x1  }
0x9c: {  	s29 =	sor.u32 $0x1C20, s28;
	[tilespmem:s31+$0x8000] =	vst v0  }
0x9d: {  	v0 =	vld [tilespmem:s29+$0x0]  }
0x9e: {  	v58 =	vld [tilespmem:s29+$0xC000];
	_ =	sdelay $0x4  }
0x9f: {  	v0 =	vadd.f32 v58, v0;
	_ =	sdelay $0x1  }
0xa0: {  	s30 =	sor.u32 $0x1C30, s28;
	[tilespmem:s29+$0x8000] =	vst v0  }
0xa1: {  	v0 =	vld [tilespmem:s30+$0x0]  }
0xa2: {  	v59 =	vld [tilespmem:s30+$0xC000];
	_ =	sdelay $0x4  }
0xa3: {  	v0 =	vadd.f32 v59, v0;
	_ =	sdelay $0x1  }
0xa4: {  	s31 =	sor.u32 $0x1C40, s28;
	[tilespmem:s30+$0x8000] =	vst v0  }
0xa5: {  	v0 =	vld [tilespmem:s31+$0x0]  }
0xa6: {  	v60 =	vld [tilespmem:s31+$0xC000];
	_ =	sdelay $0x4  }
0xa7: {  	v0 =	vadd.f32 v60, v0;
	_ =	sdelay $0x1  }
0xa8: {  	s29 =	sor.u32 $0x1C50, s28;
	[tilespmem:s31+$0x8000] =	vst v0  }
0xa9: {  	v0 =	vld [tilespmem:s29+$0x0]  }
0xaa: {  	v61 =	vld [tilespmem:s29+$0xC000];
	_ =	sdelay $0x4  }
0xab: {  	v0 =	vadd.f32 v61, v0;
	_ =	sdelay $0x1  }
0xac: {  	s30 =	sor.u32 $0x1C60, s28;
	[tilespmem:s29+$0x8000] =	vst v0  }
0xad: {  	v0 =	vld [tilespmem:s30+$0x0]  }
0xae: {  	v62 =	vld [tilespmem:s30+$0xC000];
	_ =	sdelay $0x4  }
0xaf: {  	v0 =	vadd.f32 v62, v0;
	_ =	sdelay $0x1  }
0xb0: {  	s31 =	sor.u32 $0x1C70, s28;
	[tilespmem:s30+$0x8000] =	vst v0  }
0xb1: {  	v0 =	vld [tilespmem:s31+$0x0]  }
0xb2: {  	v63 =	vld [tilespmem:s31+$0xC000];
	_ =	sdelay $0x1  }
0xb3: {  	p1 =	sne.s32 s25, $0x780  }
.Ltmp0:
0xb4: {  	_ = 	snop;
	(pc) =	sbr.rel @p1 .LBB2_3-.Ltmp0, $4  }
0xb5: {  	_ = 	snop  }
0xb6: {  	v0 =	vadd.f32 v63, v0  }
0xb7: {  	s22 =	sadd.s32 $0x1, s22  }
0xb8: {  	s23 =	sadd.s32 $0x400, s23;
	s25 =	sadd.s32 $0x80, s25;
	s24 =	sadd.s32 $0x400, s24;
	[tilespmem:s31+$0x8000] =	vst v0  }
0xb9: {  	s23 =	sadd.s32 s1, s21;
	s22 =	simm.s32 $0x0  }
0xba: {  	[hbm4b:s23+s22] =	stream.linear.scatter [tilespmem:s18], [sflag:$0x3], $0x4000, $0x38;
	[tilespmem:$0x10000] =	vst v63  }
0xbb: {  	_ =	swait.ge [sflag:s15], $0x4000  }
0xbc: {  	[sflag:s15] =	ssyncset.done $0x0  }
0xbd: {  	[sflag:s15] =	ssyncadd.s32 $0xFFFFC000  }
0xbe: {  	_ =	swait.ge [sflag:s19], $0x4000  }
0xbf: {  	s31 =	sand.u32 $0x2000, s22;
	s24 =	sand.u32 $0x380, s22;
	[sflag:s19] =	ssyncset.done $0x0  }
0xc0: {  	s30 =	sadd.s32 s21, s8;
	s23 =	sor.u32 s24, s31;
	[sflag:s19] =	ssyncadd.s32 $0xFFFFC000  }
0xc1: {  	[tilespmem:s22], [sflag:$0x1] =	stream.linear.gather [hbm4b:s30+s22], $0x4000, $0x38;
	[tilespmem:$0x10000] =	vst v63  }
0xc2: {  	v0 =	vld [tilespmem:s23+$0xC070]  }
0xc3: {  	v1 =	vld [tilespmem:s23+$0xC050]  }
0xc4: {  	v2 =	vld [tilespmem:s23+$0x4030]  }
0xc5: {  	v3 =	vld [tilespmem:s23+$0xC020]  }
0xc6: {  	v4 =	vld [tilespmem:s23+$0x4020]  }
0xc7: {  	v5 =	vld [tilespmem:s23+$0xC000]  }
0xc8: {  	v6 =	vld [tilespmem:s23+$0xC060]  }
0xc9: {  	v7 =	vld [tilespmem:s23+$0x4010]  }
0xca: {  	v8 =	vld [tilespmem:s23+$0x4000]  }
0xcb: {  	v9 =	vld [tilespmem:s23+$0xC040]  }
0xcc: {  	v11 =	vld [tilespmem:s23+$0x4040]  }
0xcd: {  	v13 =	vld [tilespmem:s23+$0x4050]  }
0xce: {  	v17 =	vld [tilespmem:s23+$0xC030]  }
0xcf: {  	v10 =	vld [tilespmem:s23+$0xC010];
	v3 =	vadd.f32 v3, v4  }
0xd0: {  	v18 =	vld [tilespmem:s23+$0x4070];
	v5 =	vadd.f32 v5, v8  }
0xd1: {  	v12 =	vld [tilespmem:s23+$0x4060];
	v19 =	vadd.f32 v9, v11;
	[tilespmem:s23+$0x8020] =	vst v3  }
0xd2: {  	v1 =	vadd.f32 v1, v13;
	[tilespmem:s23+$0x8000] =	vst v5  }
0xd3: {  	v2 =	vadd.f32 v17, v2;
	[tilespmem:s23+$0x8040] =	vst v19  }
0xd4: {  	v3 =	vadd.f32 v10, v7;
	[tilespmem:s23+$0x8050] =	vst v1  }
0xd5: {  	v0 =	vadd.f32 v0, v18;
	[tilespmem:s23+$0x8030] =	vst v2  }
0xd6: {  	s25 =	sand.u32 $0xFFFFE000, s22;
	[tilespmem:s23+$0x8010] =	vst v3;
	v3 =	vadd.f32 v6, v12  }
0xd7: {  	s24 =	sadd.s32 $0x0, s25;
	[tilespmem:s23+$0x8070] =	vst v0  }
0xd8: {  	s25 =	sor.u32 $0x4400, s24;
	v0 =	vld [tilespmem:s23+$0xC400];
	[tilespmem:s23+$0x8060] =	vst v3  }
0xd9: {  	v1 =	vld [tilespmem:s25+$0x0];
	_ =	sdelay $0x4  }
0xda: {  	v0 =	vadd.f32 v0, v1;
	_ =	sdelay $0x1  }
0xdb: {  	[tilespmem:s23+$0x8400] =	vst v0;
	v0 =	vld [tilespmem:s23+$0xC410]  }
0xdc: {  	v1 =	vld [tilespmem:s25+$0x10];
	_ =	sdelay $0x4  }
0xdd: {  	v0 =	vadd.f32 v0, v1;
	_ =	sdelay $0x1  }
0xde: {  	[tilespmem:s23+$0x8410] =	vst v0;
	v0 =	vld [tilespmem:s23+$0xC420]  }
0xdf: {  	v1 =	vld [tilespmem:s25+$0x20];
	_ =	sdelay $0x4  }
0xe0: {  	v0 =	vadd.f32 v0, v1;
	_ =	sdelay $0x1  }
0xe1: {  	[tilespmem:s23+$0x8420] =	vst v0;
	v0 =	vld [tilespmem:s23+$0xC430]  }
0xe2: {  	v1 =	vld [tilespmem:s25+$0x30];
	_ =	sdelay $0x4  }
0xe3: {  	v0 =	vadd.f32 v0, v1;
	_ =	sdelay $0x1  }
0xe4: {  	[tilespmem:s23+$0x8430] =	vst v0;
	v0 =	vld [tilespmem:s23+$0xC440]  }
0xe5: {  	v1 =	vld [tilespmem:s25+$0x40];
	_ =	sdelay $0x3  }
0xe6: {  	v20 =	vld [tilespmem:s23+$0xC470]  }
0xe7: {  	v21 =	vld [tilespmem:s23+$0xC850];
	v0 =	vadd.f32 v0, v1  }
0xe8: {  	v22 =	vld [tilespmem:s23+$0xC860]  }
0xe9: {  	[tilespmem:s23+$0x8440] =	vst v0;
	v0 =	vld [tilespmem:s23+$0xC450]  }
0xea: {  	v3 =	vld [tilespmem:s25+$0x50]  }
0xeb: {  	v23 =	vld [tilespmem:s23+$0xC840]  }
0xec: {  	v24 =	vld [tilespmem:s23+$0xC810]  }
0xed: {  	v26 =	vld [tilespmem:s23+$0xC870]  }
0xee: {  	v27 =	vld [tilespmem:s23+$0x4870]  }
0xef: {  	v28 =	vld [tilespmem:s23+$0x4810];
	v0 =	vadd.f32 v0, v3  }
0xf0: {  	v29 =	vld [tilespmem:s23+$0x4820]  }
0xf1: {  	[tilespmem:s23+$0x8450] =	vst v0;
	v0 =	vld [tilespmem:s23+$0xC460]  }
0xf2: {  	v25 =	vld [tilespmem:s25+$0x60]  }
0xf3: {  	v30 =	vld [tilespmem:s23+$0x4840]  }
0xf4: {  	v14 =	vld [tilespmem:s23+$0x4860]  }
0xf5: {  	v3 =	vld [tilespmem:s23+$0xC820]  }
0xf6: {  	v32 =	vld [tilespmem:s23+$0x4830]  }
0xf7: {  	v2 =	vld [tilespmem:s23+$0xC830];
	v0 =	vadd.f32 v0, v25  }
0xf8: {  	v33 =	vld [tilespmem:s23+$0x4800];
	v10 =	vadd.f32 v26, v27  }
0xf9: {  	v8 =	vadd.f32 v24, v28;
	[tilespmem:s23+$0x8460] =	vst v0;
	v0 =	vld [tilespmem:s23+$0x4850]  }
0xfa: {  	v3 =	vadd.f32 v3, v29;
	v31 =	vld [tilespmem:s25+$0x70];
	[tilespmem:s23+$0x8870] =	vst v10  }
0xfb: {  	v7 =	vadd.f32 v23, v30;
	v1 =	vld [tilespmem:s23+$0xC800];
	[tilespmem:s23+$0x8810] =	vst v8  }
0xfc: {  	v2 =	vadd.f32 v2, v32;
	[tilespmem:s23+$0x8820] =	vst v3  }
0xfd: {  	v3 =	vadd.f32 v22, v14;
	[tilespmem:s23+$0x8840] =	vst v7  }
0xfe: {  	[tilespmem:s23+$0x8830] =	vst v2;
	v0 =	vadd.f32 v21, v0  }
0xff: {  	[tilespmem:s23+$0x8860] =	vst v3;
	v4 =	vadd.f32 v20, v31  }
0x100: {  	[tilespmem:s23+$0x8850] =	vst v0;
	v0 =	vadd.f32 v1, v33  }
0x101: {  	[tilespmem:s23+$0x8470] =	vst v4  }
0x102: {  	s26 =	sor.u32 $0x4C00, s24;
	[tilespmem:s23+$0x8800] =	vst v0;
	v0 =	vld [tilespmem:s23+$0xCC00]  }
0x103: {  	v1 =	vld [tilespmem:s26+$0x0];
	_ =	sdelay $0x4  }
0x104: {  	v0 =	vadd.f32 v0, v1;
	_ =	sdelay $0x1  }
0x105: {  	[tilespmem:s23+$0x8C00] =	vst v0;
	v0 =	vld [tilespmem:s23+$0xCC10]  }
0x106: {  	v1 =	vld [tilespmem:s26+$0x10];
	_ =	sdelay $0x4  }
0x107: {  	v0 =	vadd.f32 v0, v1;
	_ =	sdelay $0x1  }
0x108: {  	[tilespmem:s23+$0x8C10] =	vst v0;
	v0 =	vld [tilespmem:s23+$0xCC20]  }
0x109: {  	v1 =	vld [tilespmem:s26+$0x20];
	_ =	sdelay $0x4  }
0x10a: {  	v0 =	vadd.f32 v0, v1;
	_ =	sdelay $0x1  }
0x10b: {  	[tilespmem:s23+$0x8C20] =	vst v0;
	v0 =	vld [tilespmem:s23+$0xCC30]  }
0x10c: {  	v1 =	vld [tilespmem:s26+$0x30];
	_ =	sdelay $0x4  }
0x10d: {  	v0 =	vadd.f32 v0, v1;
	_ =	sdelay $0x1  }
0x10e: {  	[tilespmem:s23+$0x8C30] =	vst v0;
	v0 =	vld [tilespmem:s23+$0xCC40]  }
0x10f: {  	v1 =	vld [tilespmem:s26+$0x40];
	_ =	sdelay $0x3  }
0x110: {  	v34 =	vld [tilespmem:s23+$0xCC70]  }
0x111: {  	v35 =	vld [tilespmem:s23+$0xD040];
	v0 =	vadd.f32 v0, v1  }
0x112: {  	v36 =	vld [tilespmem:s23+$0xD030]  }
0x113: {  	[tilespmem:s23+$0x8C40] =	vst v0;
	v0 =	vld [tilespmem:s23+$0xCC50]  }
0x114: {  	v3 =	vld [tilespmem:s26+$0x50]  }
0x115: {  	v37 =	vld [tilespmem:s23+$0xD020]  }
0x116: {  	v38 =	vld [tilespmem:s23+$0xD000]  }
0x117: {  	v40 =	vld [tilespmem:s23+$0xD050]  }
0x118: {  	v41 =	vld [tilespmem:s23+$0x5050]  }
0x119: {  	v42 =	vld [tilespmem:s23+$0x5000];
	v0 =	vadd.f32 v0, v3  }
0x11a: {  	v43 =	vld [tilespmem:s23+$0x5010]  }
0x11b: {  	[tilespmem:s23+$0x8C50] =	vst v0;
	v0 =	vld [tilespmem:s23+$0xCC60]  }
0x11c: {  	v39 =	vld [tilespmem:s26+$0x60]  }
0x11d: {  	v44 =	vld [tilespmem:s23+$0x5020]  }
0x11e: {  	v45 =	vld [tilespmem:s23+$0x5030]  }
0x11f: {  	v3 =	vld [tilespmem:s23+$0xD010]  }
0x120: {  	v48 =	vld [tilespmem:s23+$0x5060]  }
0x121: {  	v1 =	vld [tilespmem:s23+$0xD060];
	v0 =	vadd.f32 v0, v39  }
0x122: {  	v47 =	vld [tilespmem:s23+$0x5070];
	v10 =	vadd.f32 v40, v41  }
0x123: {  	v8 =	vadd.f32 v38, v42;
	[tilespmem:s23+$0x8C60] =	vst v0;
	v0 =	vld [tilespmem:s23+$0x5040]  }
0x124: {  	v3 =	vadd.f32 v3, v43;
	v46 =	vld [tilespmem:s26+$0x70];
	[tilespmem:s23+$0x9050] =	vst v10  }
0x125: {  	v2 =	vld [tilespmem:s23+$0xD070];
	v7 =	vadd.f32 v37, v44;
	[tilespmem:s23+$0x9000] =	vst v8  }
0x126: {  	v1 =	vadd.f32 v1, v48;
	[tilespmem:s23+$0x9010] =	vst v3  }
0x127: {  	v3 =	vadd.f32 v36, v45;
	[tilespmem:s23+$0x9020] =	vst v7  }
0x128: {  	[tilespmem:s23+$0x9060] =	vst v1;
	v0 =	vadd.f32 v35, v0  }
0x129: {  	[tilespmem:s23+$0x9030] =	vst v3;
	v4 =	vadd.f32 v34, v46  }
0x12a: {  	[tilespmem:s23+$0x9040] =	vst v0;
	v0 =	vadd.f32 v2, v47  }
0x12b: {  	[tilespmem:s23+$0x8C70] =	vst v4  }
0x12c: {  	s24 =	sor.u32 $0x5400, s24;
	[tilespmem:s23+$0x9070] =	vst v0;
	v0 =	vld [tilespmem:s23+$0xD400]  }
0x12d: {  	v1 =	vld [tilespmem:s24+$0x0];
	_ =	sdelay $0x4  }
0x12e: {  	v0 =	vadd.f32 v0, v1;
	_ =	sdelay $0x1  }
0x12f: {  	[tilespmem:s23+$0x9400] =	vst v0;
	v0 =	vld [tilespmem:s23+$0xD410]  }
0x130: {  	v1 =	vld [tilespmem:s24+$0x10];
	_ =	sdelay $0x4  }
0x131: {  	v0 =	vadd.f32 v0, v1;
	_ =	sdelay $0x1  }
0x132: {  	[tilespmem:s23+$0x9410] =	vst v0;
	v0 =	vld [tilespmem:s23+$0xD420]  }
0x133: {  	v1 =	vld [tilespmem:s24+$0x20];
	_ =	sdelay $0x4  }
0x134: {  	v0 =	vadd.f32 v0, v1;
	_ =	sdelay $0x1  }
0x135: {  	[tilespmem:s23+$0x9420] =	vst v0;
	v0 =	vld [tilespmem:s23+$0xD430]  }
0x136: {  	v1 =	vld [tilespmem:s24+$0x30];
	_ =	sdelay $0x4  }
0x137: {  	v0 =	vadd.f32 v0, v1;
	_ =	sdelay $0x1  }
0x138: {  	[tilespmem:s23+$0x9430] =	vst v0;
	v0 =	vld [tilespmem:s23+$0xD440]  }
0x139: {  	v1 =	vld [tilespmem:s24+$0x40];
	_ =	sdelay $0x3  }
0x13a: {  	v49 =	vld [tilespmem:s23+$0xD470]  }
0x13b: {  	v50 =	vld [tilespmem:s23+$0xD850];
	v0 =	vadd.f32 v0, v1  }
0x13c: {  	v51 =	vld [tilespmem:s23+$0xD840]  }
0x13d: {  	[tilespmem:s23+$0x9440] =	vst v0;
	v0 =	vld [tilespmem:s23+$0xD450]  }
0x13e: {  	v3 =	vld [tilespmem:s24+$0x50]  }
0x13f: {  	v52 =	vld [tilespmem:s23+$0xD830]  }
0x140: {  	v53 =	vld [tilespmem:s23+$0xD810]  }
0x141: {  	v55 =	vld [tilespmem:s23+$0xD800]  }
0x142: {  	v56 =	vld [tilespmem:s23+$0x5800]  }
0x143: {  	v57 =	vld [tilespmem:s23+$0x5810];
	v0 =	vadd.f32 v0, v3  }
0x144: {  	v58 =	vld [tilespmem:s23+$0x5820]  }
0x145: {  	[tilespmem:s23+$0x9450] =	vst v0;
	v0 =	vld [tilespmem:s23+$0xD460]  }
0x146: {  	v54 =	vld [tilespmem:s24+$0x60]  }
0x147: {  	v59 =	vld [tilespmem:s23+$0x5830]  }
0x148: {  	v60 =	vld [tilespmem:s23+$0x5840]  }
0x149: {  	v61 =	vld [tilespmem:s23+$0x5850]  }
0x14a: {  	v3 =	vld [tilespmem:s23+$0xD820]  }
0x14b: {  	v63 =	vld [tilespmem:s23+$0x5860];
	v0 =	vadd.f32 v0, v54  }
0x14c: {  	v8 =	vadd.f32 v53, v57;
	v1 =	vld [tilespmem:s23+$0xD860]  }
0x14d: {  	v2 =	vld [tilespmem:s23+$0xD870];
	[tilespmem:s23+$0x9460] =	vst v0;
	v0 =	vadd.f32 v55, v56  }
0x14e: {  	v7 =	vadd.f32 v52, v59;
	v62 =	vld [tilespmem:s24+$0x70];
	[tilespmem:s23+$0x9810] =	vst v8  }
0x14f: {  	v5 =	vadd.f32 v50, v61;
	[tilespmem:s23+$0x9800] =	vst v0;
	v0 =	vadd.f32 v3, v58;
	v3 =	vld [tilespmem:s23+$0x5870]  }
0x150: {  	[tilespmem:s23+$0x9830] =	vst v7  }
0x151: {  	v1 =	vadd.f32 v1, v63;
	[tilespmem:s23+$0x9850] =	vst v5  }
0x152: {  	[tilespmem:s23+$0x9820] =	vst v0;
	v0 =	vadd.f32 v51, v60  }
0x153: {  	[tilespmem:s23+$0x9860] =	vst v1;
	v4 =	vadd.f32 v49, v62  }
0x154: {  	s30 =	sand.u32 $0x7, s22;
	[tilespmem:s23+$0x9840] =	vst v0;
	v0 =	vadd.f32 v2, v3  }
0x155: {  	s31 =	sor.u32 s22, s22;
	s24 =	sshll.u32 s30, $0x7;
	[tilespmem:s23+$0x9470] =	vst v4  }
0x156: {  	s26 =	sor.u32 $0x5C00, s31;
	s28 =	sadd.s32 $0x0, s24;
	[tilespmem:s23+$0x9870] =	vst v0  }
0x157: {  	s24 =	sor.u32 $0x1C00, s28;
	v0 =	vld [tilespmem:s26+$0x0]  }
0x158: {  	v1 =	vld [tilespmem:s24+$0xC000];
	_ =	sdelay $0x4  }
0x159: {  	v0 =	vadd.f32 v1, v0;
	_ =	sdelay $0x1  }
0x15a: {  	[tilespmem:s24+$0x8000] =	vst v0  }
0x15b: {  	s25 =	sor.u32 $0x1C10, s28;
	v0 =	vld [tilespmem:s26+$0x10]  }
0x15c: {  	v1 =	vld [tilespmem:s25+$0xC000];
	_ =	sdelay $0x4  }
0x15d: {  	v0 =	vadd.f32 v1, v0;
	_ =	sdelay $0x1  }
0x15e: {  	[tilespmem:s25+$0x8000] =	vst v0  }
0x15f: {  	s30 =	sor.u32 $0x1C20, s28;
	v0 =	vld [tilespmem:s26+$0x20]  }
0x160: {  	v1 =	vld [tilespmem:s30+$0xC000];
	_ =	sdelay $0x4  }
0x161: {  	v0 =	vadd.f32 v1, v0;
	_ =	sdelay $0x1  }
0x162: {  	[tilespmem:s30+$0x8000] =	vst v0  }
0x163: {  	s31 =	sor.u32 $0x1C30, s28;
	v0 =	vld [tilespmem:s26+$0x30]  }
0x164: {  	v1 =	vld [tilespmem:s31+$0xC000];
	_ =	sdelay $0x4  }
0x165: {  	v0 =	vadd.f32 v1, v0;
	_ =	sdelay $0x1  }
0x166: {  	[tilespmem:s31+$0x8000] =	vst v0  }
0x167: {  	s29 =	sor.u32 $0x1C40, s28;
	v0 =	vld [tilespmem:s26+$0x40]  }
0x168: {  	s23 =	simm.s32 $0x400;
	s24 =	simm.s32 $0x0;
	v1 =	vld [tilespmem:s29+$0xC000]  }
.LBB2_5:
0x169: {  	_ = 	snop  }
0x16a: {  	p1 =	sne.s32 s23, $0x3C00;
	s22 =	sadd.s32 $0x80, s22;
	s24 =	sadd.s32 $0x1, s24  }
0x16b: {  	s25 =	smov.u32 s23;
	s23 =	sadd.s32 $0x400, s23;
	_ =	sdelay $0x1  }
0x16c: {  	v0 =	vadd.f32 v1, v0;
	_ =	sdelay $0x1  }
0x16d: {  	[tilespmem:s29+$0x8000] =	vst v0  }
0x16e: {  	s29 =	sor.u32 $0x1C50, s28;
	v0 =	vld [tilespmem:s26+$0x50]  }
0x16f: {  	v1 =	vld [tilespmem:s29+$0xC000];
	_ =	sdelay $0x4  }
0x170: {  	v0 =	vadd.f32 v1, v0;
	_ =	sdelay $0x1  }
0x171: {  	[tilespmem:s29+$0x8000] =	vst v0  }
0x172: {  	s29 =	sor.u32 $0x1C60, s28;
	v0 =	vld [tilespmem:s26+$0x60]  }
0x173: {  	v1 =	vld [tilespmem:s29+$0xC000];
	_ =	sdelay $0x4  }
0x174: {  	v0 =	vadd.f32 v1, v0;
	_ =	sdelay $0x1  }
0x175: {  	s28 =	sor.u32 $0x1C70, s28;
	[tilespmem:s29+$0x8000] =	vst v0  }
0x176: {  	v0 =	vld [tilespmem:s26+$0x70]  }
0x177: {  	v1 =	vld [tilespmem:s28+$0xC000];
	_ =	sdelay $0x4  }
0x178: {  	v0 =	vadd.f32 v1, v0  }
0x179: {  	s29 =	sand.u32 $0x380, s22;
	s26 =	sand.u32 $0x2000, s25  }
0x17a: {  	s26 =	sor.u32 s29, s26;
	[tilespmem:s28+$0x8000] =	vst v0  }
0x17b: {  	v0 =	vld [tilespmem:s26+$0xC070]  }
0x17c: {  	v1 =	vld [tilespmem:s26+$0xC050]  }
0x17d: {  	v2 =	vld [tilespmem:s26+$0x4030]  }
0x17e: {  	v3 =	vld [tilespmem:s26+$0x4050]  }
0x17f: {  	v4 =	vld [tilespmem:s26+$0xC020]  }
0x180: {  	v5 =	vld [tilespmem:s26+$0xC030]  }
0x181: {  	v6 =	vld [tilespmem:s26+$0x4020]  }
0x182: {  	v7 =	vld [tilespmem:s26+$0xC000]  }
0x183: {  	v8 =	vld [tilespmem:s26+$0xC060]  }
0x184: {  	v9 =	vld [tilespmem:s26+$0x4010]  }
0x185: {  	v10 =	vld [tilespmem:s26+$0x4000]  }
0x186: {  	v11 =	vld [tilespmem:s26+$0xC040]  }
0x187: {  	v12 =	vld [tilespmem:s26+$0x4040]  }
0x188: {  	v13 =	vld [tilespmem:s26+$0xC010]  }
0x189: {  	v14 =	vld [tilespmem:s26+$0x4070]  }
0x18a: {  	v4 =	vadd.f32 v4, v6;
	v7 =	vadd.f32 v7, v10;
	v6 =	vld [tilespmem:s26+$0x4060];
	_ =	sdelay $0x1  }
0x18b: {  	[tilespmem:s26+$0x8020] =	vst v4;
	v4 =	vadd.f32 v11, v12  }
0x18c: {  	v2 =	vadd.f32 v5, v2;
	v9 =	vadd.f32 v13, v9  }
0x18d: {  	v1 =	vadd.f32 v1, v3;
	[tilespmem:s26+$0x8000] =	vst v7;
	v0 =	vadd.f32 v0, v14  }
0x18e: {  	[tilespmem:s26+$0x8010] =	vst v9;
	v3 =	vadd.f32 v8, v6  }
0x18f: {  	[tilespmem:s26+$0x8040] =	vst v4  }
0x190: {  	[tilespmem:s26+$0x8060] =	vst v3  }
0x191: {  	s28 =	sand.u32 $0xFFFFE000, s25;
	[tilespmem:s26+$0x8050] =	vst v1  }
0x192: {  	s28 =	sadd.s32 s28, s22;
	[tilespmem:s26+$0x8030] =	vst v2  }
0x193: {  	s29 =	sor.u32 $0x4400, s28;
	[tilespmem:s26+$0x8070] =	vst v0;
	v0 =	vld [tilespmem:s26+$0xC400]  }
0x194: {  	v1 =	vld [tilespmem:s29+$0x0];
	_ =	sdelay $0x4  }
0x195: {  	v0 =	vadd.f32 v0, v1;
	_ =	sdelay $0x1  }
0x196: {  	[tilespmem:s26+$0x8400] =	vst v0;
	v0 =	vld [tilespmem:s26+$0xC410]  }
0x197: {  	v1 =	vld [tilespmem:s29+$0x10];
	_ =	sdelay $0x4  }
0x198: {  	v0 =	vadd.f32 v0, v1;
	_ =	sdelay $0x1  }
0x199: {  	[tilespmem:s26+$0x8410] =	vst v0;
	v0 =	vld [tilespmem:s26+$0xC420]  }
0x19a: {  	v1 =	vld [tilespmem:s29+$0x20];
	_ =	sdelay $0x4  }
0x19b: {  	v0 =	vadd.f32 v0, v1;
	_ =	sdelay $0x1  }
0x19c: {  	[tilespmem:s26+$0x8420] =	vst v0;
	v0 =	vld [tilespmem:s26+$0xC430]  }
0x19d: {  	v1 =	vld [tilespmem:s29+$0x30];
	_ =	sdelay $0x4  }
0x19e: {  	v0 =	vadd.f32 v0, v1;
	_ =	sdelay $0x1  }
0x19f: {  	[tilespmem:s26+$0x8430] =	vst v0;
	v0 =	vld [tilespmem:s26+$0xC440]  }
0x1a0: {  	v1 =	vld [tilespmem:s29+$0x40];
	_ =	sdelay $0x4  }
0x1a1: {  	v0 =	vadd.f32 v0, v1;
	v1 =	vld [tilespmem:s26+$0xC800]  }
0x1a2: {  	v2 =	vld [tilespmem:s26+$0xC830]  }
0x1a3: {  	[tilespmem:s26+$0x8440] =	vst v0;
	v0 =	vld [tilespmem:s26+$0xC450]  }
0x1a4: {  	v3 =	vld [tilespmem:s29+$0x50]  }
0x1a5: {  	v4 =	vld [tilespmem:s26+$0xC470]  }
0x1a6: {  	v5 =	vld [tilespmem:s26+$0xC850]  }
0x1a7: {  	v6 =	vld [tilespmem:s26+$0xC860]  }
0x1a8: {  	v7 =	vld [tilespmem:s26+$0xC840]  }
0x1a9: {  	v0 =	vadd.f32 v0, v3;
	v3 =	vld [tilespmem:s26+$0xC820]  }
0x1aa: {  	v8 =	vld [tilespmem:s26+$0xC810]  }
0x1ab: {  	[tilespmem:s26+$0x8450] =	vst v0;
	v0 =	vld [tilespmem:s26+$0xC460]  }
0x1ac: {  	v9 =	vld [tilespmem:s29+$0x60]  }
0x1ad: {  	v10 =	vld [tilespmem:s26+$0xC870]  }
0x1ae: {  	v11 =	vld [tilespmem:s26+$0x4870]  }
0x1af: {  	v12 =	vld [tilespmem:s26+$0x4810]  }
0x1b0: {  	v13 =	vld [tilespmem:s26+$0x4820]  }
0x1b1: {  	v0 =	vadd.f32 v0, v9;
	v9 =	vld [tilespmem:s26+$0x4840]  }
0x1b2: {  	v14 =	vld [tilespmem:s26+$0x4860]  }
0x1b3: {  	[tilespmem:s26+$0x8460] =	vst v0;
	v0 =	vld [tilespmem:s26+$0x4850];
	v10 =	vadd.f32 v10, v11  }
0x1b4: {  	v11 =	vld [tilespmem:s29+$0x70];
	v8 =	vadd.f32 v8, v12  }
0x1b5: {  	v3 =	vadd.f32 v3, v13;
	v12 =	vld [tilespmem:s26+$0x4830];
	[tilespmem:s26+$0x8870] =	vst v10  }
0x1b6: {  	v10 =	vld [tilespmem:s26+$0x4800];
	[tilespmem:s26+$0x8810] =	vst v8;
	v7 =	vadd.f32 v7, v9  }
0x1b7: {  	[tilespmem:s26+$0x8820] =	vst v3;
	v3 =	vadd.f32 v6, v14  }
0x1b8: {  	[tilespmem:s26+$0x8840] =	vst v7;
	v0 =	vadd.f32 v5, v0  }
0x1b9: {  	v4 =	vadd.f32 v4, v11;
	[tilespmem:s26+$0x8860] =	vst v3  }
0x1ba: {  	v2 =	vadd.f32 v2, v12;
	[tilespmem:s26+$0x8850] =	vst v0  }
0x1bb: {  	[tilespmem:s26+$0x8470] =	vst v4;
	v0 =	vadd.f32 v1, v10  }
0x1bc: {  	[tilespmem:s26+$0x8830] =	vst v2  }
0x1bd: {  	s29 =	sor.u32 $0x4C00, s28;
	[tilespmem:s26+$0x8800] =	vst v0;
	v0 =	vld [tilespmem:s26+$0xCC00]  }
0x1be: {  	v1 =	vld [tilespmem:s29+$0x0];
	_ =	sdelay $0x4  }
0x1bf: {  	v0 =	vadd.f32 v0, v1;
	_ =	sdelay $0x1  }
0x1c0: {  	[tilespmem:s26+$0x8C00] =	vst v0;
	v0 =	vld [tilespmem:s26+$0xCC10]  }
0x1c1: {  	v1 =	vld [tilespmem:s29+$0x10];
	_ =	sdelay $0x4  }
0x1c2: {  	v0 =	vadd.f32 v0, v1;
	_ =	sdelay $0x1  }
0x1c3: {  	[tilespmem:s26+$0x8C10] =	vst v0;
	v0 =	vld [tilespmem:s26+$0xCC20]  }
0x1c4: {  	v1 =	vld [tilespmem:s29+$0x20];
	_ =	sdelay $0x4  }
0x1c5: {  	v0 =	vadd.f32 v0, v1;
	_ =	sdelay $0x1  }
0x1c6: {  	[tilespmem:s26+$0x8C20] =	vst v0;
	v0 =	vld [tilespmem:s26+$0xCC30]  }
0x1c7: {  	v1 =	vld [tilespmem:s29+$0x30];
	_ =	sdelay $0x4  }
0x1c8: {  	v0 =	vadd.f32 v0, v1;
	_ =	sdelay $0x1  }
0x1c9: {  	[tilespmem:s26+$0x8C30] =	vst v0;
	v0 =	vld [tilespmem:s26+$0xCC40]  }
0x1ca: {  	v1 =	vld [tilespmem:s29+$0x40];
	_ =	sdelay $0x4  }
0x1cb: {  	v0 =	vadd.f32 v0, v1;
	v1 =	vld [tilespmem:s26+$0xD060]  }
0x1cc: {  	v2 =	vld [tilespmem:s26+$0xD070]  }
0x1cd: {  	[tilespmem:s26+$0x8C40] =	vst v0;
	v0 =	vld [tilespmem:s26+$0xCC50]  }
0x1ce: {  	v3 =	vld [tilespmem:s29+$0x50]  }
0x1cf: {  	v4 =	vld [tilespmem:s26+$0xCC70]  }
0x1d0: {  	v5 =	vld [tilespmem:s26+$0xD040]  }
0x1d1: {  	v6 =	vld [tilespmem:s26+$0xD030]  }
0x1d2: {  	v7 =	vld [tilespmem:s26+$0xD020]  }
0x1d3: {  	v0 =	vadd.f32 v0, v3;
	v3 =	vld [tilespmem:s26+$0xD010]  }
0x1d4: {  	v8 =	vld [tilespmem:s26+$0xD000]  }
0x1d5: {  	[tilespmem:s26+$0x8C50] =	vst v0;
	v0 =	vld [tilespmem:s26+$0xCC60]  }
0x1d6: {  	v9 =	vld [tilespmem:s29+$0x60]  }
0x1d7: {  	v10 =	vld [tilespmem:s26+$0xD050]  }
0x1d8: {  	v11 =	vld [tilespmem:s26+$0x5050]  }
0x1d9: {  	v12 =	vld [tilespmem:s26+$0x5000]  }
0x1da: {  	v13 =	vld [tilespmem:s26+$0x5010]  }
0x1db: {  	v0 =	vadd.f32 v0, v9;
	v9 =	vld [tilespmem:s26+$0x5020]  }
0x1dc: {  	v14 =	vld [tilespmem:s26+$0x5030]  }
0x1dd: {  	[tilespmem:s26+$0x8C60] =	vst v0;
	v0 =	vld [tilespmem:s26+$0x5040];
	v10 =	vadd.f32 v10, v11  }
0x1de: {  	v11 =	vld [tilespmem:s29+$0x70];
	v8 =	vadd.f32 v8, v12  }
0x1df: {  	v3 =	vadd.f32 v3, v13;
	[tilespmem:s26+$0x9050] =	vst v10;
	v10 =	vld [tilespmem:s26+$0x5070]  }
0x1e0: {  	[tilespmem:s26+$0x9000] =	vst v8;
	v7 =	vadd.f32 v7, v9;
	v8 =	vld [tilespmem:s26+$0x5060]  }
0x1e1: {  	[tilespmem:s26+$0x9010] =	vst v3;
	v3 =	vadd.f32 v6, v14  }
0x1e2: {  	[tilespmem:s26+$0x9020] =	vst v7;
	v0 =	vadd.f32 v5, v0  }
0x1e3: {  	v4 =	vadd.f32 v4, v11;
	[tilespmem:s26+$0x9030] =	vst v3  }
0x1e4: {  	[tilespmem:s26+$0x9040] =	vst v0;
	v0 =	vadd.f32 v2, v10  }
0x1e5: {  	[tilespmem:s26+$0x8C70] =	vst v4;
	v1 =	vadd.f32 v1, v8  }
0x1e6: {  	[tilespmem:s26+$0x9070] =	vst v0  }
0x1e7: {  	s28 =	sor.u32 $0x5400, s28;
	[tilespmem:s26+$0x9060] =	vst v1;
	v0 =	vld [tilespmem:s26+$0xD400]  }
0x1e8: {  	v1 =	vld [tilespmem:s28+$0x0];
	_ =	sdelay $0x4  }
0x1e9: {  	v0 =	vadd.f32 v0, v1;
	_ =	sdelay $0x1  }
0x1ea: {  	[tilespmem:s26+$0x9400] =	vst v0;
	v0 =	vld [tilespmem:s26+$0xD410]  }
0x1eb: {  	v1 =	vld [tilespmem:s28+$0x10];
	_ =	sdelay $0x4  }
0x1ec: {  	v0 =	vadd.f32 v0, v1;
	_ =	sdelay $0x1  }
0x1ed: {  	[tilespmem:s26+$0x9410] =	vst v0;
	v0 =	vld [tilespmem:s26+$0xD420]  }
0x1ee: {  	v1 =	vld [tilespmem:s28+$0x20];
	_ =	sdelay $0x4  }
0x1ef: {  	v0 =	vadd.f32 v0, v1;
	_ =	sdelay $0x1  }
0x1f0: {  	[tilespmem:s26+$0x9420] =	vst v0;
	v0 =	vld [tilespmem:s26+$0xD430]  }
0x1f1: {  	v1 =	vld [tilespmem:s28+$0x30];
	_ =	sdelay $0x4  }
0x1f2: {  	v0 =	vadd.f32 v0, v1;
	_ =	sdelay $0x1  }
0x1f3: {  	[tilespmem:s26+$0x9430] =	vst v0;
	v0 =	vld [tilespmem:s26+$0xD440]  }
0x1f4: {  	v1 =	vld [tilespmem:s28+$0x40];
	_ =	sdelay $0x4  }
0x1f5: {  	v0 =	vadd.f32 v0, v1;
	v1 =	vld [tilespmem:s26+$0xD860]  }
0x1f6: {  	v2 =	vld [tilespmem:s26+$0xD870]  }
0x1f7: {  	[tilespmem:s26+$0x9440] =	vst v0;
	v0 =	vld [tilespmem:s26+$0xD450]  }
0x1f8: {  	v3 =	vld [tilespmem:s28+$0x50]  }
0x1f9: {  	v4 =	vld [tilespmem:s26+$0xD470]  }
0x1fa: {  	v5 =	vld [tilespmem:s26+$0xD850]  }
0x1fb: {  	v6 =	vld [tilespmem:s26+$0xD840]  }
0x1fc: {  	v7 =	vld [tilespmem:s26+$0xD830]  }
0x1fd: {  	v0 =	vadd.f32 v0, v3;
	v3 =	vld [tilespmem:s26+$0xD820]  }
0x1fe: {  	v8 =	vld [tilespmem:s26+$0xD810]  }
0x1ff: {  	[tilespmem:s26+$0x9450] =	vst v0;
	v0 =	vld [tilespmem:s26+$0xD460]  }
0x200: {  	v9 =	vld [tilespmem:s28+$0x60]  }
0x201: {  	v10 =	vld [tilespmem:s26+$0xD800]  }
0x202: {  	v11 =	vld [tilespmem:s26+$0x5800]  }
0x203: {  	v12 =	vld [tilespmem:s26+$0x5810]  }
0x204: {  	v13 =	vld [tilespmem:s26+$0x5820]  }
0x205: {  	v0 =	vadd.f32 v0, v9;
	v9 =	vld [tilespmem:s26+$0x5830]  }
0x206: {  	v14 =	vld [tilespmem:s26+$0x5840]  }
0x207: {  	[tilespmem:s26+$0x9460] =	vst v0;
	v0 =	vadd.f32 v10, v11;
	v10 =	vld [tilespmem:s26+$0x5850]  }
0x208: {  	v11 =	vld [tilespmem:s28+$0x70];
	v8 =	vadd.f32 v8, v12  }
0x209: {  	[tilespmem:s26+$0x9800] =	vst v0;
	v0 =	vadd.f32 v3, v13;
	v3 =	vld [tilespmem:s26+$0x5870]  }
0x20a: {  	[tilespmem:s26+$0x9810] =	vst v8;
	v7 =	vadd.f32 v7, v9;
	v8 =	vld [tilespmem:s26+$0x5860]  }
0x20b: {  	[tilespmem:s26+$0x9820] =	vst v0;
	v0 =	vadd.f32 v6, v14  }
0x20c: {  	[tilespmem:s26+$0x9830] =	vst v7;
	v5 =	vadd.f32 v5, v10  }
0x20d: {  	v4 =	vadd.f32 v4, v11;
	[tilespmem:s26+$0x9840] =	vst v0  }
0x20e: {  	[tilespmem:s26+$0x9850] =	vst v5;
	v0 =	vadd.f32 v2, v3  }
0x20f: {  	s28 =	sand.u32 $0x7, s24;
	[tilespmem:s26+$0x9470] =	vst v4;
	v1 =	vadd.f32 v1, v8  }
0x210: {  	s29 =	sor.u32 s25, s22;
	s28 =	sshll.u32 s28, $0x7;
	[tilespmem:s26+$0x9870] =	vst v0  }
0x211: {  	s28 =	sadd.s32 s28, s25;
	[tilespmem:s26+$0x9860] =	vst v1;
	s26 =	sor.u32 $0x5C00, s29  }
0x212: {  	s25 =	sor.u32 $0x1C00, s28;
	v0 =	vld [tilespmem:s26+$0x0]  }
0x213: {  	v1 =	vld [tilespmem:s25+$0xC000];
	_ =	sdelay $0x4  }
0x214: {  	v0 =	vadd.f32 v1, v0;
	_ =	sdelay $0x1  }
0x215: {  	[tilespmem:s25+$0x8000] =	vst v0  }
0x216: {  	s25 =	sor.u32 $0x1C10, s28;
	v0 =	vld [tilespmem:s26+$0x10]  }
0x217: {  	v1 =	vld [tilespmem:s25+$0xC000];
	_ =	sdelay $0x4  }
0x218: {  	v0 =	vadd.f32 v1, v0;
	_ =	sdelay $0x1  }
0x219: {  	[tilespmem:s25+$0x8000] =	vst v0  }
0x21a: {  	s25 =	sor.u32 $0x1C20, s28;
	v0 =	vld [tilespmem:s26+$0x20]  }
0x21b: {  	v1 =	vld [tilespmem:s25+$0xC000];
	_ =	sdelay $0x4  }
0x21c: {  	v0 =	vadd.f32 v1, v0;
	_ =	sdelay $0x1  }
0x21d: {  	[tilespmem:s25+$0x8000] =	vst v0  }
0x21e: {  	s25 =	sor.u32 $0x1C30, s28;
	v0 =	vld [tilespmem:s26+$0x30]  }
0x21f: {  	v1 =	vld [tilespmem:s25+$0xC000];
	_ =	sdelay $0x4  }
.Ltmp1:
0x220: {  	v0 =	vadd.f32 v1, v0;
	(pc) =	sbr.rel @p1 .LBB2_5-.Ltmp1, $4  }
0x221: {  	_ = 	snop  }
0x222: {  	[tilespmem:s25+$0x8000] =	vst v0  }
0x223: {  	s29 =	sor.u32 $0x1C40, s28;
	v0 =	vld [tilespmem:s26+$0x40]  }
0x224: {  	v1 =	vld [tilespmem:s29+$0xC000]  }
0x225: {  	_ =	sdelay $0x3  }
0x226: {  	v0 =	vadd.f32 v1, v0;
	_ =	sdelay $0x1  }
0x227: {  	[tilespmem:s29+$0x8000] =	vst v0  }
0x228: {  	s22 =	sor.u32 $0x1C50, s28;
	v0 =	vld [tilespmem:s26+$0x50]  }
0x229: {  	v61 =	vld [tilespmem:s22+$0xC000];
	_ =	sdelay $0x4  }
0x22a: {  	v0 =	vadd.f32 v61, v0;
	_ =	sdelay $0x1  }
0x22b: {  	[tilespmem:s22+$0x8000] =	vst v0  }
0x22c: {  	s29 =	sor.u32 $0x1C60, s28;
	v0 =	vld [tilespmem:s26+$0x60]  }
0x22d: {  	v62 =	vld [tilespmem:s29+$0xC000];
	_ =	sdelay $0x4  }
0x22e: {  	v0 =	vadd.f32 v62, v0;
	_ =	sdelay $0x1  }
0x22f: {  	[tilespmem:s29+$0x8000] =	vst v0  }
0x230: {  	s30 =	sor.u32 $0x1C70, s28;
	v0 =	vld [tilespmem:s26+$0x70]  }
0x231: {  	v63 =	vld [tilespmem:s30+$0xC000];
	_ =	sdelay $0x4  }
0x232: {  	v0 =	vadd.f32 v63, v0;
	_ =	sdelay $0x1  }
0x233: {  	s23 =	sadd.s32 s21, s9;
	s22 =	simm.s32 $0x0;
	[tilespmem:s30+$0x8000] =	vst v0  }
0x234: {  	[hbm4b:s23+s22] =	stream.linear.scatter [tilespmem:s18], [sflag:$0x3], $0x4000, $0x38;
	[tilespmem:$0x10000] =	vst v63  }
0x235: {  	_ =	swait.ge [sflag:s15], $0x4000  }
0x236: {  	[sflag:s15] =	ssyncset.done $0x0  }
0x237: {  	[sflag:s15] =	ssyncadd.s32 $0xFFFFC000  }
0x238: {  	_ =	swait.ge [sflag:s16], $0x4000  }
0x239: {  	s31 =	sadd.s32 s21, s10;
	s24 =	simm.s32 $0x0;
	[sflag:s16] =	ssyncset.done $0x0  }
0x23a: {  	s25 =	simm.s32 $0x0;
	s23 =	simm.s32 $0xFFFFC000;
	[sflag:s16] =	ssyncadd.s32 $0xFFFFC000  }
0x23b: {  	[tilespmem:s17], [sflag:$0x2] =	stream.linear.gather [hbm4b:s31+s22], $0x4000, $0x38;
	[tilespmem:$0x10000] =	vst v63  }
.LBB2_7:
0x23c: {  	s26 =	sadd.s32 $0x4000, s23  }
0x23d: {  	s28 =	sand.u32 $0x380, s25;
	s26 =	sand.u32 $0x2000, s26  }
0x23e: {  	s26 =	sor.u32 s28, s26  }
0x23f: {  	v0 =	vld [tilespmem:s26+$0x0]  }
0x240: {  	v1 =	vld [tilespmem:s26+$0xC000]  }
0x241: {  	v2 =	vld [tilespmem:s26+$0x10]  }
0x242: {  	v3 =	vld [tilespmem:s26+$0xC010]  }
0x243: {  	v4 =	vld [tilespmem:s26+$0x20]  }
0x244: {  	v5 =	vld [tilespmem:s26+$0xC020]  }
0x245: {  	v6 =	vld [tilespmem:s26+$0x30]  }
0x246: {  	v7 =	vld [tilespmem:s26+$0xC030]  }
0x247: {  	v8 =	vld [tilespmem:s26+$0x40]  }
0x248: {  	v9 =	vld [tilespmem:s26+$0xC040]  }
0x249: {  	v10 =	vld [tilespmem:s26+$0x50]  }
0x24a: {  	v11 =	vld [tilespmem:s26+$0xC050]  }
0x24b: {  	v12 =	vld [tilespmem:s26+$0x60]  }
0x24c: {  	v13 =	vld [tilespmem:s26+$0xC060]  }
0x24d: {  	v14 =	vld [tilespmem:s26+$0x70]  }
0x24e: {  	v15 =	vld [tilespmem:s26+$0xC070]  }
0x24f: {  	v16 =	vld [tilespmem:s26+$0x400]  }
0x250: {  	v17 =	vld [tilespmem:s26+$0xC400]  }
0x251: {  	v18 =	vld [tilespmem:s26+$0x410]  }
0x252: {  	v19 =	vld [tilespmem:s26+$0xC410]  }
0x253: {  	v20 =	vld [tilespmem:s26+$0x420]  }
0x254: {  	v21 =	vld [tilespmem:s26+$0xC420]  }
0x255: {  	v22 =	vld [tilespmem:s26+$0x430]  }
0x256: {  	v23 =	vld [tilespmem:s26+$0xC430]  }
0x257: {  	v24 =	vld [tilespmem:s26+$0x440]  }
0x258: {  	v25 =	vld [tilespmem:s26+$0xC440]  }
0x259: {  	v26 =	vld [tilespmem:s26+$0x450]  }
0x25a: {  	v27 =	vld [tilespmem:s26+$0xC450]  }
0x25b: {  	v28 =	vld [tilespmem:s26+$0x460]  }
0x25c: {  	v29 =	vld [tilespmem:s26+$0xC460]  }
0x25d: {  	v30 =	vld [tilespmem:s26+$0x470]  }
0x25e: {  	v31 =	vld [tilespmem:s26+$0xC470]  }
0x25f: {  	v32 =	vld [tilespmem:s26+$0x800]  }
0x260: {  	v33 =	vld [tilespmem:s26+$0xC800]  }
0x261: {  	v34 =	vld [tilespmem:s26+$0x810]  }
0x262: {  	v35 =	vld [tilespmem:s26+$0xC810]  }
0x263: {  	v36 =	vld [tilespmem:s26+$0x820]  }
0x264: {  	v37 =	vld [tilespmem:s26+$0xC820]  }
0x265: {  	v38 =	vld [tilespmem:s26+$0x830]  }
0x266: {  	v39 =	vld [tilespmem:s26+$0xC830]  }
0x267: {  	v40 =	vld [tilespmem:s26+$0x840]  }
0x268: {  	v41 =	vld [tilespmem:s26+$0xC840]  }
0x269: {  	v42 =	vld [tilespmem:s26+$0x850]  }
0x26a: {  	v43 =	vld [tilespmem:s26+$0xC850]  }
0x26b: {  	v44 =	vld [tilespmem:s26+$0x860]  }
0x26c: {  	v45 =	vld [tilespmem:s26+$0xC860]  }
0x26d: {  	v46 =	vld [tilespmem:s26+$0x870]  }
0x26e: {  	v47 =	vld [tilespmem:s26+$0xC870]  }
0x26f: {  	v48 =	vld [tilespmem:s26+$0xC00]  }
0x270: {  	v49 =	vld [tilespmem:s26+$0xCC00]  }
0x271: {  	v50 =	vld [tilespmem:s26+$0xC10]  }
0x272: {  	v51 =	vld [tilespmem:s26+$0xCC10]  }
0x273: {  	v52 =	vld [tilespmem:s26+$0xC20]  }
0x274: {  	v53 =	vld [tilespmem:s26+$0xCC20]  }
0x275: {  	v54 =	vld [tilespmem:s26+$0xC30]  }
0x276: {  	v55 =	vld [tilespmem:s26+$0xCC30]  }
0x277: {  	v56 =	vld [tilespmem:s26+$0xC40]  }
0x278: {  	v57 =	vld [tilespmem:s26+$0xCC40]  }
0x279: {  	v58 =	vld [tilespmem:s26+$0xC50]  }
0x27a: {  	v59 =	vld [tilespmem:s26+$0xCC50]  }
0x27b: {  	v60 =	vld [tilespmem:s26+$0xC60]  }
0x27c: {  	v0 =	vadd.f32 v1, v0;
	v1 =	vld [tilespmem:s26+$0xCC60]  }
0x27d: {  	v2 =	vadd.f32 v3, v2;
	v3 =	vld [tilespmem:s26+$0xC70]  }
0x27e: {  	v63 =	vadd.f32 v5, v4;
	v4 =	vld [tilespmem:s26+$0xCC70];
	[tilespmem:s26+$0x8000] =	vst v0  }
0x27f: {  	v61 =	vadd.f32 v7, v6;
	v5 =	vld [tilespmem:s26+$0x1000];
	[tilespmem:s26+$0x8010] =	vst v2  }
0x280: {  	v62 =	vadd.f32 v9, v8;
	v6 =	vld [tilespmem:s26+$0xD000];
	[tilespmem:s26+$0x8020] =	vst v63  }
0x281: {  	v7 =	vld [tilespmem:s26+$0x1010];
	v13 =	vadd.f32 v13, v12;
	[tilespmem:s26+$0x8030] =	vst v61  }
0x282: {  	v8 =	vld [tilespmem:s26+$0xD010];
	v15 =	vadd.f32 v15, v14;
	[tilespmem:s26+$0x8040] =	vst v62  }
0x283: {  	v9 =	vld [tilespmem:s26+$0x1020];
	v17 =	vadd.f32 v17, v16;
	[tilespmem:s26+$0x8060] =	vst v13  }
0x284: {  	v19 =	vadd.f32 v19, v18;
	v12 =	vld [tilespmem:s26+$0xD030];
	[tilespmem:s26+$0x8070] =	vst v15  }
0x285: {  	v21 =	vadd.f32 v21, v20;
	v14 =	vld [tilespmem:s26+$0xD040];
	[tilespmem:s26+$0x8400] =	vst v17  }
0x286: {  	v23 =	vadd.f32 v23, v22;
	v16 =	vld [tilespmem:s26+$0xD050];
	[tilespmem:s26+$0x8410] =	vst v19  }
0x287: {  	v25 =	vadd.f32 v25, v24;
	v20 =	vld [tilespmem:s26+$0xD070];
	[tilespmem:s26+$0x8420] =	vst v21  }
0x288: {  	v27 =	vadd.f32 v27, v26;
	v22 =	vld [tilespmem:s26+$0xD400];
	[tilespmem:s26+$0x8430] =	vst v23  }
0x289: {  	v29 =	vadd.f32 v29, v28;
	v24 =	vld [tilespmem:s26+$0xD410];
	[tilespmem:s26+$0x8440] =	vst v25  }
0x28a: {  	v28 =	vadd.f32 v37, v36;
	v37 =	vld [tilespmem:s26+$0x1430];
	[tilespmem:s26+$0x8450] =	vst v27  }
0x28b: {  	v36 =	vadd.f32 v51, v50;
	v51 =	vld [tilespmem:s26+$0xD460];
	[tilespmem:s26+$0x8460] =	vst v29  }
0x28c: {  	v63 =	vadd.f32 v11, v10;
	v10 =	vld [tilespmem:s26+$0xD020];
	[tilespmem:s26+$0x8820] =	vst v28  }
0x28d: {  	v11 =	vld [tilespmem:s26+$0x1030];
	v61 =	vadd.f32 v31, v30;
	[tilespmem:s26+$0x8C10] =	vst v36  }
0x28e: {  	v13 =	vld [tilespmem:s26+$0x1040];
	v62 =	vadd.f32 v33, v32;
	[tilespmem:s26+$0x8050] =	vst v63  }
0x28f: {  	v15 =	vld [tilespmem:s26+$0x1050];
	v27 =	vadd.f32 v35, v34;
	[tilespmem:s26+$0x8470] =	vst v61  }
0x290: {  	v17 =	vld [tilespmem:s26+$0x1060];
	v29 =	vadd.f32 v39, v38;
	[tilespmem:s26+$0x8800] =	vst v62  }
0x291: {  	v19 =	vld [tilespmem:s26+$0x1070];
	v30 =	vadd.f32 v41, v40;
	[tilespmem:s26+$0x8810] =	vst v27  }
0x292: {  	v21 =	vld [tilespmem:s26+$0x1400];
	v31 =	vadd.f32 v43, v42;
	[tilespmem:s26+$0x8830] =	vst v29  }
0x293: {  	v23 =	vld [tilespmem:s26+$0x1410];
	v32 =	vadd.f32 v45, v44;
	[tilespmem:s26+$0x8840] =	vst v30  }
0x294: {  	v33 =	vadd.f32 v47, v46;
	v25 =	vld [tilespmem:s26+$0x1420];
	[tilespmem:s26+$0x8850] =	vst v31  }
0x295: {  	v34 =	vadd.f32 v49, v48;
	v35 =	vld [tilespmem:s26+$0xD420];
	[tilespmem:s26+$0x8860] =	vst v32  }
0x296: {  	v38 =	vadd.f32 v53, v52;
	v39 =	vld [tilespmem:s26+$0xD430];
	[tilespmem:s26+$0x8870] =	vst v33  }
0x297: {  	v40 =	vadd.f32 v55, v54;
	v41 =	vld [tilespmem:s26+$0x1440];
	[tilespmem:s26+$0x8C00] =	vst v34  }
0x298: {  	v42 =	vadd.f32 v57, v56;
	v43 =	vld [tilespmem:s26+$0xD440];
	[tilespmem:s26+$0x8C20] =	vst v38  }
0x299: {  	v44 =	vadd.f32 v59, v58;
	v45 =	vld [tilespmem:s26+$0x1450];
	[tilespmem:s26+$0x8C30] =	vst v40  }
0x29a: {  	v47 =	vld [tilespmem:s26+$0xD450];
	[tilespmem:s26+$0x8C40] =	vst v42;
	v46 =	vadd.f32 v1, v60  }
0x29b: {  	v49 =	vld [tilespmem:s26+$0x1460];
	[tilespmem:s26+$0x8C50] =	vst v44;
	v48 =	vadd.f32 v4, v3  }
0x29c: {  	v53 =	vld [tilespmem:s26+$0x1470];
	v50 =	vadd.f32 v6, v5;
	[tilespmem:s26+$0x8C60] =	vst v46  }
0x29d: {  	v55 =	vld [tilespmem:s26+$0xD470];
	v52 =	vadd.f32 v8, v7;
	[tilespmem:s26+$0x8C70] =	vst v48  }
0x29e: {  	v57 =	vld [tilespmem:s26+$0x1800];
	[tilespmem:s26+$0x9000] =	vst v50;
	v54 =	vadd.f32 v10, v9  }
0x29f: {  	v59 =	vld [tilespmem:s26+$0xD800];
	[tilespmem:s26+$0x9010] =	vst v52;
	v56 =	vadd.f32 v12, v11  }
0x2a0: {  	v36 =	vld [tilespmem:s26+$0xD830];
	v58 =	vadd.f32 v14, v13;
	[tilespmem:s26+$0x9020] =	vst v54  }
0x2a1: {  	v63 =	vld [tilespmem:s26+$0xD060];
	v60 =	vadd.f32 v16, v15;
	[tilespmem:s26+$0x9030] =	vst v56  }
0x2a2: {  	v61 =	vld [tilespmem:s26+$0x1810];
	v19 =	vadd.f32 v20, v19;
	[tilespmem:s26+$0x9040] =	vst v58  }
0x2a3: {  	v32 =	vld [tilespmem:s26+$0xD820];
	v22 =	vadd.f32 v22, v21;
	[tilespmem:s26+$0x9050] =	vst v60  }
0x2a4: {  	v34 =	vld [tilespmem:s26+$0x1830];
	v33 =	vadd.f32 v24, v23;
	[tilespmem:s26+$0x9070] =	vst v19  }
0x2a5: {  	v38 =	vld [tilespmem:s26+$0x1840];
	v35 =	vadd.f32 v35, v25;
	[tilespmem:s26+$0x9400] =	vst v22  }
0x2a6: {  	v40 =	vld [tilespmem:s26+$0xD840];
	v37 =	vadd.f32 v39, v37;
	[tilespmem:s26+$0x9410] =	vst v33  }
0x2a7: {  	v20 =	vld [tilespmem:s26+$0x1820];
	v39 =	vadd.f32 v43, v41;
	[tilespmem:s26+$0x9420] =	vst v35  }
0x2a8: {  	v1 =	vadd.f32 v47, v45;
	v41 =	vld [tilespmem:s26+$0x1850];
	[tilespmem:s26+$0x9430] =	vst v37  }
0x2a9: {  	v42 =	vadd.f32 v51, v49;
	v43 =	vld [tilespmem:s26+$0xD850];
	[tilespmem:s26+$0x9440] =	vst v39  }
0x2aa: {  	v44 =	vadd.f32 v55, v53;
	v45 =	vld [tilespmem:s26+$0x1860];
	[tilespmem:s26+$0x9450] =	vst v1  }
0x2ab: {  	v46 =	vadd.f32 v59, v57;
	v47 =	vld [tilespmem:s26+$0xD860];
	[tilespmem:s26+$0x9460] =	vst v42  }
0x2ac: {  	v49 =	vld [tilespmem:s26+$0x1870];
	v62 =	vadd.f32 v63, v17;
	[tilespmem:s26+$0x9470] =	vst v44  }
0x2ad: {  	v51 =	vld [tilespmem:s26+$0xD870];
	[tilespmem:s26+$0x9800] =	vst v46;
	v52 =	vadd.f32 v36, v34  }
0x2ae: {  	v63 =	vld [tilespmem:s26+$0xD810];
	v53 =	vadd.f32 v40, v38;
	[tilespmem:s26+$0x9060] =	vst v62  }
0x2af: {  	[tilespmem:s26+$0x9830] =	vst v52;
	v50 =	vadd.f32 v32, v20  }
0x2b0: {  	[tilespmem:s26+$0x9840] =	vst v53;
	v54 =	vadd.f32 v43, v41  }
0x2b1: {  	v55 =	vadd.f32 v47, v45;
	[tilespmem:s26+$0x9820] =	vst v50  }
0x2b2: {  	s29 =	sand.u32 $0x7, s22;
	v56 =	vadd.f32 v51, v49;
	[tilespmem:s26+$0x9850] =	vst v54  }
0x2b3: {  	s28 =	sshll.u32 s29, $0x7;
	v48 =	vadd.f32 v63, v61;
	[tilespmem:s26+$0x9860] =	vst v55  }
0x2b4: {  	s28 =	sadd.s32 s28, s24;
	[tilespmem:s26+$0x9870] =	vst v56  }
0x2b5: {  	s30 =	sor.u32 $0x1C00, s28;
	[tilespmem:s26+$0x9810] =	vst v48  }
0x2b6: {  	v0 =	vld [tilespmem:s30+$0x0]  }
0x2b7: {  	v1 =	vld [tilespmem:s30+$0xC000];
	_ =	sdelay $0x4  }
0x2b8: {  	v0 =	vadd.f32 v1, v0;
	_ =	sdelay $0x1  }
0x2b9: {  	s31 =	sor.u32 $0x1C10, s28;
	[tilespmem:s30+$0x8000] =	vst v0  }
0x2ba: {  	v0 =	vld [tilespmem:s31+$0x0]  }
0x2bb: {  	v57 =	vld [tilespmem:s31+$0xC000];
	_ =	sdelay $0x4  }
0x2bc: {  	v0 =	vadd.f32 v57, v0;
	_ =	sdelay $0x1  }
0x2bd: {  	s29 =	sor.u32 $0x1C20, s28;
	[tilespmem:s31+$0x8000] =	vst v0  }
0x2be: {  	v0 =	vld [tilespmem:s29+$0x0]  }
0x2bf: {  	v58 =	vld [tilespmem:s29+$0xC000];
	_ =	sdelay $0x4  }
0x2c0: {  	v0 =	vadd.f32 v58, v0;
	_ =	sdelay $0x1  }
0x2c1: {  	s30 =	sor.u32 $0x1C30, s28;
	[tilespmem:s29+$0x8000] =	vst v0  }
0x2c2: {  	v0 =	vld [tilespmem:s30+$0x0]  }
0x2c3: {  	v59 =	vld [tilespmem:s30+$0xC000];
	_ =	sdelay $0x4  }
0x2c4: {  	v0 =	vadd.f32 v59, v0;
	_ =	sdelay $0x1  }
0x2c5: {  	s31 =	sor.u32 $0x1C40, s28;
	[tilespmem:s30+$0x8000] =	vst v0  }
0x2c6: {  	v0 =	vld [tilespmem:s31+$0x0]  }
0x2c7: {  	v60 =	vld [tilespmem:s31+$0xC000];
	_ =	sdelay $0x4  }
0x2c8: {  	v0 =	vadd.f32 v60, v0;
	_ =	sdelay $0x1  }
0x2c9: {  	s29 =	sor.u32 $0x1C50, s28;
	[tilespmem:s31+$0x8000] =	vst v0  }
0x2ca: {  	v0 =	vld [tilespmem:s29+$0x0]  }
0x2cb: {  	v61 =	vld [tilespmem:s29+$0xC000];
	_ =	sdelay $0x4  }
0x2cc: {  	v0 =	vadd.f32 v61, v0;
	_ =	sdelay $0x1  }
0x2cd: {  	s30 =	sor.u32 $0x1C60, s28;
	[tilespmem:s29+$0x8000] =	vst v0  }
0x2ce: {  	v0 =	vld [tilespmem:s30+$0x0]  }
0x2cf: {  	v62 =	vld [tilespmem:s30+$0xC000];
	_ =	sdelay $0x4  }
0x2d0: {  	v0 =	vadd.f32 v62, v0;
	_ =	sdelay $0x1  }
0x2d1: {  	s31 =	sor.u32 $0x1C70, s28;
	[tilespmem:s30+$0x8000] =	vst v0  }
0x2d2: {  	v0 =	vld [tilespmem:s31+$0x0]  }
0x2d3: {  	v63 =	vld [tilespmem:s31+$0xC000];
	_ =	sdelay $0x1  }
0x2d4: {  	p1 =	sne.s32 s25, $0x780  }
.Ltmp2:
0x2d5: {  	_ = 	snop;
	(pc) =	sbr.rel @p1 .LBB2_7-.Ltmp2, $4  }
0x2d6: {  	_ = 	snop  }
0x2d7: {  	v0 =	vadd.f32 v63, v0  }
0x2d8: {  	s22 =	sadd.s32 $0x1, s22  }
0x2d9: {  	s23 =	sadd.s32 $0x400, s23;
	s25 =	sadd.s32 $0x80, s25;
	s24 =	sadd.s32 $0x400, s24;
	[tilespmem:s31+$0x8000] =	vst v0  }
0x2da: {  	s23 =	sadd.s32 s21, s11;
	s22 =	simm.s32 $0x0  }
0x2db: {  	[hbm4b:s23+s22] =	stream.linear.scatter [tilespmem:s18], [sflag:$0x3], $0x4000, $0x38;
	[tilespmem:$0x10000] =	vst v63  }
0x2dc: {  	_ =	swait.ge [sflag:s15], $0x4000  }
0x2dd: {  	[sflag:s15] =	ssyncset.done $0x0  }
0x2de: {  	[sflag:s15] =	ssyncadd.s32 $0xFFFFC000  }
0x2df: {  	_ =	swait.ge [sflag:s19], $0x4000  }
0x2e0: {  	s31 =	sand.u32 $0x2000, s22;
	s24 =	sand.u32 $0x380, s22;
	[sflag:s19] =	ssyncset.done $0x0  }
0x2e1: {  	s23 =	sor.u32 s24, s31;
	[sflag:s19] =	ssyncadd.s32 $0xFFFFC000  }
0x2e2: {  	v0 =	vld [tilespmem:s23+$0xC070]  }
0x2e3: {  	v1 =	vld [tilespmem:s23+$0xC050]  }
0x2e4: {  	v2 =	vld [tilespmem:s23+$0x4030]  }
0x2e5: {  	v3 =	vld [tilespmem:s23+$0xC020]  }
0x2e6: {  	v4 =	vld [tilespmem:s23+$0x4020]  }
0x2e7: {  	v5 =	vld [tilespmem:s23+$0xC000]  }
0x2e8: {  	v6 =	vld [tilespmem:s23+$0xC060]  }
0x2e9: {  	v7 =	vld [tilespmem:s23+$0x4010]  }
0x2ea: {  	v8 =	vld [tilespmem:s23+$0x4000]  }
0x2eb: {  	v9 =	vld [tilespmem:s23+$0xC040]  }
0x2ec: {  	v11 =	vld [tilespmem:s23+$0x4040]  }
0x2ed: {  	v13 =	vld [tilespmem:s23+$0x4050]  }
0x2ee: {  	v17 =	vld [tilespmem:s23+$0xC030]  }
0x2ef: {  	v10 =	vld [tilespmem:s23+$0xC010];
	v3 =	vadd.f32 v3, v4  }
0x2f0: {  	v18 =	vld [tilespmem:s23+$0x4070];
	v5 =	vadd.f32 v5, v8  }
0x2f1: {  	v12 =	vld [tilespmem:s23+$0x4060];
	v19 =	vadd.f32 v9, v11;
	[tilespmem:s23+$0x8020] =	vst v3  }
0x2f2: {  	v1 =	vadd.f32 v1, v13;
	[tilespmem:s23+$0x8000] =	vst v5  }
0x2f3: {  	v2 =	vadd.f32 v17, v2;
	[tilespmem:s23+$0x8040] =	vst v19  }
0x2f4: {  	v3 =	vadd.f32 v10, v7;
	[tilespmem:s23+$0x8050] =	vst v1  }
0x2f5: {  	v0 =	vadd.f32 v0, v18;
	[tilespmem:s23+$0x8030] =	vst v2  }
0x2f6: {  	s25 =	sand.u32 $0xFFFFE000, s22;
	[tilespmem:s23+$0x8010] =	vst v3;
	v3 =	vadd.f32 v6, v12  }
0x2f7: {  	s24 =	sadd.s32 $0x0, s25;
	[tilespmem:s23+$0x8070] =	vst v0  }
0x2f8: {  	s25 =	sor.u32 $0x4400, s24;
	v0 =	vld [tilespmem:s23+$0xC400];
	[tilespmem:s23+$0x8060] =	vst v3  }
0x2f9: {  	v1 =	vld [tilespmem:s25+$0x0];
	_ =	sdelay $0x4  }
0x2fa: {  	v0 =	vadd.f32 v0, v1;
	_ =	sdelay $0x1  }
0x2fb: {  	[tilespmem:s23+$0x8400] =	vst v0;
	v0 =	vld [tilespmem:s23+$0xC410]  }
0x2fc: {  	v1 =	vld [tilespmem:s25+$0x10];
	_ =	sdelay $0x4  }
0x2fd: {  	v0 =	vadd.f32 v0, v1;
	_ =	sdelay $0x1  }
0x2fe: {  	[tilespmem:s23+$0x8410] =	vst v0;
	v0 =	vld [tilespmem:s23+$0xC420]  }
0x2ff: {  	v1 =	vld [tilespmem:s25+$0x20];
	_ =	sdelay $0x4  }
0x300: {  	v0 =	vadd.f32 v0, v1;
	_ =	sdelay $0x1  }
0x301: {  	[tilespmem:s23+$0x8420] =	vst v0;
	v0 =	vld [tilespmem:s23+$0xC430]  }
0x302: {  	v1 =	vld [tilespmem:s25+$0x30];
	_ =	sdelay $0x4  }
0x303: {  	v0 =	vadd.f32 v0, v1;
	_ =	sdelay $0x1  }
0x304: {  	[tilespmem:s23+$0x8430] =	vst v0;
	v0 =	vld [tilespmem:s23+$0xC440]  }
0x305: {  	v1 =	vld [tilespmem:s25+$0x40];
	_ =	sdelay $0x3  }
0x306: {  	v20 =	vld [tilespmem:s23+$0xC470]  }
0x307: {  	v21 =	vld [tilespmem:s23+$0xC850];
	v0 =	vadd.f32 v0, v1  }
0x308: {  	v22 =	vld [tilespmem:s23+$0xC860]  }
0x309: {  	[tilespmem:s23+$0x8440] =	vst v0;
	v0 =	vld [tilespmem:s23+$0xC450]  }
0x30a: {  	v3 =	vld [tilespmem:s25+$0x50]  }
0x30b: {  	v23 =	vld [tilespmem:s23+$0xC840]  }
0x30c: {  	v24 =	vld [tilespmem:s23+$0xC810]  }
0x30d: {  	v26 =	vld [tilespmem:s23+$0xC870]  }
0x30e: {  	v27 =	vld [tilespmem:s23+$0x4870]  }
0x30f: {  	v28 =	vld [tilespmem:s23+$0x4810];
	v0 =	vadd.f32 v0, v3  }
0x310: {  	v29 =	vld [tilespmem:s23+$0x4820]  }
0x311: {  	[tilespmem:s23+$0x8450] =	vst v0;
	v0 =	vld [tilespmem:s23+$0xC460]  }
0x312: {  	v25 =	vld [tilespmem:s25+$0x60]  }
0x313: {  	v30 =	vld [tilespmem:s23+$0x4840]  }
0x314: {  	v14 =	vld [tilespmem:s23+$0x4860]  }
0x315: {  	v3 =	vld [tilespmem:s23+$0xC820]  }
0x316: {  	v32 =	vld [tilespmem:s23+$0x4830]  }
0x317: {  	v2 =	vld [tilespmem:s23+$0xC830];
	v0 =	vadd.f32 v0, v25  }
0x318: {  	v33 =	vld [tilespmem:s23+$0x4800];
	v10 =	vadd.f32 v26, v27  }
0x319: {  	v8 =	vadd.f32 v24, v28;
	[tilespmem:s23+$0x8460] =	vst v0;
	v0 =	vld [tilespmem:s23+$0x4850]  }
0x31a: {  	v3 =	vadd.f32 v3, v29;
	v31 =	vld [tilespmem:s25+$0x70];
	[tilespmem:s23+$0x8870] =	vst v10  }
0x31b: {  	v7 =	vadd.f32 v23, v30;
	v1 =	vld [tilespmem:s23+$0xC800];
	[tilespmem:s23+$0x8810] =	vst v8  }
0x31c: {  	v2 =	vadd.f32 v2, v32;
	[tilespmem:s23+$0x8820] =	vst v3  }
0x31d: {  	v3 =	vadd.f32 v22, v14;
	[tilespmem:s23+$0x8840] =	vst v7  }
0x31e: {  	[tilespmem:s23+$0x8830] =	vst v2;
	v0 =	vadd.f32 v21, v0  }
0x31f: {  	[tilespmem:s23+$0x8860] =	vst v3;
	v4 =	vadd.f32 v20, v31  }
0x320: {  	[tilespmem:s23+$0x8850] =	vst v0;
	v0 =	vadd.f32 v1, v33  }
0x321: {  	[tilespmem:s23+$0x8470] =	vst v4  }
0x322: {  	s26 =	sor.u32 $0x4C00, s24;
	[tilespmem:s23+$0x8800] =	vst v0;
	v0 =	vld [tilespmem:s23+$0xCC00]  }
0x323: {  	v1 =	vld [tilespmem:s26+$0x0];
	_ =	sdelay $0x4  }
0x324: {  	v0 =	vadd.f32 v0, v1;
	_ =	sdelay $0x1  }
0x325: {  	[tilespmem:s23+$0x8C00] =	vst v0;
	v0 =	vld [tilespmem:s23+$0xCC10]  }
0x326: {  	v1 =	vld [tilespmem:s26+$0x10];
	_ =	sdelay $0x4  }
0x327: {  	v0 =	vadd.f32 v0, v1;
	_ =	sdelay $0x1  }
0x328: {  	[tilespmem:s23+$0x8C10] =	vst v0;
	v0 =	vld [tilespmem:s23+$0xCC20]  }
0x329: {  	v1 =	vld [tilespmem:s26+$0x20];
	_ =	sdelay $0x4  }
0x32a: {  	v0 =	vadd.f32 v0, v1;
	_ =	sdelay $0x1  }
0x32b: {  	[tilespmem:s23+$0x8C20] =	vst v0;
	v0 =	vld [tilespmem:s23+$0xCC30]  }
0x32c: {  	v1 =	vld [tilespmem:s26+$0x30];
	_ =	sdelay $0x4  }
0x32d: {  	v0 =	vadd.f32 v0, v1;
	_ =	sdelay $0x1  }
0x32e: {  	[tilespmem:s23+$0x8C30] =	vst v0;
	v0 =	vld [tilespmem:s23+$0xCC40]  }
0x32f: {  	v1 =	vld [tilespmem:s26+$0x40];
	_ =	sdelay $0x3  }
0x330: {  	v34 =	vld [tilespmem:s23+$0xCC70]  }
0x331: {  	v35 =	vld [tilespmem:s23+$0xD040];
	v0 =	vadd.f32 v0, v1  }
0x332: {  	v36 =	vld [tilespmem:s23+$0xD030]  }
0x333: {  	[tilespmem:s23+$0x8C40] =	vst v0;
	v0 =	vld [tilespmem:s23+$0xCC50]  }
0x334: {  	v3 =	vld [tilespmem:s26+$0x50]  }
0x335: {  	v37 =	vld [tilespmem:s23+$0xD020]  }
0x336: {  	v38 =	vld [tilespmem:s23+$0xD000]  }
0x337: {  	v40 =	vld [tilespmem:s23+$0xD050]  }
0x338: {  	v41 =	vld [tilespmem:s23+$0x5050]  }
0x339: {  	v42 =	vld [tilespmem:s23+$0x5000];
	v0 =	vadd.f32 v0, v3  }
0x33a: {  	v43 =	vld [tilespmem:s23+$0x5010]  }
0x33b: {  	[tilespmem:s23+$0x8C50] =	vst v0;
	v0 =	vld [tilespmem:s23+$0xCC60]  }
0x33c: {  	v39 =	vld [tilespmem:s26+$0x60]  }
0x33d: {  	v44 =	vld [tilespmem:s23+$0x5020]  }
0x33e: {  	v45 =	vld [tilespmem:s23+$0x5030]  }
0x33f: {  	v3 =	vld [tilespmem:s23+$0xD010]  }
0x340: {  	v48 =	vld [tilespmem:s23+$0x5060]  }
0x341: {  	v1 =	vld [tilespmem:s23+$0xD060];
	v0 =	vadd.f32 v0, v39  }
0x342: {  	v47 =	vld [tilespmem:s23+$0x5070];
	v10 =	vadd.f32 v40, v41  }
0x343: {  	v8 =	vadd.f32 v38, v42;
	[tilespmem:s23+$0x8C60] =	vst v0;
	v0 =	vld [tilespmem:s23+$0x5040]  }
0x344: {  	v3 =	vadd.f32 v3, v43;
	v46 =	vld [tilespmem:s26+$0x70];
	[tilespmem:s23+$0x9050] =	vst v10  }
0x345: {  	v2 =	vld [tilespmem:s23+$0xD070];
	v7 =	vadd.f32 v37, v44;
	[tilespmem:s23+$0x9000] =	vst v8  }
0x346: {  	v1 =	vadd.f32 v1, v48;
	[tilespmem:s23+$0x9010] =	vst v3  }
0x347: {  	v3 =	vadd.f32 v36, v45;
	[tilespmem:s23+$0x9020] =	vst v7  }
0x348: {  	[tilespmem:s23+$0x9060] =	vst v1;
	v0 =	vadd.f32 v35, v0  }
0x349: {  	[tilespmem:s23+$0x9030] =	vst v3;
	v4 =	vadd.f32 v34, v46  }
0x34a: {  	[tilespmem:s23+$0x9040] =	vst v0;
	v0 =	vadd.f32 v2, v47  }
0x34b: {  	[tilespmem:s23+$0x8C70] =	vst v4  }
0x34c: {  	s24 =	sor.u32 $0x5400, s24;
	[tilespmem:s23+$0x9070] =	vst v0;
	v0 =	vld [tilespmem:s23+$0xD400]  }
0x34d: {  	v1 =	vld [tilespmem:s24+$0x0];
	_ =	sdelay $0x4  }
0x34e: {  	v0 =	vadd.f32 v0, v1;
	_ =	sdelay $0x1  }
0x34f: {  	[tilespmem:s23+$0x9400] =	vst v0;
	v0 =	vld [tilespmem:s23+$0xD410]  }
0x350: {  	v1 =	vld [tilespmem:s24+$0x10];
	_ =	sdelay $0x4  }
0x351: {  	v0 =	vadd.f32 v0, v1;
	_ =	sdelay $0x1  }
0x352: {  	[tilespmem:s23+$0x9410] =	vst v0;
	v0 =	vld [tilespmem:s23+$0xD420]  }
0x353: {  	v1 =	vld [tilespmem:s24+$0x20];
	_ =	sdelay $0x4  }
0x354: {  	v0 =	vadd.f32 v0, v1;
	_ =	sdelay $0x1  }
0x355: {  	[tilespmem:s23+$0x9420] =	vst v0;
	v0 =	vld [tilespmem:s23+$0xD430]  }
0x356: {  	v1 =	vld [tilespmem:s24+$0x30];
	_ =	sdelay $0x4  }
0x357: {  	v0 =	vadd.f32 v0, v1;
	_ =	sdelay $0x1  }
0x358: {  	[tilespmem:s23+$0x9430] =	vst v0;
	v0 =	vld [tilespmem:s23+$0xD440]  }
0x359: {  	v1 =	vld [tilespmem:s24+$0x40];
	_ =	sdelay $0x3  }
0x35a: {  	v49 =	vld [tilespmem:s23+$0xD470]  }
0x35b: {  	v50 =	vld [tilespmem:s23+$0xD850];
	v0 =	vadd.f32 v0, v1  }
0x35c: {  	v51 =	vld [tilespmem:s23+$0xD840]  }
0x35d: {  	[tilespmem:s23+$0x9440] =	vst v0;
	v0 =	vld [tilespmem:s23+$0xD450]  }
0x35e: {  	v3 =	vld [tilespmem:s24+$0x50]  }
0x35f: {  	v52 =	vld [tilespmem:s23+$0xD830]  }
0x360: {  	v53 =	vld [tilespmem:s23+$0xD810]  }
0x361: {  	v55 =	vld [tilespmem:s23+$0xD800]  }
0x362: {  	v56 =	vld [tilespmem:s23+$0x5800]  }
0x363: {  	v57 =	vld [tilespmem:s23+$0x5810];
	v0 =	vadd.f32 v0, v3  }
0x364: {  	v58 =	vld [tilespmem:s23+$0x5820]  }
0x365: {  	[tilespmem:s23+$0x9450] =	vst v0;
	v0 =	vld [tilespmem:s23+$0xD460]  }
0x366: {  	v54 =	vld [tilespmem:s24+$0x60]  }
0x367: {  	v59 =	vld [tilespmem:s23+$0x5830]  }
0x368: {  	v60 =	vld [tilespmem:s23+$0x5840]  }
0x369: {  	v61 =	vld [tilespmem:s23+$0x5850]  }
0x36a: {  	v3 =	vld [tilespmem:s23+$0xD820]  }
0x36b: {  	v63 =	vld [tilespmem:s23+$0x5860];
	v0 =	vadd.f32 v0, v54  }
0x36c: {  	v8 =	vadd.f32 v53, v57;
	v1 =	vld [tilespmem:s23+$0xD860]  }
0x36d: {  	v2 =	vld [tilespmem:s23+$0xD870];
	[tilespmem:s23+$0x9460] =	vst v0;
	v0 =	vadd.f32 v55, v56  }
0x36e: {  	v7 =	vadd.f32 v52, v59;
	v62 =	vld [tilespmem:s24+$0x70];
	[tilespmem:s23+$0x9810] =	vst v8  }
0x36f: {  	v5 =	vadd.f32 v50, v61;
	[tilespmem:s23+$0x9800] =	vst v0;
	v0 =	vadd.f32 v3, v58;
	v3 =	vld [tilespmem:s23+$0x5870]  }
0x370: {  	[tilespmem:s23+$0x9830] =	vst v7  }
0x371: {  	v1 =	vadd.f32 v1, v63;
	[tilespmem:s23+$0x9850] =	vst v5  }
0x372: {  	[tilespmem:s23+$0x9820] =	vst v0;
	v0 =	vadd.f32 v51, v60  }
0x373: {  	[tilespmem:s23+$0x9860] =	vst v1;
	v4 =	vadd.f32 v49, v62  }
0x374: {  	s30 =	sand.u32 $0x7, s22;
	[tilespmem:s23+$0x9840] =	vst v0;
	v0 =	vadd.f32 v2, v3  }
0x375: {  	s31 =	sor.u32 s22, s22;
	s24 =	sshll.u32 s30, $0x7;
	[tilespmem:s23+$0x9470] =	vst v4  }
0x376: {  	s26 =	sor.u32 $0x5C00, s31;
	s28 =	sadd.s32 $0x0, s24;
	[tilespmem:s23+$0x9870] =	vst v0  }
0x377: {  	s24 =	sor.u32 $0x1C00, s28;
	v0 =	vld [tilespmem:s26+$0x0]  }
0x378: {  	v1 =	vld [tilespmem:s24+$0xC000];
	_ =	sdelay $0x4  }
0x379: {  	v0 =	vadd.f32 v1, v0;
	_ =	sdelay $0x1  }
0x37a: {  	[tilespmem:s24+$0x8000] =	vst v0  }
0x37b: {  	s25 =	sor.u32 $0x1C10, s28;
	v0 =	vld [tilespmem:s26+$0x10]  }
0x37c: {  	v1 =	vld [tilespmem:s25+$0xC000];
	_ =	sdelay $0x4  }
0x37d: {  	v0 =	vadd.f32 v1, v0;
	_ =	sdelay $0x1  }
0x37e: {  	[tilespmem:s25+$0x8000] =	vst v0  }
0x37f: {  	s30 =	sor.u32 $0x1C20, s28;
	v0 =	vld [tilespmem:s26+$0x20]  }
0x380: {  	v1 =	vld [tilespmem:s30+$0xC000];
	_ =	sdelay $0x4  }
0x381: {  	v0 =	vadd.f32 v1, v0;
	_ =	sdelay $0x1  }
0x382: {  	[tilespmem:s30+$0x8000] =	vst v0  }
0x383: {  	s31 =	sor.u32 $0x1C30, s28;
	v0 =	vld [tilespmem:s26+$0x30]  }
0x384: {  	v1 =	vld [tilespmem:s31+$0xC000];
	_ =	sdelay $0x4  }
0x385: {  	v0 =	vadd.f32 v1, v0;
	_ =	sdelay $0x1  }
0x386: {  	[tilespmem:s31+$0x8000] =	vst v0  }
0x387: {  	s29 =	sor.u32 $0x1C40, s28;
	v0 =	vld [tilespmem:s26+$0x40]  }
0x388: {  	s23 =	simm.s32 $0x400;
	s24 =	simm.s32 $0x0;
	v1 =	vld [tilespmem:s29+$0xC000]  }
.LBB2_9:
0x389: {  	_ = 	snop  }
0x38a: {  	p1 =	sne.s32 s23, $0x3C00;
	s22 =	sadd.s32 $0x80, s22;
	s24 =	sadd.s32 $0x1, s24  }
0x38b: {  	s25 =	smov.u32 s23;
	s23 =	sadd.s32 $0x400, s23;
	_ =	sdelay $0x1  }
0x38c: {  	v0 =	vadd.f32 v1, v0;
	_ =	sdelay $0x1  }
0x38d: {  	[tilespmem:s29+$0x8000] =	vst v0  }
0x38e: {  	s29 =	sor.u32 $0x1C50, s28;
	v0 =	vld [tilespmem:s26+$0x50]  }
0x38f: {  	v1 =	vld [tilespmem:s29+$0xC000];
	_ =	sdelay $0x4  }
0x390: {  	v0 =	vadd.f32 v1, v0;
	_ =	sdelay $0x1  }
0x391: {  	[tilespmem:s29+$0x8000] =	vst v0  }
0x392: {  	s29 =	sor.u32 $0x1C60, s28;
	v0 =	vld [tilespmem:s26+$0x60]  }
0x393: {  	v1 =	vld [tilespmem:s29+$0xC000];
	_ =	sdelay $0x4  }
0x394: {  	v0 =	vadd.f32 v1, v0;
	_ =	sdelay $0x1  }
0x395: {  	s28 =	sor.u32 $0x1C70, s28;
	[tilespmem:s29+$0x8000] =	vst v0  }
0x396: {  	v0 =	vld [tilespmem:s26+$0x70]  }
0x397: {  	v1 =	vld [tilespmem:s28+$0xC000];
	_ =	sdelay $0x4  }
0x398: {  	v0 =	vadd.f32 v1, v0  }
0x399: {  	s29 =	sand.u32 $0x380, s22;
	s26 =	sand.u32 $0x2000, s25  }
0x39a: {  	s26 =	sor.u32 s29, s26;
	[tilespmem:s28+$0x8000] =	vst v0  }
0x39b: {  	v0 =	vld [tilespmem:s26+$0xC070]  }
0x39c: {  	v1 =	vld [tilespmem:s26+$0xC050]  }
0x39d: {  	v2 =	vld [tilespmem:s26+$0x4030]  }
0x39e: {  	v3 =	vld [tilespmem:s26+$0x4050]  }
0x39f: {  	v4 =	vld [tilespmem:s26+$0xC020]  }
0x3a0: {  	v5 =	vld [tilespmem:s26+$0xC030]  }
0x3a1: {  	v6 =	vld [tilespmem:s26+$0x4020]  }
0x3a2: {  	v7 =	vld [tilespmem:s26+$0xC000]  }
0x3a3: {  	v8 =	vld [tilespmem:s26+$0xC060]  }
0x3a4: {  	v9 =	vld [tilespmem:s26+$0x4010]  }
0x3a5: {  	v10 =	vld [tilespmem:s26+$0x4000]  }
0x3a6: {  	v11 =	vld [tilespmem:s26+$0xC040]  }
0x3a7: {  	v12 =	vld [tilespmem:s26+$0x4040]  }
0x3a8: {  	v13 =	vld [tilespmem:s26+$0xC010]  }
0x3a9: {  	v14 =	vld [tilespmem:s26+$0x4070]  }
0x3aa: {  	v4 =	vadd.f32 v4, v6;
	v7 =	vadd.f32 v7, v10;
	v6 =	vld [tilespmem:s26+$0x4060];
	_ =	sdelay $0x1  }
0x3ab: {  	[tilespmem:s26+$0x8020] =	vst v4;
	v4 =	vadd.f32 v11, v12  }
0x3ac: {  	v2 =	vadd.f32 v5, v2;
	v9 =	vadd.f32 v13, v9  }
0x3ad: {  	v1 =	vadd.f32 v1, v3;
	[tilespmem:s26+$0x8000] =	vst v7;
	v0 =	vadd.f32 v0, v14  }
0x3ae: {  	[tilespmem:s26+$0x8010] =	vst v9;
	v3 =	vadd.f32 v8, v6  }
0x3af: {  	[tilespmem:s26+$0x8040] =	vst v4  }
0x3b0: {  	[tilespmem:s26+$0x8060] =	vst v3  }
0x3b1: {  	s28 =	sand.u32 $0xFFFFE000, s25;
	[tilespmem:s26+$0x8050] =	vst v1  }
0x3b2: {  	s28 =	sadd.s32 s28, s22;
	[tilespmem:s26+$0x8030] =	vst v2  }
0x3b3: {  	s29 =	sor.u32 $0x4400, s28;
	[tilespmem:s26+$0x8070] =	vst v0;
	v0 =	vld [tilespmem:s26+$0xC400]  }
0x3b4: {  	v1 =	vld [tilespmem:s29+$0x0];
	_ =	sdelay $0x4  }
0x3b5: {  	v0 =	vadd.f32 v0, v1;
	_ =	sdelay $0x1  }
0x3b6: {  	[tilespmem:s26+$0x8400] =	vst v0;
	v0 =	vld [tilespmem:s26+$0xC410]  }
0x3b7: {  	v1 =	vld [tilespmem:s29+$0x10];
	_ =	sdelay $0x4  }
0x3b8: {  	v0 =	vadd.f32 v0, v1;
	_ =	sdelay $0x1  }
0x3b9: {  	[tilespmem:s26+$0x8410] =	vst v0;
	v0 =	vld [tilespmem:s26+$0xC420]  }
0x3ba: {  	v1 =	vld [tilespmem:s29+$0x20];
	_ =	sdelay $0x4  }
0x3bb: {  	v0 =	vadd.f32 v0, v1;
	_ =	sdelay $0x1  }
0x3bc: {  	[tilespmem:s26+$0x8420] =	vst v0;
	v0 =	vld [tilespmem:s26+$0xC430]  }
0x3bd: {  	v1 =	vld [tilespmem:s29+$0x30];
	_ =	sdelay $0x4  }
0x3be: {  	v0 =	vadd.f32 v0, v1;
	_ =	sdelay $0x1  }
0x3bf: {  	[tilespmem:s26+$0x8430] =	vst v0;
	v0 =	vld [tilespmem:s26+$0xC440]  }
0x3c0: {  	v1 =	vld [tilespmem:s29+$0x40];
	_ =	sdelay $0x4  }
0x3c1: {  	v0 =	vadd.f32 v0, v1;
	v1 =	vld [tilespmem:s26+$0xC800]  }
0x3c2: {  	v2 =	vld [tilespmem:s26+$0xC830]  }
0x3c3: {  	[tilespmem:s26+$0x8440] =	vst v0;
	v0 =	vld [tilespmem:s26+$0xC450]  }
0x3c4: {  	v3 =	vld [tilespmem:s29+$0x50]  }
0x3c5: {  	v4 =	vld [tilespmem:s26+$0xC470]  }
0x3c6: {  	v5 =	vld [tilespmem:s26+$0xC850]  }
0x3c7: {  	v6 =	vld [tilespmem:s26+$0xC860]  }
0x3c8: {  	v7 =	vld [tilespmem:s26+$0xC840]  }
0x3c9: {  	v0 =	vadd.f32 v0, v3;
	v3 =	vld [tilespmem:s26+$0xC820]  }
0x3ca: {  	v8 =	vld [tilespmem:s26+$0xC810]  }
0x3cb: {  	[tilespmem:s26+$0x8450] =	vst v0;
	v0 =	vld [tilespmem:s26+$0xC460]  }
0x3cc: {  	v9 =	vld [tilespmem:s29+$0x60]  }
0x3cd: {  	v10 =	vld [tilespmem:s26+$0xC870]  }
0x3ce: {  	v11 =	vld [tilespmem:s26+$0x4870]  }
0x3cf: {  	v12 =	vld [tilespmem:s26+$0x4810]  }
0x3d0: {  	v13 =	vld [tilespmem:s26+$0x4820]  }
0x3d1: {  	v0 =	vadd.f32 v0, v9;
	v9 =	vld [tilespmem:s26+$0x4840]  }
0x3d2: {  	v14 =	vld [tilespmem:s26+$0x4860]  }
0x3d3: {  	[tilespmem:s26+$0x8460] =	vst v0;
	v0 =	vld [tilespmem:s26+$0x4850];
	v10 =	vadd.f32 v10, v11  }
0x3d4: {  	v11 =	vld [tilespmem:s29+$0x70];
	v8 =	vadd.f32 v8, v12  }
0x3d5: {  	v3 =	vadd.f32 v3, v13;
	v12 =	vld [tilespmem:s26+$0x4830];
	[tilespmem:s26+$0x8870] =	vst v10  }
0x3d6: {  	v10 =	vld [tilespmem:s26+$0x4800];
	[tilespmem:s26+$0x8810] =	vst v8;
	v7 =	vadd.f32 v7, v9  }
0x3d7: {  	[tilespmem:s26+$0x8820] =	vst v3;
	v3 =	vadd.f32 v6, v14  }
0x3d8: {  	[tilespmem:s26+$0x8840] =	vst v7;
	v0 =	vadd.f32 v5, v0  }
0x3d9: {  	v4 =	vadd.f32 v4, v11;
	[tilespmem:s26+$0x8860] =	vst v3  }
0x3da: {  	v2 =	vadd.f32 v2, v12;
	[tilespmem:s26+$0x8850] =	vst v0  }
0x3db: {  	[tilespmem:s26+$0x8470] =	vst v4;
	v0 =	vadd.f32 v1, v10  }
0x3dc: {  	[tilespmem:s26+$0x8830] =	vst v2  }
0x3dd: {  	s29 =	sor.u32 $0x4C00, s28;
	[tilespmem:s26+$0x8800] =	vst v0;
	v0 =	vld [tilespmem:s26+$0xCC00]  }
0x3de: {  	v1 =	vld [tilespmem:s29+$0x0];
	_ =	sdelay $0x4  }
0x3df: {  	v0 =	vadd.f32 v0, v1;
	_ =	sdelay $0x1  }
0x3e0: {  	[tilespmem:s26+$0x8C00] =	vst v0;
	v0 =	vld [tilespmem:s26+$0xCC10]  }
0x3e1: {  	v1 =	vld [tilespmem:s29+$0x10];
	_ =	sdelay $0x4  }
0x3e2: {  	v0 =	vadd.f32 v0, v1;
	_ =	sdelay $0x1  }
0x3e3: {  	[tilespmem:s26+$0x8C10] =	vst v0;
	v0 =	vld [tilespmem:s26+$0xCC20]  }
0x3e4: {  	v1 =	vld [tilespmem:s29+$0x20];
	_ =	sdelay $0x4  }
0x3e5: {  	v0 =	vadd.f32 v0, v1;
	_ =	sdelay $0x1  }
0x3e6: {  	[tilespmem:s26+$0x8C20] =	vst v0;
	v0 =	vld [tilespmem:s26+$0xCC30]  }
0x3e7: {  	v1 =	vld [tilespmem:s29+$0x30];
	_ =	sdelay $0x4  }
0x3e8: {  	v0 =	vadd.f32 v0, v1;
	_ =	sdelay $0x1  }
0x3e9: {  	[tilespmem:s26+$0x8C30] =	vst v0;
	v0 =	vld [tilespmem:s26+$0xCC40]  }
0x3ea: {  	v1 =	vld [tilespmem:s29+$0x40];
	_ =	sdelay $0x4  }
0x3eb: {  	v0 =	vadd.f32 v0, v1;
	v1 =	vld [tilespmem:s26+$0xD060]  }
0x3ec: {  	v2 =	vld [tilespmem:s26+$0xD070]  }
0x3ed: {  	[tilespmem:s26+$0x8C40] =	vst v0;
	v0 =	vld [tilespmem:s26+$0xCC50]  }
0x3ee: {  	v3 =	vld [tilespmem:s29+$0x50]  }
0x3ef: {  	v4 =	vld [tilespmem:s26+$0xCC70]  }
0x3f0: {  	v5 =	vld [tilespmem:s26+$0xD040]  }
0x3f1: {  	v6 =	vld [tilespmem:s26+$0xD030]  }
0x3f2: {  	v7 =	vld [tilespmem:s26+$0xD020]  }
0x3f3: {  	v0 =	vadd.f32 v0, v3;
	v3 =	vld [tilespmem:s26+$0xD010]  }
0x3f4: {  	v8 =	vld [tilespmem:s26+$0xD000]  }
0x3f5: {  	[tilespmem:s26+$0x8C50] =	vst v0;
	v0 =	vld [tilespmem:s26+$0xCC60]  }
0x3f6: {  	v9 =	vld [tilespmem:s29+$0x60]  }
0x3f7: {  	v10 =	vld [tilespmem:s26+$0xD050]  }
0x3f8: {  	v11 =	vld [tilespmem:s26+$0x5050]  }
0x3f9: {  	v12 =	vld [tilespmem:s26+$0x5000]  }
0x3fa: {  	v13 =	vld [tilespmem:s26+$0x5010]  }
0x3fb: {  	v0 =	vadd.f32 v0, v9;
	v9 =	vld [tilespmem:s26+$0x5020]  }
0x3fc: {  	v14 =	vld [tilespmem:s26+$0x5030]  }
0x3fd: {  	[tilespmem:s26+$0x8C60] =	vst v0;
	v0 =	vld [tilespmem:s26+$0x5040];
	v10 =	vadd.f32 v10, v11  }
0x3fe: {  	v11 =	vld [tilespmem:s29+$0x70];
	v8 =	vadd.f32 v8, v12  }
0x3ff: {  	v3 =	vadd.f32 v3, v13;
	[tilespmem:s26+$0x9050] =	vst v10;
	v10 =	vld [tilespmem:s26+$0x5070]  }
0x400: {  	[tilespmem:s26+$0x9000] =	vst v8;
	v7 =	vadd.f32 v7, v9;
	v8 =	vld [tilespmem:s26+$0x5060]  }
0x401: {  	[tilespmem:s26+$0x9010] =	vst v3;
	v3 =	vadd.f32 v6, v14  }
0x402: {  	[tilespmem:s26+$0x9020] =	vst v7;
	v0 =	vadd.f32 v5, v0  }
0x403: {  	v4 =	vadd.f32 v4, v11;
	[tilespmem:s26+$0x9030] =	vst v3  }
0x404: {  	[tilespmem:s26+$0x9040] =	vst v0;
	v0 =	vadd.f32 v2, v10  }
0x405: {  	[tilespmem:s26+$0x8C70] =	vst v4;
	v1 =	vadd.f32 v1, v8  }
0x406: {  	[tilespmem:s26+$0x9070] =	vst v0  }
0x407: {  	s28 =	sor.u32 $0x5400, s28;
	[tilespmem:s26+$0x9060] =	vst v1;
	v0 =	vld [tilespmem:s26+$0xD400]  }
0x408: {  	v1 =	vld [tilespmem:s28+$0x0];
	_ =	sdelay $0x4  }
0x409: {  	v0 =	vadd.f32 v0, v1;
	_ =	sdelay $0x1  }
0x40a: {  	[tilespmem:s26+$0x9400] =	vst v0;
	v0 =	vld [tilespmem:s26+$0xD410]  }
0x40b: {  	v1 =	vld [tilespmem:s28+$0x10];
	_ =	sdelay $0x4  }
0x40c: {  	v0 =	vadd.f32 v0, v1;
	_ =	sdelay $0x1  }
0x40d: {  	[tilespmem:s26+$0x9410] =	vst v0;
	v0 =	vld [tilespmem:s26+$0xD420]  }
0x40e: {  	v1 =	vld [tilespmem:s28+$0x20];
	_ =	sdelay $0x4  }
0x40f: {  	v0 =	vadd.f32 v0, v1;
	_ =	sdelay $0x1  }
0x410: {  	[tilespmem:s26+$0x9420] =	vst v0;
	v0 =	vld [tilespmem:s26+$0xD430]  }
0x411: {  	v1 =	vld [tilespmem:s28+$0x30];
	_ =	sdelay $0x4  }
0x412: {  	v0 =	vadd.f32 v0, v1;
	_ =	sdelay $0x1  }
0x413: {  	[tilespmem:s26+$0x9430] =	vst v0;
	v0 =	vld [tilespmem:s26+$0xD440]  }
0x414: {  	v1 =	vld [tilespmem:s28+$0x40];
	_ =	sdelay $0x4  }
0x415: {  	v0 =	vadd.f32 v0, v1;
	v1 =	vld [tilespmem:s26+$0xD860]  }
0x416: {  	v2 =	vld [tilespmem:s26+$0xD870]  }
0x417: {  	[tilespmem:s26+$0x9440] =	vst v0;
	v0 =	vld [tilespmem:s26+$0xD450]  }
0x418: {  	v3 =	vld [tilespmem:s28+$0x50]  }
0x419: {  	v4 =	vld [tilespmem:s26+$0xD470]  }
0x41a: {  	v5 =	vld [tilespmem:s26+$0xD850]  }
0x41b: {  	v6 =	vld [tilespmem:s26+$0xD840]  }
0x41c: {  	v7 =	vld [tilespmem:s26+$0xD830]  }
0x41d: {  	v0 =	vadd.f32 v0, v3;
	v3 =	vld [tilespmem:s26+$0xD820]  }
0x41e: {  	v8 =	vld [tilespmem:s26+$0xD810]  }
0x41f: {  	[tilespmem:s26+$0x9450] =	vst v0;
	v0 =	vld [tilespmem:s26+$0xD460]  }
0x420: {  	v9 =	vld [tilespmem:s28+$0x60]  }
0x421: {  	v10 =	vld [tilespmem:s26+$0xD800]  }
0x422: {  	v11 =	vld [tilespmem:s26+$0x5800]  }
0x423: {  	v12 =	vld [tilespmem:s26+$0x5810]  }
0x424: {  	v13 =	vld [tilespmem:s26+$0x5820]  }
0x425: {  	v0 =	vadd.f32 v0, v9;
	v9 =	vld [tilespmem:s26+$0x5830]  }
0x426: {  	v14 =	vld [tilespmem:s26+$0x5840]  }
0x427: {  	[tilespmem:s26+$0x9460] =	vst v0;
	v0 =	vadd.f32 v10, v11;
	v10 =	vld [tilespmem:s26+$0x5850]  }
0x428: {  	v11 =	vld [tilespmem:s28+$0x70];
	v8 =	vadd.f32 v8, v12  }
0x429: {  	[tilespmem:s26+$0x9800] =	vst v0;
	v0 =	vadd.f32 v3, v13;
	v3 =	vld [tilespmem:s26+$0x5870]  }
0x42a: {  	[tilespmem:s26+$0x9810] =	vst v8;
	v7 =	vadd.f32 v7, v9;
	v8 =	vld [tilespmem:s26+$0x5860]  }
0x42b: {  	[tilespmem:s26+$0x9820] =	vst v0;
	v0 =	vadd.f32 v6, v14  }
0x42c: {  	[tilespmem:s26+$0x9830] =	vst v7;
	v5 =	vadd.f32 v5, v10  }
0x42d: {  	v4 =	vadd.f32 v4, v11;
	[tilespmem:s26+$0x9840] =	vst v0  }
0x42e: {  	[tilespmem:s26+$0x9850] =	vst v5;
	v0 =	vadd.f32 v2, v3  }
0x42f: {  	s28 =	sand.u32 $0x7, s24;
	[tilespmem:s26+$0x9470] =	vst v4;
	v1 =	vadd.f32 v1, v8  }
0x430: {  	s29 =	sor.u32 s25, s22;
	s28 =	sshll.u32 s28, $0x7;
	[tilespmem:s26+$0x9870] =	vst v0  }
0x431: {  	s28 =	sadd.s32 s28, s25;
	[tilespmem:s26+$0x9860] =	vst v1;
	s26 =	sor.u32 $0x5C00, s29  }
0x432: {  	s25 =	sor.u32 $0x1C00, s28;
	v0 =	vld [tilespmem:s26+$0x0]  }
0x433: {  	v1 =	vld [tilespmem:s25+$0xC000];
	_ =	sdelay $0x4  }
0x434: {  	v0 =	vadd.f32 v1, v0;
	_ =	sdelay $0x1  }
0x435: {  	[tilespmem:s25+$0x8000] =	vst v0  }
0x436: {  	s25 =	sor.u32 $0x1C10, s28;
	v0 =	vld [tilespmem:s26+$0x10]  }
0x437: {  	v1 =	vld [tilespmem:s25+$0xC000];
	_ =	sdelay $0x4  }
0x438: {  	v0 =	vadd.f32 v1, v0;
	_ =	sdelay $0x1  }
0x439: {  	[tilespmem:s25+$0x8000] =	vst v0  }
0x43a: {  	s25 =	sor.u32 $0x1C20, s28;
	v0 =	vld [tilespmem:s26+$0x20]  }
0x43b: {  	v1 =	vld [tilespmem:s25+$0xC000];
	_ =	sdelay $0x4  }
0x43c: {  	v0 =	vadd.f32 v1, v0;
	_ =	sdelay $0x1  }
0x43d: {  	[tilespmem:s25+$0x8000] =	vst v0  }
0x43e: {  	s25 =	sor.u32 $0x1C30, s28;
	v0 =	vld [tilespmem:s26+$0x30]  }
0x43f: {  	v1 =	vld [tilespmem:s25+$0xC000];
	_ =	sdelay $0x4  }
.Ltmp3:
0x440: {  	v0 =	vadd.f32 v1, v0;
	(pc) =	sbr.rel @p1 .LBB2_9-.Ltmp3, $4  }
0x441: {  	_ = 	snop  }
0x442: {  	[tilespmem:s25+$0x8000] =	vst v0  }
0x443: {  	s29 =	sor.u32 $0x1C40, s28;
	v0 =	vld [tilespmem:s26+$0x40]  }
0x444: {  	v1 =	vld [tilespmem:s29+$0xC000]  }
0x445: {  	_ =	sdelay $0x3  }
0x446: {  	v0 =	vadd.f32 v1, v0;
	_ =	sdelay $0x1  }
0x447: {  	[tilespmem:s29+$0x8000] =	vst v0  }
0x448: {  	s22 =	sor.u32 $0x1C50, s28;
	v0 =	vld [tilespmem:s26+$0x50]  }
0x449: {  	v61 =	vld [tilespmem:s22+$0xC000];
	_ =	sdelay $0x4  }
0x44a: {  	v0 =	vadd.f32 v61, v0;
	_ =	sdelay $0x1  }
0x44b: {  	[tilespmem:s22+$0x8000] =	vst v0  }
0x44c: {  	s30 =	sor.u32 $0x1C60, s28;
	v0 =	vld [tilespmem:s26+$0x60]  }
0x44d: {  	v62 =	vld [tilespmem:s30+$0xC000];
	_ =	sdelay $0x4  }
0x44e: {  	v0 =	vadd.f32 v62, v0;
	_ =	sdelay $0x1  }
0x44f: {  	[tilespmem:s30+$0x8000] =	vst v0  }
0x450: {  	s31 =	sor.u32 $0x1C70, s28;
	v0 =	vld [tilespmem:s26+$0x70]  }
0x451: {  	v63 =	vld [tilespmem:s31+$0xC000];
	_ =	sdelay $0x4  }
0x452: {  	v0 =	vadd.f32 v63, v0;
	_ =	sdelay $0x1  }
.Ltmp4:
0x453: {  	s21 =	sadd.s32 s21, s12;
	[tilespmem:s31+$0x8000] =	vst v0;
	(pc) =	sbr.rel @p0 .LBB2_2-.Ltmp4, $4  }
0x454: {  	[hbm4b:s21+s2] =	stream.linear.scatter [tilespmem:s18], [sflag:$0x3], $0x4000, $0x38;
	[tilespmem:$0x10000] =	vst v63  }
0x455: {  	_ =	swait.ge [sflag:s15], $0x4000  }
0x456: {  	[sflag:s15] =	ssyncset.done $0x0  }
0x457: {  	p1 =	por $0x0, $0x0;
	s21 =	simm.s32 $0x800;
	[sflag:s15] =	ssyncadd.s32 $0xFFFFC000  }
0x458: {  	s20 =	sadd.s32 $0x1, s20  }
0x459: {  	p0 =	sne.s32 s20, s13  }
.Ltmp5:
0x45a: {  	_ = 	snop;
	(pc) =	sbr.rel @p0 .LBB2_1-.Ltmp5, $1  }
0x45b: {  	_ =	sdelay $0x3  }
0x45c: {  	_ =	sfence.sel $0x180000  }
0x45d: {  	[bflag:$0x0] =	sbarrier.arrive $0xFFFF  }
0x45e: {  	p0 =	sne.s32 s3, $0x0;
	_ =	strace $0x90000047  }
0x45f: {  	s0 =	sadd.s32 @!p0 $0x100000, s0;
	[bflag:$0x2] =	sbarrier.arrive $0xFFFF  }
0x460: {  	[sflag:s0] =	ssyncadd.tile.s32 @!p0 $0x1;
	_ =	shalt  }
.Lfunc_end2:
_tile_overlayer_lowered:
.L_overlay_start_2:
0x461: {  	(tag) =	ssettag $0x2  }
0x462: {  	s0 =	rddreg [dreg:$0x0];
	s2 =	stileid.u32  }
0x463: {  	s1 =	rddreg [dreg:$0x1];
	p0 =	sne.s32 s2, $0x0  }
0x464: {  	s3 =	rddreg [dreg:$0x2];
	[bflag:$0x3] =	sbarrier.arrive $0xFFFF;
	s2 =	simm.s32 @!p0 $0x1C03  }
0x465: {  	[timem:s3], [sflag:s2] =	dma.local @!p0 [hbm:s0], s1  }
0x466: {  	s0 =	simm.s32 @!p0 $0x3  }
0x467: {  	_ =	swait.ge @!p0 [sflag:s0], s1  }
0x468: {  	s1 =	ssub.s32 @!p0 $0x0, s1;
	[sflag:s0] =	ssyncset.done @!p0 $0x0  }
0x469: {  	[sflag:s0] =	ssyncadd.s32 @!p0 s1  }
0x46a: {  	[bflag:$0x3] =	sbarrier.arrive $0xFFFF  }
0x46b: {  	_ =	shalt  }

</sc_bundles>
